<compile_context>
chip_gen: v7x
topology: tpu7x:2x2x1
jax: 0.10.2.dev20260603
libtpu: 0.0.44.dev20260713+nightly
codegen_flags: <defaults>
</compile_context>

<pallas_src>
import jax
import jax.numpy as jnp
from jax import lax
from jax.experimental import pallas as pl
from jax.experimental.pallas import tpu as pltpu
from jax.experimental.pallas import tpu_sc as plsc

N = 10000
E = 320000
D = 128
NC = 40
NP = 10240
EROWS = E // 128
RPT = 78
NEXTRA = EROWS - 32 * RPT
B = 1024
GRID = NP // B
NSUB = NP // 16

_mesh = plsc.VectorSubcoreMesh(core_axis_name="c", subcore_axis_name="s")


def _fill(ref, n16, value):
    v = jnp.full((16,), value, jnp.float32)

    def st(i, carry):
        ref[pl.ds(i * 16, 16)] = v
        return carry

    lax.fori_loop(0, n16, st, 0)


def _deg_body(ei_hbm, out_hbm, dtab, dstv, ones, zv,
              isem0, isem1, isem2, isem3, ssem0, ssem1, ssem2, ssem3):
    c = lax.axis_index("c")
    s = lax.axis_index("s")
    r0 = s * NSUB
    _fill(ones, 8, 1.0)
    _fill(zv, 8, 0.0)
    for q in range(NSUB // 128):
        pltpu.sync_copy(zv, dtab.at[pl.ds(r0 + q * 128, 128)])
    plsc.subcore_barrier()
    w = c * 16 + s
    row0 = w * RPT
    isems = (isem0, isem1, isem2, isem3)
    ssems = (ssem0, ssem1, ssem2, ssem3)

    def load_idx(r, b):
        return pltpu.async_copy(
            ei_hbm.at[1, pl.ds(r * 128, 128)], dstv.at[b], isems[b])

    def fire_scatter(b):
        return pltpu.async_copy(ones, dtab.at[dstv.at[b]], ssems[b],
                                add=True)

    def wait_scatter(b):
        pltpu.make_async_copy(ones, dtab.at[dstv.at[b]], ssems[b]).wait()

    pre = [load_idx(row0 + b, b) for b in range(4)]
    for b in range(4):
        pre[b].wait()
        fire_scatter(b)

    def body(k, carry):
        r = row0 + 4 * k
        loads = []
        for b in range(4):
            wait_scatter(b)
            loads.append(load_idx(r + b, b))
        for b in range(4):
            loads[b].wait()
            fire_scatter(b)
        return carry

    lax.fori_loop(1, RPT // 4, body, 0)
    for b in range(RPT % 4):
        wait_scatter(b)
        load_idx(row0 + 4 * (RPT // 4) + b, b).wait()
        fire_scatter(b)

    @pl.when(w < NEXTRA)
    def _():
        wait_scatter(3)
        load_idx(32 * RPT + w, 3).wait()
        fire_scatter(3)

    for b in range(4):
        wait_scatter(b)

    plsc.subcore_barrier()
    pltpu.sync_copy(dtab.at[pl.ds(r0, NSUB)], out_hbm.at[c, pl.ds(r0, NSUB)])


_deg = pl.kernel(
    _deg_body,
    out_type=jax.ShapeDtypeStruct((2, NP), jnp.float32),
    mesh=_mesh,
    scratch_types=[
        pltpu.VMEM_SHARED((NP,), jnp.float32),
        pltpu.VMEM((4, 128), jnp.int32),
        pltpu.VMEM((128,), jnp.float32),
        pltpu.VMEM((128,), jnp.float32),
    ] + [pltpu.SemaphoreType.DMA] * 8,
)


def _agg_body(y_hbm, ei_hbm, out_hbm,
              acc, srcv, dstv, rows0, rows1, gsem0, gsem1, ssem0, ssem1):
    c = lax.axis_index("c")
    s = lax.axis_index("s")
    r0 = s * NSUB

    @pl.when(c == 0)
    def _():
        pltpu.sync_copy(y_hbm.at[pl.ds(r0, NSUB)], acc.at[pl.ds(r0, NSUB)])

    @pl.when(c != 0)
    def _():
        def zall(t, carry):
            rows0[t // 8, pl.ds((t % 8) * 16, 16)] = jnp.zeros(
                (16,), jnp.float32)
            return carry

        lax.fori_loop(0, 1024, zall, 0)
        for q in range(NSUB // 128):
            pltpu.sync_copy(rows0, acc.at[pl.ds(r0 + q * 128, 128)])

    plsc.subcore_barrier()
    w = c * 16 + s
    row0 = w * RPT
    rowsb = (rows0, rows1)
    gsems = (gsem0, gsem1)
    ssems = (ssem0, ssem1)

    def load_and_gather(r, b):
        pltpu.sync_copy(ei_hbm.at[0, pl.ds(r * 128, 128)], srcv.at[b])
        pltpu.sync_copy(ei_hbm.at[1, pl.ds(r * 128, 128)], dstv.at[b])
        return pltpu.async_copy(y_hbm.at[srcv.at[b]], rowsb[b], gsems[b])

    def fire_scatter(b):
        return pltpu.async_copy(rowsb[b], acc.at[dstv.at[b]], ssems[b],
                                add=True)

    def wait_scatter(b):
        pltpu.make_async_copy(rowsb[b], acc.at[dstv.at[b]], ssems[b]).wait()

    g0 = load_and_gather(row0, 0)
    g1 = load_and_gather(row0 + 1, 1)
    g0.wait()
    fire_scatter(0)
    g1.wait()
    fire_scatter(1)

    def body(k, carry):
        r = row0 + 2 * k
        wait_scatter(0)
        ga = load_and_gather(r, 0)
        wait_scatter(1)
        gb = load_and_gather(r + 1, 1)
        ga.wait()
        fire_scatter(0)
        gb.wait()
        fire_scatter(1)
        return carry

    lax.fori_loop(1, RPT // 2, body, 0)
    wait_scatter(0)
    wait_scatter(1)

    @pl.when(w < NEXTRA)
    def _():
        g = load_and_gather(32 * RPT + w, 0)
        g.wait()
        fire_scatter(0)
        wait_scatter(0)

    plsc.subcore_barrier()
    pltpu.sync_copy(acc.at[pl.ds(r0, NSUB)], out_hbm.at[c, pl.ds(r0, NSUB)])


_agg = pl.kernel(
    _agg_body,
    out_type=jax.ShapeDtypeStruct((2, NP, D), jnp.float32),
    mesh=_mesh,
    scratch_types=[
        pltpu.VMEM_SHARED((NP, D), jnp.float32),
        pltpu.VMEM((2, 128), jnp.int32),
        pltpu.VMEM((2, 128), jnp.int32),
        pltpu.VMEM((128, D), jnp.float32),
        pltpu.VMEM((128, D), jnp.float32),
        pltpu.SemaphoreType.DMA,
        pltpu.SemaphoreType.DMA,
        pltpu.SemaphoreType.DMA,
        pltpu.SemaphoreType.DMA,
    ],
)


def _k1_body(x_ref, w_ref, deg_ref, o_ref, dinv_ref):
    i = pl.program_id(0)
    xw = jnp.dot(x_ref[...], w_ref[...], preferred_element_type=jnp.float32)
    d = deg_ref[0, pl.ds(i * B, B)] + deg_ref[1, pl.ds(i * B, B)] + 1.0
    dinv = lax.rsqrt(d)[:, None]
    o_ref[...] = xw * dinv
    dinv_ref[...] = dinv


_k1 = pl.pallas_call(
    _k1_body,
    grid=(GRID,),
    in_specs=[
        pl.BlockSpec((B, D), lambda i: (i, 0)),
        pl.BlockSpec((D, D), lambda i: (0, 0)),
        pl.BlockSpec((2, NP), lambda i: (0, 0)),
    ],
    out_specs=[
        pl.BlockSpec((B, D), lambda i: (i, 0)),
        pl.BlockSpec((B, 1), lambda i: (i, 0)),
    ],
    out_shape=[
        jax.ShapeDtypeStruct((NP, D), jnp.float32),
        jax.ShapeDtypeStruct((NP, 1), jnp.float32),
    ],
)


def _k2_body(acc_ref, dinv_ref, b1_ref, w_ref, o_ref):
    dinv = dinv_ref[...]
    h = jnp.maximum((acc_ref[0] + acc_ref[1]) * dinv + b1_ref[...], 0.0)
    o_ref[...] = jnp.dot(
        h, w_ref[...], preferred_element_type=jnp.float32) * dinv


_k2 = pl.pallas_call(
    _k2_body,
    grid=(GRID,),
    in_specs=[
        pl.BlockSpec((2, B, D), lambda i: (0, i, 0)),
        pl.BlockSpec((B, 1), lambda i: (i, 0)),
        pl.BlockSpec((1, D), lambda i: (0, 0)),
        pl.BlockSpec((D, D), lambda i: (0, 0)),
    ],
    out_specs=pl.BlockSpec((B, D), lambda i: (i, 0)),
    out_shape=jax.ShapeDtypeStruct((NP, D), jnp.float32),
)


def _k3_body(acc_ref, dinv_ref, b2_ref, w3_ref, b3_ref, o_ref):
    dinv = dinv_ref[...]
    h = (acc_ref[0] + acc_ref[1]) * dinv + b2_ref[...]
    logits = jnp.dot(h, w3_ref[...], preferred_element_type=jnp.float32)
    logits = logits + b3_ref[...]
    mask = lax.broadcasted_iota(jnp.int32, (B, D), 1) < NC
    neg = jnp.where(mask, logits, -jnp.inf)
    m = jnp.max(neg, axis=1, keepdims=True)
    e = jnp.where(mask, jnp.exp(logits - m), 0.0)
    lse = m + jnp.log(jnp.sum(e, axis=1, keepdims=True))
    o_ref[...] = (logits - lse)[:, :NC]


_k3 = pl.pallas_call(
    _k3_body,
    grid=(GRID,),
    in_specs=[
        pl.BlockSpec((2, B, D), lambda i: (0, i, 0)),
        pl.BlockSpec((B, 1), lambda i: (i, 0)),
        pl.BlockSpec((1, D), lambda i: (0, 0)),
        pl.BlockSpec((D, D), lambda i: (0, 0)),
        pl.BlockSpec((1, D), lambda i: (0, 0)),
    ],
    out_specs=pl.BlockSpec((B, NC), lambda i: (i, 0)),
    out_shape=jax.ShapeDtypeStruct((N, NC), jnp.float32),
)


def kernel(x, edge_index, W1, b1, W2, b2, W3, b3):
    ei = edge_index.astype(jnp.int32)
    b1r = b1.reshape(1, D)
    b2r = b2.reshape(1, D)
    W3p = jnp.pad(W3, ((0, 0), (0, D - NC)))
    b3r = jnp.pad(b3, (0, D - NC)).reshape(1, D)

    deg_pair = _deg(ei)
    y1, dinvc = _k1(x, W1, deg_pair)
    acc1 = _agg(y1, ei)
    y2 = _k2(acc1, dinvc, b1r, W2)
    acc2 = _agg(y2, ei)
    return _k3(acc2, dinvc, b2r, W3p, b3r)

# --- scband reference (transcript-rebuilt; emitter-appended) ---
"""Pipeline reference for scband-hrgnn-67224828117256 (READ-ONLY COPY).

The authoritative reference and input builder live on the scoring server;
editing this copy changes nothing except your own understanding.
"""

import jax, jax.numpy as jnp
import numpy as np

N = 10000
E = 320000
D_IN = 128
HID = 128
N_CLASS = 40


def setup_inputs(seed: int = 0) -> dict:
    key = jax.random.key(seed)
    ks = jax.random.split(key, 10)
    x = jax.random.normal(ks[0], (N, D_IN), dtype=jnp.float32)
    edge_index = jax.random.randint(ks[1], (2, E), 0, N, dtype=jnp.int64)
    s1 = 1.0 / np.sqrt(D_IN)
    s2 = 1.0 / np.sqrt(HID)
    W1 = jax.random.uniform(ks[2], (D_IN, HID), jnp.float32, -s1, s1)
    b1 = jnp.zeros((HID,), jnp.float32)
    W2 = jax.random.uniform(ks[3], (HID, HID), jnp.float32, -s2, s2)
    b2 = jnp.zeros((HID,), jnp.float32)
    W3 = jax.random.uniform(ks[4], (HID, N_CLASS), jnp.float32, -s2, s2)
    b3 = jax.random.uniform(ks[5], (N_CLASS,), jnp.float32, -s2, s2)
    return {"x": x, "edge_index": edge_index, "W1": W1, "b1": b1, "W2": W2, "b2": b2, "W3": W3, "b3": b3}


def gcn_conv(x, edge_index, W, b):
    # Faithful GCNConv: add self-loops, symmetric degree normalization,
    # linear transform, scatter-add aggregation at dst, then bias.
    n = x.shape[0]
    loop = jnp.arange(n, dtype=edge_index.dtype)
    src = jnp.concatenate([edge_index[0], loop])
    dst = jnp.concatenate([edge_index[1], loop])
    ones = jnp.ones(src.shape[0], dtype=x.dtype)
    deg = jnp.zeros((n,), dtype=x.dtype).at[dst].add(ones)
    dinv = jnp.where(deg > 0, deg ** -0.5, 0.0)
    norm = dinv[src] * dinv[dst]
    xw = x @ W
    msg = jnp.take(xw, src, axis=0) * norm[:, None]
    out = jnp.zeros((n, W.shape[1]), dtype=xw.dtype).at[dst].add(msg)
    return out + b


def reference(x, edge_index, W1, b1, W2, b2, W3, b3):
    # GCN.forward (node_classifier path of HRGNN):
    # conv1 -> relu -> conv2 -> linear output -> log_softmax
    h = gcn_conv(x, edge_index, W1, b1)
    h = jax.nn.relu(h)
    h = gcn_conv(h, edge_index, W2, b2)
    logits = h @ W3 + b3
    return jax.nn.log_softmax(logits, axis=1)

if __name__ == "__main__":
    import jax
    _d = setup_inputs()
    print(jax.jit(kernel)(*tuple(_d.values())))

</pallas_src>

<mosaic_0001>
#map = affine_map<(d0, d1) -> (0, 0)>
#map1 = affine_map<(d0, d1) -> (0, 0, 0)>
module attributes {stable_mosaic.version = 14 : i64} {
  func.func @_agg_body(%arg0: i32, %arg1: i32, %arg2: memref<10240x128xf32, #tpu.memory_space<hbm>>, %arg3: memref<2x320000xi32, #tpu.memory_space<hbm>>, %arg4: memref<2x10240x128xf32, #tpu.memory_space<hbm>>, %arg5: memref<10240x128xf32, #tpu.memory_space<vmem_shared>>, %arg6: memref<2x128xi32, #tpu.memory_space<vmem>>, %arg7: memref<2x128xi32, #tpu.memory_space<vmem>>, %arg8: memref<128x128xf32, #tpu.memory_space<vmem>>, %arg9: memref<128x128xf32, #tpu.memory_space<vmem>>, %arg10: memref<!tpu.dma_semaphore, #tpu.memory_space<semaphore_mem>>, %arg11: memref<!tpu.dma_semaphore, #tpu.memory_space<semaphore_mem>>, %arg12: memref<!tpu.dma_semaphore, #tpu.memory_space<semaphore_mem>>, %arg13: memref<!tpu.dma_semaphore, #tpu.memory_space<semaphore_mem>>) attributes {dimension_semantics = [#tpu.dimension_semantics<core_parallel>, #tpu.dimension_semantics<subcore_parallel>], iteration_bounds = array<i64: 2, 16>, scalar_prefetch = 0 : i64, scratch_operands = 9 : i64, tpu.core_type = #tpu.core_type<sc_vector_subcore>, window_params = [{transform_indices = #map}, {transform_indices = #map}, {transform_indices = #map1}]} {
    %mul3A = arith.constant 640 : i32
    %mul3A_0 = arith.muli %arg1, %mul3A : i32
    %eq3A = arith.constant 0 : i32
    %eq3A_1 = arith.cmpi eq, %arg0, %eq3A : i32
    %convert_element_type3A = arith.extui %eq3A_1 : i1 to i32
    %cond3A = arith.constant 0 : i32
    %cond3A_2 = arith.cmpi ne, %convert_element_type3A, %cond3A : i32
    scf.if %cond3A_2 {
      "tpu.region"() ({
        %run_scoped3A_92 = tpu.sem_alloc : memref<!tpu.dma_semaphore, #tpu.memory_space<semaphore_mem>>
        %dma_start3A_93 = arith.constant 0 : i32
        %dma_start3A_94 = tpu.memref_slice %arg5[%mul3A_0, %dma_start3A_93] : memref<10240x128xf32, #tpu.memory_space<vmem_shared>> -> memref<640x128xf32, #tpu.memory_space<vmem_shared>>
        %dma_start3A_95 = arith.constant 0 : i32
        %dma_start3A_96 = tpu.memref_slice %arg2[%mul3A_0, %dma_start3A_95] : memref<10240x128xf32, #tpu.memory_space<hbm>> -> memref<640x128xf32, #tpu.memory_space<hbm>>
        tpu.enqueue_dma source(%dma_start3A_96 : memref<640x128xf32, #tpu.memory_space<hbm>>) target(%dma_start3A_94 : memref<640x128xf32, #tpu.memory_space<vmem_shared>>) target_semaphore(%run_scoped3A_92 : memref<!tpu.dma_semaphore, #tpu.memory_space<semaphore_mem>>)
        %dma_wait3A_97 = arith.constant 0 : i32
        %dma_wait3A_98 = tpu.memref_slice %arg5[%mul3A_0, %dma_wait3A_97] : memref<10240x128xf32, #tpu.memory_space<vmem_shared>> -> memref<640x128xf32, #tpu.memory_space<vmem_shared>>
        %dma_wait3A_99 = arith.constant 0 : i32
        %dma_wait3A_100 = tpu.memref_slice %arg2[%mul3A_0, %dma_wait3A_99] : memref<10240x128xf32, #tpu.memory_space<hbm>> -> memref<640x128xf32, #tpu.memory_space<hbm>>
        tpu.wait_dma2 semaphore(%run_scoped3A_92 : memref<!tpu.dma_semaphore, #tpu.memory_space<semaphore_mem>>) src(%dma_wait3A_100 : memref<640x128xf32, #tpu.memory_space<hbm>>) dst(%dma_wait3A_98 : memref<640x128xf32, #tpu.memory_space<vmem_shared>>)
        tpu.yield
      }) : () -> ()
    } else {
    }
    %ne3A = arith.constant 0 : i32
    %ne3A_3 = arith.cmpi ne, %arg0, %ne3A : i32
    %convert_element_type3A_4 = arith.extui %ne3A_3 : i1 to i32
    %cond3A_5 = arith.constant 0 : i32
    %cond3A_6 = arith.cmpi ne, %convert_element_type3A_4, %cond3A_5 : i32
    scf.if %cond3A_6 {
      %scan3A_92 = arith.constant 0 : i32
      %scan3A_93 = arith.constant 0 : i32
      %scan3A_94 = arith.constant 1024 : i32
      %scan3A_95 = arith.addi %scan3A_93, %scan3A_94 : i32
      %scan3A_96 = arith.constant 1 : i32
      scf.for %scan3A_108 = %scan3A_93 to %scan3A_95 step %scan3A_96  : i32 {
        %broadcast_in_dim3A = arith.constant 0.000000e+00 : f32
        %broadcast_in_dim3A_109 = vector.broadcast %broadcast_in_dim3A : f32 to vector<16xf32>
        %jit3A = arith.constant 8 : i32
        %div3A = arith.divsi %scan3A_108, %jit3A : i32
        %sign3A = arith.constant 0 : i32
        %sign3A_110 = arith.cmpi sgt, %scan3A_108, %sign3A : i32
        %sign3A_111 = arith.extui %sign3A_110 : i1 to i32
        %sign3A_112 = arith.constant 0 : i32
        %sign3A_113 = arith.cmpi slt, %scan3A_108, %sign3A_112 : i32
        %sign3A_114 = arith.extui %sign3A_113 : i1 to i32
        %sign3A_115 = arith.subi %sign3A_111, %sign3A_114 : i32
        %sign3A_116 = arith.constant 0 : i32
        %sign3A_117 = arith.cmpi sgt, %jit3A, %sign3A_116 : i32
        %sign3A_118 = arith.extui %sign3A_117 : i1 to i32
        %sign3A_119 = arith.constant 0 : i32
        %sign3A_120 = arith.cmpi slt, %jit3A, %sign3A_119 : i32
        %sign3A_121 = arith.extui %sign3A_120 : i1 to i32
        %sign3A_122 = arith.subi %sign3A_118, %sign3A_121 : i32
        %ne3A_123 = arith.cmpi ne, %sign3A_115, %sign3A_122 : i32
        %rem3A = arith.remsi %scan3A_108, %jit3A : i32
        %ne3A_124 = arith.constant 0 : i32
        %ne3A_125 = arith.cmpi ne, %rem3A, %ne3A_124 : i32
        %and3A = arith.andi %ne3A_123, %ne3A_125 : i1
        %sub3A = arith.constant 1 : i32
        %sub3A_126 = arith.subi %div3A, %sub3A : i32
        %select_n3A = arith.select %and3A, %sub3A_126, %div3A : i32
        %jit3A_127 = arith.constant 8 : i32
        %eq3A_128 = arith.constant 0 : i32
        %eq3A_129 = arith.cmpi eq, %jit3A_127, %eq3A_128 : i32
        %jit3A_130 = arith.constant 1 : i32
        %select_n3A_131 = arith.select %eq3A_129, %jit3A_130, %jit3A_127 : i32
        %rem3A_132 = arith.remsi %scan3A_108, %select_n3A_131 : i32
        %ne3A_133 = arith.constant 0 : i32
        %ne3A_134 = arith.cmpi ne, %rem3A_132, %ne3A_133 : i32
        %lt3A_135 = arith.constant 0 : i32
        %lt3A_136 = arith.cmpi slt, %rem3A_132, %lt3A_135 : i32
        %lt3A_137 = arith.constant 0 : i32
        %lt3A_138 = arith.cmpi slt, %select_n3A_131, %lt3A_137 : i32
        %ne3A_139 = arith.xori %lt3A_136, %lt3A_138 : i1
        %and3A_140 = arith.andi %ne3A_139, %ne3A_134 : i1
        %add3A_141 = arith.addi %rem3A_132, %select_n3A_131 : i32
        %select_n3A_142 = arith.select %and3A_140, %add3A_141, %rem3A_132 : i32
        %mul3A_143 = arith.constant 16 : i32
        %mul3A_144 = arith.muli %select_n3A_142, %mul3A_143 : i32
        %swap3A = arith.index_cast %select_n3A : i32 to index
        %swap3A_145 = arith.index_cast %mul3A_144 : i32 to index
        %swap3A_146 = tpu.vector_load %arg8[%swap3A, %swap3A_145] {strides = array<i32>} : memref<128x128xf32, #tpu.memory_space<vmem>>, vector<1x16xf32>,
        %swap3A_147 = vector.shape_cast %swap3A_146 : vector<1x16xf32> to vector<16xf32>
        %swap3A_148 = vector.shape_cast %broadcast_in_dim3A_109 : vector<16xf32> to vector<1x16xf32>
        tpu.vector_store %arg8[%swap3A, %swap3A_145], %swap3A_148 {strides = array<i32>} : memref<128x128xf32, #tpu.memory_space<vmem>>, vector<1x16xf32>,
      }
      %scan3A_97 = arith.constant 1024 : i32
      %add3A_98 = arith.constant 0 : i32
      %add3A_99 = arith.addi %mul3A_0, %add3A_98 : i32
      "tpu.region"() ({
        %run_scoped3A_108 = tpu.sem_alloc : memref<!tpu.dma_semaphore, #tpu.memory_space<semaphore_mem>>
        %dma_start3A_109 = arith.constant 0 : i32
        %dma_start3A_110 = tpu.memref_slice %arg5[%add3A_99, %dma_start3A_109] : memref<10240x128xf32, #tpu.memory_space<vmem_shared>> -> memref<128x128xf32, #tpu.memory_space<vmem_shared>>
        %dma_start3A_111 = arith.constant 0 : i32
        %dma_start3A_112 = tpu.memref_slice %arg5[%add3A_99, %dma_start3A_111] : memref<10240x128xf32, #tpu.memory_space<vmem_shared>> -> memref<128x128xf32, #tpu.memory_space<vmem_shared>>
        tpu.enqueue_dma source(%arg8 : memref<128x128xf32, #tpu.memory_space<vmem>>) target(%dma_start3A_112 : memref<128x128xf32, #tpu.memory_space<vmem_shared>>) target_semaphore(%run_scoped3A_108 : memref<!tpu.dma_semaphore, #tpu.memory_space<semaphore_mem>>)
        %dma_wait3A_113 = arith.constant 0 : i32
        %dma_wait3A_114 = tpu.memref_slice %arg5[%add3A_99, %dma_wait3A_113] : memref<10240x128xf32, #tpu.memory_space<vmem_shared>> -> memref<128x128xf32, #tpu.memory_space<vmem_shared>>
        %dma_wait3A_115 = arith.constant 0 : i32
        %dma_wait3A_116 = tpu.memref_slice %arg5[%add3A_99, %dma_wait3A_115] : memref<10240x128xf32, #tpu.memory_space<vmem_shared>> -> memref<128x128xf32, #tpu.memory_space<vmem_shared>>
        tpu.wait_dma2 semaphore(%run_scoped3A_108 : memref<!tpu.dma_semaphore, #tpu.memory_space<semaphore_mem>>) src(%arg8 : memref<128x128xf32, #tpu.memory_space<vmem>>) dst(%dma_wait3A_116 : memref<128x128xf32, #tpu.memory_space<vmem_shared>>)
        tpu.yield
      }) : () -> ()
      %add3A_100 = arith.constant 128 : i32
      %add3A_101 = arith.addi %mul3A_0, %add3A_100 : i32
      "tpu.region"() ({
        %run_scoped3A_108 = tpu.sem_alloc : memref<!tpu.dma_semaphore, #tpu.memory_space<semaphore_mem>>
        %dma_start3A_109 = arith.constant 0 : i32
        %dma_start3A_110 = tpu.memref_slice %arg5[%add3A_101, %dma_start3A_109] : memref<10240x128xf32, #tpu.memory_space<vmem_shared>> -> memref<128x128xf32, #tpu.memory_space<vmem_shared>>
        %dma_start3A_111 = arith.constant 0 : i32
        %dma_start3A_112 = tpu.memref_slice %arg5[%add3A_101, %dma_start3A_111] : memref<10240x128xf32, #tpu.memory_space<vmem_shared>> -> memref<128x128xf32, #tpu.memory_space<vmem_shared>>
        tpu.enqueue_dma source(%arg8 : memref<128x128xf32, #tpu.memory_space<vmem>>) target(%dma_start3A_112 : memref<128x128xf32, #tpu.memory_space<vmem_shared>>) target_semaphore(%run_scoped3A_108 : memref<!tpu.dma_semaphore, #tpu.memory_space<semaphore_mem>>)
        %dma_wait3A_113 = arith.constant 0 : i32
        %dma_wait3A_114 = tpu.memref_slice %arg5[%add3A_101, %dma_wait3A_113] : memref<10240x128xf32, #tpu.memory_space<vmem_shared>> -> memref<128x128xf32, #tpu.memory_space<vmem_shared>>
        %dma_wait3A_115 = arith.constant 0 : i32
        %dma_wait3A_116 = tpu.memref_slice %arg5[%add3A_101, %dma_wait3A_115] : memref<10240x128xf32, #tpu.memory_space<vmem_shared>> -> memref<128x128xf32, #tpu.memory_space<vmem_shared>>
        tpu.wait_dma2 semaphore(%run_scoped3A_108 : memref<!tpu.dma_semaphore, #tpu.memory_space<semaphore_mem>>) src(%arg8 : memref<128x128xf32, #tpu.memory_space<vmem>>) dst(%dma_wait3A_116 : memref<128x128xf32, #tpu.memory_space<vmem_shared>>)
        tpu.yield
      }) : () -> ()
      %add3A_102 = arith.constant 256 : i32
      %add3A_103 = arith.addi %mul3A_0, %add3A_102 : i32
      "tpu.region"() ({
        %run_scoped3A_108 = tpu.sem_alloc : memref<!tpu.dma_semaphore, #tpu.memory_space<semaphore_mem>>
        %dma_start3A_109 = arith.constant 0 : i32
        %dma_start3A_110 = tpu.memref_slice %arg5[%add3A_103, %dma_start3A_109] : memref<10240x128xf32, #tpu.memory_space<vmem_shared>> -> memref<128x128xf32, #tpu.memory_space<vmem_shared>>
        %dma_start3A_111 = arith.constant 0 : i32
        %dma_start3A_112 = tpu.memref_slice %arg5[%add3A_103, %dma_start3A_111] : memref<10240x128xf32, #tpu.memory_space<vmem_shared>> -> memref<128x128xf32, #tpu.memory_space<vmem_shared>>
        tpu.enqueue_dma source(%arg8 : memref<128x128xf32, #tpu.memory_space<vmem>>) target(%dma_start3A_112 : memref<128x128xf32, #tpu.memory_space<vmem_shared>>) target_semaphore(%run_scoped3A_108 : memref<!tpu.dma_semaphore, #tpu.memory_space<semaphore_mem>>)
        %dma_wait3A_113 = arith.constant 0 : i32
        %dma_wait3A_114 = tpu.memref_slice %arg5[%add3A_103, %dma_wait3A_113] : memref<10240x128xf32, #tpu.memory_space<vmem_shared>> -> memref<128x128xf32, #tpu.memory_space<vmem_shared>>
        %dma_wait3A_115 = arith.constant 0 : i32
        %dma_wait3A_116 = tpu.memref_slice %arg5[%add3A_103, %dma_wait3A_115] : memref<10240x128xf32, #tpu.memory_space<vmem_shared>> -> memref<128x128xf32, #tpu.memory_space<vmem_shared>>
        tpu.wait_dma2 semaphore(%run_scoped3A_108 : memref<!tpu.dma_semaphore, #tpu.memory_space<semaphore_mem>>) src(%arg8 : memref<128x128xf32, #tpu.memory_space<vmem>>) dst(%dma_wait3A_116 : memref<128x128xf32, #tpu.memory_space<vmem_shared>>)
        tpu.yield
      }) : () -> ()
      %add3A_104 = arith.constant 384 : i32
      %add3A_105 = arith.addi %mul3A_0, %add3A_104 : i32
      "tpu.region"() ({
        %run_scoped3A_108 = tpu.sem_alloc : memref<!tpu.dma_semaphore, #tpu.memory_space<semaphore_mem>>
        %dma_start3A_109 = arith.constant 0 : i32
        %dma_start3A_110 = tpu.memref_slice %arg5[%add3A_105, %dma_start3A_109] : memref<10240x128xf32, #tpu.memory_space<vmem_shared>> -> memref<128x128xf32, #tpu.memory_space<vmem_shared>>
        %dma_start3A_111 = arith.constant 0 : i32
        %dma_start3A_112 = tpu.memref_slice %arg5[%add3A_105, %dma_start3A_111] : memref<10240x128xf32, #tpu.memory_space<vmem_shared>> -> memref<128x128xf32, #tpu.memory_space<vmem_shared>>
        tpu.enqueue_dma source(%arg8 : memref<128x128xf32, #tpu.memory_space<vmem>>) target(%dma_start3A_112 : memref<128x128xf32, #tpu.memory_space<vmem_shared>>) target_semaphore(%run_scoped3A_108 : memref<!tpu.dma_semaphore, #tpu.memory_space<semaphore_mem>>)
        %dma_wait3A_113 = arith.constant 0 : i32
        %dma_wait3A_114 = tpu.memref_slice %arg5[%add3A_105, %dma_wait3A_113] : memref<10240x128xf32, #tpu.memory_space<vmem_shared>> -> memref<128x128xf32, #tpu.memory_space<vmem_shared>>
        %dma_wait3A_115 = arith.constant 0 : i32
        %dma_wait3A_116 = tpu.memref_slice %arg5[%add3A_105, %dma_wait3A_115] : memref<10240x128xf32, #tpu.memory_space<vmem_shared>> -> memref<128x128xf32, #tpu.memory_space<vmem_shared>>
        tpu.wait_dma2 semaphore(%run_scoped3A_108 : memref<!tpu.dma_semaphore, #tpu.memory_space<semaphore_mem>>) src(%arg8 : memref<128x128xf32, #tpu.memory_space<vmem>>) dst(%dma_wait3A_116 : memref<128x128xf32, #tpu.memory_space<vmem_shared>>)
        tpu.yield
      }) : () -> ()
      %add3A_106 = arith.constant 512 : i32
      %add3A_107 = arith.addi %mul3A_0, %add3A_106 : i32
      "tpu.region"() ({
        %run_scoped3A_108 = tpu.sem_alloc : memref<!tpu.dma_semaphore, #tpu.memory_space<semaphore_mem>>
        %dma_start3A_109 = arith.constant 0 : i32
        %dma_start3A_110 = tpu.memref_slice %arg5[%add3A_107, %dma_start3A_109] : memref<10240x128xf32, #tpu.memory_space<vmem_shared>> -> memref<128x128xf32, #tpu.memory_space<vmem_shared>>
        %dma_start3A_111 = arith.constant 0 : i32
        %dma_start3A_112 = tpu.memref_slice %arg5[%add3A_107, %dma_start3A_111] : memref<10240x128xf32, #tpu.memory_space<vmem_shared>> -> memref<128x128xf32, #tpu.memory_space<vmem_shared>>
        tpu.enqueue_dma source(%arg8 : memref<128x128xf32, #tpu.memory_space<vmem>>) target(%dma_start3A_112 : memref<128x128xf32, #tpu.memory_space<vmem_shared>>) target_semaphore(%run_scoped3A_108 : memref<!tpu.dma_semaphore, #tpu.memory_space<semaphore_mem>>)
        %dma_wait3A_113 = arith.constant 0 : i32
        %dma_wait3A_114 = tpu.memref_slice %arg5[%add3A_107, %dma_wait3A_113] : memref<10240x128xf32, #tpu.memory_space<vmem_shared>> -> memref<128x128xf32, #tpu.memory_space<vmem_shared>>
        %dma_wait3A_115 = arith.constant 0 : i32
        %dma_wait3A_116 = tpu.memref_slice %arg5[%add3A_107, %dma_wait3A_115] : memref<10240x128xf32, #tpu.memory_space<vmem_shared>> -> memref<128x128xf32, #tpu.memory_space<vmem_shared>>
        tpu.wait_dma2 semaphore(%run_scoped3A_108 : memref<!tpu.dma_semaphore, #tpu.memory_space<semaphore_mem>>) src(%arg8 : memref<128x128xf32, #tpu.memory_space<vmem>>) dst(%dma_wait3A_116 : memref<128x128xf32, #tpu.memory_space<vmem_shared>>)
        tpu.yield
      }) : () -> ()
    } else {
    }
    %barrier3A = arith.constant 0 : index
    tpu.barrier barrier_id(%barrier3A)
    %mul3A_7 = arith.constant 16 : i32
    %mul3A_8 = arith.muli %arg0, %mul3A_7 : i32
    %add3A = arith.addi %mul3A_8, %arg1 : i32
    %mul3A_9 = arith.constant 78 : i32
    %mul3A_10 = arith.muli %add3A, %mul3A_9 : i32
    %mul3A_11 = arith.constant 128 : i32
    %mul3A_12 = arith.muli %mul3A_10, %mul3A_11 : i32
    %run_scoped3A = arith.constant 0 : i32
    %run_scoped3A_13 = arith.constant 0 : i32
    "tpu.region"() ({
      %run_scoped3A_92 = tpu.sem_alloc : memref<!tpu.dma_semaphore, #tpu.memory_space<semaphore_mem>>
      %dma_start3A_93 = arith.constant 0 : i32
      %dma_start3A_94 = tpu.memref_slice %arg6[%run_scoped3A_13, %dma_start3A_93] : memref<2x128xi32, #tpu.memory_space<vmem>> -> memref<1x128xi32, #tpu.memory_space<vmem>>
      %dma_start3A_95 = tpu.memref_squeeze %dma_start3A_94 : memref<1x128xi32, #tpu.memory_space<vmem>> -> memref<128xi32, #tpu.memory_space<vmem>>
      %dma_start3A_96 = tpu.memref_slice %arg3[%run_scoped3A, %mul3A_12] : memref<2x320000xi32, #tpu.memory_space<hbm>> -> memref<1x128xi32, #tpu.memory_space<hbm>>
      %dma_start3A_97 = tpu.memref_squeeze %dma_start3A_96 : memref<1x128xi32, #tpu.memory_space<hbm>> -> memref<128xi32, #tpu.memory_space<hbm>>
      %dma_start3A_98 = arith.constant 0 : i32
      %dma_start3A_99 = tpu.memref_slice %arg6[%run_scoped3A_13, %dma_start3A_98] : memref<2x128xi32, #tpu.memory_space<vmem>> -> memref<1x128xi32, #tpu.memory_space<vmem>>
      %dma_start3A_100 = tpu.memref_squeeze %dma_start3A_99 : memref<1x128xi32, #tpu.memory_space<vmem>> -> memref<128xi32, #tpu.memory_space<vmem>>
      %dma_start3A_101 = tpu.memref_slice %arg3[%run_scoped3A, %mul3A_12] : memref<2x320000xi32, #tpu.memory_space<hbm>> -> memref<1x128xi32, #tpu.memory_space<hbm>>
      %dma_start3A_102 = tpu.memref_squeeze %dma_start3A_101 : memref<1x128xi32, #tpu.memory_space<hbm>> -> memref<128xi32, #tpu.memory_space<hbm>>
      tpu.enqueue_dma source(%dma_start3A_102 : memref<128xi32, #tpu.memory_space<hbm>>) target(%dma_start3A_100 : memref<128xi32, #tpu.memory_space<vmem>>) target_semaphore(%run_scoped3A_92 : memref<!tpu.dma_semaphore, #tpu.memory_space<semaphore_mem>>)
      %dma_wait3A_103 = arith.constant 0 : i32
      %dma_wait3A_104 = tpu.memref_slice %arg6[%run_scoped3A_13, %dma_wait3A_103] : memref<2x128xi32, #tpu.memory_space<vmem>> -> memref<1x128xi32, #tpu.memory_space<vmem>>
      %dma_wait3A_105 = tpu.memref_squeeze %dma_wait3A_104 : memref<1x128xi32, #tpu.memory_space<vmem>> -> memref<128xi32, #tpu.memory_space<vmem>>
      %dma_wait3A_106 = tpu.memref_slice %arg3[%run_scoped3A, %mul3A_12] : memref<2x320000xi32, #tpu.memory_space<hbm>> -> memref<1x128xi32, #tpu.memory_space<hbm>>
      %dma_wait3A_107 = tpu.memref_squeeze %dma_wait3A_106 : memref<1x128xi32, #tpu.memory_space<hbm>> -> memref<128xi32, #tpu.memory_space<hbm>>
      %dma_wait3A_108 = arith.constant 0 : i32
      %dma_wait3A_109 = tpu.memref_slice %arg6[%run_scoped3A_13, %dma_wait3A_108] : memref<2x128xi32, #tpu.memory_space<vmem>> -> memref<1x128xi32, #tpu.memory_space<vmem>>
      %dma_wait3A_110 = tpu.memref_squeeze %dma_wait3A_109 : memref<1x128xi32, #tpu.memory_space<vmem>> -> memref<128xi32, #tpu.memory_space<vmem>>
      %dma_wait3A_111 = tpu.memref_slice %arg3[%run_scoped3A, %mul3A_12] : memref<2x320000xi32, #tpu.memory_space<hbm>> -> memref<1x128xi32, #tpu.memory_space<hbm>>
      %dma_wait3A_112 = tpu.memref_squeeze %dma_wait3A_111 : memref<1x128xi32, #tpu.memory_space<hbm>> -> memref<128xi32, #tpu.memory_space<hbm>>
      tpu.wait_dma2 semaphore(%run_scoped3A_92 : memref<!tpu.dma_semaphore, #tpu.memory_space<semaphore_mem>>) src(%dma_wait3A_112 : memref<128xi32, #tpu.memory_space<hbm>>) dst(%dma_wait3A_110 : memref<128xi32, #tpu.memory_space<vmem>>)
      tpu.yield
    }) : () -> ()
    %mul3A_14 = arith.constant 128 : i32
    %mul3A_15 = arith.muli %mul3A_10, %mul3A_14 : i32
    %run_scoped3A_16 = arith.constant 1 : i32
    %run_scoped3A_17 = arith.constant 0 : i32
    "tpu.region"() ({
      %run_scoped3A_92 = tpu.sem_alloc : memref<!tpu.dma_semaphore, #tpu.memory_space<semaphore_mem>>
      %dma_start3A_93 = arith.constant 0 : i32
      %dma_start3A_94 = tpu.memref_slice %arg7[%run_scoped3A_17, %dma_start3A_93] : memref<2x128xi32, #tpu.memory_space<vmem>> -> memref<1x128xi32, #tpu.memory_space<vmem>>
      %dma_start3A_95 = tpu.memref_squeeze %dma_start3A_94 : memref<1x128xi32, #tpu.memory_space<vmem>> -> memref<128xi32, #tpu.memory_space<vmem>>
      %dma_start3A_96 = tpu.memref_slice %arg3[%run_scoped3A_16, %mul3A_15] : memref<2x320000xi32, #tpu.memory_space<hbm>> -> memref<1x128xi32, #tpu.memory_space<hbm>>
      %dma_start3A_97 = tpu.memref_squeeze %dma_start3A_96 : memref<1x128xi32, #tpu.memory_space<hbm>> -> memref<128xi32, #tpu.memory_space<hbm>>
      %dma_start3A_98 = arith.constant 0 : i32
      %dma_start3A_99 = tpu.memref_slice %arg7[%run_scoped3A_17, %dma_start3A_98] : memref<2x128xi32, #tpu.memory_space<vmem>> -> memref<1x128xi32, #tpu.memory_space<vmem>>
      %dma_start3A_100 = tpu.memref_squeeze %dma_start3A_99 : memref<1x128xi32, #tpu.memory_space<vmem>> -> memref<128xi32, #tpu.memory_space<vmem>>
      %dma_start3A_101 = tpu.memref_slice %arg3[%run_scoped3A_16, %mul3A_15] : memref<2x320000xi32, #tpu.memory_space<hbm>> -> memref<1x128xi32, #tpu.memory_space<hbm>>
      %dma_start3A_102 = tpu.memref_squeeze %dma_start3A_101 : memref<1x128xi32, #tpu.memory_space<hbm>> -> memref<128xi32, #tpu.memory_space<hbm>>
      tpu.enqueue_dma source(%dma_start3A_102 : memref<128xi32, #tpu.memory_space<hbm>>) target(%dma_start3A_100 : memref<128xi32, #tpu.memory_space<vmem>>) target_semaphore(%run_scoped3A_92 : memref<!tpu.dma_semaphore, #tpu.memory_space<semaphore_mem>>)
      %dma_wait3A_103 = arith.constant 0 : i32
      %dma_wait3A_104 = tpu.memref_slice %arg7[%run_scoped3A_17, %dma_wait3A_103] : memref<2x128xi32, #tpu.memory_space<vmem>> -> memref<1x128xi32, #tpu.memory_space<vmem>>
      %dma_wait3A_105 = tpu.memref_squeeze %dma_wait3A_104 : memref<1x128xi32, #tpu.memory_space<vmem>> -> memref<128xi32, #tpu.memory_space<vmem>>
      %dma_wait3A_106 = tpu.memref_slice %arg3[%run_scoped3A_16, %mul3A_15] : memref<2x320000xi32, #tpu.memory_space<hbm>> -> memref<1x128xi32, #tpu.memory_space<hbm>>
      %dma_wait3A_107 = tpu.memref_squeeze %dma_wait3A_106 : memref<1x128xi32, #tpu.memory_space<hbm>> -> memref<128xi32, #tpu.memory_space<hbm>>
      %dma_wait3A_108 = arith.constant 0 : i32
      %dma_wait3A_109 = tpu.memref_slice %arg7[%run_scoped3A_17, %dma_wait3A_108] : memref<2x128xi32, #tpu.memory_space<vmem>> -> memref<1x128xi32, #tpu.memory_space<vmem>>
      %dma_wait3A_110 = tpu.memref_squeeze %dma_wait3A_109 : memref<1x128xi32, #tpu.memory_space<vmem>> -> memref<128xi32, #tpu.memory_space<vmem>>
      %dma_wait3A_111 = tpu.memref_slice %arg3[%run_scoped3A_16, %mul3A_15] : memref<2x320000xi32, #tpu.memory_space<hbm>> -> memref<1x128xi32, #tpu.memory_space<hbm>>
      %dma_wait3A_112 = tpu.memref_squeeze %dma_wait3A_111 : memref<1x128xi32, #tpu.memory_space<hbm>> -> memref<128xi32, #tpu.memory_space<hbm>>
      tpu.wait_dma2 semaphore(%run_scoped3A_92 : memref<!tpu.dma_semaphore, #tpu.memory_space<semaphore_mem>>) src(%dma_wait3A_112 : memref<128xi32, #tpu.memory_space<hbm>>) dst(%dma_wait3A_110 : memref<128xi32, #tpu.memory_space<vmem>>)
      tpu.yield
    }) : () -> ()
    %dma_start3A = arith.constant 0 : i32
    %dma_start3A_18 = arith.constant 0 : i32
    %dma_start3A_19 = tpu.memref_slice %arg6[%dma_start3A, %dma_start3A_18] : memref<2x128xi32, #tpu.memory_space<vmem>> -> memref<1x128xi32, #tpu.memory_space<vmem>>
    %dma_start3A_20 = tpu.memref_squeeze %dma_start3A_19 : memref<1x128xi32, #tpu.memory_space<vmem>> -> memref<128xi32, #tpu.memory_space<vmem>>
    %dma_start3A_21 = arith.constant 0 : i32
    %dma_start3A_22 = arith.constant 0 : i32
    %dma_start3A_23 = tpu.memref_slice %arg2[%dma_start3A_21, %dma_start3A_22] : memref<10240x128xf32, #tpu.memory_space<hbm>> -> memref<10240x128xf32, #tpu.memory_space<hbm>>
    tpu.enqueue_indirect_dma source(%dma_start3A_23 : memref<10240x128xf32, #tpu.memory_space<hbm>>) target(%arg8 : memref<128x128xf32, #tpu.memory_space<vmem>>) offsets(%dma_start3A_20 : memref<128xi32, #tpu.memory_space<vmem>>) semaphore(%arg10 : memref<!tpu.dma_semaphore, #tpu.memory_space<semaphore_mem>>)
    %add3A_24 = arith.constant 1 : i32
    %add3A_25 = arith.addi %mul3A_10, %add3A_24 : i32
    %mul3A_26 = arith.constant 128 : i32
    %mul3A_27 = arith.muli %add3A_25, %mul3A_26 : i32
    %run_scoped3A_28 = arith.constant 0 : i32
    %run_scoped3A_29 = arith.constant 1 : i32
    "tpu.region"() ({
      %run_scoped3A_92 = tpu.sem_alloc : memref<!tpu.dma_semaphore, #tpu.memory_space<semaphore_mem>>
      %dma_start3A_93 = arith.constant 0 : i32
      %dma_start3A_94 = tpu.memref_slice %arg6[%run_scoped3A_29, %dma_start3A_93] : memref<2x128xi32, #tpu.memory_space<vmem>> -> memref<1x128xi32, #tpu.memory_space<vmem>>
      %dma_start3A_95 = tpu.memref_squeeze %dma_start3A_94 : memref<1x128xi32, #tpu.memory_space<vmem>> -> memref<128xi32, #tpu.memory_space<vmem>>
      %dma_start3A_96 = tpu.memref_slice %arg3[%run_scoped3A_28, %mul3A_27] : memref<2x320000xi32, #tpu.memory_space<hbm>> -> memref<1x128xi32, #tpu.memory_space<hbm>>
      %dma_start3A_97 = tpu.memref_squeeze %dma_start3A_96 : memref<1x128xi32, #tpu.memory_space<hbm>> -> memref<128xi32, #tpu.memory_space<hbm>>
      %dma_start3A_98 = arith.constant 0 : i32
      %dma_start3A_99 = tpu.memref_slice %arg6[%run_scoped3A_29, %dma_start3A_98] : memref<2x128xi32, #tpu.memory_space<vmem>> -> memref<1x128xi32, #tpu.memory_space<vmem>>
      %dma_start3A_100 = tpu.memref_squeeze %dma_start3A_99 : memref<1x128xi32, #tpu.memory_space<vmem>> -> memref<128xi32, #tpu.memory_space<vmem>>
      %dma_start3A_101 = tpu.memref_slice %arg3[%run_scoped3A_28, %mul3A_27] : memref<2x320000xi32, #tpu.memory_space<hbm>> -> memref<1x128xi32, #tpu.memory_space<hbm>>
      %dma_start3A_102 = tpu.memref_squeeze %dma_start3A_101 : memref<1x128xi32, #tpu.memory_space<hbm>> -> memref<128xi32, #tpu.memory_space<hbm>>
      tpu.enqueue_dma source(%dma_start3A_102 : memref<128xi32, #tpu.memory_space<hbm>>) target(%dma_start3A_100 : memref<128xi32, #tpu.memory_space<vmem>>) target_semaphore(%run_scoped3A_92 : memref<!tpu.dma_semaphore, #tpu.memory_space<semaphore_mem>>)
      %dma_wait3A_103 = arith.constant 0 : i32
      %dma_wait3A_104 = tpu.memref_slice %arg6[%run_scoped3A_29, %dma_wait3A_103] : memref<2x128xi32, #tpu.memory_space<vmem>> -> memref<1x128xi32, #tpu.memory_space<vmem>>
      %dma_wait3A_105 = tpu.memref_squeeze %dma_wait3A_104 : memref<1x128xi32, #tpu.memory_space<vmem>> -> memref<128xi32, #tpu.memory_space<vmem>>
      %dma_wait3A_106 = tpu.memref_slice %arg3[%run_scoped3A_28, %mul3A_27] : memref<2x320000xi32, #tpu.memory_space<hbm>> -> memref<1x128xi32, #tpu.memory_space<hbm>>
      %dma_wait3A_107 = tpu.memref_squeeze %dma_wait3A_106 : memref<1x128xi32, #tpu.memory_space<hbm>> -> memref<128xi32, #tpu.memory_space<hbm>>
      %dma_wait3A_108 = arith.constant 0 : i32
      %dma_wait3A_109 = tpu.memref_slice %arg6[%run_scoped3A_29, %dma_wait3A_108] : memref<2x128xi32, #tpu.memory_space<vmem>> -> memref<1x128xi32, #tpu.memory_space<vmem>>
      %dma_wait3A_110 = tpu.memref_squeeze %dma_wait3A_109 : memref<1x128xi32, #tpu.memory_space<vmem>> -> memref<128xi32, #tpu.memory_space<vmem>>
      %dma_wait3A_111 = tpu.memref_slice %arg3[%run_scoped3A_28, %mul3A_27] : memref<2x320000xi32, #tpu.memory_space<hbm>> -> memref<1x128xi32, #tpu.memory_space<hbm>>
      %dma_wait3A_112 = tpu.memref_squeeze %dma_wait3A_111 : memref<1x128xi32, #tpu.memory_space<hbm>> -> memref<128xi32, #tpu.memory_space<hbm>>
      tpu.wait_dma2 semaphore(%run_scoped3A_92 : memref<!tpu.dma_semaphore, #tpu.memory_space<semaphore_mem>>) src(%dma_wait3A_112 : memref<128xi32, #tpu.memory_space<hbm>>) dst(%dma_wait3A_110 : memref<128xi32, #tpu.memory_space<vmem>>)
      tpu.yield
    }) : () -> ()
    %mul3A_30 = arith.constant 128 : i32
    %mul3A_31 = arith.muli %add3A_25, %mul3A_30 : i32
    %run_scoped3A_32 = arith.constant 1 : i32
    %run_scoped3A_33 = arith.constant 1 : i32
    "tpu.region"() ({
      %run_scoped3A_92 = tpu.sem_alloc : memref<!tpu.dma_semaphore, #tpu.memory_space<semaphore_mem>>
      %dma_start3A_93 = arith.constant 0 : i32
      %dma_start3A_94 = tpu.memref_slice %arg7[%run_scoped3A_33, %dma_start3A_93] : memref<2x128xi32, #tpu.memory_space<vmem>> -> memref<1x128xi32, #tpu.memory_space<vmem>>
      %dma_start3A_95 = tpu.memref_squeeze %dma_start3A_94 : memref<1x128xi32, #tpu.memory_space<vmem>> -> memref<128xi32, #tpu.memory_space<vmem>>
      %dma_start3A_96 = tpu.memref_slice %arg3[%run_scoped3A_32, %mul3A_31] : memref<2x320000xi32, #tpu.memory_space<hbm>> -> memref<1x128xi32, #tpu.memory_space<hbm>>
      %dma_start3A_97 = tpu.memref_squeeze %dma_start3A_96 : memref<1x128xi32, #tpu.memory_space<hbm>> -> memref<128xi32, #tpu.memory_space<hbm>>
      %dma_start3A_98 = arith.constant 0 : i32
      %dma_start3A_99 = tpu.memref_slice %arg7[%run_scoped3A_33, %dma_start3A_98] : memref<2x128xi32, #tpu.memory_space<vmem>> -> memref<1x128xi32, #tpu.memory_space<vmem>>
      %dma_start3A_100 = tpu.memref_squeeze %dma_start3A_99 : memref<1x128xi32, #tpu.memory_space<vmem>> -> memref<128xi32, #tpu.memory_space<vmem>>
      %dma_start3A_101 = tpu.memref_slice %arg3[%run_scoped3A_32, %mul3A_31] : memref<2x320000xi32, #tpu.memory_space<hbm>> -> memref<1x128xi32, #tpu.memory_space<hbm>>
      %dma_start3A_102 = tpu.memref_squeeze %dma_start3A_101 : memref<1x128xi32, #tpu.memory_space<hbm>> -> memref<128xi32, #tpu.memory_space<hbm>>
      tpu.enqueue_dma source(%dma_start3A_102 : memref<128xi32, #tpu.memory_space<hbm>>) target(%dma_start3A_100 : memref<128xi32, #tpu.memory_space<vmem>>) target_semaphore(%run_scoped3A_92 : memref<!tpu.dma_semaphore, #tpu.memory_space<semaphore_mem>>)
      %dma_wait3A_103 = arith.constant 0 : i32
      %dma_wait3A_104 = tpu.memref_slice %arg7[%run_scoped3A_33, %dma_wait3A_103] : memref<2x128xi32, #tpu.memory_space<vmem>> -> memref<1x128xi32, #tpu.memory_space<vmem>>
      %dma_wait3A_105 = tpu.memref_squeeze %dma_wait3A_104 : memref<1x128xi32, #tpu.memory_space<vmem>> -> memref<128xi32, #tpu.memory_space<vmem>>
      %dma_wait3A_106 = tpu.memref_slice %arg3[%run_scoped3A_32, %mul3A_31] : memref<2x320000xi32, #tpu.memory_space<hbm>> -> memref<1x128xi32, #tpu.memory_space<hbm>>
      %dma_wait3A_107 = tpu.memref_squeeze %dma_wait3A_106 : memref<1x128xi32, #tpu.memory_space<hbm>> -> memref<128xi32, #tpu.memory_space<hbm>>
      %dma_wait3A_108 = arith.constant 0 : i32
      %dma_wait3A_109 = tpu.memref_slice %arg7[%run_scoped3A_33, %dma_wait3A_108] : memref<2x128xi32, #tpu.memory_space<vmem>> -> memref<1x128xi32, #tpu.memory_space<vmem>>
      %dma_wait3A_110 = tpu.memref_squeeze %dma_wait3A_109 : memref<1x128xi32, #tpu.memory_space<vmem>> -> memref<128xi32, #tpu.memory_space<vmem>>
      %dma_wait3A_111 = tpu.memref_slice %arg3[%run_scoped3A_32, %mul3A_31] : memref<2x320000xi32, #tpu.memory_space<hbm>> -> memref<1x128xi32, #tpu.memory_space<hbm>>
      %dma_wait3A_112 = tpu.memref_squeeze %dma_wait3A_111 : memref<1x128xi32, #tpu.memory_space<hbm>> -> memref<128xi32, #tpu.memory_space<hbm>>
      tpu.wait_dma2 semaphore(%run_scoped3A_92 : memref<!tpu.dma_semaphore, #tpu.memory_space<semaphore_mem>>) src(%dma_wait3A_112 : memref<128xi32, #tpu.memory_space<hbm>>) dst(%dma_wait3A_110 : memref<128xi32, #tpu.memory_space<vmem>>)
      tpu.yield
    }) : () -> ()
    %dma_start3A_34 = arith.constant 1 : i32
    %dma_start3A_35 = arith.constant 0 : i32
    %dma_start3A_36 = tpu.memref_slice %arg6[%dma_start3A_34, %dma_start3A_35] : memref<2x128xi32, #tpu.memory_space<vmem>> -> memref<1x128xi32, #tpu.memory_space<vmem>>
    %dma_start3A_37 = tpu.memref_squeeze %dma_start3A_36 : memref<1x128xi32, #tpu.memory_space<vmem>> -> memref<128xi32, #tpu.memory_space<vmem>>
    %dma_start3A_38 = arith.constant 0 : i32
    %dma_start3A_39 = arith.constant 0 : i32
    %dma_start3A_40 = tpu.memref_slice %arg2[%dma_start3A_38, %dma_start3A_39] : memref<10240x128xf32, #tpu.memory_space<hbm>> -> memref<10240x128xf32, #tpu.memory_space<hbm>>
    tpu.enqueue_indirect_dma source(%dma_start3A_40 : memref<10240x128xf32, #tpu.memory_space<hbm>>) target(%arg9 : memref<128x128xf32, #tpu.memory_space<vmem>>) offsets(%dma_start3A_37 : memref<128xi32, #tpu.memory_space<vmem>>) semaphore(%arg11 : memref<!tpu.dma_semaphore, #tpu.memory_space<semaphore_mem>>)
    %dma_wait3A = arith.constant 0 : i32
    %dma_wait3A_41 = arith.constant 0 : i32
    %dma_wait3A_42 = tpu.memref_slice %arg6[%dma_wait3A, %dma_wait3A_41] : memref<2x128xi32, #tpu.memory_space<vmem>> -> memref<1x128xi32, #tpu.memory_space<vmem>>
    %dma_wait3A_43 = tpu.memref_squeeze %dma_wait3A_42 : memref<1x128xi32, #tpu.memory_space<vmem>> -> memref<128xi32, #tpu.memory_space<vmem>>
    %dma_wait3A_44 = arith.constant 0 : i32
    %dma_wait3A_45 = arith.constant 0 : i32
    %dma_wait3A_46 = tpu.memref_slice %arg2[%dma_wait3A_44, %dma_wait3A_45] : memref<10240x128xf32, #tpu.memory_space<hbm>> -> memref<10240x128xf32, #tpu.memory_space<hbm>>
    tpu.wait_indirect_dma semaphore(%arg10 : memref<!tpu.dma_semaphore, #tpu.memory_space<semaphore_mem>>) src(%dma_wait3A_46 : memref<10240x128xf32, #tpu.memory_space<hbm>>) dst(%arg8 : memref<128x128xf32, #tpu.memory_space<vmem>>)
    %dma_start3A_47 = arith.constant 0 : i32
    %dma_start3A_48 = arith.constant 0 : i32
    %dma_start3A_49 = tpu.memref_slice %arg7[%dma_start3A_47, %dma_start3A_48] : memref<2x128xi32, #tpu.memory_space<vmem>> -> memref<1x128xi32, #tpu.memory_space<vmem>>
    %dma_start3A_50 = tpu.memref_squeeze %dma_start3A_49 : memref<1x128xi32, #tpu.memory_space<vmem>> -> memref<128xi32, #tpu.memory_space<vmem>>
    %dma_start3A_51 = arith.constant 0 : i32
    %dma_start3A_52 = arith.constant 0 : i32
    %dma_start3A_53 = tpu.memref_slice %arg5[%dma_start3A_51, %dma_start3A_52] : memref<10240x128xf32, #tpu.memory_space<vmem_shared>> -> memref<10240x128xf32, #tpu.memory_space<vmem_shared>>
    tpu.enqueue_indirect_dma source(%arg8 : memref<128x128xf32, #tpu.memory_space<vmem>>) target(%dma_start3A_53 : memref<10240x128xf32, #tpu.memory_space<vmem_shared>>) offsets(%dma_start3A_50 : memref<128xi32, #tpu.memory_space<vmem>>) semaphore(%arg12 : memref<!tpu.dma_semaphore, #tpu.memory_space<semaphore_mem>>) {add = true}
    %dma_wait3A_54 = arith.constant 1 : i32
    %dma_wait3A_55 = arith.constant 0 : i32
    %dma_wait3A_56 = tpu.memref_slice %arg6[%dma_wait3A_54, %dma_wait3A_55] : memref<2x128xi32, #tpu.memory_space<vmem>> -> memref<1x128xi32, #tpu.memory_space<vmem>>
    %dma_wait3A_57 = tpu.memref_squeeze %dma_wait3A_56 : memref<1x128xi32, #tpu.memory_space<vmem>> -> memref<128xi32, #tpu.memory_space<vmem>>
    %dma_wait3A_58 = arith.constant 0 : i32
    %dma_wait3A_59 = arith.constant 0 : i32
    %dma_wait3A_60 = tpu.memref_slice %arg2[%dma_wait3A_58, %dma_wait3A_59] : memref<10240x128xf32, #tpu.memory_space<hbm>> -> memref<10240x128xf32, #tpu.memory_space<hbm>>
    tpu.wait_indirect_dma semaphore(%arg11 : memref<!tpu.dma_semaphore, #tpu.memory_space<semaphore_mem>>) src(%dma_wait3A_60 : memref<10240x128xf32, #tpu.memory_space<hbm>>) dst(%arg9 : memref<128x128xf32, #tpu.memory_space<vmem>>)
    %dma_start3A_61 = arith.constant 1 : i32
    %dma_start3A_62 = arith.constant 0 : i32
    %dma_start3A_63 = tpu.memref_slice %arg7[%dma_start3A_61, %dma_start3A_62] : memref<2x128xi32, #tpu.memory_space<vmem>> -> memref<1x128xi32, #tpu.memory_space<vmem>>
    %dma_start3A_64 = tpu.memref_squeeze %dma_start3A_63 : memref<1x128xi32, #tpu.memory_space<vmem>> -> memref<128xi32, #tpu.memory_space<vmem>>
    %dma_start3A_65 = arith.constant 0 : i32
    %dma_start3A_66 = arith.constant 0 : i32
    %dma_start3A_67 = tpu.memref_slice %arg5[%dma_start3A_65, %dma_start3A_66] : memref<10240x128xf32, #tpu.memory_space<vmem_shared>> -> memref<10240x128xf32, #tpu.memory_space<vmem_shared>>
    tpu.enqueue_indirect_dma source(%arg9 : memref<128x128xf32, #tpu.memory_space<vmem>>) target(%dma_start3A_67 : memref<10240x128xf32, #tpu.memory_space<vmem_shared>>) offsets(%dma_start3A_64 : memref<128xi32, #tpu.memory_space<vmem>>) semaphore(%arg13 : memref<!tpu.dma_semaphore, #tpu.memory_space<semaphore_mem>>) {add = true}
    %scan3A = arith.constant 0 : i32
    %scan3A_68 = arith.constant 1 : i32
    %scan3A_69 = arith.constant 38 : i32
    %scan3A_70 = arith.addi %scan3A_68, %scan3A_69 : i32
    %scan3A_71 = arith.constant 1 : i32
    scf.for %scan3A_92 = %scan3A_68 to %scan3A_70 step %scan3A_71  : i32 {
      %mul3A_93 = arith.constant 2 : i32
      %mul3A_94 = arith.muli %mul3A_93, %scan3A_92 : i32
      %add3A_95 = arith.addi %mul3A_10, %mul3A_94 : i32
      %dma_wait3A_96 = arith.constant 0 : i32
      %dma_wait3A_97 = arith.constant 0 : i32
      %dma_wait3A_98 = tpu.memref_slice %arg7[%dma_wait3A_96, %dma_wait3A_97] : memref<2x128xi32, #tpu.memory_space<vmem>> -> memref<1x128xi32, #tpu.memory_space<vmem>>
      %dma_wait3A_99 = tpu.memref_squeeze %dma_wait3A_98 : memref<1x128xi32, #tpu.memory_space<vmem>> -> memref<128xi32, #tpu.memory_space<vmem>>
      %dma_wait3A_100 = arith.constant 0 : i32
      %dma_wait3A_101 = arith.constant 0 : i32
      %dma_wait3A_102 = tpu.memref_slice %arg5[%dma_wait3A_100, %dma_wait3A_101] : memref<10240x128xf32, #tpu.memory_space<vmem_shared>> -> memref<10240x128xf32, #tpu.memory_space<vmem_shared>>
      tpu.wait_indirect_dma semaphore(%arg12 : memref<!tpu.dma_semaphore, #tpu.memory_space<semaphore_mem>>) src(%arg8 : memref<128x128xf32, #tpu.memory_space<vmem>>) dst(%dma_wait3A_102 : memref<10240x128xf32, #tpu.memory_space<vmem_shared>>)
      %mul3A_103 = arith.constant 128 : i32
      %mul3A_104 = arith.muli %add3A_95, %mul3A_103 : i32
      %run_scoped3A_105 = arith.constant 0 : i32
      %run_scoped3A_106 = arith.constant 0 : i32
      "tpu.region"() ({
        %run_scoped3A_170 = tpu.sem_alloc : memref<!tpu.dma_semaphore, #tpu.memory_space<semaphore_mem>>
        %dma_start3A_171 = arith.constant 0 : i32
        %dma_start3A_172 = tpu.memref_slice %arg6[%run_scoped3A_106, %dma_start3A_171] : memref<2x128xi32, #tpu.memory_space<vmem>> -> memref<1x128xi32, #tpu.memory_space<vmem>>
        %dma_start3A_173 = tpu.memref_squeeze %dma_start3A_172 : memref<1x128xi32, #tpu.memory_space<vmem>> -> memref<128xi32, #tpu.memory_space<vmem>>
        %dma_start3A_174 = tpu.memref_slice %arg3[%run_scoped3A_105, %mul3A_104] : memref<2x320000xi32, #tpu.memory_space<hbm>> -> memref<1x128xi32, #tpu.memory_space<hbm>>
        %dma_start3A_175 = tpu.memref_squeeze %dma_start3A_174 : memref<1x128xi32, #tpu.memory_space<hbm>> -> memref<128xi32, #tpu.memory_space<hbm>>
        %dma_start3A_176 = arith.constant 0 : i32
        %dma_start3A_177 = tpu.memref_slice %arg6[%run_scoped3A_106, %dma_start3A_176] : memref<2x128xi32, #tpu.memory_space<vmem>> -> memref<1x128xi32, #tpu.memory_space<vmem>>
        %dma_start3A_178 = tpu.memref_squeeze %dma_start3A_177 : memref<1x128xi32, #tpu.memory_space<vmem>> -> memref<128xi32, #tpu.memory_space<vmem>>
        %dma_start3A_179 = tpu.memref_slice %arg3[%run_scoped3A_105, %mul3A_104] : memref<2x320000xi32, #tpu.memory_space<hbm>> -> memref<1x128xi32, #tpu.memory_space<hbm>>
        %dma_start3A_180 = tpu.memref_squeeze %dma_start3A_179 : memref<1x128xi32, #tpu.memory_space<hbm>> -> memref<128xi32, #tpu.memory_space<hbm>>
        tpu.enqueue_dma source(%dma_start3A_180 : memref<128xi32, #tpu.memory_space<hbm>>) target(%dma_start3A_178 : memref<128xi32, #tpu.memory_space<vmem>>) target_semaphore(%run_scoped3A_170 : memref<!tpu.dma_semaphore, #tpu.memory_space<semaphore_mem>>)
        %dma_wait3A_181 = arith.constant 0 : i32
        %dma_wait3A_182 = tpu.memref_slice %arg6[%run_scoped3A_106, %dma_wait3A_181] : memref<2x128xi32, #tpu.memory_space<vmem>> -> memref<1x128xi32, #tpu.memory_space<vmem>>
        %dma_wait3A_183 = tpu.memref_squeeze %dma_wait3A_182 : memref<1x128xi32, #tpu.memory_space<vmem>> -> memref<128xi32, #tpu.memory_space<vmem>>
        %dma_wait3A_184 = tpu.memref_slice %arg3[%run_scoped3A_105, %mul3A_104] : memref<2x320000xi32, #tpu.memory_space<hbm>> -> memref<1x128xi32, #tpu.memory_space<hbm>>
        %dma_wait3A_185 = tpu.memref_squeeze %dma_wait3A_184 : memref<1x128xi32, #tpu.memory_space<hbm>> -> memref<128xi32, #tpu.memory_space<hbm>>
        %dma_wait3A_186 = arith.constant 0 : i32
        %dma_wait3A_187 = tpu.memref_slice %arg6[%run_scoped3A_106, %dma_wait3A_186] : memref<2x128xi32, #tpu.memory_space<vmem>> -> memref<1x128xi32, #tpu.memory_space<vmem>>
        %dma_wait3A_188 = tpu.memref_squeeze %dma_wait3A_187 : memref<1x128xi32, #tpu.memory_space<vmem>> -> memref<128xi32, #tpu.memory_space<vmem>>
        %dma_wait3A_189 = tpu.memref_slice %arg3[%run_scoped3A_105, %mul3A_104] : memref<2x320000xi32, #tpu.memory_space<hbm>> -> memref<1x128xi32, #tpu.memory_space<hbm>>
        %dma_wait3A_190 = tpu.memref_squeeze %dma_wait3A_189 : memref<1x128xi32, #tpu.memory_space<hbm>> -> memref<128xi32, #tpu.memory_space<hbm>>
        tpu.wait_dma2 semaphore(%run_scoped3A_170 : memref<!tpu.dma_semaphore, #tpu.memory_space<semaphore_mem>>) src(%dma_wait3A_190 : memref<128xi32, #tpu.memory_space<hbm>>) dst(%dma_wait3A_188 : memref<128xi32, #tpu.memory_space<vmem>>)
        tpu.yield
      }) : () -> ()
      %mul3A_107 = arith.constant 128 : i32
      %mul3A_108 = arith.muli %add3A_95, %mul3A_107 : i32
      %run_scoped3A_109 = arith.constant 1 : i32
      %run_scoped3A_110 = arith.constant 0 : i32
      "tpu.region"() ({
        %run_scoped3A_170 = tpu.sem_alloc : memref<!tpu.dma_semaphore, #tpu.memory_space<semaphore_mem>>
        %dma_start3A_171 = arith.constant 0 : i32
        %dma_start3A_172 = tpu.memref_slice %arg7[%run_scoped3A_110, %dma_start3A_171] : memref<2x128xi32, #tpu.memory_space<vmem>> -> memref<1x128xi32, #tpu.memory_space<vmem>>
        %dma_start3A_173 = tpu.memref_squeeze %dma_start3A_172 : memref<1x128xi32, #tpu.memory_space<vmem>> -> memref<128xi32, #tpu.memory_space<vmem>>
        %dma_start3A_174 = tpu.memref_slice %arg3[%run_scoped3A_109, %mul3A_108] : memref<2x320000xi32, #tpu.memory_space<hbm>> -> memref<1x128xi32, #tpu.memory_space<hbm>>
        %dma_start3A_175 = tpu.memref_squeeze %dma_start3A_174 : memref<1x128xi32, #tpu.memory_space<hbm>> -> memref<128xi32, #tpu.memory_space<hbm>>
        %dma_start3A_176 = arith.constant 0 : i32
        %dma_start3A_177 = tpu.memref_slice %arg7[%run_scoped3A_110, %dma_start3A_176] : memref<2x128xi32, #tpu.memory_space<vmem>> -> memref<1x128xi32, #tpu.memory_space<vmem>>
        %dma_start3A_178 = tpu.memref_squeeze %dma_start3A_177 : memref<1x128xi32, #tpu.memory_space<vmem>> -> memref<128xi32, #tpu.memory_space<vmem>>
        %dma_start3A_179 = tpu.memref_slice %arg3[%run_scoped3A_109, %mul3A_108] : memref<2x320000xi32, #tpu.memory_space<hbm>> -> memref<1x128xi32, #tpu.memory_space<hbm>>
        %dma_start3A_180 = tpu.memref_squeeze %dma_start3A_179 : memref<1x128xi32, #tpu.memory_space<hbm>> -> memref<128xi32, #tpu.memory_space<hbm>>
        tpu.enqueue_dma source(%dma_start3A_180 : memref<128xi32, #tpu.memory_space<hbm>>) target(%dma_start3A_178 : memref<128xi32, #tpu.memory_space<vmem>>) target_semaphore(%run_scoped3A_170 : memref<!tpu.dma_semaphore, #tpu.memory_space<semaphore_mem>>)
        %dma_wait3A_181 = arith.constant 0 : i32
        %dma_wait3A_182 = tpu.memref_slice %arg7[%run_scoped3A_110, %dma_wait3A_181] : memref<2x128xi32, #tpu.memory_space<vmem>> -> memref<1x128xi32, #tpu.memory_space<vmem>>
        %dma_wait3A_183 = tpu.memref_squeeze %dma_wait3A_182 : memref<1x128xi32, #tpu.memory_space<vmem>> -> memref<128xi32, #tpu.memory_space<vmem>>
        %dma_wait3A_184 = tpu.memref_slice %arg3[%run_scoped3A_109, %mul3A_108] : memref<2x320000xi32, #tpu.memory_space<hbm>> -> memref<1x128xi32, #tpu.memory_space<hbm>>
        %dma_wait3A_185 = tpu.memref_squeeze %dma_wait3A_184 : memref<1x128xi32, #tpu.memory_space<hbm>> -> memref<128xi32, #tpu.memory_space<hbm>>
        %dma_wait3A_186 = arith.constant 0 : i32
        %dma_wait3A_187 = tpu.memref_slice %arg7[%run_scoped3A_110, %dma_wait3A_186] : memref<2x128xi32, #tpu.memory_space<vmem>> -> memref<1x128xi32, #tpu.memory_space<vmem>>
        %dma_wait3A_188 = tpu.memref_squeeze %dma_wait3A_187 : memref<1x128xi32, #tpu.memory_space<vmem>> -> memref<128xi32, #tpu.memory_space<vmem>>
        %dma_wait3A_189 = tpu.memref_slice %arg3[%run_scoped3A_109, %mul3A_108] : memref<2x320000xi32, #tpu.memory_space<hbm>> -> memref<1x128xi32, #tpu.memory_space<hbm>>
        %dma_wait3A_190 = tpu.memref_squeeze %dma_wait3A_189 : memref<1x128xi32, #tpu.memory_space<hbm>> -> memref<128xi32, #tpu.memory_space<hbm>>
        tpu.wait_dma2 semaphore(%run_scoped3A_170 : memref<!tpu.dma_semaphore, #tpu.memory_space<semaphore_mem>>) src(%dma_wait3A_190 : memref<128xi32, #tpu.memory_space<hbm>>) dst(%dma_wait3A_188 : memref<128xi32, #tpu.memory_space<vmem>>)
        tpu.yield
      }) : () -> ()
      %dma_start3A_111 = arith.constant 0 : i32
      %dma_start3A_112 = arith.constant 0 : i32
      %dma_start3A_113 = tpu.memref_slice %arg6[%dma_start3A_111, %dma_start3A_112] : memref<2x128xi32, #tpu.memory_space<vmem>> -> memref<1x128xi32, #tpu.memory_space<vmem>>
      %dma_start3A_114 = tpu.memref_squeeze %dma_start3A_113 : memref<1x128xi32, #tpu.memory_space<vmem>> -> memref<128xi32, #tpu.memory_space<vmem>>
      %dma_start3A_115 = arith.constant 0 : i32
      %dma_start3A_116 = arith.constant 0 : i32
      %dma_start3A_117 = tpu.memref_slice %arg2[%dma_start3A_115, %dma_start3A_116] : memref<10240x128xf32, #tpu.memory_space<hbm>> -> memref<10240x128xf32, #tpu.memory_space<hbm>>
      tpu.enqueue_indirect_dma source(%dma_start3A_117 : memref<10240x128xf32, #tpu.memory_space<hbm>>) target(%arg8 : memref<128x128xf32, #tpu.memory_space<vmem>>) offsets(%dma_start3A_114 : memref<128xi32, #tpu.memory_space<vmem>>) semaphore(%arg10 : memref<!tpu.dma_semaphore, #tpu.memory_space<semaphore_mem>>)
      %dma_wait3A_118 = arith.constant 1 : i32
      %dma_wait3A_119 = arith.constant 0 : i32
      %dma_wait3A_120 = tpu.memref_slice %arg7[%dma_wait3A_118, %dma_wait3A_119] : memref<2x128xi32, #tpu.memory_space<vmem>> -> memref<1x128xi32, #tpu.memory_space<vmem>>
      %dma_wait3A_121 = tpu.memref_squeeze %dma_wait3A_120 : memref<1x128xi32, #tpu.memory_space<vmem>> -> memref<128xi32, #tpu.memory_space<vmem>>
      %dma_wait3A_122 = arith.constant 0 : i32
      %dma_wait3A_123 = arith.constant 0 : i32
      %dma_wait3A_124 = tpu.memref_slice %arg5[%dma_wait3A_122, %dma_wait3A_123] : memref<10240x128xf32, #tpu.memory_space<vmem_shared>> -> memref<10240x128xf32, #tpu.memory_space<vmem_shared>>
      tpu.wait_indirect_dma semaphore(%arg13 : memref<!tpu.dma_semaphore, #tpu.memory_space<semaphore_mem>>) src(%arg9 : memref<128x128xf32, #tpu.memory_space<vmem>>) dst(%dma_wait3A_124 : memref<10240x128xf32, #tpu.memory_space<vmem_shared>>)
      %add3A_125 = arith.constant 1 : i32
      %add3A_126 = arith.addi %add3A_95, %add3A_125 : i32
      %mul3A_127 = arith.constant 128 : i32
      %mul3A_128 = arith.muli %add3A_126, %mul3A_127 : i32
      %run_scoped3A_129 = arith.constant 0 : i32
      %run_scoped3A_130 = arith.constant 1 : i32
      "tpu.region"() ({
        %run_scoped3A_170 = tpu.sem_alloc : memref<!tpu.dma_semaphore, #tpu.memory_space<semaphore_mem>>
        %dma_start3A_171 = arith.constant 0 : i32
        %dma_start3A_172 = tpu.memref_slice %arg6[%run_scoped3A_130, %dma_start3A_171] : memref<2x128xi32, #tpu.memory_space<vmem>> -> memref<1x128xi32, #tpu.memory_space<vmem>>
        %dma_start3A_173 = tpu.memref_squeeze %dma_start3A_172 : memref<1x128xi32, #tpu.memory_space<vmem>> -> memref<128xi32, #tpu.memory_space<vmem>>
        %dma_start3A_174 = tpu.memref_slice %arg3[%run_scoped3A_129, %mul3A_128] : memref<2x320000xi32, #tpu.memory_space<hbm>> -> memref<1x128xi32, #tpu.memory_space<hbm>>
        %dma_start3A_175 = tpu.memref_squeeze %dma_start3A_174 : memref<1x128xi32, #tpu.memory_space<hbm>> -> memref<128xi32, #tpu.memory_space<hbm>>
        %dma_start3A_176 = arith.constant 0 : i32
        %dma_start3A_177 = tpu.memref_slice %arg6[%run_scoped3A_130, %dma_start3A_176] : memref<2x128xi32, #tpu.memory_space<vmem>> -> memref<1x128xi32, #tpu.memory_space<vmem>>
        %dma_start3A_178 = tpu.memref_squeeze %dma_start3A_177 : memref<1x128xi32, #tpu.memory_space<vmem>> -> memref<128xi32, #tpu.memory_space<vmem>>
        %dma_start3A_179 = tpu.memref_slice %arg3[%run_scoped3A_129, %mul3A_128] : memref<2x320000xi32, #tpu.memory_space<hbm>> -> memref<1x128xi32, #tpu.memory_space<hbm>>
        %dma_start3A_180 = tpu.memref_squeeze %dma_start3A_179 : memref<1x128xi32, #tpu.memory_space<hbm>> -> memref<128xi32, #tpu.memory_space<hbm>>
        tpu.enqueue_dma source(%dma_start3A_180 : memref<128xi32, #tpu.memory_space<hbm>>) target(%dma_start3A_178 : memref<128xi32, #tpu.memory_space<vmem>>) target_semaphore(%run_scoped3A_170 : memref<!tpu.dma_semaphore, #tpu.memory_space<semaphore_mem>>)
        %dma_wait3A_181 = arith.constant 0 : i32
        %dma_wait3A_182 = tpu.memref_slice %arg6[%run_scoped3A_130, %dma_wait3A_181] : memref<2x128xi32, #tpu.memory_space<vmem>> -> memref<1x128xi32, #tpu.memory_space<vmem>>
        %dma_wait3A_183 = tpu.memref_squeeze %dma_wait3A_182 : memref<1x128xi32, #tpu.memory_space<vmem>> -> memref<128xi32, #tpu.memory_space<vmem>>
        %dma_wait3A_184 = tpu.memref_slice %arg3[%run_scoped3A_129, %mul3A_128] : memref<2x320000xi32, #tpu.memory_space<hbm>> -> memref<1x128xi32, #tpu.memory_space<hbm>>
        %dma_wait3A_185 = tpu.memref_squeeze %dma_wait3A_184 : memref<1x128xi32, #tpu.memory_space<hbm>> -> memref<128xi32, #tpu.memory_space<hbm>>
        %dma_wait3A_186 = arith.constant 0 : i32
        %dma_wait3A_187 = tpu.memref_slice %arg6[%run_scoped3A_130, %dma_wait3A_186] : memref<2x128xi32, #tpu.memory_space<vmem>> -> memref<1x128xi32, #tpu.memory_space<vmem>>
        %dma_wait3A_188 = tpu.memref_squeeze %dma_wait3A_187 : memref<1x128xi32, #tpu.memory_space<vmem>> -> memref<128xi32, #tpu.memory_space<vmem>>
        %dma_wait3A_189 = tpu.memref_slice %arg3[%run_scoped3A_129, %mul3A_128] : memref<2x320000xi32, #tpu.memory_space<hbm>> -> memref<1x128xi32, #tpu.memory_space<hbm>>
        %dma_wait3A_190 = tpu.memref_squeeze %dma_wait3A_189 : memref<1x128xi32, #tpu.memory_space<hbm>> -> memref<128xi32, #tpu.memory_space<hbm>>
        tpu.wait_dma2 semaphore(%run_scoped3A_170 : memref<!tpu.dma_semaphore, #tpu.memory_space<semaphore_mem>>) src(%dma_wait3A_190 : memref<128xi32, #tpu.memory_space<hbm>>) dst(%dma_wait3A_188 : memref<128xi32, #tpu.memory_space<vmem>>)
        tpu.yield
      }) : () -> ()
      %mul3A_131 = arith.constant 128 : i32
      %mul3A_132 = arith.muli %add3A_126, %mul3A_131 : i32
      %run_scoped3A_133 = arith.constant 1 : i32
      %run_scoped3A_134 = arith.constant 1 : i32
      "tpu.region"() ({
        %run_scoped3A_170 = tpu.sem_alloc : memref<!tpu.dma_semaphore, #tpu.memory_space<semaphore_mem>>
        %dma_start3A_171 = arith.constant 0 : i32
        %dma_start3A_172 = tpu.memref_slice %arg7[%run_scoped3A_134, %dma_start3A_171] : memref<2x128xi32, #tpu.memory_space<vmem>> -> memref<1x128xi32, #tpu.memory_space<vmem>>
        %dma_start3A_173 = tpu.memref_squeeze %dma_start3A_172 : memref<1x128xi32, #tpu.memory_space<vmem>> -> memref<128xi32, #tpu.memory_space<vmem>>
        %dma_start3A_174 = tpu.memref_slice %arg3[%run_scoped3A_133, %mul3A_132] : memref<2x320000xi32, #tpu.memory_space<hbm>> -> memref<1x128xi32, #tpu.memory_space<hbm>>
        %dma_start3A_175 = tpu.memref_squeeze %dma_start3A_174 : memref<1x128xi32, #tpu.memory_space<hbm>> -> memref<128xi32, #tpu.memory_space<hbm>>
        %dma_start3A_176 = arith.constant 0 : i32
        %dma_start3A_177 = tpu.memref_slice %arg7[%run_scoped3A_134, %dma_start3A_176] : memref<2x128xi32, #tpu.memory_space<vmem>> -> memref<1x128xi32, #tpu.memory_space<vmem>>
        %dma_start3A_178 = tpu.memref_squeeze %dma_start3A_177 : memref<1x128xi32, #tpu.memory_space<vmem>> -> memref<128xi32, #tpu.memory_space<vmem>>
        %dma_start3A_179 = tpu.memref_slice %arg3[%run_scoped3A_133, %mul3A_132] : memref<2x320000xi32, #tpu.memory_space<hbm>> -> memref<1x128xi32, #tpu.memory_space<hbm>>
        %dma_start3A_180 = tpu.memref_squeeze %dma_start3A_179 : memref<1x128xi32, #tpu.memory_space<hbm>> -> memref<128xi32, #tpu.memory_space<hbm>>
        tpu.enqueue_dma source(%dma_start3A_180 : memref<128xi32, #tpu.memory_space<hbm>>) target(%dma_start3A_178 : memref<128xi32, #tpu.memory_space<vmem>>) target_semaphore(%run_scoped3A_170 : memref<!tpu.dma_semaphore, #tpu.memory_space<semaphore_mem>>)
        %dma_wait3A_181 = arith.constant 0 : i32
        %dma_wait3A_182 = tpu.memref_slice %arg7[%run_scoped3A_134, %dma_wait3A_181] : memref<2x128xi32, #tpu.memory_space<vmem>> -> memref<1x128xi32, #tpu.memory_space<vmem>>
        %dma_wait3A_183 = tpu.memref_squeeze %dma_wait3A_182 : memref<1x128xi32, #tpu.memory_space<vmem>> -> memref<128xi32, #tpu.memory_space<vmem>>
        %dma_wait3A_184 = tpu.memref_slice %arg3[%run_scoped3A_133, %mul3A_132] : memref<2x320000xi32, #tpu.memory_space<hbm>> -> memref<1x128xi32, #tpu.memory_space<hbm>>
        %dma_wait3A_185 = tpu.memref_squeeze %dma_wait3A_184 : memref<1x128xi32, #tpu.memory_space<hbm>> -> memref<128xi32, #tpu.memory_space<hbm>>
        %dma_wait3A_186 = arith.constant 0 : i32
        %dma_wait3A_187 = tpu.memref_slice %arg7[%run_scoped3A_134, %dma_wait3A_186] : memref<2x128xi32, #tpu.memory_space<vmem>> -> memref<1x128xi32, #tpu.memory_space<vmem>>
        %dma_wait3A_188 = tpu.memref_squeeze %dma_wait3A_187 : memref<1x128xi32, #tpu.memory_space<vmem>> -> memref<128xi32, #tpu.memory_space<vmem>>
        %dma_wait3A_189 = tpu.memref_slice %arg3[%run_scoped3A_133, %mul3A_132] : memref<2x320000xi32, #tpu.memory_space<hbm>> -> memref<1x128xi32, #tpu.memory_space<hbm>>
        %dma_wait3A_190 = tpu.memref_squeeze %dma_wait3A_189 : memref<1x128xi32, #tpu.memory_space<hbm>> -> memref<128xi32, #tpu.memory_space<hbm>>
        tpu.wait_dma2 semaphore(%run_scoped3A_170 : memref<!tpu.dma_semaphore, #tpu.memory_space<semaphore_mem>>) src(%dma_wait3A_190 : memref<128xi32, #tpu.memory_space<hbm>>) dst(%dma_wait3A_188 : memref<128xi32, #tpu.memory_space<vmem>>)
        tpu.yield
      }) : () -> ()
      %dma_start3A_135 = arith.constant 1 : i32
      %dma_start3A_136 = arith.constant 0 : i32
      %dma_start3A_137 = tpu.memref_slice %arg6[%dma_start3A_135, %dma_start3A_136] : memref<2x128xi32, #tpu.memory_space<vmem>> -> memref<1x128xi32, #tpu.memory_space<vmem>>
      %dma_start3A_138 = tpu.memref_squeeze %dma_start3A_137 : memref<1x128xi32, #tpu.memory_space<vmem>> -> memref<128xi32, #tpu.memory_space<vmem>>
      %dma_start3A_139 = arith.constant 0 : i32
      %dma_start3A_140 = arith.constant 0 : i32
      %dma_start3A_141 = tpu.memref_slice %arg2[%dma_start3A_139, %dma_start3A_140] : memref<10240x128xf32, #tpu.memory_space<hbm>> -> memref<10240x128xf32, #tpu.memory_space<hbm>>
      tpu.enqueue_indirect_dma source(%dma_start3A_141 : memref<10240x128xf32, #tpu.memory_space<hbm>>) target(%arg9 : memref<128x128xf32, #tpu.memory_space<vmem>>) offsets(%dma_start3A_138 : memref<128xi32, #tpu.memory_space<vmem>>) semaphore(%arg11 : memref<!tpu.dma_semaphore, #tpu.memory_space<semaphore_mem>>)
      %dma_wait3A_142 = arith.constant 0 : i32
      %dma_wait3A_143 = arith.constant 0 : i32
      %dma_wait3A_144 = tpu.memref_slice %arg6[%dma_wait3A_142, %dma_wait3A_143] : memref<2x128xi32, #tpu.memory_space<vmem>> -> memref<1x128xi32, #tpu.memory_space<vmem>>
      %dma_wait3A_145 = tpu.memref_squeeze %dma_wait3A_144 : memref<1x128xi32, #tpu.memory_space<vmem>> -> memref<128xi32, #tpu.memory_space<vmem>>
      %dma_wait3A_146 = arith.constant 0 : i32
      %dma_wait3A_147 = arith.constant 0 : i32
      %dma_wait3A_148 = tpu.memref_slice %arg2[%dma_wait3A_146, %dma_wait3A_147] : memref<10240x128xf32, #tpu.memory_space<hbm>> -> memref<10240x128xf32, #tpu.memory_space<hbm>>
      tpu.wait_indirect_dma semaphore(%arg10 : memref<!tpu.dma_semaphore, #tpu.memory_space<semaphore_mem>>) src(%dma_wait3A_148 : memref<10240x128xf32, #tpu.memory_space<hbm>>) dst(%arg8 : memref<128x128xf32, #tpu.memory_space<vmem>>)
      %dma_start3A_149 = arith.constant 0 : i32
      %dma_start3A_150 = arith.constant 0 : i32
      %dma_start3A_151 = tpu.memref_slice %arg7[%dma_start3A_149, %dma_start3A_150] : memref<2x128xi32, #tpu.memory_space<vmem>> -> memref<1x128xi32, #tpu.memory_space<vmem>>
      %dma_start3A_152 = tpu.memref_squeeze %dma_start3A_151 : memref<1x128xi32, #tpu.memory_space<vmem>> -> memref<128xi32, #tpu.memory_space<vmem>>
      %dma_start3A_153 = arith.constant 0 : i32
      %dma_start3A_154 = arith.constant 0 : i32
      %dma_start3A_155 = tpu.memref_slice %arg5[%dma_start3A_153, %dma_start3A_154] : memref<10240x128xf32, #tpu.memory_space<vmem_shared>> -> memref<10240x128xf32, #tpu.memory_space<vmem_shared>>
      tpu.enqueue_indirect_dma source(%arg8 : memref<128x128xf32, #tpu.memory_space<vmem>>) target(%dma_start3A_155 : memref<10240x128xf32, #tpu.memory_space<vmem_shared>>) offsets(%dma_start3A_152 : memref<128xi32, #tpu.memory_space<vmem>>) semaphore(%arg12 : memref<!tpu.dma_semaphore, #tpu.memory_space<semaphore_mem>>) {add = true}
      %dma_wait3A_156 = arith.constant 1 : i32
      %dma_wait3A_157 = arith.constant 0 : i32
      %dma_wait3A_158 = tpu.memref_slice %arg6[%dma_wait3A_156, %dma_wait3A_157] : memref<2x128xi32, #tpu.memory_space<vmem>> -> memref<1x128xi32, #tpu.memory_space<vmem>>
      %dma_wait3A_159 = tpu.memref_squeeze %dma_wait3A_158 : memref<1x128xi32, #tpu.memory_space<vmem>> -> memref<128xi32, #tpu.memory_space<vmem>>
      %dma_wait3A_160 = arith.constant 0 : i32
      %dma_wait3A_161 = arith.constant 0 : i32
      %dma_wait3A_162 = tpu.memref_slice %arg2[%dma_wait3A_160, %dma_wait3A_161] : memref<10240x128xf32, #tpu.memory_space<hbm>> -> memref<10240x128xf32, #tpu.memory_space<hbm>>
      tpu.wait_indirect_dma semaphore(%arg11 : memref<!tpu.dma_semaphore, #tpu.memory_space<semaphore_mem>>) src(%dma_wait3A_162 : memref<10240x128xf32, #tpu.memory_space<hbm>>) dst(%arg9 : memref<128x128xf32, #tpu.memory_space<vmem>>)
      %dma_start3A_163 = arith.constant 1 : i32
      %dma_start3A_164 = arith.constant 0 : i32
      %dma_start3A_165 = tpu.memref_slice %arg7[%dma_start3A_163, %dma_start3A_164] : memref<2x128xi32, #tpu.memory_space<vmem>> -> memref<1x128xi32, #tpu.memory_space<vmem>>
      %dma_start3A_166 = tpu.memref_squeeze %dma_start3A_165 : memref<1x128xi32, #tpu.memory_space<vmem>> -> memref<128xi32, #tpu.memory_space<vmem>>
      %dma_start3A_167 = arith.constant 0 : i32
      %dma_start3A_168 = arith.constant 0 : i32
      %dma_start3A_169 = tpu.memref_slice %arg5[%dma_start3A_167, %dma_start3A_168] : memref<10240x128xf32, #tpu.memory_space<vmem_shared>> -> memref<10240x128xf32, #tpu.memory_space<vmem_shared>>
      tpu.enqueue_indirect_dma source(%arg9 : memref<128x128xf32, #tpu.memory_space<vmem>>) target(%dma_start3A_169 : memref<10240x128xf32, #tpu.memory_space<vmem_shared>>) offsets(%dma_start3A_166 : memref<128xi32, #tpu.memory_space<vmem>>) semaphore(%arg13 : memref<!tpu.dma_semaphore, #tpu.memory_space<semaphore_mem>>) {add = true}
    }
    %scan3A_72 = arith.constant 38 : i32
    %dma_wait3A_73 = arith.constant 0 : i32
    %dma_wait3A_74 = arith.constant 0 : i32
    %dma_wait3A_75 = tpu.memref_slice %arg7[%dma_wait3A_73, %dma_wait3A_74] : memref<2x128xi32, #tpu.memory_space<vmem>> -> memref<1x128xi32, #tpu.memory_space<vmem>>
    %dma_wait3A_76 = tpu.memref_squeeze %dma_wait3A_75 : memref<1x128xi32, #tpu.memory_space<vmem>> -> memref<128xi32, #tpu.memory_space<vmem>>
    %dma_wait3A_77 = arith.constant 0 : i32
    %dma_wait3A_78 = arith.constant 0 : i32
    %dma_wait3A_79 = tpu.memref_slice %arg5[%dma_wait3A_77, %dma_wait3A_78] : memref<10240x128xf32, #tpu.memory_space<vmem_shared>> -> memref<10240x128xf32, #tpu.memory_space<vmem_shared>>
    tpu.wait_indirect_dma semaphore(%arg12 : memref<!tpu.dma_semaphore, #tpu.memory_space<semaphore_mem>>) src(%arg8 : memref<128x128xf32, #tpu.memory_space<vmem>>) dst(%dma_wait3A_79 : memref<10240x128xf32, #tpu.memory_space<vmem_shared>>)
    %dma_wait3A_80 = arith.constant 1 : i32
    %dma_wait3A_81 = arith.constant 0 : i32
    %dma_wait3A_82 = tpu.memref_slice %arg7[%dma_wait3A_80, %dma_wait3A_81] : memref<2x128xi32, #tpu.memory_space<vmem>> -> memref<1x128xi32, #tpu.memory_space<vmem>>
    %dma_wait3A_83 = tpu.memref_squeeze %dma_wait3A_82 : memref<1x128xi32, #tpu.memory_space<vmem>> -> memref<128xi32, #tpu.memory_space<vmem>>
    %dma_wait3A_84 = arith.constant 0 : i32
    %dma_wait3A_85 = arith.constant 0 : i32
    %dma_wait3A_86 = tpu.memref_slice %arg5[%dma_wait3A_84, %dma_wait3A_85] : memref<10240x128xf32, #tpu.memory_space<vmem_shared>> -> memref<10240x128xf32, #tpu.memory_space<vmem_shared>>
    tpu.wait_indirect_dma semaphore(%arg13 : memref<!tpu.dma_semaphore, #tpu.memory_space<semaphore_mem>>) src(%arg9 : memref<128x128xf32, #tpu.memory_space<vmem>>) dst(%dma_wait3A_86 : memref<10240x128xf32, #tpu.memory_space<vmem_shared>>)
    %lt3A = arith.constant 4 : i32
    %lt3A_87 = arith.cmpi slt, %add3A, %lt3A : i32
    %convert_element_type3A_88 = arith.extui %lt3A_87 : i1 to i32
    %cond3A_89 = arith.constant 0 : i32
    %cond3A_90 = arith.cmpi ne, %convert_element_type3A_88, %cond3A_89 : i32
    scf.if %cond3A_90 {
      %add3A_92 = arith.constant 2496 : i32
      %add3A_93 = arith.addi %add3A_92, %add3A : i32
      %mul3A_94 = arith.constant 128 : i32
      %mul3A_95 = arith.muli %add3A_93, %mul3A_94 : i32
      %run_scoped3A_96 = arith.constant 0 : i32
      %run_scoped3A_97 = arith.constant 0 : i32
      "tpu.region"() ({
        %run_scoped3A_130 = tpu.sem_alloc : memref<!tpu.dma_semaphore, #tpu.memory_space<semaphore_mem>>
        %dma_start3A_131 = arith.constant 0 : i32
        %dma_start3A_132 = tpu.memref_slice %arg6[%run_scoped3A_97, %dma_start3A_131] : memref<2x128xi32, #tpu.memory_space<vmem>> -> memref<1x128xi32, #tpu.memory_space<vmem>>
        %dma_start3A_133 = tpu.memref_squeeze %dma_start3A_132 : memref<1x128xi32, #tpu.memory_space<vmem>> -> memref<128xi32, #tpu.memory_space<vmem>>
        %dma_start3A_134 = tpu.memref_slice %arg3[%run_scoped3A_96, %mul3A_95] : memref<2x320000xi32, #tpu.memory_space<hbm>> -> memref<1x128xi32, #tpu.memory_space<hbm>>
        %dma_start3A_135 = tpu.memref_squeeze %dma_start3A_134 : memref<1x128xi32, #tpu.memory_space<hbm>> -> memref<128xi32, #tpu.memory_space<hbm>>
        %dma_start3A_136 = arith.constant 0 : i32
        %dma_start3A_137 = tpu.memref_slice %arg6[%run_scoped3A_97, %dma_start3A_136] : memref<2x128xi32, #tpu.memory_space<vmem>> -> memref<1x128xi32, #tpu.memory_space<vmem>>
        %dma_start3A_138 = tpu.memref_squeeze %dma_start3A_137 : memref<1x128xi32, #tpu.memory_space<vmem>> -> memref<128xi32, #tpu.memory_space<vmem>>
        %dma_start3A_139 = tpu.memref_slice %arg3[%run_scoped3A_96, %mul3A_95] : memref<2x320000xi32, #tpu.memory_space<hbm>> -> memref<1x128xi32, #tpu.memory_space<hbm>>
        %dma_start3A_140 = tpu.memref_squeeze %dma_start3A_139 : memref<1x128xi32, #tpu.memory_space<hbm>> -> memref<128xi32, #tpu.memory_space<hbm>>
        tpu.enqueue_dma source(%dma_start3A_140 : memref<128xi32, #tpu.memory_space<hbm>>) target(%dma_start3A_138 : memref<128xi32, #tpu.memory_space<vmem>>) target_semaphore(%run_scoped3A_130 : memref<!tpu.dma_semaphore, #tpu.memory_space<semaphore_mem>>)
        %dma_wait3A_141 = arith.constant 0 : i32
        %dma_wait3A_142 = tpu.memref_slice %arg6[%run_scoped3A_97, %dma_wait3A_141] : memref<2x128xi32, #tpu.memory_space<vmem>> -> memref<1x128xi32, #tpu.memory_space<vmem>>
        %dma_wait3A_143 = tpu.memref_squeeze %dma_wait3A_142 : memref<1x128xi32, #tpu.memory_space<vmem>> -> memref<128xi32, #tpu.memory_space<vmem>>
        %dma_wait3A_144 = tpu.memref_slice %arg3[%run_scoped3A_96, %mul3A_95] : memref<2x320000xi32, #tpu.memory_space<hbm>> -> memref<1x128xi32, #tpu.memory_space<hbm>>
        %dma_wait3A_145 = tpu.memref_squeeze %dma_wait3A_144 : memref<1x128xi32, #tpu.memory_space<hbm>> -> memref<128xi32, #tpu.memory_space<hbm>>
        %dma_wait3A_146 = arith.constant 0 : i32
        %dma_wait3A_147 = tpu.memref_slice %arg6[%run_scoped3A_97, %dma_wait3A_146] : memref<2x128xi32, #tpu.memory_space<vmem>> -> memref<1x128xi32, #tpu.memory_space<vmem>>
        %dma_wait3A_148 = tpu.memref_squeeze %dma_wait3A_147 : memref<1x128xi32, #tpu.memory_space<vmem>> -> memref<128xi32, #tpu.memory_space<vmem>>
        %dma_wait3A_149 = tpu.memref_slice %arg3[%run_scoped3A_96, %mul3A_95] : memref<2x320000xi32, #tpu.memory_space<hbm>> -> memref<1x128xi32, #tpu.memory_space<hbm>>
        %dma_wait3A_150 = tpu.memref_squeeze %dma_wait3A_149 : memref<1x128xi32, #tpu.memory_space<hbm>> -> memref<128xi32, #tpu.memory_space<hbm>>
        tpu.wait_dma2 semaphore(%run_scoped3A_130 : memref<!tpu.dma_semaphore, #tpu.memory_space<semaphore_mem>>) src(%dma_wait3A_150 : memref<128xi32, #tpu.memory_space<hbm>>) dst(%dma_wait3A_148 : memref<128xi32, #tpu.memory_space<vmem>>)
        tpu.yield
      }) : () -> ()
      %mul3A_98 = arith.constant 128 : i32
      %mul3A_99 = arith.muli %add3A_93, %mul3A_98 : i32
      %run_scoped3A_100 = arith.constant 1 : i32
      %run_scoped3A_101 = arith.constant 0 : i32
      "tpu.region"() ({
        %run_scoped3A_130 = tpu.sem_alloc : memref<!tpu.dma_semaphore, #tpu.memory_space<semaphore_mem>>
        %dma_start3A_131 = arith.constant 0 : i32
        %dma_start3A_132 = tpu.memref_slice %arg7[%run_scoped3A_101, %dma_start3A_131] : memref<2x128xi32, #tpu.memory_space<vmem>> -> memref<1x128xi32, #tpu.memory_space<vmem>>
        %dma_start3A_133 = tpu.memref_squeeze %dma_start3A_132 : memref<1x128xi32, #tpu.memory_space<vmem>> -> memref<128xi32, #tpu.memory_space<vmem>>
        %dma_start3A_134 = tpu.memref_slice %arg3[%run_scoped3A_100, %mul3A_99] : memref<2x320000xi32, #tpu.memory_space<hbm>> -> memref<1x128xi32, #tpu.memory_space<hbm>>
        %dma_start3A_135 = tpu.memref_squeeze %dma_start3A_134 : memref<1x128xi32, #tpu.memory_space<hbm>> -> memref<128xi32, #tpu.memory_space<hbm>>
        %dma_start3A_136 = arith.constant 0 : i32
        %dma_start3A_137 = tpu.memref_slice %arg7[%run_scoped3A_101, %dma_start3A_136] : memref<2x128xi32, #tpu.memory_space<vmem>> -> memref<1x128xi32, #tpu.memory_space<vmem>>
        %dma_start3A_138 = tpu.memref_squeeze %dma_start3A_137 : memref<1x128xi32, #tpu.memory_space<vmem>> -> memref<128xi32, #tpu.memory_space<vmem>>
        %dma_start3A_139 = tpu.memref_slice %arg3[%run_scoped3A_100, %mul3A_99] : memref<2x320000xi32, #tpu.memory_space<hbm>> -> memref<1x128xi32, #tpu.memory_space<hbm>>
        %dma_start3A_140 = tpu.memref_squeeze %dma_start3A_139 : memref<1x128xi32, #tpu.memory_space<hbm>> -> memref<128xi32, #tpu.memory_space<hbm>>
        tpu.enqueue_dma source(%dma_start3A_140 : memref<128xi32, #tpu.memory_space<hbm>>) target(%dma_start3A_138 : memref<128xi32, #tpu.memory_space<vmem>>) target_semaphore(%run_scoped3A_130 : memref<!tpu.dma_semaphore, #tpu.memory_space<semaphore_mem>>)
        %dma_wait3A_141 = arith.constant 0 : i32
        %dma_wait3A_142 = tpu.memref_slice %arg7[%run_scoped3A_101, %dma_wait3A_141] : memref<2x128xi32, #tpu.memory_space<vmem>> -> memref<1x128xi32, #tpu.memory_space<vmem>>
        %dma_wait3A_143 = tpu.memref_squeeze %dma_wait3A_142 : memref<1x128xi32, #tpu.memory_space<vmem>> -> memref<128xi32, #tpu.memory_space<vmem>>
        %dma_wait3A_144 = tpu.memref_slice %arg3[%run_scoped3A_100, %mul3A_99] : memref<2x320000xi32, #tpu.memory_space<hbm>> -> memref<1x128xi32, #tpu.memory_space<hbm>>
        %dma_wait3A_145 = tpu.memref_squeeze %dma_wait3A_144 : memref<1x128xi32, #tpu.memory_space<hbm>> -> memref<128xi32, #tpu.memory_space<hbm>>
        %dma_wait3A_146 = arith.constant 0 : i32
        %dma_wait3A_147 = tpu.memref_slice %arg7[%run_scoped3A_101, %dma_wait3A_146] : memref<2x128xi32, #tpu.memory_space<vmem>> -> memref<1x128xi32, #tpu.memory_space<vmem>>
        %dma_wait3A_148 = tpu.memref_squeeze %dma_wait3A_147 : memref<1x128xi32, #tpu.memory_space<vmem>> -> memref<128xi32, #tpu.memory_space<vmem>>
        %dma_wait3A_149 = tpu.memref_slice %arg3[%run_scoped3A_100, %mul3A_99] : memref<2x320000xi32, #tpu.memory_space<hbm>> -> memref<1x128xi32, #tpu.memory_space<hbm>>
        %dma_wait3A_150 = tpu.memref_squeeze %dma_wait3A_149 : memref<1x128xi32, #tpu.memory_space<hbm>> -> memref<128xi32, #tpu.memory_space<hbm>>
        tpu.wait_dma2 semaphore(%run_scoped3A_130 : memref<!tpu.dma_semaphore, #tpu.memory_space<semaphore_mem>>) src(%dma_wait3A_150 : memref<128xi32, #tpu.memory_space<hbm>>) dst(%dma_wait3A_148 : memref<128xi32, #tpu.memory_space<vmem>>)
        tpu.yield
      }) : () -> ()
      %dma_start3A_102 = arith.constant 0 : i32
      %dma_start3A_103 = arith.constant 0 : i32
      %dma_start3A_104 = tpu.memref_slice %arg6[%dma_start3A_102, %dma_start3A_103] : memref<2x128xi32, #tpu.memory_space<vmem>> -> memref<1x128xi32, #tpu.memory_space<vmem>>
      %dma_start3A_105 = tpu.memref_squeeze %dma_start3A_104 : memref<1x128xi32, #tpu.memory_space<vmem>> -> memref<128xi32, #tpu.memory_space<vmem>>
      %dma_start3A_106 = arith.constant 0 : i32
      %dma_start3A_107 = arith.constant 0 : i32
      %dma_start3A_108 = tpu.memref_slice %arg2[%dma_start3A_106, %dma_start3A_107] : memref<10240x128xf32, #tpu.memory_space<hbm>> -> memref<10240x128xf32, #tpu.memory_space<hbm>>
      tpu.enqueue_indirect_dma source(%dma_start3A_108 : memref<10240x128xf32, #tpu.memory_space<hbm>>) target(%arg8 : memref<128x128xf32, #tpu.memory_space<vmem>>) offsets(%dma_start3A_105 : memref<128xi32, #tpu.memory_space<vmem>>) semaphore(%arg10 : memref<!tpu.dma_semaphore, #tpu.memory_space<semaphore_mem>>)
      %dma_wait3A_109 = arith.constant 0 : i32
      %dma_wait3A_110 = arith.constant 0 : i32
      %dma_wait3A_111 = tpu.memref_slice %arg6[%dma_wait3A_109, %dma_wait3A_110] : memref<2x128xi32, #tpu.memory_space<vmem>> -> memref<1x128xi32, #tpu.memory_space<vmem>>
      %dma_wait3A_112 = tpu.memref_squeeze %dma_wait3A_111 : memref<1x128xi32, #tpu.memory_space<vmem>> -> memref<128xi32, #tpu.memory_space<vmem>>
      %dma_wait3A_113 = arith.constant 0 : i32
      %dma_wait3A_114 = arith.constant 0 : i32
      %dma_wait3A_115 = tpu.memref_slice %arg2[%dma_wait3A_113, %dma_wait3A_114] : memref<10240x128xf32, #tpu.memory_space<hbm>> -> memref<10240x128xf32, #tpu.memory_space<hbm>>
      tpu.wait_indirect_dma semaphore(%arg10 : memref<!tpu.dma_semaphore, #tpu.memory_space<semaphore_mem>>) src(%dma_wait3A_115 : memref<10240x128xf32, #tpu.memory_space<hbm>>) dst(%arg8 : memref<128x128xf32, #tpu.memory_space<vmem>>)
      %dma_start3A_116 = arith.constant 0 : i32
      %dma_start3A_117 = arith.constant 0 : i32
      %dma_start3A_118 = tpu.memref_slice %arg7[%dma_start3A_116, %dma_start3A_117] : memref<2x128xi32, #tpu.memory_space<vmem>> -> memref<1x128xi32, #tpu.memory_space<vmem>>
      %dma_start3A_119 = tpu.memref_squeeze %dma_start3A_118 : memref<1x128xi32, #tpu.memory_space<vmem>> -> memref<128xi32, #tpu.memory_space<vmem>>
      %dma_start3A_120 = arith.constant 0 : i32
      %dma_start3A_121 = arith.constant 0 : i32
      %dma_start3A_122 = tpu.memref_slice %arg5[%dma_start3A_120, %dma_start3A_121] : memref<10240x128xf32, #tpu.memory_space<vmem_shared>> -> memref<10240x128xf32, #tpu.memory_space<vmem_shared>>
      tpu.enqueue_indirect_dma source(%arg8 : memref<128x128xf32, #tpu.memory_space<vmem>>) target(%dma_start3A_122 : memref<10240x128xf32, #tpu.memory_space<vmem_shared>>) offsets(%dma_start3A_119 : memref<128xi32, #tpu.memory_space<vmem>>) semaphore(%arg12 : memref<!tpu.dma_semaphore, #tpu.memory_space<semaphore_mem>>) {add = true}
      %dma_wait3A_123 = arith.constant 0 : i32
      %dma_wait3A_124 = arith.constant 0 : i32
      %dma_wait3A_125 = tpu.memref_slice %arg7[%dma_wait3A_123, %dma_wait3A_124] : memref<2x128xi32, #tpu.memory_space<vmem>> -> memref<1x128xi32, #tpu.memory_space<vmem>>
      %dma_wait3A_126 = tpu.memref_squeeze %dma_wait3A_125 : memref<1x128xi32, #tpu.memory_space<vmem>> -> memref<128xi32, #tpu.memory_space<vmem>>
      %dma_wait3A_127 = arith.constant 0 : i32
      %dma_wait3A_128 = arith.constant 0 : i32
      %dma_wait3A_129 = tpu.memref_slice %arg5[%dma_wait3A_127, %dma_wait3A_128] : memref<10240x128xf32, #tpu.memory_space<vmem_shared>> -> memref<10240x128xf32, #tpu.memory_space<vmem_shared>>
      tpu.wait_indirect_dma semaphore(%arg12 : memref<!tpu.dma_semaphore, #tpu.memory_space<semaphore_mem>>) src(%arg8 : memref<128x128xf32, #tpu.memory_space<vmem>>) dst(%dma_wait3A_129 : memref<10240x128xf32, #tpu.memory_space<vmem_shared>>)
    } else {
    }
    %barrier3A_91 = arith.constant 0 : index
    tpu.barrier barrier_id(%barrier3A_91)
    "tpu.region"() ({
      %run_scoped3A_92 = tpu.sem_alloc : memref<!tpu.dma_semaphore, #tpu.memory_space<semaphore_mem>>
      %dma_start3A_93 = arith.constant 0 : i32
      %dma_start3A_94 = tpu.memref_slice %arg4[%arg0, %mul3A_0, %dma_start3A_93] : memref<2x10240x128xf32, #tpu.memory_space<hbm>> -> memref<1x640x128xf32, #tpu.memory_space<hbm>>
      %dma_start3A_95 = tpu.memref_squeeze %dma_start3A_94 : memref<1x640x128xf32, #tpu.memory_space<hbm>> -> memref<640x128xf32, #tpu.memory_space<hbm>>
      %dma_start3A_96 = arith.constant 0 : i32
      %dma_start3A_97 = tpu.memref_slice %arg5[%mul3A_0, %dma_start3A_96] : memref<10240x128xf32, #tpu.memory_space<vmem_shared>> -> memref<640x128xf32, #tpu.memory_space<vmem_shared>>
      tpu.enqueue_dma source(%dma_start3A_97 : memref<640x128xf32, #tpu.memory_space<vmem_shared>>) target(%dma_start3A_95 : memref<640x128xf32, #tpu.memory_space<hbm>>) target_semaphore(%run_scoped3A_92 : memref<!tpu.dma_semaphore, #tpu.memory_space<semaphore_mem>>)
      %dma_wait3A_98 = arith.constant 0 : i32
      %dma_wait3A_99 = tpu.memref_slice %arg4[%arg0, %mul3A_0, %dma_wait3A_98] : memref<2x10240x128xf32, #tpu.memory_space<hbm>> -> memref<1x640x128xf32, #tpu.memory_space<hbm>>
      %dma_wait3A_100 = tpu.memref_squeeze %dma_wait3A_99 : memref<1x640x128xf32, #tpu.memory_space<hbm>> -> memref<640x128xf32, #tpu.memory_space<hbm>>
      %dma_wait3A_101 = arith.constant 0 : i32
      %dma_wait3A_102 = tpu.memref_slice %arg5[%mul3A_0, %dma_wait3A_101] : memref<10240x128xf32, #tpu.memory_space<vmem_shared>> -> memref<640x128xf32, #tpu.memory_space<vmem_shared>>
      tpu.wait_dma2 semaphore(%run_scoped3A_92 : memref<!tpu.dma_semaphore, #tpu.memory_space<semaphore_mem>>) src(%dma_wait3A_102 : memref<640x128xf32, #tpu.memory_space<vmem_shared>>) dst(%dma_wait3A_100 : memref<640x128xf32, #tpu.memory_space<hbm>>)
      tpu.yield
    }) : () -> ()
    return
  }
}

#map = affine_map<(d0, d1) -> (0, 0)>
#map1 = affine_map<(d0, d1) -> (0, 0, 0)>
module attributes {stable_mosaic.version = 14 : i64} {
  func.func @_agg_body(%arg0: i32, %arg1: i32, %arg2: memref<10240x128xf32, #tpu.memory_space<hbm>>, %arg3: memref<2x320000xi32, #tpu.memory_space<hbm>>, %arg4: memref<2x10240x128xf32, #tpu.memory_space<hbm>>, %arg5: memref<10240x128xf32, #tpu.memory_space<vmem_shared>>, %arg6: memref<2x128xi32, #tpu.memory_space<vmem>>, %arg7: memref<2x128xi32, #tpu.memory_space<vmem>>, %arg8: memref<128x128xf32, #tpu.memory_space<vmem>>, %arg9: memref<128x128xf32, #tpu.memory_space<vmem>>, %arg10: memref<!tpu.dma_semaphore, #tpu.memory_space<semaphore_mem>>, %arg11: memref<!tpu.dma_semaphore, #tpu.memory_space<semaphore_mem>>, %arg12: memref<!tpu.dma_semaphore, #tpu.memory_space<semaphore_mem>>, %arg13: memref<!tpu.dma_semaphore, #tpu.memory_space<semaphore_mem>>) attributes {dimension_semantics = [#tpu.dimension_semantics<core_parallel>, #tpu.dimension_semantics<subcore_parallel>], iteration_bounds = array<i64: 2, 16>, scalar_prefetch = 0 : i64, scratch_operands = 9 : i64, tpu.core_type = #tpu.core_type<sc_vector_subcore>, window_params = [{transform_indices = #map}, {transform_indices = #map}, {transform_indices = #map1}]} {
    %mul3A = arith.constant 640 : i32
    %mul3A_0 = arith.muli %arg1, %mul3A : i32
    %eq3A = arith.constant 0 : i32
    %eq3A_1 = arith.cmpi eq, %arg0, %eq3A : i32
    %convert_element_type3A = arith.extui %eq3A_1 : i1 to i32
    %cond3A = arith.constant 0 : i32
    %cond3A_2 = arith.cmpi ne, %convert_element_type3A, %cond3A : i32
    scf.if %cond3A_2 {
      "tpu.region"() ({
        %run_scoped3A_92 = tpu.sem_alloc : memref<!tpu.dma_semaphore, #tpu.memory_space<semaphore_mem>>
        %dma_start3A_93 = arith.constant 0 : i32
        %dma_start3A_94 = tpu.memref_slice %arg5[%mul3A_0, %dma_start3A_93] : memref<10240x128xf32, #tpu.memory_space<vmem_shared>> -> memref<640x128xf32, #tpu.memory_space<vmem_shared>>
        %dma_start3A_95 = arith.constant 0 : i32
        %dma_start3A_96 = tpu.memref_slice %arg2[%mul3A_0, %dma_start3A_95] : memref<10240x128xf32, #tpu.memory_space<hbm>> -> memref<640x128xf32, #tpu.memory_space<hbm>>
        tpu.enqueue_dma source(%dma_start3A_96 : memref<640x128xf32, #tpu.memory_space<hbm>>) target(%dma_start3A_94 : memref<640x128xf32, #tpu.memory_space<vmem_shared>>) target_semaphore(%run_scoped3A_92 : memref<!tpu.dma_semaphore, #tpu.memory_space<semaphore_mem>>)
        %dma_wait3A_97 = arith.constant 0 : i32
        %dma_wait3A_98 = tpu.memref_slice %arg5[%mul3A_0, %dma_wait3A_97] : memref<10240x128xf32, #tpu.memory_space<vmem_shared>> -> memref<640x128xf32, #tpu.memory_space<vmem_shared>>
        %dma_wait3A_99 = arith.constant 0 : i32
        %dma_wait3A_100 = tpu.memref_slice %arg2[%mul3A_0, %dma_wait3A_99] : memref<10240x128xf32, #tpu.memory_space<hbm>> -> memref<640x128xf32, #tpu.memory_space<hbm>>
        tpu.wait_dma2 semaphore(%run_scoped3A_92 : memref<!tpu.dma_semaphore, #tpu.memory_space<semaphore_mem>>) src(%dma_wait3A_100 : memref<640x128xf32, #tpu.memory_space<hbm>>) dst(%dma_wait3A_98 : memref<640x128xf32, #tpu.memory_space<vmem_shared>>)
        tpu.yield
      }) : () -> ()
    } else {
    }
    %ne3A = arith.constant 0 : i32
    %ne3A_3 = arith.cmpi ne, %arg0, %ne3A : i32
    %convert_element_type3A_4 = arith.extui %ne3A_3 : i1 to i32
    %cond3A_5 = arith.constant 0 : i32
    %cond3A_6 = arith.cmpi ne, %convert_element_type3A_4, %cond3A_5 : i32
    scf.if %cond3A_6 {
      %scan3A_92 = arith.constant 0 : i32
      %scan3A_93 = arith.constant 0 : i32
      %scan3A_94 = arith.constant 1024 : i32
      %scan3A_95 = arith.addi %scan3A_93, %scan3A_94 : i32
      %scan3A_96 = arith.constant 1 : i32
      scf.for %scan3A_108 = %scan3A_93 to %scan3A_95 step %scan3A_96  : i32 {
        %broadcast_in_dim3A = arith.constant 0.000000e+00 : f32
        %broadcast_in_dim3A_109 = vector.broadcast %broadcast_in_dim3A : f32 to vector<16xf32>
        %jit3A = arith.constant 8 : i32
        %div3A = arith.divsi %scan3A_108, %jit3A : i32
        %sign3A = arith.constant 0 : i32
        %sign3A_110 = arith.cmpi sgt, %scan3A_108, %sign3A : i32
        %sign3A_111 = arith.extui %sign3A_110 : i1 to i32
        %sign3A_112 = arith.constant 0 : i32
        %sign3A_113 = arith.cmpi slt, %scan3A_108, %sign3A_112 : i32
        %sign3A_114 = arith.extui %sign3A_113 : i1 to i32
        %sign3A_115 = arith.subi %sign3A_111, %sign3A_114 : i32
        %sign3A_116 = arith.constant 0 : i32
        %sign3A_117 = arith.cmpi sgt, %jit3A, %sign3A_116 : i32
        %sign3A_118 = arith.extui %sign3A_117 : i1 to i32
        %sign3A_119 = arith.constant 0 : i32
        %sign3A_120 = arith.cmpi slt, %jit3A, %sign3A_119 : i32
        %sign3A_121 = arith.extui %sign3A_120 : i1 to i32
        %sign3A_122 = arith.subi %sign3A_118, %sign3A_121 : i32
        %ne3A_123 = arith.cmpi ne, %sign3A_115, %sign3A_122 : i32
        %rem3A = arith.remsi %scan3A_108, %jit3A : i32
        %ne3A_124 = arith.constant 0 : i32
        %ne3A_125 = arith.cmpi ne, %rem3A, %ne3A_124 : i32
        %and3A = arith.andi %ne3A_123, %ne3A_125 : i1
        %sub3A = arith.constant 1 : i32
        %sub3A_126 = arith.subi %div3A, %sub3A : i32
        %select_n3A = arith.select %and3A, %sub3A_126, %div3A : i32
        %jit3A_127 = arith.constant 8 : i32
        %eq3A_128 = arith.constant 0 : i32
        %eq3A_129 = arith.cmpi eq, %jit3A_127, %eq3A_128 : i32
        %jit3A_130 = arith.constant 1 : i32
        %select_n3A_131 = arith.select %eq3A_129, %jit3A_130, %jit3A_127 : i32
        %rem3A_132 = arith.remsi %scan3A_108, %select_n3A_131 : i32
        %ne3A_133 = arith.constant 0 : i32
        %ne3A_134 = arith.cmpi ne, %rem3A_132, %ne3A_133 : i32
        %lt3A_135 = arith.constant 0 : i32
        %lt3A_136 = arith.cmpi slt, %rem3A_132, %lt3A_135 : i32
        %lt3A_137 = arith.constant 0 : i32
        %lt3A_138 = arith.cmpi slt, %select_n3A_131, %lt3A_137 : i32
        %ne3A_139 = arith.xori %lt3A_136, %lt3A_138 : i1
        %and3A_140 = arith.andi %ne3A_139, %ne3A_134 : i1
        %add3A_141 = arith.addi %rem3A_132, %select_n3A_131 : i32
        %select_n3A_142 = arith.select %and3A_140, %add3A_141, %rem3A_132 : i32
        %mul3A_143 = arith.constant 16 : i32
        %mul3A_144 = arith.muli %select_n3A_142, %mul3A_143 : i32
        %swap3A = arith.index_cast %select_n3A : i32 to index
        %swap3A_145 = arith.index_cast %mul3A_144 : i32 to index
        %swap3A_146 = tpu.vector_load %arg8[%swap3A, %swap3A_145] {strides = array<i32>} : memref<128x128xf32, #tpu.memory_space<vmem>>, vector<1x16xf32>,
        %swap3A_147 = vector.shape_cast %swap3A_146 : vector<1x16xf32> to vector<16xf32>
        %swap3A_148 = vector.shape_cast %broadcast_in_dim3A_109 : vector<16xf32> to vector<1x16xf32>
        tpu.vector_store %arg8[%swap3A, %swap3A_145], %swap3A_148 {strides = array<i32>} : memref<128x128xf32, #tpu.memory_space<vmem>>, vector<1x16xf32>,
      }
      %scan3A_97 = arith.constant 1024 : i32
      %add3A_98 = arith.constant 0 : i32
      %add3A_99 = arith.addi %mul3A_0, %add3A_98 : i32
      "tpu.region"() ({
        %run_scoped3A_108 = tpu.sem_alloc : memref<!tpu.dma_semaphore, #tpu.memory_space<semaphore_mem>>
        %dma_start3A_109 = arith.constant 0 : i32
        %dma_start3A_110 = tpu.memref_slice %arg5[%add3A_99, %dma_start3A_109] : memref<10240x128xf32, #tpu.memory_space<vmem_shared>> -> memref<128x128xf32, #tpu.memory_space<vmem_shared>>
        %dma_start3A_111 = arith.constant 0 : i32
        %dma_start3A_112 = tpu.memref_slice %arg5[%add3A_99, %dma_start3A_111] : memref<10240x128xf32, #tpu.memory_space<vmem_shared>> -> memref<128x128xf32, #tpu.memory_space<vmem_shared>>
        tpu.enqueue_dma source(%arg8 : memref<128x128xf32, #tpu.memory_space<vmem>>) target(%dma_start3A_112 : memref<128x128xf32, #tpu.memory_space<vmem_shared>>) target_semaphore(%run_scoped3A_108 : memref<!tpu.dma_semaphore, #tpu.memory_space<semaphore_mem>>)
        %dma_wait3A_113 = arith.constant 0 : i32
        %dma_wait3A_114 = tpu.memref_slice %arg5[%add3A_99, %dma_wait3A_113] : memref<10240x128xf32, #tpu.memory_space<vmem_shared>> -> memref<128x128xf32, #tpu.memory_space<vmem_shared>>
        %dma_wait3A_115 = arith.constant 0 : i32
        %dma_wait3A_116 = tpu.memref_slice %arg5[%add3A_99, %dma_wait3A_115] : memref<10240x128xf32, #tpu.memory_space<vmem_shared>> -> memref<128x128xf32, #tpu.memory_space<vmem_shared>>
        tpu.wait_dma2 semaphore(%run_scoped3A_108 : memref<!tpu.dma_semaphore, #tpu.memory_space<semaphore_mem>>) src(%arg8 : memref<128x128xf32, #tpu.memory_space<vmem>>) dst(%dma_wait3A_116 : memref<128x128xf32, #tpu.memory_space<vmem_shared>>)
        tpu.yield
      }) : () -> ()
      %add3A_100 = arith.constant 128 : i32
      %add3A_101 = arith.addi %mul3A_0, %add3A_100 : i32
      "tpu.region"() ({
        %run_scoped3A_108 = tpu.sem_alloc : memref<!tpu.dma_semaphore, #tpu.memory_space<semaphore_mem>>
        %dma_start3A_109 = arith.constant 0 : i32
        %dma_start3A_110 = tpu.memref_slice %arg5[%add3A_101, %dma_start3A_109] : memref<10240x128xf32, #tpu.memory_space<vmem_shared>> -> memref<128x128xf32, #tpu.memory_space<vmem_shared>>
        %dma_start3A_111 = arith.constant 0 : i32
        %dma_start3A_112 = tpu.memref_slice %arg5[%add3A_101, %dma_start3A_111] : memref<10240x128xf32, #tpu.memory_space<vmem_shared>> -> memref<128x128xf32, #tpu.memory_space<vmem_shared>>
        tpu.enqueue_dma source(%arg8 : memref<128x128xf32, #tpu.memory_space<vmem>>) target(%dma_start3A_112 : memref<128x128xf32, #tpu.memory_space<vmem_shared>>) target_semaphore(%run_scoped3A_108 : memref<!tpu.dma_semaphore, #tpu.memory_space<semaphore_mem>>)
        %dma_wait3A_113 = arith.constant 0 : i32
        %dma_wait3A_114 = tpu.memref_slice %arg5[%add3A_101, %dma_wait3A_113] : memref<10240x128xf32, #tpu.memory_space<vmem_shared>> -> memref<128x128xf32, #tpu.memory_space<vmem_shared>>
        %dma_wait3A_115 = arith.constant 0 : i32
        %dma_wait3A_116 = tpu.memref_slice %arg5[%add3A_101, %dma_wait3A_115] : memref<10240x128xf32, #tpu.memory_space<vmem_shared>> -> memref<128x128xf32, #tpu.memory_space<vmem_shared>>
        tpu.wait_dma2 semaphore(%run_scoped3A_108 : memref<!tpu.dma_semaphore, #tpu.memory_space<semaphore_mem>>) src(%arg8 : memref<128x128xf32, #tpu.memory_space<vmem>>) dst(%dma_wait3A_116 : memref<128x128xf32, #tpu.memory_space<vmem_shared>>)
        tpu.yield
      }) : () -> ()
      %add3A_102 = arith.constant 256 : i32
      %add3A_103 = arith.addi %mul3A_0, %add3A_102 : i32
      "tpu.region"() ({
        %run_scoped3A_108 = tpu.sem_alloc : memref<!tpu.dma_semaphore, #tpu.memory_space<semaphore_mem>>
        %dma_start3A_109 = arith.constant 0 : i32
        %dma_start3A_110 = tpu.memref_slice %arg5[%add3A_103, %dma_start3A_109] : memref<10240x128xf32, #tpu.memory_space<vmem_shared>> -> memref<128x128xf32, #tpu.memory_space<vmem_shared>>
        %dma_start3A_111 = arith.constant 0 : i32
        %dma_start3A_112 = tpu.memref_slice %arg5[%add3A_103, %dma_start3A_111] : memref<10240x128xf32, #tpu.memory_space<vmem_shared>> -> memref<128x128xf32, #tpu.memory_space<vmem_shared>>
        tpu.enqueue_dma source(%arg8 : memref<128x128xf32, #tpu.memory_space<vmem>>) target(%dma_start3A_112 : memref<128x128xf32, #tpu.memory_space<vmem_shared>>) target_semaphore(%run_scoped3A_108 : memref<!tpu.dma_semaphore, #tpu.memory_space<semaphore_mem>>)
        %dma_wait3A_113 = arith.constant 0 : i32
        %dma_wait3A_114 = tpu.memref_slice %arg5[%add3A_103, %dma_wait3A_113] : memref<10240x128xf32, #tpu.memory_space<vmem_shared>> -> memref<128x128xf32, #tpu.memory_space<vmem_shared>>
        %dma_wait3A_115 = arith.constant 0 : i32
        %dma_wait3A_116 = tpu.memref_slice %arg5[%add3A_103, %dma_wait3A_115] : memref<10240x128xf32, #tpu.memory_space<vmem_shared>> -> memref<128x128xf32, #tpu.memory_space<vmem_shared>>
        tpu.wait_dma2 semaphore(%run_scoped3A_108 : memref<!tpu.dma_semaphore, #tpu.memory_space<semaphore_mem>>) src(%arg8 : memref<128x128xf32, #tpu.memory_space<vmem>>) dst(%dma_wait3A_116 : memref<128x128xf32, #tpu.memory_space<vmem_shared>>)
        tpu.yield
      }) : () -> ()
      %add3A_104 = arith.constant 384 : i32
      %add3A_105 = arith.addi %mul3A_0, %add3A_104 : i32
      "tpu.region"() ({
        %run_scoped3A_108 = tpu.sem_alloc : memref<!tpu.dma_semaphore, #tpu.memory_space<semaphore_mem>>
        %dma_start3A_109 = arith.constant 0 : i32
        %dma_start3A_110 = tpu.memref_slice %arg5[%add3A_105, %dma_start3A_109] : memref<10240x128xf32, #tpu.memory_space<vmem_shared>> -> memref<128x128xf32, #tpu.memory_space<vmem_shared>>
        %dma_start3A_111 = arith.constant 0 : i32
        %dma_start3A_112 = tpu.memref_slice %arg5[%add3A_105, %dma_start3A_111] : memref<10240x128xf32, #tpu.memory_space<vmem_shared>> -> memref<128x128xf32, #tpu.memory_space<vmem_shared>>
        tpu.enqueue_dma source(%arg8 : memref<128x128xf32, #tpu.memory_space<vmem>>) target(%dma_start3A_112 : memref<128x128xf32, #tpu.memory_space<vmem_shared>>) target_semaphore(%run_scoped3A_108 : memref<!tpu.dma_semaphore, #tpu.memory_space<semaphore_mem>>)
        %dma_wait3A_113 = arith.constant 0 : i32
        %dma_wait3A_114 = tpu.memref_slice %arg5[%add3A_105, %dma_wait3A_113] : memref<10240x128xf32, #tpu.memory_space<vmem_shared>> -> memref<128x128xf32, #tpu.memory_space<vmem_shared>>
        %dma_wait3A_115 = arith.constant 0 : i32
        %dma_wait3A_116 = tpu.memref_slice %arg5[%add3A_105, %dma_wait3A_115] : memref<10240x128xf32, #tpu.memory_space<vmem_shared>> -> memref<128x128xf32, #tpu.memory_space<vmem_shared>>
        tpu.wait_dma2 semaphore(%run_scoped3A_108 : memref<!tpu.dma_semaphore, #tpu.memory_space<semaphore_mem>>) src(%arg8 : memref<128x128xf32, #tpu.memory_space<vmem>>) dst(%dma_wait3A_116 : memref<128x128xf32, #tpu.memory_space<vmem_shared>>)
        tpu.yield
      }) : () -> ()
      %add3A_106 = arith.constant 512 : i32
      %add3A_107 = arith.addi %mul3A_0, %add3A_106 : i32
      "tpu.region"() ({
        %run_scoped3A_108 = tpu.sem_alloc : memref<!tpu.dma_semaphore, #tpu.memory_space<semaphore_mem>>
        %dma_start3A_109 = arith.constant 0 : i32
        %dma_start3A_110 = tpu.memref_slice %arg5[%add3A_107, %dma_start3A_109] : memref<10240x128xf32, #tpu.memory_space<vmem_shared>> -> memref<128x128xf32, #tpu.memory_space<vmem_shared>>
        %dma_start3A_111 = arith.constant 0 : i32
        %dma_start3A_112 = tpu.memref_slice %arg5[%add3A_107, %dma_start3A_111] : memref<10240x128xf32, #tpu.memory_space<vmem_shared>> -> memref<128x128xf32, #tpu.memory_space<vmem_shared>>
        tpu.enqueue_dma source(%arg8 : memref<128x128xf32, #tpu.memory_space<vmem>>) target(%dma_start3A_112 : memref<128x128xf32, #tpu.memory_space<vmem_shared>>) target_semaphore(%run_scoped3A_108 : memref<!tpu.dma_semaphore, #tpu.memory_space<semaphore_mem>>)
        %dma_wait3A_113 = arith.constant 0 : i32
        %dma_wait3A_114 = tpu.memref_slice %arg5[%add3A_107, %dma_wait3A_113] : memref<10240x128xf32, #tpu.memory_space<vmem_shared>> -> memref<128x128xf32, #tpu.memory_space<vmem_shared>>
        %dma_wait3A_115 = arith.constant 0 : i32
        %dma_wait3A_116 = tpu.memref_slice %arg5[%add3A_107, %dma_wait3A_115] : memref<10240x128xf32, #tpu.memory_space<vmem_shared>> -> memref<128x128xf32, #tpu.memory_space<vmem_shared>>
        tpu.wait_dma2 semaphore(%run_scoped3A_108 : memref<!tpu.dma_semaphore, #tpu.memory_space<semaphore_mem>>) src(%arg8 : memref<128x128xf32, #tpu.memory_space<vmem>>) dst(%dma_wait3A_116 : memref<128x128xf32, #tpu.memory_space<vmem_shared>>)
        tpu.yield
      }) : () -> ()
    } else {
    }
    %barrier3A = arith.constant 0 : index
    tpu.barrier barrier_id(%barrier3A)
    %mul3A_7 = arith.constant 16 : i32
    %mul3A_8 = arith.muli %arg0, %mul3A_7 : i32
    %add3A = arith.addi %mul3A_8, %arg1 : i32
    %mul3A_9 = arith.constant 78 : i32
    %mul3A_10 = arith.muli %add3A, %mul3A_9 : i32
    %mul3A_11 = arith.constant 128 : i32
    %mul3A_12 = arith.muli %mul3A_10, %mul3A_11 : i32
    %run_scoped3A = arith.constant 0 : i32
    %run_scoped3A_13 = arith.constant 0 : i32
    "tpu.region"() ({
      %run_scoped3A_92 = tpu.sem_alloc : memref<!tpu.dma_semaphore, #tpu.memory_space<semaphore_mem>>
      %dma_start3A_93 = arith.constant 0 : i32
      %dma_start3A_94 = tpu.memref_slice %arg6[%run_scoped3A_13, %dma_start3A_93] : memref<2x128xi32, #tpu.memory_space<vmem>> -> memref<1x128xi32, #tpu.memory_space<vmem>>
      %dma_start3A_95 = tpu.memref_squeeze %dma_start3A_94 : memref<1x128xi32, #tpu.memory_space<vmem>> -> memref<128xi32, #tpu.memory_space<vmem>>
      %dma_start3A_96 = tpu.memref_slice %arg3[%run_scoped3A, %mul3A_12] : memref<2x320000xi32, #tpu.memory_space<hbm>> -> memref<1x128xi32, #tpu.memory_space<hbm>>
      %dma_start3A_97 = tpu.memref_squeeze %dma_start3A_96 : memref<1x128xi32, #tpu.memory_space<hbm>> -> memref<128xi32, #tpu.memory_space<hbm>>
      %dma_start3A_98 = arith.constant 0 : i32
      %dma_start3A_99 = tpu.memref_slice %arg6[%run_scoped3A_13, %dma_start3A_98] : memref<2x128xi32, #tpu.memory_space<vmem>> -> memref<1x128xi32, #tpu.memory_space<vmem>>
      %dma_start3A_100 = tpu.memref_squeeze %dma_start3A_99 : memref<1x128xi32, #tpu.memory_space<vmem>> -> memref<128xi32, #tpu.memory_space<vmem>>
      %dma_start3A_101 = tpu.memref_slice %arg3[%run_scoped3A, %mul3A_12] : memref<2x320000xi32, #tpu.memory_space<hbm>> -> memref<1x128xi32, #tpu.memory_space<hbm>>
      %dma_start3A_102 = tpu.memref_squeeze %dma_start3A_101 : memref<1x128xi32, #tpu.memory_space<hbm>> -> memref<128xi32, #tpu.memory_space<hbm>>
      tpu.enqueue_dma source(%dma_start3A_102 : memref<128xi32, #tpu.memory_space<hbm>>) target(%dma_start3A_100 : memref<128xi32, #tpu.memory_space<vmem>>) target_semaphore(%run_scoped3A_92 : memref<!tpu.dma_semaphore, #tpu.memory_space<semaphore_mem>>)
      %dma_wait3A_103 = arith.constant 0 : i32
      %dma_wait3A_104 = tpu.memref_slice %arg6[%run_scoped3A_13, %dma_wait3A_103] : memref<2x128xi32, #tpu.memory_space<vmem>> -> memref<1x128xi32, #tpu.memory_space<vmem>>
      %dma_wait3A_105 = tpu.memref_squeeze %dma_wait3A_104 : memref<1x128xi32, #tpu.memory_space<vmem>> -> memref<128xi32, #tpu.memory_space<vmem>>
      %dma_wait3A_106 = tpu.memref_slice %arg3[%run_scoped3A, %mul3A_12] : memref<2x320000xi32, #tpu.memory_space<hbm>> -> memref<1x128xi32, #tpu.memory_space<hbm>>
      %dma_wait3A_107 = tpu.memref_squeeze %dma_wait3A_106 : memref<1x128xi32, #tpu.memory_space<hbm>> -> memref<128xi32, #tpu.memory_space<hbm>>
      %dma_wait3A_108 = arith.constant 0 : i32
      %dma_wait3A_109 = tpu.memref_slice %arg6[%run_scoped3A_13, %dma_wait3A_108] : memref<2x128xi32, #tpu.memory_space<vmem>> -> memref<1x128xi32, #tpu.memory_space<vmem>>
      %dma_wait3A_110 = tpu.memref_squeeze %dma_wait3A_109 : memref<1x128xi32, #tpu.memory_space<vmem>> -> memref<128xi32, #tpu.memory_space<vmem>>
      %dma_wait3A_111 = tpu.memref_slice %arg3[%run_scoped3A, %mul3A_12] : memref<2x320000xi32, #tpu.memory_space<hbm>> -> memref<1x128xi32, #tpu.memory_space<hbm>>
      %dma_wait3A_112 = tpu.memref_squeeze %dma_wait3A_111 : memref<1x128xi32, #tpu.memory_space<hbm>> -> memref<128xi32, #tpu.memory_space<hbm>>
      tpu.wait_dma2 semaphore(%run_scoped3A_92 : memref<!tpu.dma_semaphore, #tpu.memory_space<semaphore_mem>>) src(%dma_wait3A_112 : memref<128xi32, #tpu.memory_space<hbm>>) dst(%dma_wait3A_110 : memref<128xi32, #tpu.memory_space<vmem>>)
      tpu.yield
    }) : () -> ()
    %mul3A_14 = arith.constant 128 : i32
    %mul3A_15 = arith.muli %mul3A_10, %mul3A_14 : i32
    %run_scoped3A_16 = arith.constant 1 : i32
    %run_scoped3A_17 = arith.constant 0 : i32
    "tpu.region"() ({
      %run_scoped3A_92 = tpu.sem_alloc : memref<!tpu.dma_semaphore, #tpu.memory_space<semaphore_mem>>
      %dma_start3A_93 = arith.constant 0 : i32
      %dma_start3A_94 = tpu.memref_slice %arg7[%run_scoped3A_17, %dma_start3A_93] : memref<2x128xi32, #tpu.memory_space<vmem>> -> memref<1x128xi32, #tpu.memory_space<vmem>>
      %dma_start3A_95 = tpu.memref_squeeze %dma_start3A_94 : memref<1x128xi32, #tpu.memory_space<vmem>> -> memref<128xi32, #tpu.memory_space<vmem>>
      %dma_start3A_96 = tpu.memref_slice %arg3[%run_scoped3A_16, %mul3A_15] : memref<2x320000xi32, #tpu.memory_space<hbm>> -> memref<1x128xi32, #tpu.memory_space<hbm>>
      %dma_start3A_97 = tpu.memref_squeeze %dma_start3A_96 : memref<1x128xi32, #tpu.memory_space<hbm>> -> memref<128xi32, #tpu.memory_space<hbm>>
      %dma_start3A_98 = arith.constant 0 : i32
      %dma_start3A_99 = tpu.memref_slice %arg7[%run_scoped3A_17, %dma_start3A_98] : memref<2x128xi32, #tpu.memory_space<vmem>> -> memref<1x128xi32, #tpu.memory_space<vmem>>
      %dma_start3A_100 = tpu.memref_squeeze %dma_start3A_99 : memref<1x128xi32, #tpu.memory_space<vmem>> -> memref<128xi32, #tpu.memory_space<vmem>>
      %dma_start3A_101 = tpu.memref_slice %arg3[%run_scoped3A_16, %mul3A_15] : memref<2x320000xi32, #tpu.memory_space<hbm>> -> memref<1x128xi32, #tpu.memory_space<hbm>>
      %dma_start3A_102 = tpu.memref_squeeze %dma_start3A_101 : memref<1x128xi32, #tpu.memory_space<hbm>> -> memref<128xi32, #tpu.memory_space<hbm>>
      tpu.enqueue_dma source(%dma_start3A_102 : memref<128xi32, #tpu.memory_space<hbm>>) target(%dma_start3A_100 : memref<128xi32, #tpu.memory_space<vmem>>) target_semaphore(%run_scoped3A_92 : memref<!tpu.dma_semaphore, #tpu.memory_space<semaphore_mem>>)
      %dma_wait3A_103 = arith.constant 0 : i32
      %dma_wait3A_104 = tpu.memref_slice %arg7[%run_scoped3A_17, %dma_wait3A_103] : memref<2x128xi32, #tpu.memory_space<vmem>> -> memref<1x128xi32, #tpu.memory_space<vmem>>
      %dma_wait3A_105 = tpu.memref_squeeze %dma_wait3A_104 : memref<1x128xi32, #tpu.memory_space<vmem>> -> memref<128xi32, #tpu.memory_space<vmem>>
      %dma_wait3A_106 = tpu.memref_slice %arg3[%run_scoped3A_16, %mul3A_15] : memref<2x320000xi32, #tpu.memory_space<hbm>> -> memref<1x128xi32, #tpu.memory_space<hbm>>
      %dma_wait3A_107 = tpu.memref_squeeze %dma_wait3A_106 : memref<1x128xi32, #tpu.memory_space<hbm>> -> memref<128xi32, #tpu.memory_space<hbm>>
      %dma_wait3A_108 = arith.constant 0 : i32
      %dma_wait3A_109 = tpu.memref_slice %arg7[%run_scoped3A_17, %dma_wait3A_108] : memref<2x128xi32, #tpu.memory_space<vmem>> -> memref<1x128xi32, #tpu.memory_space<vmem>>
      %dma_wait3A_110 = tpu.memref_squeeze %dma_wait3A_109 : memref<1x128xi32, #tpu.memory_space<vmem>> -> memref<128xi32, #tpu.memory_space<vmem>>
      %dma_wait3A_111 = tpu.memref_slice %arg3[%run_scoped3A_16, %mul3A_15] : memref<2x320000xi32, #tpu.memory_space<hbm>> -> memref<1x128xi32, #tpu.memory_space<hbm>>
      %dma_wait3A_112 = tpu.memref_squeeze %dma_wait3A_111 : memref<1x128xi32, #tpu.memory_space<hbm>> -> memref<128xi32, #tpu.memory_space<hbm>>
      tpu.wait_dma2 semaphore(%run_scoped3A_92 : memref<!tpu.dma_semaphore, #tpu.memory_space<semaphore_mem>>) src(%dma_wait3A_112 : memref<128xi32, #tpu.memory_space<hbm>>) dst(%dma_wait3A_110 : memref<128xi32, #tpu.memory_space<vmem>>)
      tpu.yield
    }) : () -> ()
    %dma_start3A = arith.constant 0 : i32
    %dma_start3A_18 = arith.constant 0 : i32
    %dma_start3A_19 = tpu.memref_slice %arg6[%dma_start3A, %dma_start3A_18] : memref<2x128xi32, #tpu.memory_space<vmem>> -> memref<1x128xi32, #tpu.memory_space<vmem>>
    %dma_start3A_20 = tpu.memref_squeeze %dma_start3A_19 : memref<1x128xi32, #tpu.memory_space<vmem>> -> memref<128xi32, #tpu.memory_space<vmem>>
    %dma_start3A_21 = arith.constant 0 : i32
    %dma_start3A_22 = arith.constant 0 : i32
    %dma_start3A_23 = tpu.memref_slice %arg2[%dma_start3A_21, %dma_start3A_22] : memref<10240x128xf32, #tpu.memory_space<hbm>> -> memref<10240x128xf32, #tpu.memory_space<hbm>>
    tpu.enqueue_indirect_dma source(%dma_start3A_23 : memref<10240x128xf32, #tpu.memory_space<hbm>>) target(%arg8 : memref<128x128xf32, #tpu.memory_space<vmem>>) offsets(%dma_start3A_20 : memref<128xi32, #tpu.memory_space<vmem>>) semaphore(%arg10 : memref<!tpu.dma_semaphore, #tpu.memory_space<semaphore_mem>>)
    %add3A_24 = arith.constant 1 : i32
    %add3A_25 = arith.addi %mul3A_10, %add3A_24 : i32
    %mul3A_26 = arith.constant 128 : i32
    %mul3A_27 = arith.muli %add3A_25, %mul3A_26 : i32
    %run_scoped3A_28 = arith.constant 0 : i32
    %run_scoped3A_29 = arith.constant 1 : i32
    "tpu.region"() ({
      %run_scoped3A_92 = tpu.sem_alloc : memref<!tpu.dma_semaphore, #tpu.memory_space<semaphore_mem>>
      %dma_start3A_93 = arith.constant 0 : i32
      %dma_start3A_94 = tpu.memref_slice %arg6[%run_scoped3A_29, %dma_start3A_93] : memref<2x128xi32, #tpu.memory_space<vmem>> -> memref<1x128xi32, #tpu.memory_space<vmem>>
      %dma_start3A_95 = tpu.memref_squeeze %dma_start3A_94 : memref<1x128xi32, #tpu.memory_space<vmem>> -> memref<128xi32, #tpu.memory_space<vmem>>
      %dma_start3A_96 = tpu.memref_slice %arg3[%run_scoped3A_28, %mul3A_27] : memref<2x320000xi32, #tpu.memory_space<hbm>> -> memref<1x128xi32, #tpu.memory_space<hbm>>
      %dma_start3A_97 = tpu.memref_squeeze %dma_start3A_96 : memref<1x128xi32, #tpu.memory_space<hbm>> -> memref<128xi32, #tpu.memory_space<hbm>>
      %dma_start3A_98 = arith.constant 0 : i32
      %dma_start3A_99 = tpu.memref_slice %arg6[%run_scoped3A_29, %dma_start3A_98] : memref<2x128xi32, #tpu.memory_space<vmem>> -> memref<1x128xi32, #tpu.memory_space<vmem>>
      %dma_start3A_100 = tpu.memref_squeeze %dma_start3A_99 : memref<1x128xi32, #tpu.memory_space<vmem>> -> memref<128xi32, #tpu.memory_space<vmem>>
      %dma_start3A_101 = tpu.memref_slice %arg3[%run_scoped3A_28, %mul3A_27] : memref<2x320000xi32, #tpu.memory_space<hbm>> -> memref<1x128xi32, #tpu.memory_space<hbm>>
      %dma_start3A_102 = tpu.memref_squeeze %dma_start3A_101 : memref<1x128xi32, #tpu.memory_space<hbm>> -> memref<128xi32, #tpu.memory_space<hbm>>
      tpu.enqueue_dma source(%dma_start3A_102 : memref<128xi32, #tpu.memory_space<hbm>>) target(%dma_start3A_100 : memref<128xi32, #tpu.memory_space<vmem>>) target_semaphore(%run_scoped3A_92 : memref<!tpu.dma_semaphore, #tpu.memory_space<semaphore_mem>>)
      %dma_wait3A_103 = arith.constant 0 : i32
      %dma_wait3A_104 = tpu.memref_slice %arg6[%run_scoped3A_29, %dma_wait3A_103] : memref<2x128xi32, #tpu.memory_space<vmem>> -> memref<1x128xi32, #tpu.memory_space<vmem>>
      %dma_wait3A_105 = tpu.memref_squeeze %dma_wait3A_104 : memref<1x128xi32, #tpu.memory_space<vmem>> -> memref<128xi32, #tpu.memory_space<vmem>>
      %dma_wait3A_106 = tpu.memref_slice %arg3[%run_scoped3A_28, %mul3A_27] : memref<2x320000xi32, #tpu.memory_space<hbm>> -> memref<1x128xi32, #tpu.memory_space<hbm>>
      %dma_wait3A_107 = tpu.memref_squeeze %dma_wait3A_106 : memref<1x128xi32, #tpu.memory_space<hbm>> -> memref<128xi32, #tpu.memory_space<hbm>>
      %dma_wait3A_108 = arith.constant 0 : i32
      %dma_wait3A_109 = tpu.memref_slice %arg6[%run_scoped3A_29, %dma_wait3A_108] : memref<2x128xi32, #tpu.memory_space<vmem>> -> memref<1x128xi32, #tpu.memory_space<vmem>>
      %dma_wait3A_110 = tpu.memref_squeeze %dma_wait3A_109 : memref<1x128xi32, #tpu.memory_space<vmem>> -> memref<128xi32, #tpu.memory_space<vmem>>
      %dma_wait3A_111 = tpu.memref_slice %arg3[%run_scoped3A_28, %mul3A_27] : memref<2x320000xi32, #tpu.memory_space<hbm>> -> memref<1x128xi32, #tpu.memory_space<hbm>>
      %dma_wait3A_112 = tpu.memref_squeeze %dma_wait3A_111 : memref<1x128xi32, #tpu.memory_space<hbm>> -> memref<128xi32, #tpu.memory_space<hbm>>
      tpu.wait_dma2 semaphore(%run_scoped3A_92 : memref<!tpu.dma_semaphore, #tpu.memory_space<semaphore_mem>>) src(%dma_wait3A_112 : memref<128xi32, #tpu.memory_space<hbm>>) dst(%dma_wait3A_110 : memref<128xi32, #tpu.memory_space<vmem>>)
      tpu.yield
    }) : () -> ()
    %mul3A_30 = arith.constant 128 : i32
    %mul3A_31 = arith.muli %add3A_25, %mul3A_30 : i32
    %run_scoped3A_32 = arith.constant 1 : i32
    %run_scoped3A_33 = arith.constant 1 : i32
    "tpu.region"() ({
      %run_scoped3A_92 = tpu.sem_alloc : memref<!tpu.dma_semaphore, #tpu.memory_space<semaphore_mem>>
      %dma_start3A_93 = arith.constant 0 : i32
      %dma_start3A_94 = tpu.memref_slice %arg7[%run_scoped3A_33, %dma_start3A_93] : memref<2x128xi32, #tpu.memory_space<vmem>> -> memref<1x128xi32, #tpu.memory_space<vmem>>
      %dma_start3A_95 = tpu.memref_squeeze %dma_start3A_94 : memref<1x128xi32, #tpu.memory_space<vmem>> -> memref<128xi32, #tpu.memory_space<vmem>>
      %dma_start3A_96 = tpu.memref_slice %arg3[%run_scoped3A_32, %mul3A_31] : memref<2x320000xi32, #tpu.memory_space<hbm>> -> memref<1x128xi32, #tpu.memory_space<hbm>>
      %dma_start3A_97 = tpu.memref_squeeze %dma_start3A_96 : memref<1x128xi32, #tpu.memory_space<hbm>> -> memref<128xi32, #tpu.memory_space<hbm>>
      %dma_start3A_98 = arith.constant 0 : i32
      %dma_start3A_99 = tpu.memref_slice %arg7[%run_scoped3A_33, %dma_start3A_98] : memref<2x128xi32, #tpu.memory_space<vmem>> -> memref<1x128xi32, #tpu.memory_space<vmem>>
      %dma_start3A_100 = tpu.memref_squeeze %dma_start3A_99 : memref<1x128xi32, #tpu.memory_space<vmem>> -> memref<128xi32, #tpu.memory_space<vmem>>
      %dma_start3A_101 = tpu.memref_slice %arg3[%run_scoped3A_32, %mul3A_31] : memref<2x320000xi32, #tpu.memory_space<hbm>> -> memref<1x128xi32, #tpu.memory_space<hbm>>
      %dma_start3A_102 = tpu.memref_squeeze %dma_start3A_101 : memref<1x128xi32, #tpu.memory_space<hbm>> -> memref<128xi32, #tpu.memory_space<hbm>>
      tpu.enqueue_dma source(%dma_start3A_102 : memref<128xi32, #tpu.memory_space<hbm>>) target(%dma_start3A_100 : memref<128xi32, #tpu.memory_space<vmem>>) target_semaphore(%run_scoped3A_92 : memref<!tpu.dma_semaphore, #tpu.memory_space<semaphore_mem>>)
      %dma_wait3A_103 = arith.constant 0 : i32
      %dma_wait3A_104 = tpu.memref_slice %arg7[%run_scoped3A_33, %dma_wait3A_103] : memref<2x128xi32, #tpu.memory_space<vmem>> -> memref<1x128xi32, #tpu.memory_space<vmem>>
      %dma_wait3A_105 = tpu.memref_squeeze %dma_wait3A_104 : memref<1x128xi32, #tpu.memory_space<vmem>> -> memref<128xi32, #tpu.memory_space<vmem>>
      %dma_wait3A_106 = tpu.memref_slice %arg3[%run_scoped3A_32, %mul3A_31] : memref<2x320000xi32, #tpu.memory_space<hbm>> -> memref<1x128xi32, #tpu.memory_space<hbm>>
      %dma_wait3A_107 = tpu.memref_squeeze %dma_wait3A_106 : memref<1x128xi32, #tpu.memory_space<hbm>> -> memref<128xi32, #tpu.memory_space<hbm>>
      %dma_wait3A_108 = arith.constant 0 : i32
      %dma_wait3A_109 = tpu.memref_slice %arg7[%run_scoped3A_33, %dma_wait3A_108] : memref<2x128xi32, #tpu.memory_space<vmem>> -> memref<1x128xi32, #tpu.memory_space<vmem>>
      %dma_wait3A_110 = tpu.memref_squeeze %dma_wait3A_109 : memref<1x128xi32, #tpu.memory_space<vmem>> -> memref<128xi32, #tpu.memory_space<vmem>>
      %dma_wait3A_111 = tpu.memref_slice %arg3[%run_scoped3A_32, %mul3A_31] : memref<2x320000xi32, #tpu.memory_space<hbm>> -> memref<1x128xi32, #tpu.memory_space<hbm>>
      %dma_wait3A_112 = tpu.memref_squeeze %dma_wait3A_111 : memref<1x128xi32, #tpu.memory_space<hbm>> -> memref<128xi32, #tpu.memory_space<hbm>>
      tpu.wait_dma2 semaphore(%run_scoped3A_92 : memref<!tpu.dma_semaphore, #tpu.memory_space<semaphore_mem>>) src(%dma_wait3A_112 : memref<128xi32, #tpu.memory_space<hbm>>) dst(%dma_wait3A_110 : memref<128xi32, #tpu.memory_space<vmem>>)
      tpu.yield
    }) : () -> ()
    %dma_start3A_34 = arith.constant 1 : i32
    %dma_start3A_35 = arith.constant 0 : i32
    %dma_start3A_36 = tpu.memref_slice %arg6[%dma_start3A_34, %dma_start3A_35] : memref<2x128xi32, #tpu.memory_space<vmem>> -> memref<1x128xi32, #tpu.memory_space<vmem>>
    %dma_start3A_37 = tpu.memref_squeeze %dma_start3A_36 : memref<1x128xi32, #tpu.memory_space<vmem>> -> memref<128xi32, #tpu.memory_space<vmem>>
    %dma_start3A_38 = arith.constant 0 : i32
    %dma_start3A_39 = arith.constant 0 : i32
    %dma_start3A_40 = tpu.memref_slice %arg2[%dma_start3A_38, %dma_start3A_39] : memref<10240x128xf32, #tpu.memory_space<hbm>> -> memref<10240x128xf32, #tpu.memory_space<hbm>>
    tpu.enqueue_indirect_dma source(%dma_start3A_40 : memref<10240x128xf32, #tpu.memory_space<hbm>>) target(%arg9 : memref<128x128xf32, #tpu.memory_space<vmem>>) offsets(%dma_start3A_37 : memref<128xi32, #tpu.memory_space<vmem>>) semaphore(%arg11 : memref<!tpu.dma_semaphore, #tpu.memory_space<semaphore_mem>>)
    %dma_wait3A = arith.constant 0 : i32
    %dma_wait3A_41 = arith.constant 0 : i32
    %dma_wait3A_42 = tpu.memref_slice %arg6[%dma_wait3A, %dma_wait3A_41] : memref<2x128xi32, #tpu.memory_space<vmem>> -> memref<1x128xi32, #tpu.memory_space<vmem>>
    %dma_wait3A_43 = tpu.memref_squeeze %dma_wait3A_42 : memref<1x128xi32, #tpu.memory_space<vmem>> -> memref<128xi32, #tpu.memory_space<vmem>>
    %dma_wait3A_44 = arith.constant 0 : i32
    %dma_wait3A_45 = arith.constant 0 : i32
    %dma_wait3A_46 = tpu.memref_slice %arg2[%dma_wait3A_44, %dma_wait3A_45] : memref<10240x128xf32, #tpu.memory_space<hbm>> -> memref<10240x128xf32, #tpu.memory_space<hbm>>
    tpu.wait_indirect_dma semaphore(%arg10 : memref<!tpu.dma_semaphore, #tpu.memory_space<semaphore_mem>>) src(%dma_wait3A_46 : memref<10240x128xf32, #tpu.memory_space<hbm>>) dst(%arg8 : memref<128x128xf32, #tpu.memory_space<vmem>>)
    %dma_start3A_47 = arith.constant 0 : i32
    %dma_start3A_48 = arith.constant 0 : i32
    %dma_start3A_49 = tpu.memref_slice %arg7[%dma_start3A_47, %dma_start3A_48] : memref<2x128xi32, #tpu.memory_space<vmem>> -> memref<1x128xi32, #tpu.memory_space<vmem>>
    %dma_start3A_50 = tpu.memref_squeeze %dma_start3A_49 : memref<1x128xi32, #tpu.memory_space<vmem>> -> memref<128xi32, #tpu.memory_space<vmem>>
    %dma_start3A_51 = arith.constant 0 : i32
    %dma_start3A_52 = arith.constant 0 : i32
    %dma_start3A_53 = tpu.memref_slice %arg5[%dma_start3A_51, %dma_start3A_52] : memref<10240x128xf32, #tpu.memory_space<vmem_shared>> -> memref<10240x128xf32, #tpu.memory_space<vmem_shared>>
    tpu.enqueue_indirect_dma source(%arg8 : memref<128x128xf32, #tpu.memory_space<vmem>>) target(%dma_start3A_53 : memref<10240x128xf32, #tpu.memory_space<vmem_shared>>) offsets(%dma_start3A_50 : memref<128xi32, #tpu.memory_space<vmem>>) semaphore(%arg12 : memref<!tpu.dma_semaphore, #tpu.memory_space<semaphore_mem>>) {add = true}
    %dma_wait3A_54 = arith.constant 1 : i32
    %dma_wait3A_55 = arith.constant 0 : i32
    %dma_wait3A_56 = tpu.memref_slice %arg6[%dma_wait3A_54, %dma_wait3A_55] : memref<2x128xi32, #tpu.memory_space<vmem>> -> memref<1x128xi32, #tpu.memory_space<vmem>>
    %dma_wait3A_57 = tpu.memref_squeeze %dma_wait3A_56 : memref<1x128xi32, #tpu.memory_space<vmem>> -> memref<128xi32, #tpu.memory_space<vmem>>
    %dma_wait3A_58 = arith.constant 0 : i32
    %dma_wait3A_59 = arith.constant 0 : i32
    %dma_wait3A_60 = tpu.memref_slice %arg2[%dma_wait3A_58, %dma_wait3A_59] : memref<10240x128xf32, #tpu.memory_space<hbm>> -> memref<10240x128xf32, #tpu.memory_space<hbm>>
    tpu.wait_indirect_dma semaphore(%arg11 : memref<!tpu.dma_semaphore, #tpu.memory_space<semaphore_mem>>) src(%dma_wait3A_60 : memref<10240x128xf32, #tpu.memory_space<hbm>>) dst(%arg9 : memref<128x128xf32, #tpu.memory_space<vmem>>)
    %dma_start3A_61 = arith.constant 1 : i32
    %dma_start3A_62 = arith.constant 0 : i32
    %dma_start3A_63 = tpu.memref_slice %arg7[%dma_start3A_61, %dma_start3A_62] : memref<2x128xi32, #tpu.memory_space<vmem>> -> memref<1x128xi32, #tpu.memory_space<vmem>>
    %dma_start3A_64 = tpu.memref_squeeze %dma_start3A_63 : memref<1x128xi32, #tpu.memory_space<vmem>> -> memref<128xi32, #tpu.memory_space<vmem>>
    %dma_start3A_65 = arith.constant 0 : i32
    %dma_start3A_66 = arith.constant 0 : i32
    %dma_start3A_67 = tpu.memref_slice %arg5[%dma_start3A_65, %dma_start3A_66] : memref<10240x128xf32, #tpu.memory_space<vmem_shared>> -> memref<10240x128xf32, #tpu.memory_space<vmem_shared>>
    tpu.enqueue_indirect_dma source(%arg9 : memref<128x128xf32, #tpu.memory_space<vmem>>) target(%dma_start3A_67 : memref<10240x128xf32, #tpu.memory_space<vmem_shared>>) offsets(%dma_start3A_64 : memref<128xi32, #tpu.memory_space<vmem>>) semaphore(%arg13 : memref<!tpu.dma_semaphore, #tpu.memory_space<semaphore_mem>>) {add = true}
    %scan3A = arith.constant 0 : i32
    %scan3A_68 = arith.constant 1 : i32
    %scan3A_69 = arith.constant 38 : i32
    %scan3A_70 = arith.addi %scan3A_68, %scan3A_69 : i32
    %scan3A_71 = arith.constant 1 : i32
    scf.for %scan3A_92 = %scan3A_68 to %scan3A_70 step %scan3A_71  : i32 {
      %mul3A_93 = arith.constant 2 : i32
      %mul3A_94 = arith.muli %mul3A_93, %scan3A_92 : i32
      %add3A_95 = arith.addi %mul3A_10, %mul3A_94 : i32
      %dma_wait3A_96 = arith.constant 0 : i32
      %dma_wait3A_97 = arith.constant 0 : i32
      %dma_wait3A_98 = tpu.memref_slice %arg7[%dma_wait3A_96, %dma_wait3A_97] : memref<2x128xi32, #tpu.memory_space<vmem>> -> memref<1x128xi32, #tpu.memory_space<vmem>>
      %dma_wait3A_99 = tpu.memref_squeeze %dma_wait3A_98 : memref<1x128xi32, #tpu.memory_space<vmem>> -> memref<128xi32, #tpu.memory_space<vmem>>
      %dma_wait3A_100 = arith.constant 0 : i32
      %dma_wait3A_101 = arith.constant 0 : i32
      %dma_wait3A_102 = tpu.memref_slice %arg5[%dma_wait3A_100, %dma_wait3A_101] : memref<10240x128xf32, #tpu.memory_space<vmem_shared>> -> memref<10240x128xf32, #tpu.memory_space<vmem_shared>>
      tpu.wait_indirect_dma semaphore(%arg12 : memref<!tpu.dma_semaphore, #tpu.memory_space<semaphore_mem>>) src(%arg8 : memref<128x128xf32, #tpu.memory_space<vmem>>) dst(%dma_wait3A_102 : memref<10240x128xf32, #tpu.memory_space<vmem_shared>>)
      %mul3A_103 = arith.constant 128 : i32
      %mul3A_104 = arith.muli %add3A_95, %mul3A_103 : i32
      %run_scoped3A_105 = arith.constant 0 : i32
      %run_scoped3A_106 = arith.constant 0 : i32
      "tpu.region"() ({
        %run_scoped3A_170 = tpu.sem_alloc : memref<!tpu.dma_semaphore, #tpu.memory_space<semaphore_mem>>
        %dma_start3A_171 = arith.constant 0 : i32
        %dma_start3A_172 = tpu.memref_slice %arg6[%run_scoped3A_106, %dma_start3A_171] : memref<2x128xi32, #tpu.memory_space<vmem>> -> memref<1x128xi32, #tpu.memory_space<vmem>>
        %dma_start3A_173 = tpu.memref_squeeze %dma_start3A_172 : memref<1x128xi32, #tpu.memory_space<vmem>> -> memref<128xi32, #tpu.memory_space<vmem>>
        %dma_start3A_174 = tpu.memref_slice %arg3[%run_scoped3A_105, %mul3A_104] : memref<2x320000xi32, #tpu.memory_space<hbm>> -> memref<1x128xi32, #tpu.memory_space<hbm>>
        %dma_start3A_175 = tpu.memref_squeeze %dma_start3A_174 : memref<1x128xi32, #tpu.memory_space<hbm>> -> memref<128xi32, #tpu.memory_space<hbm>>
        %dma_start3A_176 = arith.constant 0 : i32
        %dma_start3A_177 = tpu.memref_slice %arg6[%run_scoped3A_106, %dma_start3A_176] : memref<2x128xi32, #tpu.memory_space<vmem>> -> memref<1x128xi32, #tpu.memory_space<vmem>>
        %dma_start3A_178 = tpu.memref_squeeze %dma_start3A_177 : memref<1x128xi32, #tpu.memory_space<vmem>> -> memref<128xi32, #tpu.memory_space<vmem>>
        %dma_start3A_179 = tpu.memref_slice %arg3[%run_scoped3A_105, %mul3A_104] : memref<2x320000xi32, #tpu.memory_space<hbm>> -> memref<1x128xi32, #tpu.memory_space<hbm>>
        %dma_start3A_180 = tpu.memref_squeeze %dma_start3A_179 : memref<1x128xi32, #tpu.memory_space<hbm>> -> memref<128xi32, #tpu.memory_space<hbm>>
        tpu.enqueue_dma source(%dma_start3A_180 : memref<128xi32, #tpu.memory_space<hbm>>) target(%dma_start3A_178 : memref<128xi32, #tpu.memory_space<vmem>>) target_semaphore(%run_scoped3A_170 : memref<!tpu.dma_semaphore, #tpu.memory_space<semaphore_mem>>)
        %dma_wait3A_181 = arith.constant 0 : i32
        %dma_wait3A_182 = tpu.memref_slice %arg6[%run_scoped3A_106, %dma_wait3A_181] : memref<2x128xi32, #tpu.memory_space<vmem>> -> memref<1x128xi32, #tpu.memory_space<vmem>>
        %dma_wait3A_183 = tpu.memref_squeeze %dma_wait3A_182 : memref<1x128xi32, #tpu.memory_space<vmem>> -> memref<128xi32, #tpu.memory_space<vmem>>
        %dma_wait3A_184 = tpu.memref_slice %arg3[%run_scoped3A_105, %mul3A_104] : memref<2x320000xi32, #tpu.memory_space<hbm>> -> memref<1x128xi32, #tpu.memory_space<hbm>>
        %dma_wait3A_185 = tpu.memref_squeeze %dma_wait3A_184 : memref<1x128xi32, #tpu.memory_space<hbm>> -> memref<128xi32, #tpu.memory_space<hbm>>
        %dma_wait3A_186 = arith.constant 0 : i32
        %dma_wait3A_187 = tpu.memref_slice %arg6[%run_scoped3A_106, %dma_wait3A_186] : memref<2x128xi32, #tpu.memory_space<vmem>> -> memref<1x128xi32, #tpu.memory_space<vmem>>
        %dma_wait3A_188 = tpu.memref_squeeze %dma_wait3A_187 : memref<1x128xi32, #tpu.memory_space<vmem>> -> memref<128xi32, #tpu.memory_space<vmem>>
        %dma_wait3A_189 = tpu.memref_slice %arg3[%run_scoped3A_105, %mul3A_104] : memref<2x320000xi32, #tpu.memory_space<hbm>> -> memref<1x128xi32, #tpu.memory_space<hbm>>
        %dma_wait3A_190 = tpu.memref_squeeze %dma_wait3A_189 : memref<1x128xi32, #tpu.memory_space<hbm>> -> memref<128xi32, #tpu.memory_space<hbm>>
        tpu.wait_dma2 semaphore(%run_scoped3A_170 : memref<!tpu.dma_semaphore, #tpu.memory_space<semaphore_mem>>) src(%dma_wait3A_190 : memref<128xi32, #tpu.memory_space<hbm>>) dst(%dma_wait3A_188 : memref<128xi32, #tpu.memory_space<vmem>>)
        tpu.yield
      }) : () -> ()
      %mul3A_107 = arith.constant 128 : i32
      %mul3A_108 = arith.muli %add3A_95, %mul3A_107 : i32
      %run_scoped3A_109 = arith.constant 1 : i32
      %run_scoped3A_110 = arith.constant 0 : i32
      "tpu.region"() ({
        %run_scoped3A_170 = tpu.sem_alloc : memref<!tpu.dma_semaphore, #tpu.memory_space<semaphore_mem>>
        %dma_start3A_171 = arith.constant 0 : i32
        %dma_start3A_172 = tpu.memref_slice %arg7[%run_scoped3A_110, %dma_start3A_171] : memref<2x128xi32, #tpu.memory_space<vmem>> -> memref<1x128xi32, #tpu.memory_space<vmem>>
        %dma_start3A_173 = tpu.memref_squeeze %dma_start3A_172 : memref<1x128xi32, #tpu.memory_space<vmem>> -> memref<128xi32, #tpu.memory_space<vmem>>
        %dma_start3A_174 = tpu.memref_slice %arg3[%run_scoped3A_109, %mul3A_108] : memref<2x320000xi32, #tpu.memory_space<hbm>> -> memref<1x128xi32, #tpu.memory_space<hbm>>
        %dma_start3A_175 = tpu.memref_squeeze %dma_start3A_174 : memref<1x128xi32, #tpu.memory_space<hbm>> -> memref<128xi32, #tpu.memory_space<hbm>>
        %dma_start3A_176 = arith.constant 0 : i32
        %dma_start3A_177 = tpu.memref_slice %arg7[%run_scoped3A_110, %dma_start3A_176] : memref<2x128xi32, #tpu.memory_space<vmem>> -> memref<1x128xi32, #tpu.memory_space<vmem>>
        %dma_start3A_178 = tpu.memref_squeeze %dma_start3A_177 : memref<1x128xi32, #tpu.memory_space<vmem>> -> memref<128xi32, #tpu.memory_space<vmem>>
        %dma_start3A_179 = tpu.memref_slice %arg3[%run_scoped3A_109, %mul3A_108] : memref<2x320000xi32, #tpu.memory_space<hbm>> -> memref<1x128xi32, #tpu.memory_space<hbm>>
        %dma_start3A_180 = tpu.memref_squeeze %dma_start3A_179 : memref<1x128xi32, #tpu.memory_space<hbm>> -> memref<128xi32, #tpu.memory_space<hbm>>
        tpu.enqueue_dma source(%dma_start3A_180 : memref<128xi32, #tpu.memory_space<hbm>>) target(%dma_start3A_178 : memref<128xi32, #tpu.memory_space<vmem>>) target_semaphore(%run_scoped3A_170 : memref<!tpu.dma_semaphore, #tpu.memory_space<semaphore_mem>>)
        %dma_wait3A_181 = arith.constant 0 : i32
        %dma_wait3A_182 = tpu.memref_slice %arg7[%run_scoped3A_110, %dma_wait3A_181] : memref<2x128xi32, #tpu.memory_space<vmem>> -> memref<1x128xi32, #tpu.memory_space<vmem>>
        %dma_wait3A_183 = tpu.memref_squeeze %dma_wait3A_182 : memref<1x128xi32, #tpu.memory_space<vmem>> -> memref<128xi32, #tpu.memory_space<vmem>>
        %dma_wait3A_184 = tpu.memref_slice %arg3[%run_scoped3A_109, %mul3A_108] : memref<2x320000xi32, #tpu.memory_space<hbm>> -> memref<1x128xi32, #tpu.memory_space<hbm>>
        %dma_wait3A_185 = tpu.memref_squeeze %dma_wait3A_184 : memref<1x128xi32, #tpu.memory_space<hbm>> -> memref<128xi32, #tpu.memory_space<hbm>>
        %dma_wait3A_186 = arith.constant 0 : i32
        %dma_wait3A_187 = tpu.memref_slice %arg7[%run_scoped3A_110, %dma_wait3A_186] : memref<2x128xi32, #tpu.memory_space<vmem>> -> memref<1x128xi32, #tpu.memory_space<vmem>>
        %dma_wait3A_188 = tpu.memref_squeeze %dma_wait3A_187 : memref<1x128xi32, #tpu.memory_space<vmem>> -> memref<128xi32, #tpu.memory_space<vmem>>
        %dma_wait3A_189 = tpu.memref_slice %arg3[%run_scoped3A_109, %mul3A_108] : memref<2x320000xi32, #tpu.memory_space<hbm>> -> memref<1x128xi32, #tpu.memory_space<hbm>>
        %dma_wait3A_190 = tpu.memref_squeeze %dma_wait3A_189 : memref<1x128xi32, #tpu.memory_space<hbm>> -> memref<128xi32, #tpu.memory_space<hbm>>
        tpu.wait_dma2 semaphore(%run_scoped3A_170 : memref<!tpu.dma_semaphore, #tpu.memory_space<semaphore_mem>>) src(%dma_wait3A_190 : memref<128xi32, #tpu.memory_space<hbm>>) dst(%dma_wait3A_188 : memref<128xi32, #tpu.memory_space<vmem>>)
        tpu.yield
      }) : () -> ()
      %dma_start3A_111 = arith.constant 0 : i32
      %dma_start3A_112 = arith.constant 0 : i32
      %dma_start3A_113 = tpu.memref_slice %arg6[%dma_start3A_111, %dma_start3A_112] : memref<2x128xi32, #tpu.memory_space<vmem>> -> memref<1x128xi32, #tpu.memory_space<vmem>>
      %dma_start3A_114 = tpu.memref_squeeze %dma_start3A_113 : memref<1x128xi32, #tpu.memory_space<vmem>> -> memref<128xi32, #tpu.memory_space<vmem>>
      %dma_start3A_115 = arith.constant 0 : i32
      %dma_start3A_116 = arith.constant 0 : i32
      %dma_start3A_117 = tpu.memref_slice %arg2[%dma_start3A_115, %dma_start3A_116] : memref<10240x128xf32, #tpu.memory_space<hbm>> -> memref<10240x128xf32, #tpu.memory_space<hbm>>
      tpu.enqueue_indirect_dma source(%dma_start3A_117 : memref<10240x128xf32, #tpu.memory_space<hbm>>) target(%arg8 : memref<128x128xf32, #tpu.memory_space<vmem>>) offsets(%dma_start3A_114 : memref<128xi32, #tpu.memory_space<vmem>>) semaphore(%arg10 : memref<!tpu.dma_semaphore, #tpu.memory_space<semaphore_mem>>)
      %dma_wait3A_118 = arith.constant 1 : i32
      %dma_wait3A_119 = arith.constant 0 : i32
      %dma_wait3A_120 = tpu.memref_slice %arg7[%dma_wait3A_118, %dma_wait3A_119] : memref<2x128xi32, #tpu.memory_space<vmem>> -> memref<1x128xi32, #tpu.memory_space<vmem>>
      %dma_wait3A_121 = tpu.memref_squeeze %dma_wait3A_120 : memref<1x128xi32, #tpu.memory_space<vmem>> -> memref<128xi32, #tpu.memory_space<vmem>>
      %dma_wait3A_122 = arith.constant 0 : i32
      %dma_wait3A_123 = arith.constant 0 : i32
      %dma_wait3A_124 = tpu.memref_slice %arg5[%dma_wait3A_122, %dma_wait3A_123] : memref<10240x128xf32, #tpu.memory_space<vmem_shared>> -> memref<10240x128xf32, #tpu.memory_space<vmem_shared>>
      tpu.wait_indirect_dma semaphore(%arg13 : memref<!tpu.dma_semaphore, #tpu.memory_space<semaphore_mem>>) src(%arg9 : memref<128x128xf32, #tpu.memory_space<vmem>>) dst(%dma_wait3A_124 : memref<10240x128xf32, #tpu.memory_space<vmem_shared>>)
      %add3A_125 = arith.constant 1 : i32
      %add3A_126 = arith.addi %add3A_95, %add3A_125 : i32
      %mul3A_127 = arith.constant 128 : i32
      %mul3A_128 = arith.muli %add3A_126, %mul3A_127 : i32
      %run_scoped3A_129 = arith.constant 0 : i32
      %run_scoped3A_130 = arith.constant 1 : i32
      "tpu.region"() ({
        %run_scoped3A_170 = tpu.sem_alloc : memref<!tpu.dma_semaphore, #tpu.memory_space<semaphore_mem>>
        %dma_start3A_171 = arith.constant 0 : i32
        %dma_start3A_172 = tpu.memref_slice %arg6[%run_scoped3A_130, %dma_start3A_171] : memref<2x128xi32, #tpu.memory_space<vmem>> -> memref<1x128xi32, #tpu.memory_space<vmem>>
        %dma_start3A_173 = tpu.memref_squeeze %dma_start3A_172 : memref<1x128xi32, #tpu.memory_space<vmem>> -> memref<128xi32, #tpu.memory_space<vmem>>
        %dma_start3A_174 = tpu.memref_slice %arg3[%run_scoped3A_129, %mul3A_128] : memref<2x320000xi32, #tpu.memory_space<hbm>> -> memref<1x128xi32, #tpu.memory_space<hbm>>
        %dma_start3A_175 = tpu.memref_squeeze %dma_start3A_174 : memref<1x128xi32, #tpu.memory_space<hbm>> -> memref<128xi32, #tpu.memory_space<hbm>>
        %dma_start3A_176 = arith.constant 0 : i32
        %dma_start3A_177 = tpu.memref_slice %arg6[%run_scoped3A_130, %dma_start3A_176] : memref<2x128xi32, #tpu.memory_space<vmem>> -> memref<1x128xi32, #tpu.memory_space<vmem>>
        %dma_start3A_178 = tpu.memref_squeeze %dma_start3A_177 : memref<1x128xi32, #tpu.memory_space<vmem>> -> memref<128xi32, #tpu.memory_space<vmem>>
        %dma_start3A_179 = tpu.memref_slice %arg3[%run_scoped3A_129, %mul3A_128] : memref<2x320000xi32, #tpu.memory_space<hbm>> -> memref<1x128xi32, #tpu.memory_space<hbm>>
        %dma_start3A_180 = tpu.memref_squeeze %dma_start3A_179 : memref<1x128xi32, #tpu.memory_space<hbm>> -> memref<128xi32, #tpu.memory_space<hbm>>
        tpu.enqueue_dma source(%dma_start3A_180 : memref<128xi32, #tpu.memory_space<hbm>>) target(%dma_start3A_178 : memref<128xi32, #tpu.memory_space<vmem>>) target_semaphore(%run_scoped3A_170 : memref<!tpu.dma_semaphore, #tpu.memory_space<semaphore_mem>>)
        %dma_wait3A_181 = arith.constant 0 : i32
        %dma_wait3A_182 = tpu.memref_slice %arg6[%run_scoped3A_130, %dma_wait3A_181] : memref<2x128xi32, #tpu.memory_space<vmem>> -> memref<1x128xi32, #tpu.memory_space<vmem>>
        %dma_wait3A_183 = tpu.memref_squeeze %dma_wait3A_182 : memref<1x128xi32, #tpu.memory_space<vmem>> -> memref<128xi32, #tpu.memory_space<vmem>>
        %dma_wait3A_184 = tpu.memref_slice %arg3[%run_scoped3A_129, %mul3A_128] : memref<2x320000xi32, #tpu.memory_space<hbm>> -> memref<1x128xi32, #tpu.memory_space<hbm>>
        %dma_wait3A_185 = tpu.memref_squeeze %dma_wait3A_184 : memref<1x128xi32, #tpu.memory_space<hbm>> -> memref<128xi32, #tpu.memory_space<hbm>>
        %dma_wait3A_186 = arith.constant 0 : i32
        %dma_wait3A_187 = tpu.memref_slice %arg6[%run_scoped3A_130, %dma_wait3A_186] : memref<2x128xi32, #tpu.memory_space<vmem>> -> memref<1x128xi32, #tpu.memory_space<vmem>>
        %dma_wait3A_188 = tpu.memref_squeeze %dma_wait3A_187 : memref<1x128xi32, #tpu.memory_space<vmem>> -> memref<128xi32, #tpu.memory_space<vmem>>
        %dma_wait3A_189 = tpu.memref_slice %arg3[%run_scoped3A_129, %mul3A_128] : memref<2x320000xi32, #tpu.memory_space<hbm>> -> memref<1x128xi32, #tpu.memory_space<hbm>>
        %dma_wait3A_190 = tpu.memref_squeeze %dma_wait3A_189 : memref<1x128xi32, #tpu.memory_space<hbm>> -> memref<128xi32, #tpu.memory_space<hbm>>
        tpu.wait_dma2 semaphore(%run_scoped3A_170 : memref<!tpu.dma_semaphore, #tpu.memory_space<semaphore_mem>>) src(%dma_wait3A_190 : memref<128xi32, #tpu.memory_space<hbm>>) dst(%dma_wait3A_188 : memref<128xi32, #tpu.memory_space<vmem>>)
        tpu.yield
      }) : () -> ()
      %mul3A_131 = arith.constant 128 : i32
      %mul3A_132 = arith.muli %add3A_126, %mul3A_131 : i32
      %run_scoped3A_133 = arith.constant 1 : i32
      %run_scoped3A_134 = arith.constant 1 : i32
      "tpu.region"() ({
        %run_scoped3A_170 = tpu.sem_alloc : memref<!tpu.dma_semaphore, #tpu.memory_space<semaphore_mem>>
        %dma_start3A_171 = arith.constant 0 : i32
        %dma_start3A_172 = tpu.memref_slice %arg7[%run_scoped3A_134, %dma_start3A_171] : memref<2x128xi32, #tpu.memory_space<vmem>> -> memref<1x128xi32, #tpu.memory_space<vmem>>
        %dma_start3A_173 = tpu.memref_squeeze %dma_start3A_172 : memref<1x128xi32, #tpu.memory_space<vmem>> -> memref<128xi32, #tpu.memory_space<vmem>>
        %dma_start3A_174 = tpu.memref_slice %arg3[%run_scoped3A_133, %mul3A_132] : memref<2x320000xi32, #tpu.memory_space<hbm>> -> memref<1x128xi32, #tpu.memory_space<hbm>>
        %dma_start3A_175 = tpu.memref_squeeze %dma_start3A_174 : memref<1x128xi32, #tpu.memory_space<hbm>> -> memref<128xi32, #tpu.memory_space<hbm>>
        %dma_start3A_176 = arith.constant 0 : i32
        %dma_start3A_177 = tpu.memref_slice %arg7[%run_scoped3A_134, %dma_start3A_176] : memref<2x128xi32, #tpu.memory_space<vmem>> -> memref<1x128xi32, #tpu.memory_space<vmem>>
        %dma_start3A_178 = tpu.memref_squeeze %dma_start3A_177 : memref<1x128xi32, #tpu.memory_space<vmem>> -> memref<128xi32, #tpu.memory_space<vmem>>
        %dma_start3A_179 = tpu.memref_slice %arg3[%run_scoped3A_133, %mul3A_132] : memref<2x320000xi32, #tpu.memory_space<hbm>> -> memref<1x128xi32, #tpu.memory_space<hbm>>
        %dma_start3A_180 = tpu.memref_squeeze %dma_start3A_179 : memref<1x128xi32, #tpu.memory_space<hbm>> -> memref<128xi32, #tpu.memory_space<hbm>>
        tpu.enqueue_dma source(%dma_start3A_180 : memref<128xi32, #tpu.memory_space<hbm>>) target(%dma_start3A_178 : memref<128xi32, #tpu.memory_space<vmem>>) target_semaphore(%run_scoped3A_170 : memref<!tpu.dma_semaphore, #tpu.memory_space<semaphore_mem>>)
        %dma_wait3A_181 = arith.constant 0 : i32
        %dma_wait3A_182 = tpu.memref_slice %arg7[%run_scoped3A_134, %dma_wait3A_181] : memref<2x128xi32, #tpu.memory_space<vmem>> -> memref<1x128xi32, #tpu.memory_space<vmem>>
        %dma_wait3A_183 = tpu.memref_squeeze %dma_wait3A_182 : memref<1x128xi32, #tpu.memory_space<vmem>> -> memref<128xi32, #tpu.memory_space<vmem>>
        %dma_wait3A_184 = tpu.memref_slice %arg3[%run_scoped3A_133, %mul3A_132] : memref<2x320000xi32, #tpu.memory_space<hbm>> -> memref<1x128xi32, #tpu.memory_space<hbm>>
        %dma_wait3A_185 = tpu.memref_squeeze %dma_wait3A_184 : memref<1x128xi32, #tpu.memory_space<hbm>> -> memref<128xi32, #tpu.memory_space<hbm>>
        %dma_wait3A_186 = arith.constant 0 : i32
        %dma_wait3A_187 = tpu.memref_slice %arg7[%run_scoped3A_134, %dma_wait3A_186] : memref<2x128xi32, #tpu.memory_space<vmem>> -> memref<1x128xi32, #tpu.memory_space<vmem>>
        %dma_wait3A_188 = tpu.memref_squeeze %dma_wait3A_187 : memref<1x128xi32, #tpu.memory_space<vmem>> -> memref<128xi32, #tpu.memory_space<vmem>>
        %dma_wait3A_189 = tpu.memref_slice %arg3[%run_scoped3A_133, %mul3A_132] : memref<2x320000xi32, #tpu.memory_space<hbm>> -> memref<1x128xi32, #tpu.memory_space<hbm>>
        %dma_wait3A_190 = tpu.memref_squeeze %dma_wait3A_189 : memref<1x128xi32, #tpu.memory_space<hbm>> -> memref<128xi32, #tpu.memory_space<hbm>>
        tpu.wait_dma2 semaphore(%run_scoped3A_170 : memref<!tpu.dma_semaphore, #tpu.memory_space<semaphore_mem>>) src(%dma_wait3A_190 : memref<128xi32, #tpu.memory_space<hbm>>) dst(%dma_wait3A_188 : memref<128xi32, #tpu.memory_space<vmem>>)
        tpu.yield
      }) : () -> ()
      %dma_start3A_135 = arith.constant 1 : i32
      %dma_start3A_136 = arith.constant 0 : i32
      %dma_start3A_137 = tpu.memref_slice %arg6[%dma_start3A_135, %dma_start3A_136] : memref<2x128xi32, #tpu.memory_space<vmem>> -> memref<1x128xi32, #tpu.memory_space<vmem>>
      %dma_start3A_138 = tpu.memref_squeeze %dma_start3A_137 : memref<1x128xi32, #tpu.memory_space<vmem>> -> memref<128xi32, #tpu.memory_space<vmem>>
      %dma_start3A_139 = arith.constant 0 : i32
      %dma_start3A_140 = arith.constant 0 : i32
      %dma_start3A_141 = tpu.memref_slice %arg2[%dma_start3A_139, %dma_start3A_140] : memref<10240x128xf32, #tpu.memory_space<hbm>> -> memref<10240x128xf32, #tpu.memory_space<hbm>>
      tpu.enqueue_indirect_dma source(%dma_start3A_141 : memref<10240x128xf32, #tpu.memory_space<hbm>>) target(%arg9 : memref<128x128xf32, #tpu.memory_space<vmem>>) offsets(%dma_start3A_138 : memref<128xi32, #tpu.memory_space<vmem>>) semaphore(%arg11 : memref<!tpu.dma_semaphore, #tpu.memory_space<semaphore_mem>>)
      %dma_wait3A_142 = arith.constant 0 : i32
      %dma_wait3A_143 = arith.constant 0 : i32
      %dma_wait3A_144 = tpu.memref_slice %arg6[%dma_wait3A_142, %dma_wait3A_143] : memref<2x128xi32, #tpu.memory_space<vmem>> -> memref<1x128xi32, #tpu.memory_space<vmem>>
      %dma_wait3A_145 = tpu.memref_squeeze %dma_wait3A_144 : memref<1x128xi32, #tpu.memory_space<vmem>> -> memref<128xi32, #tpu.memory_space<vmem>>
      %dma_wait3A_146 = arith.constant 0 : i32
      %dma_wait3A_147 = arith.constant 0 : i32
      %dma_wait3A_148 = tpu.memref_slice %arg2[%dma_wait3A_146, %dma_wait3A_147] : memref<10240x128xf32, #tpu.memory_space<hbm>> -> memref<10240x128xf32, #tpu.memory_space<hbm>>
      tpu.wait_indirect_dma semaphore(%arg10 : memref<!tpu.dma_semaphore, #tpu.memory_space<semaphore_mem>>) src(%dma_wait3A_148 : memref<10240x128xf32, #tpu.memory_space<hbm>>) dst(%arg8 : memref<128x128xf32, #tpu.memory_space<vmem>>)
      %dma_start3A_149 = arith.constant 0 : i32
      %dma_start3A_150 = arith.constant 0 : i32
      %dma_start3A_151 = tpu.memref_slice %arg7[%dma_start3A_149, %dma_start3A_150] : memref<2x128xi32, #tpu.memory_space<vmem>> -> memref<1x128xi32, #tpu.memory_space<vmem>>
      %dma_start3A_152 = tpu.memref_squeeze %dma_start3A_151 : memref<1x128xi32, #tpu.memory_space<vmem>> -> memref<128xi32, #tpu.memory_space<vmem>>
      %dma_start3A_153 = arith.constant 0 : i32
      %dma_start3A_154 = arith.constant 0 : i32
      %dma_start3A_155 = tpu.memref_slice %arg5[%dma_start3A_153, %dma_start3A_154] : memref<10240x128xf32, #tpu.memory_space<vmem_shared>> -> memref<10240x128xf32, #tpu.memory_space<vmem_shared>>
      tpu.enqueue_indirect_dma source(%arg8 : memref<128x128xf32, #tpu.memory_space<vmem>>) target(%dma_start3A_155 : memref<10240x128xf32, #tpu.memory_space<vmem_shared>>) offsets(%dma_start3A_152 : memref<128xi32, #tpu.memory_space<vmem>>) semaphore(%arg12 : memref<!tpu.dma_semaphore, #tpu.memory_space<semaphore_mem>>) {add = true}
      %dma_wait3A_156 = arith.constant 1 : i32
      %dma_wait3A_157 = arith.constant 0 : i32
      %dma_wait3A_158 = tpu.memref_slice %arg6[%dma_wait3A_156, %dma_wait3A_157] : memref<2x128xi32, #tpu.memory_space<vmem>> -> memref<1x128xi32, #tpu.memory_space<vmem>>
      %dma_wait3A_159 = tpu.memref_squeeze %dma_wait3A_158 : memref<1x128xi32, #tpu.memory_space<vmem>> -> memref<128xi32, #tpu.memory_space<vmem>>
      %dma_wait3A_160 = arith.constant 0 : i32
      %dma_wait3A_161 = arith.constant 0 : i32
      %dma_wait3A_162 = tpu.memref_slice %arg2[%dma_wait3A_160, %dma_wait3A_161] : memref<10240x128xf32, #tpu.memory_space<hbm>> -> memref<10240x128xf32, #tpu.memory_space<hbm>>
      tpu.wait_indirect_dma semaphore(%arg11 : memref<!tpu.dma_semaphore, #tpu.memory_space<semaphore_mem>>) src(%dma_wait3A_162 : memref<10240x128xf32, #tpu.memory_space<hbm>>) dst(%arg9 : memref<128x128xf32, #tpu.memory_space<vmem>>)
      %dma_start3A_163 = arith.constant 1 : i32
      %dma_start3A_164 = arith.constant 0 : i32
      %dma_start3A_165 = tpu.memref_slice %arg7[%dma_start3A_163, %dma_start3A_164] : memref<2x128xi32, #tpu.memory_space<vmem>> -> memref<1x128xi32, #tpu.memory_space<vmem>>
      %dma_start3A_166 = tpu.memref_squeeze %dma_start3A_165 : memref<1x128xi32, #tpu.memory_space<vmem>> -> memref<128xi32, #tpu.memory_space<vmem>>
      %dma_start3A_167 = arith.constant 0 : i32
      %dma_start3A_168 = arith.constant 0 : i32
      %dma_start3A_169 = tpu.memref_slice %arg5[%dma_start3A_167, %dma_start3A_168] : memref<10240x128xf32, #tpu.memory_space<vmem_shared>> -> memref<10240x128xf32, #tpu.memory_space<vmem_shared>>
      tpu.enqueue_indirect_dma source(%arg9 : memref<128x128xf32, #tpu.memory_space<vmem>>) target(%dma_start3A_169 : memref<10240x128xf32, #tpu.memory_space<vmem_shared>>) offsets(%dma_start3A_166 : memref<128xi32, #tpu.memory_space<vmem>>) semaphore(%arg13 : memref<!tpu.dma_semaphore, #tpu.memory_space<semaphore_mem>>) {add = true}
    }
    %scan3A_72 = arith.constant 38 : i32
    %dma_wait3A_73 = arith.constant 0 : i32
    %dma_wait3A_74 = arith.constant 0 : i32
    %dma_wait3A_75 = tpu.memref_slice %arg7[%dma_wait3A_73, %dma_wait3A_74] : memref<2x128xi32, #tpu.memory_space<vmem>> -> memref<1x128xi32, #tpu.memory_space<vmem>>
    %dma_wait3A_76 = tpu.memref_squeeze %dma_wait3A_75 : memref<1x128xi32, #tpu.memory_space<vmem>> -> memref<128xi32, #tpu.memory_space<vmem>>
    %dma_wait3A_77 = arith.constant 0 : i32
    %dma_wait3A_78 = arith.constant 0 : i32
    %dma_wait3A_79 = tpu.memref_slice %arg5[%dma_wait3A_77, %dma_wait3A_78] : memref<10240x128xf32, #tpu.memory_space<vmem_shared>> -> memref<10240x128xf32, #tpu.memory_space<vmem_shared>>
    tpu.wait_indirect_dma semaphore(%arg12 : memref<!tpu.dma_semaphore, #tpu.memory_space<semaphore_mem>>) src(%arg8 : memref<128x128xf32, #tpu.memory_space<vmem>>) dst(%dma_wait3A_79 : memref<10240x128xf32, #tpu.memory_space<vmem_shared>>)
    %dma_wait3A_80 = arith.constant 1 : i32
    %dma_wait3A_81 = arith.constant 0 : i32
    %dma_wait3A_82 = tpu.memref_slice %arg7[%dma_wait3A_80, %dma_wait3A_81] : memref<2x128xi32, #tpu.memory_space<vmem>> -> memref<1x128xi32, #tpu.memory_space<vmem>>
    %dma_wait3A_83 = tpu.memref_squeeze %dma_wait3A_82 : memref<1x128xi32, #tpu.memory_space<vmem>> -> memref<128xi32, #tpu.memory_space<vmem>>
    %dma_wait3A_84 = arith.constant 0 : i32
    %dma_wait3A_85 = arith.constant 0 : i32
    %dma_wait3A_86 = tpu.memref_slice %arg5[%dma_wait3A_84, %dma_wait3A_85] : memref<10240x128xf32, #tpu.memory_space<vmem_shared>> -> memref<10240x128xf32, #tpu.memory_space<vmem_shared>>
    tpu.wait_indirect_dma semaphore(%arg13 : memref<!tpu.dma_semaphore, #tpu.memory_space<semaphore_mem>>) src(%arg9 : memref<128x128xf32, #tpu.memory_space<vmem>>) dst(%dma_wait3A_86 : memref<10240x128xf32, #tpu.memory_space<vmem_shared>>)
    %lt3A = arith.constant 4 : i32
    %lt3A_87 = arith.cmpi slt, %add3A, %lt3A : i32
    %convert_element_type3A_88 = arith.extui %lt3A_87 : i1 to i32
    %cond3A_89 = arith.constant 0 : i32
    %cond3A_90 = arith.cmpi ne, %convert_element_type3A_88, %cond3A_89 : i32
    scf.if %cond3A_90 {
      %add3A_92 = arith.constant 2496 : i32
      %add3A_93 = arith.addi %add3A_92, %add3A : i32
      %mul3A_94 = arith.constant 128 : i32
      %mul3A_95 = arith.muli %add3A_93, %mul3A_94 : i32
      %run_scoped3A_96 = arith.constant 0 : i32
      %run_scoped3A_97 = arith.constant 0 : i32
      "tpu.region"() ({
        %run_scoped3A_130 = tpu.sem_alloc : memref<!tpu.dma_semaphore, #tpu.memory_space<semaphore_mem>>
        %dma_start3A_131 = arith.constant 0 : i32
        %dma_start3A_132 = tpu.memref_slice %arg6[%run_scoped3A_97, %dma_start3A_131] : memref<2x128xi32, #tpu.memory_space<vmem>> -> memref<1x128xi32, #tpu.memory_space<vmem>>
        %dma_start3A_133 = tpu.memref_squeeze %dma_start3A_132 : memref<1x128xi32, #tpu.memory_space<vmem>> -> memref<128xi32, #tpu.memory_space<vmem>>
        %dma_start3A_134 = tpu.memref_slice %arg3[%run_scoped3A_96, %mul3A_95] : memref<2x320000xi32, #tpu.memory_space<hbm>> -> memref<1x128xi32, #tpu.memory_space<hbm>>
        %dma_start3A_135 = tpu.memref_squeeze %dma_start3A_134 : memref<1x128xi32, #tpu.memory_space<hbm>> -> memref<128xi32, #tpu.memory_space<hbm>>
        %dma_start3A_136 = arith.constant 0 : i32
        %dma_start3A_137 = tpu.memref_slice %arg6[%run_scoped3A_97, %dma_start3A_136] : memref<2x128xi32, #tpu.memory_space<vmem>> -> memref<1x128xi32, #tpu.memory_space<vmem>>
        %dma_start3A_138 = tpu.memref_squeeze %dma_start3A_137 : memref<1x128xi32, #tpu.memory_space<vmem>> -> memref<128xi32, #tpu.memory_space<vmem>>
        %dma_start3A_139 = tpu.memref_slice %arg3[%run_scoped3A_96, %mul3A_95] : memref<2x320000xi32, #tpu.memory_space<hbm>> -> memref<1x128xi32, #tpu.memory_space<hbm>>
        %dma_start3A_140 = tpu.memref_squeeze %dma_start3A_139 : memref<1x128xi32, #tpu.memory_space<hbm>> -> memref<128xi32, #tpu.memory_space<hbm>>
        tpu.enqueue_dma source(%dma_start3A_140 : memref<128xi32, #tpu.memory_space<hbm>>) target(%dma_start3A_138 : memref<128xi32, #tpu.memory_space<vmem>>) target_semaphore(%run_scoped3A_130 : memref<!tpu.dma_semaphore, #tpu.memory_space<semaphore_mem>>)
        %dma_wait3A_141 = arith.constant 0 : i32
        %dma_wait3A_142 = tpu.memref_slice %arg6[%run_scoped3A_97, %dma_wait3A_141] : memref<2x128xi32, #tpu.memory_space<vmem>> -> memref<1x128xi32, #tpu.memory_space<vmem>>
        %dma_wait3A_143 = tpu.memref_squeeze %dma_wait3A_142 : memref<1x128xi32, #tpu.memory_space<vmem>> -> memref<128xi32, #tpu.memory_space<vmem>>
        %dma_wait3A_144 = tpu.memref_slice %arg3[%run_scoped3A_96, %mul3A_95] : memref<2x320000xi32, #tpu.memory_space<hbm>> -> memref<1x128xi32, #tpu.memory_space<hbm>>
        %dma_wait3A_145 = tpu.memref_squeeze %dma_wait3A_144 : memref<1x128xi32, #tpu.memory_space<hbm>> -> memref<128xi32, #tpu.memory_space<hbm>>
        %dma_wait3A_146 = arith.constant 0 : i32
        %dma_wait3A_147 = tpu.memref_slice %arg6[%run_scoped3A_97, %dma_wait3A_146] : memref<2x128xi32, #tpu.memory_space<vmem>> -> memref<1x128xi32, #tpu.memory_space<vmem>>
        %dma_wait3A_148 = tpu.memref_squeeze %dma_wait3A_147 : memref<1x128xi32, #tpu.memory_space<vmem>> -> memref<128xi32, #tpu.memory_space<vmem>>
        %dma_wait3A_149 = tpu.memref_slice %arg3[%run_scoped3A_96, %mul3A_95] : memref<2x320000xi32, #tpu.memory_space<hbm>> -> memref<1x128xi32, #tpu.memory_space<hbm>>
        %dma_wait3A_150 = tpu.memref_squeeze %dma_wait3A_149 : memref<1x128xi32, #tpu.memory_space<hbm>> -> memref<128xi32, #tpu.memory_space<hbm>>
        tpu.wait_dma2 semaphore(%run_scoped3A_130 : memref<!tpu.dma_semaphore, #tpu.memory_space<semaphore_mem>>) src(%dma_wait3A_150 : memref<128xi32, #tpu.memory_space<hbm>>) dst(%dma_wait3A_148 : memref<128xi32, #tpu.memory_space<vmem>>)
        tpu.yield
      }) : () -> ()
      %mul3A_98 = arith.constant 128 : i32
      %mul3A_99 = arith.muli %add3A_93, %mul3A_98 : i32
      %run_scoped3A_100 = arith.constant 1 : i32
      %run_scoped3A_101 = arith.constant 0 : i32
      "tpu.region"() ({
        %run_scoped3A_130 = tpu.sem_alloc : memref<!tpu.dma_semaphore, #tpu.memory_space<semaphore_mem>>
        %dma_start3A_131 = arith.constant 0 : i32
        %dma_start3A_132 = tpu.memref_slice %arg7[%run_scoped3A_101, %dma_start3A_131] : memref<2x128xi32, #tpu.memory_space<vmem>> -> memref<1x128xi32, #tpu.memory_space<vmem>>
        %dma_start3A_133 = tpu.memref_squeeze %dma_start3A_132 : memref<1x128xi32, #tpu.memory_space<vmem>> -> memref<128xi32, #tpu.memory_space<vmem>>
        %dma_start3A_134 = tpu.memref_slice %arg3[%run_scoped3A_100, %mul3A_99] : memref<2x320000xi32, #tpu.memory_space<hbm>> -> memref<1x128xi32, #tpu.memory_space<hbm>>
        %dma_start3A_135 = tpu.memref_squeeze %dma_start3A_134 : memref<1x128xi32, #tpu.memory_space<hbm>> -> memref<128xi32, #tpu.memory_space<hbm>>
        %dma_start3A_136 = arith.constant 0 : i32
        %dma_start3A_137 = tpu.memref_slice %arg7[%run_scoped3A_101, %dma_start3A_136] : memref<2x128xi32, #tpu.memory_space<vmem>> -> memref<1x128xi32, #tpu.memory_space<vmem>>
        %dma_start3A_138 = tpu.memref_squeeze %dma_start3A_137 : memref<1x128xi32, #tpu.memory_space<vmem>> -> memref<128xi32, #tpu.memory_space<vmem>>
        %dma_start3A_139 = tpu.memref_slice %arg3[%run_scoped3A_100, %mul3A_99] : memref<2x320000xi32, #tpu.memory_space<hbm>> -> memref<1x128xi32, #tpu.memory_space<hbm>>
        %dma_start3A_140 = tpu.memref_squeeze %dma_start3A_139 : memref<1x128xi32, #tpu.memory_space<hbm>> -> memref<128xi32, #tpu.memory_space<hbm>>
        tpu.enqueue_dma source(%dma_start3A_140 : memref<128xi32, #tpu.memory_space<hbm>>) target(%dma_start3A_138 : memref<128xi32, #tpu.memory_space<vmem>>) target_semaphore(%run_scoped3A_130 : memref<!tpu.dma_semaphore, #tpu.memory_space<semaphore_mem>>)
        %dma_wait3A_141 = arith.constant 0 : i32
        %dma_wait3A_142 = tpu.memref_slice %arg7[%run_scoped3A_101, %dma_wait3A_141] : memref<2x128xi32, #tpu.memory_space<vmem>> -> memref<1x128xi32, #tpu.memory_space<vmem>>
        %dma_wait3A_143 = tpu.memref_squeeze %dma_wait3A_142 : memref<1x128xi32, #tpu.memory_space<vmem>> -> memref<128xi32, #tpu.memory_space<vmem>>
        %dma_wait3A_144 = tpu.memref_slice %arg3[%run_scoped3A_100, %mul3A_99] : memref<2x320000xi32, #tpu.memory_space<hbm>> -> memref<1x128xi32, #tpu.memory_space<hbm>>
        %dma_wait3A_145 = tpu.memref_squeeze %dma_wait3A_144 : memref<1x128xi32, #tpu.memory_space<hbm>> -> memref<128xi32, #tpu.memory_space<hbm>>
        %dma_wait3A_146 = arith.constant 0 : i32
        %dma_wait3A_147 = tpu.memref_slice %arg7[%run_scoped3A_101, %dma_wait3A_146] : memref<2x128xi32, #tpu.memory_space<vmem>> -> memref<1x128xi32, #tpu.memory_space<vmem>>
        %dma_wait3A_148 = tpu.memref_squeeze %dma_wait3A_147 : memref<1x128xi32, #tpu.memory_space<vmem>> -> memref<128xi32, #tpu.memory_space<vmem>>
        %dma_wait3A_149 = tpu.memref_slice %arg3[%run_scoped3A_100, %mul3A_99] : memref<2x320000xi32, #tpu.memory_space<hbm>> -> memref<1x128xi32, #tpu.memory_space<hbm>>
        %dma_wait3A_150 = tpu.memref_squeeze %dma_wait3A_149 : memref<1x128xi32, #tpu.memory_space<hbm>> -> memref<128xi32, #tpu.memory_space<hbm>>
        tpu.wait_dma2 semaphore(%run_scoped3A_130 : memref<!tpu.dma_semaphore, #tpu.memory_space<semaphore_mem>>) src(%dma_wait3A_150 : memref<128xi32, #tpu.memory_space<hbm>>) dst(%dma_wait3A_148 : memref<128xi32, #tpu.memory_space<vmem>>)
        tpu.yield
      }) : () -> ()
      %dma_start3A_102 = arith.constant 0 : i32
      %dma_start3A_103 = arith.constant 0 : i32
      %dma_start3A_104 = tpu.memref_slice %arg6[%dma_start3A_102, %dma_start3A_103] : memref<2x128xi32, #tpu.memory_space<vmem>> -> memref<1x128xi32, #tpu.memory_space<vmem>>
      %dma_start3A_105 = tpu.memref_squeeze %dma_start3A_104 : memref<1x128xi32, #tpu.memory_space<vmem>> -> memref<128xi32, #tpu.memory_space<vmem>>
      %dma_start3A_106 = arith.constant 0 : i32
      %dma_start3A_107 = arith.constant 0 : i32
      %dma_start3A_108 = tpu.memref_slice %arg2[%dma_start3A_106, %dma_start3A_107] : memref<10240x128xf32, #tpu.memory_space<hbm>> -> memref<10240x128xf32, #tpu.memory_space<hbm>>
      tpu.enqueue_indirect_dma source(%dma_start3A_108 : memref<10240x128xf32, #tpu.memory_space<hbm>>) target(%arg8 : memref<128x128xf32, #tpu.memory_space<vmem>>) offsets(%dma_start3A_105 : memref<128xi32, #tpu.memory_space<vmem>>) semaphore(%arg10 : memref<!tpu.dma_semaphore, #tpu.memory_space<semaphore_mem>>)
      %dma_wait3A_109 = arith.constant 0 : i32
      %dma_wait3A_110 = arith.constant 0 : i32
      %dma_wait3A_111 = tpu.memref_slice %arg6[%dma_wait3A_109, %dma_wait3A_110] : memref<2x128xi32, #tpu.memory_space<vmem>> -> memref<1x128xi32, #tpu.memory_space<vmem>>
      %dma_wait3A_112 = tpu.memref_squeeze %dma_wait3A_111 : memref<1x128xi32, #tpu.memory_space<vmem>> -> memref<128xi32, #tpu.memory_space<vmem>>
      %dma_wait3A_113 = arith.constant 0 : i32
      %dma_wait3A_114 = arith.constant 0 : i32
      %dma_wait3A_115 = tpu.memref_slice %arg2[%dma_wait3A_113, %dma_wait3A_114] : memref<10240x128xf32, #tpu.memory_space<hbm>> -> memref<10240x128xf32, #tpu.memory_space<hbm>>
      tpu.wait_indirect_dma semaphore(%arg10 : memref<!tpu.dma_semaphore, #tpu.memory_space<semaphore_mem>>) src(%dma_wait3A_115 : memref<10240x128xf32, #tpu.memory_space<hbm>>) dst(%arg8 : memref<128x128xf32, #tpu.memory_space<vmem>>)
      %dma_start3A_116 = arith.constant 0 : i32
      %dma_start3A_117 = arith.constant 0 : i32
      %dma_start3A_118 = tpu.memref_slice %arg7[%dma_start3A_116, %dma_start3A_117] : memref<2x128xi32, #tpu.memory_space<vmem>> -> memref<1x128xi32, #tpu.memory_space<vmem>>
      %dma_start3A_119 = tpu.memref_squeeze %dma_start3A_118 : memref<1x128xi32, #tpu.memory_space<vmem>> -> memref<128xi32, #tpu.memory_space<vmem>>
      %dma_start3A_120 = arith.constant 0 : i32
      %dma_start3A_121 = arith.constant 0 : i32
      %dma_start3A_122 = tpu.memref_slice %arg5[%dma_start3A_120, %dma_start3A_121] : memref<10240x128xf32, #tpu.memory_space<vmem_shared>> -> memref<10240x128xf32, #tpu.memory_space<vmem_shared>>
      tpu.enqueue_indirect_dma source(%arg8 : memref<128x128xf32, #tpu.memory_space<vmem>>) target(%dma_start3A_122 : memref<10240x128xf32, #tpu.memory_space<vmem_shared>>) offsets(%dma_start3A_119 : memref<128xi32, #tpu.memory_space<vmem>>) semaphore(%arg12 : memref<!tpu.dma_semaphore, #tpu.memory_space<semaphore_mem>>) {add = true}
      %dma_wait3A_123 = arith.constant 0 : i32
      %dma_wait3A_124 = arith.constant 0 : i32
      %dma_wait3A_125 = tpu.memref_slice %arg7[%dma_wait3A_123, %dma_wait3A_124] : memref<2x128xi32, #tpu.memory_space<vmem>> -> memref<1x128xi32, #tpu.memory_space<vmem>>
      %dma_wait3A_126 = tpu.memref_squeeze %dma_wait3A_125 : memref<1x128xi32, #tpu.memory_space<vmem>> -> memref<128xi32, #tpu.memory_space<vmem>>
      %dma_wait3A_127 = arith.constant 0 : i32
      %dma_wait3A_128 = arith.constant 0 : i32
      %dma_wait3A_129 = tpu.memref_slice %arg5[%dma_wait3A_127, %dma_wait3A_128] : memref<10240x128xf32, #tpu.memory_space<vmem_shared>> -> memref<10240x128xf32, #tpu.memory_space<vmem_shared>>
      tpu.wait_indirect_dma semaphore(%arg12 : memref<!tpu.dma_semaphore, #tpu.memory_space<semaphore_mem>>) src(%arg8 : memref<128x128xf32, #tpu.memory_space<vmem>>) dst(%dma_wait3A_129 : memref<10240x128xf32, #tpu.memory_space<vmem_shared>>)
    } else {
    }
    %barrier3A_91 = arith.constant 0 : index
    tpu.barrier barrier_id(%barrier3A_91)
    "tpu.region"() ({
      %run_scoped3A_92 = tpu.sem_alloc : memref<!tpu.dma_semaphore, #tpu.memory_space<semaphore_mem>>
      %dma_start3A_93 = arith.constant 0 : i32
      %dma_start3A_94 = tpu.memref_slice %arg4[%arg0, %mul3A_0, %dma_start3A_93] : memref<2x10240x128xf32, #tpu.memory_space<hbm>> -> memref<1x640x128xf32, #tpu.memory_space<hbm>>
      %dma_start3A_95 = tpu.memref_squeeze %dma_start3A_94 : memref<1x640x128xf32, #tpu.memory_space<hbm>> -> memref<640x128xf32, #tpu.memory_space<hbm>>
      %dma_start3A_96 = arith.constant 0 : i32
      %dma_start3A_97 = tpu.memref_slice %arg5[%mul3A_0, %dma_start3A_96] : memref<10240x128xf32, #tpu.memory_space<vmem_shared>> -> memref<640x128xf32, #tpu.memory_space<vmem_shared>>
      tpu.enqueue_dma source(%dma_start3A_97 : memref<640x128xf32, #tpu.memory_space<vmem_shared>>) target(%dma_start3A_95 : memref<640x128xf32, #tpu.memory_space<hbm>>) target_semaphore(%run_scoped3A_92 : memref<!tpu.dma_semaphore, #tpu.memory_space<semaphore_mem>>)
      %dma_wait3A_98 = arith.constant 0 : i32
      %dma_wait3A_99 = tpu.memref_slice %arg4[%arg0, %mul3A_0, %dma_wait3A_98] : memref<2x10240x128xf32, #tpu.memory_space<hbm>> -> memref<1x640x128xf32, #tpu.memory_space<hbm>>
      %dma_wait3A_100 = tpu.memref_squeeze %dma_wait3A_99 : memref<1x640x128xf32, #tpu.memory_space<hbm>> -> memref<640x128xf32, #tpu.memory_space<hbm>>
      %dma_wait3A_101 = arith.constant 0 : i32
      %dma_wait3A_102 = tpu.memref_slice %arg5[%mul3A_0, %dma_wait3A_101] : memref<10240x128xf32, #tpu.memory_space<vmem_shared>> -> memref<640x128xf32, #tpu.memory_space<vmem_shared>>
      tpu.wait_dma2 semaphore(%run_scoped3A_92 : memref<!tpu.dma_semaphore, #tpu.memory_space<semaphore_mem>>) src(%dma_wait3A_102 : memref<640x128xf32, #tpu.memory_space<vmem_shared>>) dst(%dma_wait3A_100 : memref<640x128xf32, #tpu.memory_space<hbm>>)
      tpu.yield
    }) : () -> ()
    return
  }
}

#map = affine_map<(d0, d1) -> (0, 0)>
module attributes {stable_mosaic.version = 14 : i64} {
  func.func @_deg_body(%arg0: i32, %arg1: i32, %arg2: memref<2x320000xi32, #tpu.memory_space<hbm>>, %arg3: memref<2x10240xf32, #tpu.memory_space<hbm>>, %arg4: memref<10240xf32, #tpu.memory_space<vmem_shared>>, %arg5: memref<4x128xi32, #tpu.memory_space<vmem>>, %arg6: memref<128xf32, #tpu.memory_space<vmem>>, %arg7: memref<128xf32, #tpu.memory_space<vmem>>, %arg8: memref<!tpu.dma_semaphore, #tpu.memory_space<semaphore_mem>>, %arg9: memref<!tpu.dma_semaphore, #tpu.memory_space<semaphore_mem>>, %arg10: memref<!tpu.dma_semaphore, #tpu.memory_space<semaphore_mem>>, %arg11: memref<!tpu.dma_semaphore, #tpu.memory_space<semaphore_mem>>, %arg12: memref<!tpu.dma_semaphore, #tpu.memory_space<semaphore_mem>>, %arg13: memref<!tpu.dma_semaphore, #tpu.memory_space<semaphore_mem>>, %arg14: memref<!tpu.dma_semaphore, #tpu.memory_space<semaphore_mem>>, %arg15: memref<!tpu.dma_semaphore, #tpu.memory_space<semaphore_mem>>) attributes {dimension_semantics = [#tpu.dimension_semantics<core_parallel>, #tpu.dimension_semantics<subcore_parallel>], iteration_bounds = array<i64: 2, 16>, scalar_prefetch = 0 : i64, scratch_operands = 12 : i64, tpu.core_type = #tpu.core_type<sc_vector_subcore>, window_params = [{transform_indices = #map}, {transform_indices = #map}]} {
    %mul3A = arith.constant 640 : i32
    %mul3A_0 = arith.muli %arg1, %mul3A : i32
    %broadcast_in_dim3A = arith.constant 1.000000e+00 : f32
    %broadcast_in_dim3A_1 = vector.broadcast %broadcast_in_dim3A : f32 to vector<16xf32>
    %scan3A = arith.constant 0 : i32
    %scan3A_2 = arith.constant 0 : i32
    %scan3A_3 = arith.constant 8 : i32
    %scan3A_4 = arith.addi %scan3A_2, %scan3A_3 : i32
    %scan3A_5 = arith.constant 1 : i32
    scf.for %scan3A_280 = %scan3A_2 to %scan3A_4 step %scan3A_5  : i32 {
      %mul3A_281 = arith.constant 16 : i32
      %mul3A_282 = arith.muli %scan3A_280, %mul3A_281 : i32
      %swap3A = arith.index_cast %mul3A_282 : i32 to index
      %swap3A_283 = tpu.vector_load %arg6[%swap3A] {strides = array<i32>} : memref<128xf32, #tpu.memory_space<vmem>>, vector<16xf32>,
      %swap3A_284 = vector.shape_cast %swap3A_283 : vector<16xf32> to vector<16xf32>
      %swap3A_285 = vector.shape_cast %broadcast_in_dim3A_1 : vector<16xf32> to vector<16xf32>
      tpu.vector_store %arg6[%swap3A], %swap3A_285 {strides = array<i32>} : memref<128xf32, #tpu.memory_space<vmem>>, vector<16xf32>,
    }
    %scan3A_6 = arith.constant 8 : i32
    %broadcast_in_dim3A_7 = arith.constant 0.000000e+00 : f32
    %broadcast_in_dim3A_8 = vector.broadcast %broadcast_in_dim3A_7 : f32 to vector<16xf32>
    %scan3A_9 = arith.constant 0 : i32
    %scan3A_10 = arith.constant 0 : i32
    %scan3A_11 = arith.constant 8 : i32
    %scan3A_12 = arith.addi %scan3A_10, %scan3A_11 : i32
    %scan3A_13 = arith.constant 1 : i32
    scf.for %scan3A_280 = %scan3A_10 to %scan3A_12 step %scan3A_13  : i32 {
      %mul3A_281 = arith.constant 16 : i32
      %mul3A_282 = arith.muli %scan3A_280, %mul3A_281 : i32
      %swap3A = arith.index_cast %mul3A_282 : i32 to index
      %swap3A_283 = tpu.vector_load %arg7[%swap3A] {strides = array<i32>} : memref<128xf32, #tpu.memory_space<vmem>>, vector<16xf32>,
      %swap3A_284 = vector.shape_cast %swap3A_283 : vector<16xf32> to vector<16xf32>
      %swap3A_285 = vector.shape_cast %broadcast_in_dim3A_8 : vector<16xf32> to vector<16xf32>
      tpu.vector_store %arg7[%swap3A], %swap3A_285 {strides = array<i32>} : memref<128xf32, #tpu.memory_space<vmem>>, vector<16xf32>,
    }
    %scan3A_14 = arith.constant 8 : i32
    %add3A = arith.constant 0 : i32
    %add3A_15 = arith.addi %mul3A_0, %add3A : i32
    "tpu.region"() ({
      %run_scoped3A = tpu.sem_alloc : memref<!tpu.dma_semaphore, #tpu.memory_space<semaphore_mem>>
      %dma_start3A_280 = tpu.memref_slice %arg4[%add3A_15] : memref<10240xf32, #tpu.memory_space<vmem_shared>> -> memref<128xf32, #tpu.memory_space<vmem_shared>>
      %dma_start3A_281 = tpu.memref_slice %arg4[%add3A_15] : memref<10240xf32, #tpu.memory_space<vmem_shared>> -> memref<128xf32, #tpu.memory_space<vmem_shared>>
      tpu.enqueue_dma source(%arg7 : memref<128xf32, #tpu.memory_space<vmem>>) target(%dma_start3A_281 : memref<128xf32, #tpu.memory_space<vmem_shared>>) target_semaphore(%run_scoped3A : memref<!tpu.dma_semaphore, #tpu.memory_space<semaphore_mem>>)
      %dma_wait3A_282 = tpu.memref_slice %arg4[%add3A_15] : memref<10240xf32, #tpu.memory_space<vmem_shared>> -> memref<128xf32, #tpu.memory_space<vmem_shared>>
      %dma_wait3A_283 = tpu.memref_slice %arg4[%add3A_15] : memref<10240xf32, #tpu.memory_space<vmem_shared>> -> memref<128xf32, #tpu.memory_space<vmem_shared>>
      tpu.wait_dma2 semaphore(%run_scoped3A : memref<!tpu.dma_semaphore, #tpu.memory_space<semaphore_mem>>) src(%arg7 : memref<128xf32, #tpu.memory_space<vmem>>) dst(%dma_wait3A_283 : memref<128xf32, #tpu.memory_space<vmem_shared>>)
      tpu.yield
    }) : () -> ()
    %add3A_16 = arith.constant 128 : i32
    %add3A_17 = arith.addi %mul3A_0, %add3A_16 : i32
    "tpu.region"() ({
      %run_scoped3A = tpu.sem_alloc : memref<!tpu.dma_semaphore, #tpu.memory_space<semaphore_mem>>
      %dma_start3A_280 = tpu.memref_slice %arg4[%add3A_17] : memref<10240xf32, #tpu.memory_space<vmem_shared>> -> memref<128xf32, #tpu.memory_space<vmem_shared>>
      %dma_start3A_281 = tpu.memref_slice %arg4[%add3A_17] : memref<10240xf32, #tpu.memory_space<vmem_shared>> -> memref<128xf32, #tpu.memory_space<vmem_shared>>
      tpu.enqueue_dma source(%arg7 : memref<128xf32, #tpu.memory_space<vmem>>) target(%dma_start3A_281 : memref<128xf32, #tpu.memory_space<vmem_shared>>) target_semaphore(%run_scoped3A : memref<!tpu.dma_semaphore, #tpu.memory_space<semaphore_mem>>)
      %dma_wait3A_282 = tpu.memref_slice %arg4[%add3A_17] : memref<10240xf32, #tpu.memory_space<vmem_shared>> -> memref<128xf32, #tpu.memory_space<vmem_shared>>
      %dma_wait3A_283 = tpu.memref_slice %arg4[%add3A_17] : memref<10240xf32, #tpu.memory_space<vmem_shared>> -> memref<128xf32, #tpu.memory_space<vmem_shared>>
      tpu.wait_dma2 semaphore(%run_scoped3A : memref<!tpu.dma_semaphore, #tpu.memory_space<semaphore_mem>>) src(%arg7 : memref<128xf32, #tpu.memory_space<vmem>>) dst(%dma_wait3A_283 : memref<128xf32, #tpu.memory_space<vmem_shared>>)
      tpu.yield
    }) : () -> ()
    %add3A_18 = arith.constant 256 : i32
    %add3A_19 = arith.addi %mul3A_0, %add3A_18 : i32
    "tpu.region"() ({
      %run_scoped3A = tpu.sem_alloc : memref<!tpu.dma_semaphore, #tpu.memory_space<semaphore_mem>>
      %dma_start3A_280 = tpu.memref_slice %arg4[%add3A_19] : memref<10240xf32, #tpu.memory_space<vmem_shared>> -> memref<128xf32, #tpu.memory_space<vmem_shared>>
      %dma_start3A_281 = tpu.memref_slice %arg4[%add3A_19] : memref<10240xf32, #tpu.memory_space<vmem_shared>> -> memref<128xf32, #tpu.memory_space<vmem_shared>>
      tpu.enqueue_dma source(%arg7 : memref<128xf32, #tpu.memory_space<vmem>>) target(%dma_start3A_281 : memref<128xf32, #tpu.memory_space<vmem_shared>>) target_semaphore(%run_scoped3A : memref<!tpu.dma_semaphore, #tpu.memory_space<semaphore_mem>>)
      %dma_wait3A_282 = tpu.memref_slice %arg4[%add3A_19] : memref<10240xf32, #tpu.memory_space<vmem_shared>> -> memref<128xf32, #tpu.memory_space<vmem_shared>>
      %dma_wait3A_283 = tpu.memref_slice %arg4[%add3A_19] : memref<10240xf32, #tpu.memory_space<vmem_shared>> -> memref<128xf32, #tpu.memory_space<vmem_shared>>
      tpu.wait_dma2 semaphore(%run_scoped3A : memref<!tpu.dma_semaphore, #tpu.memory_space<semaphore_mem>>) src(%arg7 : memref<128xf32, #tpu.memory_space<vmem>>) dst(%dma_wait3A_283 : memref<128xf32, #tpu.memory_space<vmem_shared>>)
      tpu.yield
    }) : () -> ()
    %add3A_20 = arith.constant 384 : i32
    %add3A_21 = arith.addi %mul3A_0, %add3A_20 : i32
    "tpu.region"() ({
      %run_scoped3A = tpu.sem_alloc : memref<!tpu.dma_semaphore, #tpu.memory_space<semaphore_mem>>
      %dma_start3A_280 = tpu.memref_slice %arg4[%add3A_21] : memref<10240xf32, #tpu.memory_space<vmem_shared>> -> memref<128xf32, #tpu.memory_space<vmem_shared>>
      %dma_start3A_281 = tpu.memref_slice %arg4[%add3A_21] : memref<10240xf32, #tpu.memory_space<vmem_shared>> -> memref<128xf32, #tpu.memory_space<vmem_shared>>
      tpu.enqueue_dma source(%arg7 : memref<128xf32, #tpu.memory_space<vmem>>) target(%dma_start3A_281 : memref<128xf32, #tpu.memory_space<vmem_shared>>) target_semaphore(%run_scoped3A : memref<!tpu.dma_semaphore, #tpu.memory_space<semaphore_mem>>)
      %dma_wait3A_282 = tpu.memref_slice %arg4[%add3A_21] : memref<10240xf32, #tpu.memory_space<vmem_shared>> -> memref<128xf32, #tpu.memory_space<vmem_shared>>
      %dma_wait3A_283 = tpu.memref_slice %arg4[%add3A_21] : memref<10240xf32, #tpu.memory_space<vmem_shared>> -> memref<128xf32, #tpu.memory_space<vmem_shared>>
      tpu.wait_dma2 semaphore(%run_scoped3A : memref<!tpu.dma_semaphore, #tpu.memory_space<semaphore_mem>>) src(%arg7 : memref<128xf32, #tpu.memory_space<vmem>>) dst(%dma_wait3A_283 : memref<128xf32, #tpu.memory_space<vmem_shared>>)
      tpu.yield
    }) : () -> ()
    %add3A_22 = arith.constant 512 : i32
    %add3A_23 = arith.addi %mul3A_0, %add3A_22 : i32
    "tpu.region"() ({
      %run_scoped3A = tpu.sem_alloc : memref<!tpu.dma_semaphore, #tpu.memory_space<semaphore_mem>>
      %dma_start3A_280 = tpu.memref_slice %arg4[%add3A_23] : memref<10240xf32, #tpu.memory_space<vmem_shared>> -> memref<128xf32, #tpu.memory_space<vmem_shared>>
      %dma_start3A_281 = tpu.memref_slice %arg4[%add3A_23] : memref<10240xf32, #tpu.memory_space<vmem_shared>> -> memref<128xf32, #tpu.memory_space<vmem_shared>>
      tpu.enqueue_dma source(%arg7 : memref<128xf32, #tpu.memory_space<vmem>>) target(%dma_start3A_281 : memref<128xf32, #tpu.memory_space<vmem_shared>>) target_semaphore(%run_scoped3A : memref<!tpu.dma_semaphore, #tpu.memory_space<semaphore_mem>>)
      %dma_wait3A_282 = tpu.memref_slice %arg4[%add3A_23] : memref<10240xf32, #tpu.memory_space<vmem_shared>> -> memref<128xf32, #tpu.memory_space<vmem_shared>>
      %dma_wait3A_283 = tpu.memref_slice %arg4[%add3A_23] : memref<10240xf32, #tpu.memory_space<vmem_shared>> -> memref<128xf32, #tpu.memory_space<vmem_shared>>
      tpu.wait_dma2 semaphore(%run_scoped3A : memref<!tpu.dma_semaphore, #tpu.memory_space<semaphore_mem>>) src(%arg7 : memref<128xf32, #tpu.memory_space<vmem>>) dst(%dma_wait3A_283 : memref<128xf32, #tpu.memory_space<vmem_shared>>)
      tpu.yield
    }) : () -> ()
    %barrier3A = arith.constant 0 : index
    tpu.barrier barrier_id(%barrier3A)
    %mul3A_24 = arith.constant 16 : i32
    %mul3A_25 = arith.muli %arg0, %mul3A_24 : i32
    %add3A_26 = arith.addi %mul3A_25, %arg1 : i32
    %mul3A_27 = arith.constant 78 : i32
    %mul3A_28 = arith.muli %add3A_26, %mul3A_27 : i32
    %add3A_29 = arith.constant 0 : i32
    %add3A_30 = arith.addi %mul3A_28, %add3A_29 : i32
    %mul3A_31 = arith.constant 128 : i32
    %mul3A_32 = arith.muli %add3A_30, %mul3A_31 : i32
    %dma_start3A = arith.constant 1 : i32
    %dma_start3A_33 = arith.constant 0 : i32
    %dma_start3A_34 = arith.constant 0 : i32
    %dma_start3A_35 = tpu.memref_slice %arg5[%dma_start3A_33, %dma_start3A_34] : memref<4x128xi32, #tpu.memory_space<vmem>> -> memref<1x128xi32, #tpu.memory_space<vmem>>
    %dma_start3A_36 = tpu.memref_squeeze %dma_start3A_35 : memref<1x128xi32, #tpu.memory_space<vmem>> -> memref<128xi32, #tpu.memory_space<vmem>>
    %dma_start3A_37 = tpu.memref_slice %arg2[%dma_start3A, %mul3A_32] : memref<2x320000xi32, #tpu.memory_space<hbm>> -> memref<1x128xi32, #tpu.memory_space<hbm>>
    %dma_start3A_38 = tpu.memref_squeeze %dma_start3A_37 : memref<1x128xi32, #tpu.memory_space<hbm>> -> memref<128xi32, #tpu.memory_space<hbm>>
    %dma_start3A_39 = arith.constant 0 : i32
    %dma_start3A_40 = tpu.memref_slice %arg5[%dma_start3A_33, %dma_start3A_39] : memref<4x128xi32, #tpu.memory_space<vmem>> -> memref<1x128xi32, #tpu.memory_space<vmem>>
    %dma_start3A_41 = tpu.memref_squeeze %dma_start3A_40 : memref<1x128xi32, #tpu.memory_space<vmem>> -> memref<128xi32, #tpu.memory_space<vmem>>
    %dma_start3A_42 = tpu.memref_slice %arg2[%dma_start3A, %mul3A_32] : memref<2x320000xi32, #tpu.memory_space<hbm>> -> memref<1x128xi32, #tpu.memory_space<hbm>>
    %dma_start3A_43 = tpu.memref_squeeze %dma_start3A_42 : memref<1x128xi32, #tpu.memory_space<hbm>> -> memref<128xi32, #tpu.memory_space<hbm>>
    tpu.enqueue_dma source(%dma_start3A_43 : memref<128xi32, #tpu.memory_space<hbm>>) target(%dma_start3A_41 : memref<128xi32, #tpu.memory_space<vmem>>) target_semaphore(%arg8 : memref<!tpu.dma_semaphore, #tpu.memory_space<semaphore_mem>>)
    %add3A_44 = arith.constant 1 : i32
    %add3A_45 = arith.addi %mul3A_28, %add3A_44 : i32
    %mul3A_46 = arith.constant 128 : i32
    %mul3A_47 = arith.muli %add3A_45, %mul3A_46 : i32
    %dma_start3A_48 = arith.constant 1 : i32
    %dma_start3A_49 = arith.constant 1 : i32
    %dma_start3A_50 = arith.constant 0 : i32
    %dma_start3A_51 = tpu.memref_slice %arg5[%dma_start3A_49, %dma_start3A_50] : memref<4x128xi32, #tpu.memory_space<vmem>> -> memref<1x128xi32, #tpu.memory_space<vmem>>
    %dma_start3A_52 = tpu.memref_squeeze %dma_start3A_51 : memref<1x128xi32, #tpu.memory_space<vmem>> -> memref<128xi32, #tpu.memory_space<vmem>>
    %dma_start3A_53 = tpu.memref_slice %arg2[%dma_start3A_48, %mul3A_47] : memref<2x320000xi32, #tpu.memory_space<hbm>> -> memref<1x128xi32, #tpu.memory_space<hbm>>
    %dma_start3A_54 = tpu.memref_squeeze %dma_start3A_53 : memref<1x128xi32, #tpu.memory_space<hbm>> -> memref<128xi32, #tpu.memory_space<hbm>>
    %dma_start3A_55 = arith.constant 0 : i32
    %dma_start3A_56 = tpu.memref_slice %arg5[%dma_start3A_49, %dma_start3A_55] : memref<4x128xi32, #tpu.memory_space<vmem>> -> memref<1x128xi32, #tpu.memory_space<vmem>>
    %dma_start3A_57 = tpu.memref_squeeze %dma_start3A_56 : memref<1x128xi32, #tpu.memory_space<vmem>> -> memref<128xi32, #tpu.memory_space<vmem>>
    %dma_start3A_58 = tpu.memref_slice %arg2[%dma_start3A_48, %mul3A_47] : memref<2x320000xi32, #tpu.memory_space<hbm>> -> memref<1x128xi32, #tpu.memory_space<hbm>>
    %dma_start3A_59 = tpu.memref_squeeze %dma_start3A_58 : memref<1x128xi32, #tpu.memory_space<hbm>> -> memref<128xi32, #tpu.memory_space<hbm>>
    tpu.enqueue_dma source(%dma_start3A_59 : memref<128xi32, #tpu.memory_space<hbm>>) target(%dma_start3A_57 : memref<128xi32, #tpu.memory_space<vmem>>) target_semaphore(%arg9 : memref<!tpu.dma_semaphore, #tpu.memory_space<semaphore_mem>>)
    %add3A_60 = arith.constant 2 : i32
    %add3A_61 = arith.addi %mul3A_28, %add3A_60 : i32
    %mul3A_62 = arith.constant 128 : i32
    %mul3A_63 = arith.muli %add3A_61, %mul3A_62 : i32
    %dma_start3A_64 = arith.constant 1 : i32
    %dma_start3A_65 = arith.constant 2 : i32
    %dma_start3A_66 = arith.constant 0 : i32
    %dma_start3A_67 = tpu.memref_slice %arg5[%dma_start3A_65, %dma_start3A_66] : memref<4x128xi32, #tpu.memory_space<vmem>> -> memref<1x128xi32, #tpu.memory_space<vmem>>
    %dma_start3A_68 = tpu.memref_squeeze %dma_start3A_67 : memref<1x128xi32, #tpu.memory_space<vmem>> -> memref<128xi32, #tpu.memory_space<vmem>>
    %dma_start3A_69 = tpu.memref_slice %arg2[%dma_start3A_64, %mul3A_63] : memref<2x320000xi32, #tpu.memory_space<hbm>> -> memref<1x128xi32, #tpu.memory_space<hbm>>
    %dma_start3A_70 = tpu.memref_squeeze %dma_start3A_69 : memref<1x128xi32, #tpu.memory_space<hbm>> -> memref<128xi32, #tpu.memory_space<hbm>>
    %dma_start3A_71 = arith.constant 0 : i32
    %dma_start3A_72 = tpu.memref_slice %arg5[%dma_start3A_65, %dma_start3A_71] : memref<4x128xi32, #tpu.memory_space<vmem>> -> memref<1x128xi32, #tpu.memory_space<vmem>>
    %dma_start3A_73 = tpu.memref_squeeze %dma_start3A_72 : memref<1x128xi32, #tpu.memory_space<vmem>> -> memref<128xi32, #tpu.memory_space<vmem>>
    %dma_start3A_74 = tpu.memref_slice %arg2[%dma_start3A_64, %mul3A_63] : memref<2x320000xi32, #tpu.memory_space<hbm>> -> memref<1x128xi32, #tpu.memory_space<hbm>>
    %dma_start3A_75 = tpu.memref_squeeze %dma_start3A_74 : memref<1x128xi32, #tpu.memory_space<hbm>> -> memref<128xi32, #tpu.memory_space<hbm>>
    tpu.enqueue_dma source(%dma_start3A_75 : memref<128xi32, #tpu.memory_space<hbm>>) target(%dma_start3A_73 : memref<128xi32, #tpu.memory_space<vmem>>) target_semaphore(%arg10 : memref<!tpu.dma_semaphore, #tpu.memory_space<semaphore_mem>>)
    %add3A_76 = arith.constant 3 : i32
    %add3A_77 = arith.addi %mul3A_28, %add3A_76 : i32
    %mul3A_78 = arith.constant 128 : i32
    %mul3A_79 = arith.muli %add3A_77, %mul3A_78 : i32
    %dma_start3A_80 = arith.constant 1 : i32
    %dma_start3A_81 = arith.constant 3 : i32
    %dma_start3A_82 = arith.constant 0 : i32
    %dma_start3A_83 = tpu.memref_slice %arg5[%dma_start3A_81, %dma_start3A_82] : memref<4x128xi32, #tpu.memory_space<vmem>> -> memref<1x128xi32, #tpu.memory_space<vmem>>
    %dma_start3A_84 = tpu.memref_squeeze %dma_start3A_83 : memref<1x128xi32, #tpu.memory_space<vmem>> -> memref<128xi32, #tpu.memory_space<vmem>>
    %dma_start3A_85 = tpu.memref_slice %arg2[%dma_start3A_80, %mul3A_79] : memref<2x320000xi32, #tpu.memory_space<hbm>> -> memref<1x128xi32, #tpu.memory_space<hbm>>
    %dma_start3A_86 = tpu.memref_squeeze %dma_start3A_85 : memref<1x128xi32, #tpu.memory_space<hbm>> -> memref<128xi32, #tpu.memory_space<hbm>>
    %dma_start3A_87 = arith.constant 0 : i32
    %dma_start3A_88 = tpu.memref_slice %arg5[%dma_start3A_81, %dma_start3A_87] : memref<4x128xi32, #tpu.memory_space<vmem>> -> memref<1x128xi32, #tpu.memory_space<vmem>>
    %dma_start3A_89 = tpu.memref_squeeze %dma_start3A_88 : memref<1x128xi32, #tpu.memory_space<vmem>> -> memref<128xi32, #tpu.memory_space<vmem>>
    %dma_start3A_90 = tpu.memref_slice %arg2[%dma_start3A_80, %mul3A_79] : memref<2x320000xi32, #tpu.memory_space<hbm>> -> memref<1x128xi32, #tpu.memory_space<hbm>>
    %dma_start3A_91 = tpu.memref_squeeze %dma_start3A_90 : memref<1x128xi32, #tpu.memory_space<hbm>> -> memref<128xi32, #tpu.memory_space<hbm>>
    tpu.enqueue_dma source(%dma_start3A_91 : memref<128xi32, #tpu.memory_space<hbm>>) target(%dma_start3A_89 : memref<128xi32, #tpu.memory_space<vmem>>) target_semaphore(%arg11 : memref<!tpu.dma_semaphore, #tpu.memory_space<semaphore_mem>>)
    %dma_wait3A = arith.constant 1 : i32
    %dma_wait3A_92 = arith.constant 0 : i32
    %dma_wait3A_93 = arith.constant 0 : i32
    %dma_wait3A_94 = tpu.memref_slice %arg5[%dma_wait3A_92, %dma_wait3A_93] : memref<4x128xi32, #tpu.memory_space<vmem>> -> memref<1x128xi32, #tpu.memory_space<vmem>>
    %dma_wait3A_95 = tpu.memref_squeeze %dma_wait3A_94 : memref<1x128xi32, #tpu.memory_space<vmem>> -> memref<128xi32, #tpu.memory_space<vmem>>
    %dma_wait3A_96 = tpu.memref_slice %arg2[%dma_wait3A, %mul3A_32] : memref<2x320000xi32, #tpu.memory_space<hbm>> -> memref<1x128xi32, #tpu.memory_space<hbm>>
    %dma_wait3A_97 = tpu.memref_squeeze %dma_wait3A_96 : memref<1x128xi32, #tpu.memory_space<hbm>> -> memref<128xi32, #tpu.memory_space<hbm>>
    %dma_wait3A_98 = arith.constant 0 : i32
    %dma_wait3A_99 = tpu.memref_slice %arg5[%dma_wait3A_92, %dma_wait3A_98] : memref<4x128xi32, #tpu.memory_space<vmem>> -> memref<1x128xi32, #tpu.memory_space<vmem>>
    %dma_wait3A_100 = tpu.memref_squeeze %dma_wait3A_99 : memref<1x128xi32, #tpu.memory_space<vmem>> -> memref<128xi32, #tpu.memory_space<vmem>>
    %dma_wait3A_101 = tpu.memref_slice %arg2[%dma_wait3A, %mul3A_32] : memref<2x320000xi32, #tpu.memory_space<hbm>> -> memref<1x128xi32, #tpu.memory_space<hbm>>
    %dma_wait3A_102 = tpu.memref_squeeze %dma_wait3A_101 : memref<1x128xi32, #tpu.memory_space<hbm>> -> memref<128xi32, #tpu.memory_space<hbm>>
    tpu.wait_dma2 semaphore(%arg8 : memref<!tpu.dma_semaphore, #tpu.memory_space<semaphore_mem>>) src(%dma_wait3A_102 : memref<128xi32, #tpu.memory_space<hbm>>) dst(%dma_wait3A_100 : memref<128xi32, #tpu.memory_space<vmem>>)
    %dma_start3A_103 = arith.constant 0 : i32
    %dma_start3A_104 = arith.constant 0 : i32
    %dma_start3A_105 = tpu.memref_slice %arg5[%dma_start3A_103, %dma_start3A_104] : memref<4x128xi32, #tpu.memory_space<vmem>> -> memref<1x128xi32, #tpu.memory_space<vmem>>
    %dma_start3A_106 = tpu.memref_squeeze %dma_start3A_105 : memref<1x128xi32, #tpu.memory_space<vmem>> -> memref<128xi32, #tpu.memory_space<vmem>>
    %dma_start3A_107 = arith.constant 0 : i32
    %dma_start3A_108 = tpu.memref_slice %arg4[%dma_start3A_107] : memref<10240xf32, #tpu.memory_space<vmem_shared>> -> memref<10240xf32, #tpu.memory_space<vmem_shared>>
    tpu.enqueue_indirect_dma source(%arg6 : memref<128xf32, #tpu.memory_space<vmem>>) target(%dma_start3A_108 : memref<10240xf32, #tpu.memory_space<vmem_shared>>) offsets(%dma_start3A_106 : memref<128xi32, #tpu.memory_space<vmem>>) semaphore(%arg12 : memref<!tpu.dma_semaphore, #tpu.memory_space<semaphore_mem>>) {add = true}
    %dma_wait3A_109 = arith.constant 1 : i32
    %dma_wait3A_110 = arith.constant 1 : i32
    %dma_wait3A_111 = arith.constant 0 : i32
    %dma_wait3A_112 = tpu.memref_slice %arg5[%dma_wait3A_110, %dma_wait3A_111] : memref<4x128xi32, #tpu.memory_space<vmem>> -> memref<1x128xi32, #tpu.memory_space<vmem>>
    %dma_wait3A_113 = tpu.memref_squeeze %dma_wait3A_112 : memref<1x128xi32, #tpu.memory_space<vmem>> -> memref<128xi32, #tpu.memory_space<vmem>>
    %dma_wait3A_114 = tpu.memref_slice %arg2[%dma_wait3A_109, %mul3A_47] : memref<2x320000xi32, #tpu.memory_space<hbm>> -> memref<1x128xi32, #tpu.memory_space<hbm>>
    %dma_wait3A_115 = tpu.memref_squeeze %dma_wait3A_114 : memref<1x128xi32, #tpu.memory_space<hbm>> -> memref<128xi32, #tpu.memory_space<hbm>>
    %dma_wait3A_116 = arith.constant 0 : i32
    %dma_wait3A_117 = tpu.memref_slice %arg5[%dma_wait3A_110, %dma_wait3A_116] : memref<4x128xi32, #tpu.memory_space<vmem>> -> memref<1x128xi32, #tpu.memory_space<vmem>>
    %dma_wait3A_118 = tpu.memref_squeeze %dma_wait3A_117 : memref<1x128xi32, #tpu.memory_space<vmem>> -> memref<128xi32, #tpu.memory_space<vmem>>
    %dma_wait3A_119 = tpu.memref_slice %arg2[%dma_wait3A_109, %mul3A_47] : memref<2x320000xi32, #tpu.memory_space<hbm>> -> memref<1x128xi32, #tpu.memory_space<hbm>>
    %dma_wait3A_120 = tpu.memref_squeeze %dma_wait3A_119 : memref<1x128xi32, #tpu.memory_space<hbm>> -> memref<128xi32, #tpu.memory_space<hbm>>
    tpu.wait_dma2 semaphore(%arg9 : memref<!tpu.dma_semaphore, #tpu.memory_space<semaphore_mem>>) src(%dma_wait3A_120 : memref<128xi32, #tpu.memory_space<hbm>>) dst(%dma_wait3A_118 : memref<128xi32, #tpu.memory_space<vmem>>)
    %dma_start3A_121 = arith.constant 1 : i32
    %dma_start3A_122 = arith.constant 0 : i32
    %dma_start3A_123 = tpu.memref_slice %arg5[%dma_start3A_121, %dma_start3A_122] : memref<4x128xi32, #tpu.memory_space<vmem>> -> memref<1x128xi32, #tpu.memory_space<vmem>>
    %dma_start3A_124 = tpu.memref_squeeze %dma_start3A_123 : memref<1x128xi32, #tpu.memory_space<vmem>> -> memref<128xi32, #tpu.memory_space<vmem>>
    %dma_start3A_125 = arith.constant 0 : i32
    %dma_start3A_126 = tpu.memref_slice %arg4[%dma_start3A_125] : memref<10240xf32, #tpu.memory_space<vmem_shared>> -> memref<10240xf32, #tpu.memory_space<vmem_shared>>
    tpu.enqueue_indirect_dma source(%arg6 : memref<128xf32, #tpu.memory_space<vmem>>) target(%dma_start3A_126 : memref<10240xf32, #tpu.memory_space<vmem_shared>>) offsets(%dma_start3A_124 : memref<128xi32, #tpu.memory_space<vmem>>) semaphore(%arg13 : memref<!tpu.dma_semaphore, #tpu.memory_space<semaphore_mem>>) {add = true}
    %dma_wait3A_127 = arith.constant 1 : i32
    %dma_wait3A_128 = arith.constant 2 : i32
    %dma_wait3A_129 = arith.constant 0 : i32
    %dma_wait3A_130 = tpu.memref_slice %arg5[%dma_wait3A_128, %dma_wait3A_129] : memref<4x128xi32, #tpu.memory_space<vmem>> -> memref<1x128xi32, #tpu.memory_space<vmem>>
    %dma_wait3A_131 = tpu.memref_squeeze %dma_wait3A_130 : memref<1x128xi32, #tpu.memory_space<vmem>> -> memref<128xi32, #tpu.memory_space<vmem>>
    %dma_wait3A_132 = tpu.memref_slice %arg2[%dma_wait3A_127, %mul3A_63] : memref<2x320000xi32, #tpu.memory_space<hbm>> -> memref<1x128xi32, #tpu.memory_space<hbm>>
    %dma_wait3A_133 = tpu.memref_squeeze %dma_wait3A_132 : memref<1x128xi32, #tpu.memory_space<hbm>> -> memref<128xi32, #tpu.memory_space<hbm>>
    %dma_wait3A_134 = arith.constant 0 : i32
    %dma_wait3A_135 = tpu.memref_slice %arg5[%dma_wait3A_128, %dma_wait3A_134] : memref<4x128xi32, #tpu.memory_space<vmem>> -> memref<1x128xi32, #tpu.memory_space<vmem>>
    %dma_wait3A_136 = tpu.memref_squeeze %dma_wait3A_135 : memref<1x128xi32, #tpu.memory_space<vmem>> -> memref<128xi32, #tpu.memory_space<vmem>>
    %dma_wait3A_137 = tpu.memref_slice %arg2[%dma_wait3A_127, %mul3A_63] : memref<2x320000xi32, #tpu.memory_space<hbm>> -> memref<1x128xi32, #tpu.memory_space<hbm>>
    %dma_wait3A_138 = tpu.memref_squeeze %dma_wait3A_137 : memref<1x128xi32, #tpu.memory_space<hbm>> -> memref<128xi32, #tpu.memory_space<hbm>>
    tpu.wait_dma2 semaphore(%arg10 : memref<!tpu.dma_semaphore, #tpu.memory_space<semaphore_mem>>) src(%dma_wait3A_138 : memref<128xi32, #tpu.memory_space<hbm>>) dst(%dma_wait3A_136 : memref<128xi32, #tpu.memory_space<vmem>>)
    %dma_start3A_139 = arith.constant 2 : i32
    %dma_start3A_140 = arith.constant 0 : i32
    %dma_start3A_141 = tpu.memref_slice %arg5[%dma_start3A_139, %dma_start3A_140] : memref<4x128xi32, #tpu.memory_space<vmem>> -> memref<1x128xi32, #tpu.memory_space<vmem>>
    %dma_start3A_142 = tpu.memref_squeeze %dma_start3A_141 : memref<1x128xi32, #tpu.memory_space<vmem>> -> memref<128xi32, #tpu.memory_space<vmem>>
    %dma_start3A_143 = arith.constant 0 : i32
    %dma_start3A_144 = tpu.memref_slice %arg4[%dma_start3A_143] : memref<10240xf32, #tpu.memory_space<vmem_shared>> -> memref<10240xf32, #tpu.memory_space<vmem_shared>>
    tpu.enqueue_indirect_dma source(%arg6 : memref<128xf32, #tpu.memory_space<vmem>>) target(%dma_start3A_144 : memref<10240xf32, #tpu.memory_space<vmem_shared>>) offsets(%dma_start3A_142 : memref<128xi32, #tpu.memory_space<vmem>>) semaphore(%arg14 : memref<!tpu.dma_semaphore, #tpu.memory_space<semaphore_mem>>) {add = true}
    %dma_wait3A_145 = arith.constant 1 : i32
    %dma_wait3A_146 = arith.constant 3 : i32
    %dma_wait3A_147 = arith.constant 0 : i32
    %dma_wait3A_148 = tpu.memref_slice %arg5[%dma_wait3A_146, %dma_wait3A_147] : memref<4x128xi32, #tpu.memory_space<vmem>> -> memref<1x128xi32, #tpu.memory_space<vmem>>
    %dma_wait3A_149 = tpu.memref_squeeze %dma_wait3A_148 : memref<1x128xi32, #tpu.memory_space<vmem>> -> memref<128xi32, #tpu.memory_space<vmem>>
    %dma_wait3A_150 = tpu.memref_slice %arg2[%dma_wait3A_145, %mul3A_79] : memref<2x320000xi32, #tpu.memory_space<hbm>> -> memref<1x128xi32, #tpu.memory_space<hbm>>
    %dma_wait3A_151 = tpu.memref_squeeze %dma_wait3A_150 : memref<1x128xi32, #tpu.memory_space<hbm>> -> memref<128xi32, #tpu.memory_space<hbm>>
    %dma_wait3A_152 = arith.constant 0 : i32
    %dma_wait3A_153 = tpu.memref_slice %arg5[%dma_wait3A_146, %dma_wait3A_152] : memref<4x128xi32, #tpu.memory_space<vmem>> -> memref<1x128xi32, #tpu.memory_space<vmem>>
    %dma_wait3A_154 = tpu.memref_squeeze %dma_wait3A_153 : memref<1x128xi32, #tpu.memory_space<vmem>> -> memref<128xi32, #tpu.memory_space<vmem>>
    %dma_wait3A_155 = tpu.memref_slice %arg2[%dma_wait3A_145, %mul3A_79] : memref<2x320000xi32, #tpu.memory_space<hbm>> -> memref<1x128xi32, #tpu.memory_space<hbm>>
    %dma_wait3A_156 = tpu.memref_squeeze %dma_wait3A_155 : memref<1x128xi32, #tpu.memory_space<hbm>> -> memref<128xi32, #tpu.memory_space<hbm>>
    tpu.wait_dma2 semaphore(%arg11 : memref<!tpu.dma_semaphore, #tpu.memory_space<semaphore_mem>>) src(%dma_wait3A_156 : memref<128xi32, #tpu.memory_space<hbm>>) dst(%dma_wait3A_154 : memref<128xi32, #tpu.memory_space<vmem>>)
    %dma_start3A_157 = arith.constant 3 : i32
    %dma_start3A_158 = arith.constant 0 : i32
    %dma_start3A_159 = tpu.memref_slice %arg5[%dma_start3A_157, %dma_start3A_158] : memref<4x128xi32, #tpu.memory_space<vmem>> -> memref<1x128xi32, #tpu.memory_space<vmem>>
    %dma_start3A_160 = tpu.memref_squeeze %dma_start3A_159 : memref<1x128xi32, #tpu.memory_space<vmem>> -> memref<128xi32, #tpu.memory_space<vmem>>
    %dma_start3A_161 = arith.constant 0 : i32
    %dma_start3A_162 = tpu.memref_slice %arg4[%dma_start3A_161] : memref<10240xf32, #tpu.memory_space<vmem_shared>> -> memref<10240xf32, #tpu.memory_space<vmem_shared>>
    tpu.enqueue_indirect_dma source(%arg6 : memref<128xf32, #tpu.memory_space<vmem>>) target(%dma_start3A_162 : memref<10240xf32, #tpu.memory_space<vmem_shared>>) offsets(%dma_start3A_160 : memref<128xi32, #tpu.memory_space<vmem>>) semaphore(%arg15 : memref<!tpu.dma_semaphore, #tpu.memory_space<semaphore_mem>>) {add = true}
    %scan3A_163 = arith.constant 0 : i32
    %scan3A_164 = arith.constant 1 : i32
    %scan3A_165 = arith.constant 18 : i32
    %scan3A_166 = arith.addi %scan3A_164, %scan3A_165 : i32
    %scan3A_167 = arith.constant 1 : i32
    scf.for %scan3A_280 = %scan3A_164 to %scan3A_166 step %scan3A_167  : i32 {
      %mul3A_281 = arith.constant 4 : i32
      %mul3A_282 = arith.muli %mul3A_281, %scan3A_280 : i32
      %add3A_283 = arith.addi %mul3A_28, %mul3A_282 : i32
      %dma_wait3A_284 = arith.constant 0 : i32
      %dma_wait3A_285 = arith.constant 0 : i32
      %dma_wait3A_286 = tpu.memref_slice %arg5[%dma_wait3A_284, %dma_wait3A_285] : memref<4x128xi32, #tpu.memory_space<vmem>> -> memref<1x128xi32, #tpu.memory_space<vmem>>
      %dma_wait3A_287 = tpu.memref_squeeze %dma_wait3A_286 : memref<1x128xi32, #tpu.memory_space<vmem>> -> memref<128xi32, #tpu.memory_space<vmem>>
      %dma_wait3A_288 = arith.constant 0 : i32
      %dma_wait3A_289 = tpu.memref_slice %arg4[%dma_wait3A_288] : memref<10240xf32, #tpu.memory_space<vmem_shared>> -> memref<10240xf32, #tpu.memory_space<vmem_shared>>
      tpu.wait_indirect_dma semaphore(%arg12 : memref<!tpu.dma_semaphore, #tpu.memory_space<semaphore_mem>>) src(%arg6 : memref<128xf32, #tpu.memory_space<vmem>>) dst(%dma_wait3A_289 : memref<10240xf32, #tpu.memory_space<vmem_shared>>)
      %add3A_290 = arith.constant 0 : i32
      %add3A_291 = arith.addi %add3A_283, %add3A_290 : i32
      %mul3A_292 = arith.constant 128 : i32
      %mul3A_293 = arith.muli %add3A_291, %mul3A_292 : i32
      %dma_start3A_294 = arith.constant 1 : i32
      %dma_start3A_295 = arith.constant 0 : i32
      %dma_start3A_296 = arith.constant 0 : i32
      %dma_start3A_297 = tpu.memref_slice %arg5[%dma_start3A_295, %dma_start3A_296] : memref<4x128xi32, #tpu.memory_space<vmem>> -> memref<1x128xi32, #tpu.memory_space<vmem>>
      %dma_start3A_298 = tpu.memref_squeeze %dma_start3A_297 : memref<1x128xi32, #tpu.memory_space<vmem>> -> memref<128xi32, #tpu.memory_space<vmem>>
      %dma_start3A_299 = tpu.memref_slice %arg2[%dma_start3A_294, %mul3A_293] : memref<2x320000xi32, #tpu.memory_space<hbm>> -> memref<1x128xi32, #tpu.memory_space<hbm>>
      %dma_start3A_300 = tpu.memref_squeeze %dma_start3A_299 : memref<1x128xi32, #tpu.memory_space<hbm>> -> memref<128xi32, #tpu.memory_space<hbm>>
      %dma_start3A_301 = arith.constant 0 : i32
      %dma_start3A_302 = tpu.memref_slice %arg5[%dma_start3A_295, %dma_start3A_301] : memref<4x128xi32, #tpu.memory_space<vmem>> -> memref<1x128xi32, #tpu.memory_space<vmem>>
      %dma_start3A_303 = tpu.memref_squeeze %dma_start3A_302 : memref<1x128xi32, #tpu.memory_space<vmem>> -> memref<128xi32, #tpu.memory_space<vmem>>
      %dma_start3A_304 = tpu.memref_slice %arg2[%dma_start3A_294, %mul3A_293] : memref<2x320000xi32, #tpu.memory_space<hbm>> -> memref<1x128xi32, #tpu.memory_space<hbm>>
      %dma_start3A_305 = tpu.memref_squeeze %dma_start3A_304 : memref<1x128xi32, #tpu.memory_space<hbm>> -> memref<128xi32, #tpu.memory_space<hbm>>
      tpu.enqueue_dma source(%dma_start3A_305 : memref<128xi32, #tpu.memory_space<hbm>>) target(%dma_start3A_303 : memref<128xi32, #tpu.memory_space<vmem>>) target_semaphore(%arg8 : memref<!tpu.dma_semaphore, #tpu.memory_space<semaphore_mem>>)
      %dma_wait3A_306 = arith.constant 1 : i32
      %dma_wait3A_307 = arith.constant 0 : i32
      %dma_wait3A_308 = tpu.memref_slice %arg5[%dma_wait3A_306, %dma_wait3A_307] : memref<4x128xi32, #tpu.memory_space<vmem>> -> memref<1x128xi32, #tpu.memory_space<vmem>>
      %dma_wait3A_309 = tpu.memref_squeeze %dma_wait3A_308 : memref<1x128xi32, #tpu.memory_space<vmem>> -> memref<128xi32, #tpu.memory_space<vmem>>
      %dma_wait3A_310 = arith.constant 0 : i32
      %dma_wait3A_311 = tpu.memref_slice %arg4[%dma_wait3A_310] : memref<10240xf32, #tpu.memory_space<vmem_shared>> -> memref<10240xf32, #tpu.memory_space<vmem_shared>>
      tpu.wait_indirect_dma semaphore(%arg13 : memref<!tpu.dma_semaphore, #tpu.memory_space<semaphore_mem>>) src(%arg6 : memref<128xf32, #tpu.memory_space<vmem>>) dst(%dma_wait3A_311 : memref<10240xf32, #tpu.memory_space<vmem_shared>>)
      %add3A_312 = arith.constant 1 : i32
      %add3A_313 = arith.addi %add3A_283, %add3A_312 : i32
      %mul3A_314 = arith.constant 128 : i32
      %mul3A_315 = arith.muli %add3A_313, %mul3A_314 : i32
      %dma_start3A_316 = arith.constant 1 : i32
      %dma_start3A_317 = arith.constant 1 : i32
      %dma_start3A_318 = arith.constant 0 : i32
      %dma_start3A_319 = tpu.memref_slice %arg5[%dma_start3A_317, %dma_start3A_318] : memref<4x128xi32, #tpu.memory_space<vmem>> -> memref<1x128xi32, #tpu.memory_space<vmem>>
      %dma_start3A_320 = tpu.memref_squeeze %dma_start3A_319 : memref<1x128xi32, #tpu.memory_space<vmem>> -> memref<128xi32, #tpu.memory_space<vmem>>
      %dma_start3A_321 = tpu.memref_slice %arg2[%dma_start3A_316, %mul3A_315] : memref<2x320000xi32, #tpu.memory_space<hbm>> -> memref<1x128xi32, #tpu.memory_space<hbm>>
      %dma_start3A_322 = tpu.memref_squeeze %dma_start3A_321 : memref<1x128xi32, #tpu.memory_space<hbm>> -> memref<128xi32, #tpu.memory_space<hbm>>
      %dma_start3A_323 = arith.constant 0 : i32
      %dma_start3A_324 = tpu.memref_slice %arg5[%dma_start3A_317, %dma_start3A_323] : memref<4x128xi32, #tpu.memory_space<vmem>> -> memref<1x128xi32, #tpu.memory_space<vmem>>
      %dma_start3A_325 = tpu.memref_squeeze %dma_start3A_324 : memref<1x128xi32, #tpu.memory_space<vmem>> -> memref<128xi32, #tpu.memory_space<vmem>>
      %dma_start3A_326 = tpu.memref_slice %arg2[%dma_start3A_316, %mul3A_315] : memref<2x320000xi32, #tpu.memory_space<hbm>> -> memref<1x128xi32, #tpu.memory_space<hbm>>
      %dma_start3A_327 = tpu.memref_squeeze %dma_start3A_326 : memref<1x128xi32, #tpu.memory_space<hbm>> -> memref<128xi32, #tpu.memory_space<hbm>>
      tpu.enqueue_dma source(%dma_start3A_327 : memref<128xi32, #tpu.memory_space<hbm>>) target(%dma_start3A_325 : memref<128xi32, #tpu.memory_space<vmem>>) target_semaphore(%arg9 : memref<!tpu.dma_semaphore, #tpu.memory_space<semaphore_mem>>)
      %dma_wait3A_328 = arith.constant 2 : i32
      %dma_wait3A_329 = arith.constant 0 : i32
      %dma_wait3A_330 = tpu.memref_slice %arg5[%dma_wait3A_328, %dma_wait3A_329] : memref<4x128xi32, #tpu.memory_space<vmem>> -> memref<1x128xi32, #tpu.memory_space<vmem>>
      %dma_wait3A_331 = tpu.memref_squeeze %dma_wait3A_330 : memref<1x128xi32, #tpu.memory_space<vmem>> -> memref<128xi32, #tpu.memory_space<vmem>>
      %dma_wait3A_332 = arith.constant 0 : i32
      %dma_wait3A_333 = tpu.memref_slice %arg4[%dma_wait3A_332] : memref<10240xf32, #tpu.memory_space<vmem_shared>> -> memref<10240xf32, #tpu.memory_space<vmem_shared>>
      tpu.wait_indirect_dma semaphore(%arg14 : memref<!tpu.dma_semaphore, #tpu.memory_space<semaphore_mem>>) src(%arg6 : memref<128xf32, #tpu.memory_space<vmem>>) dst(%dma_wait3A_333 : memref<10240xf32, #tpu.memory_space<vmem_shared>>)
      %add3A_334 = arith.constant 2 : i32
      %add3A_335 = arith.addi %add3A_283, %add3A_334 : i32
      %mul3A_336 = arith.constant 128 : i32
      %mul3A_337 = arith.muli %add3A_335, %mul3A_336 : i32
      %dma_start3A_338 = arith.constant 1 : i32
      %dma_start3A_339 = arith.constant 2 : i32
      %dma_start3A_340 = arith.constant 0 : i32
      %dma_start3A_341 = tpu.memref_slice %arg5[%dma_start3A_339, %dma_start3A_340] : memref<4x128xi32, #tpu.memory_space<vmem>> -> memref<1x128xi32, #tpu.memory_space<vmem>>
      %dma_start3A_342 = tpu.memref_squeeze %dma_start3A_341 : memref<1x128xi32, #tpu.memory_space<vmem>> -> memref<128xi32, #tpu.memory_space<vmem>>
      %dma_start3A_343 = tpu.memref_slice %arg2[%dma_start3A_338, %mul3A_337] : memref<2x320000xi32, #tpu.memory_space<hbm>> -> memref<1x128xi32, #tpu.memory_space<hbm>>
      %dma_start3A_344 = tpu.memref_squeeze %dma_start3A_343 : memref<1x128xi32, #tpu.memory_space<hbm>> -> memref<128xi32, #tpu.memory_space<hbm>>
      %dma_start3A_345 = arith.constant 0 : i32
      %dma_start3A_346 = tpu.memref_slice %arg5[%dma_start3A_339, %dma_start3A_345] : memref<4x128xi32, #tpu.memory_space<vmem>> -> memref<1x128xi32, #tpu.memory_space<vmem>>
      %dma_start3A_347 = tpu.memref_squeeze %dma_start3A_346 : memref<1x128xi32, #tpu.memory_space<vmem>> -> memref<128xi32, #tpu.memory_space<vmem>>
      %dma_start3A_348 = tpu.memref_slice %arg2[%dma_start3A_338, %mul3A_337] : memref<2x320000xi32, #tpu.memory_space<hbm>> -> memref<1x128xi32, #tpu.memory_space<hbm>>
      %dma_start3A_349 = tpu.memref_squeeze %dma_start3A_348 : memref<1x128xi32, #tpu.memory_space<hbm>> -> memref<128xi32, #tpu.memory_space<hbm>>
      tpu.enqueue_dma source(%dma_start3A_349 : memref<128xi32, #tpu.memory_space<hbm>>) target(%dma_start3A_347 : memref<128xi32, #tpu.memory_space<vmem>>) target_semaphore(%arg10 : memref<!tpu.dma_semaphore, #tpu.memory_space<semaphore_mem>>)
      %dma_wait3A_350 = arith.constant 3 : i32
      %dma_wait3A_351 = arith.constant 0 : i32
      %dma_wait3A_352 = tpu.memref_slice %arg5[%dma_wait3A_350, %dma_wait3A_351] : memref<4x128xi32, #tpu.memory_space<vmem>> -> memref<1x128xi32, #tpu.memory_space<vmem>>
      %dma_wait3A_353 = tpu.memref_squeeze %dma_wait3A_352 : memref<1x128xi32, #tpu.memory_space<vmem>> -> memref<128xi32, #tpu.memory_space<vmem>>
      %dma_wait3A_354 = arith.constant 0 : i32
      %dma_wait3A_355 = tpu.memref_slice %arg4[%dma_wait3A_354] : memref<10240xf32, #tpu.memory_space<vmem_shared>> -> memref<10240xf32, #tpu.memory_space<vmem_shared>>
      tpu.wait_indirect_dma semaphore(%arg15 : memref<!tpu.dma_semaphore, #tpu.memory_space<semaphore_mem>>) src(%arg6 : memref<128xf32, #tpu.memory_space<vmem>>) dst(%dma_wait3A_355 : memref<10240xf32, #tpu.memory_space<vmem_shared>>)
      %add3A_356 = arith.constant 3 : i32
      %add3A_357 = arith.addi %add3A_283, %add3A_356 : i32
      %mul3A_358 = arith.constant 128 : i32
      %mul3A_359 = arith.muli %add3A_357, %mul3A_358 : i32
      %dma_start3A_360 = arith.constant 1 : i32
      %dma_start3A_361 = arith.constant 3 : i32
      %dma_start3A_362 = arith.constant 0 : i32
      %dma_start3A_363 = tpu.memref_slice %arg5[%dma_start3A_361, %dma_start3A_362] : memref<4x128xi32, #tpu.memory_space<vmem>> -> memref<1x128xi32, #tpu.memory_space<vmem>>
      %dma_start3A_364 = tpu.memref_squeeze %dma_start3A_363 : memref<1x128xi32, #tpu.memory_space<vmem>> -> memref<128xi32, #tpu.memory_space<vmem>>
      %dma_start3A_365 = tpu.memref_slice %arg2[%dma_start3A_360, %mul3A_359] : memref<2x320000xi32, #tpu.memory_space<hbm>> -> memref<1x128xi32, #tpu.memory_space<hbm>>
      %dma_start3A_366 = tpu.memref_squeeze %dma_start3A_365 : memref<1x128xi32, #tpu.memory_space<hbm>> -> memref<128xi32, #tpu.memory_space<hbm>>
      %dma_start3A_367 = arith.constant 0 : i32
      %dma_start3A_368 = tpu.memref_slice %arg5[%dma_start3A_361, %dma_start3A_367] : memref<4x128xi32, #tpu.memory_space<vmem>> -> memref<1x128xi32, #tpu.memory_space<vmem>>
      %dma_start3A_369 = tpu.memref_squeeze %dma_start3A_368 : memref<1x128xi32, #tpu.memory_space<vmem>> -> memref<128xi32, #tpu.memory_space<vmem>>
      %dma_start3A_370 = tpu.memref_slice %arg2[%dma_start3A_360, %mul3A_359] : memref<2x320000xi32, #tpu.memory_space<hbm>> -> memref<1x128xi32, #tpu.memory_space<hbm>>
      %dma_start3A_371 = tpu.memref_squeeze %dma_start3A_370 : memref<1x128xi32, #tpu.memory_space<hbm>> -> memref<128xi32, #tpu.memory_space<hbm>>
      tpu.enqueue_dma source(%dma_start3A_371 : memref<128xi32, #tpu.memory_space<hbm>>) target(%dma_start3A_369 : memref<128xi32, #tpu.memory_space<vmem>>) target_semaphore(%arg11 : memref<!tpu.dma_semaphore, #tpu.memory_space<semaphore_mem>>)
      %dma_wait3A_372 = arith.constant 1 : i32
      %dma_wait3A_373 = arith.constant 0 : i32
      %dma_wait3A_374 = arith.constant 0 : i32
      %dma_wait3A_375 = tpu.memref_slice %arg5[%dma_wait3A_373, %dma_wait3A_374] : memref<4x128xi32, #tpu.memory_space<vmem>> -> memref<1x128xi32, #tpu.memory_space<vmem>>
      %dma_wait3A_376 = tpu.memref_squeeze %dma_wait3A_375 : memref<1x128xi32, #tpu.memory_space<vmem>> -> memref<128xi32, #tpu.memory_space<vmem>>
      %dma_wait3A_377 = tpu.memref_slice %arg2[%dma_wait3A_372, %mul3A_293] : memref<2x320000xi32, #tpu.memory_space<hbm>> -> memref<1x128xi32, #tpu.memory_space<hbm>>
      %dma_wait3A_378 = tpu.memref_squeeze %dma_wait3A_377 : memref<1x128xi32, #tpu.memory_space<hbm>> -> memref<128xi32, #tpu.memory_space<hbm>>
      %dma_wait3A_379 = arith.constant 0 : i32
      %dma_wait3A_380 = tpu.memref_slice %arg5[%dma_wait3A_373, %dma_wait3A_379] : memref<4x128xi32, #tpu.memory_space<vmem>> -> memref<1x128xi32, #tpu.memory_space<vmem>>
      %dma_wait3A_381 = tpu.memref_squeeze %dma_wait3A_380 : memref<1x128xi32, #tpu.memory_space<vmem>> -> memref<128xi32, #tpu.memory_space<vmem>>
      %dma_wait3A_382 = tpu.memref_slice %arg2[%dma_wait3A_372, %mul3A_293] : memref<2x320000xi32, #tpu.memory_space<hbm>> -> memref<1x128xi32, #tpu.memory_space<hbm>>
      %dma_wait3A_383 = tpu.memref_squeeze %dma_wait3A_382 : memref<1x128xi32, #tpu.memory_space<hbm>> -> memref<128xi32, #tpu.memory_space<hbm>>
      tpu.wait_dma2 semaphore(%arg8 : memref<!tpu.dma_semaphore, #tpu.memory_space<semaphore_mem>>) src(%dma_wait3A_383 : memref<128xi32, #tpu.memory_space<hbm>>) dst(%dma_wait3A_381 : memref<128xi32, #tpu.memory_space<vmem>>)
      %dma_start3A_384 = arith.constant 0 : i32
      %dma_start3A_385 = arith.constant 0 : i32
      %dma_start3A_386 = tpu.memref_slice %arg5[%dma_start3A_384, %dma_start3A_385] : memref<4x128xi32, #tpu.memory_space<vmem>> -> memref<1x128xi32, #tpu.memory_space<vmem>>
      %dma_start3A_387 = tpu.memref_squeeze %dma_start3A_386 : memref<1x128xi32, #tpu.memory_space<vmem>> -> memref<128xi32, #tpu.memory_space<vmem>>
      %dma_start3A_388 = arith.constant 0 : i32
      %dma_start3A_389 = tpu.memref_slice %arg4[%dma_start3A_388] : memref<10240xf32, #tpu.memory_space<vmem_shared>> -> memref<10240xf32, #tpu.memory_space<vmem_shared>>
      tpu.enqueue_indirect_dma source(%arg6 : memref<128xf32, #tpu.memory_space<vmem>>) target(%dma_start3A_389 : memref<10240xf32, #tpu.memory_space<vmem_shared>>) offsets(%dma_start3A_387 : memref<128xi32, #tpu.memory_space<vmem>>) semaphore(%arg12 : memref<!tpu.dma_semaphore, #tpu.memory_space<semaphore_mem>>) {add = true}
      %dma_wait3A_390 = arith.constant 1 : i32
      %dma_wait3A_391 = arith.constant 1 : i32
      %dma_wait3A_392 = arith.constant 0 : i32
      %dma_wait3A_393 = tpu.memref_slice %arg5[%dma_wait3A_391, %dma_wait3A_392] : memref<4x128xi32, #tpu.memory_space<vmem>> -> memref<1x128xi32, #tpu.memory_space<vmem>>
      %dma_wait3A_394 = tpu.memref_squeeze %dma_wait3A_393 : memref<1x128xi32, #tpu.memory_space<vmem>> -> memref<128xi32, #tpu.memory_space<vmem>>
      %dma_wait3A_395 = tpu.memref_slice %arg2[%dma_wait3A_390, %mul3A_315] : memref<2x320000xi32, #tpu.memory_space<hbm>> -> memref<1x128xi32, #tpu.memory_space<hbm>>
      %dma_wait3A_396 = tpu.memref_squeeze %dma_wait3A_395 : memref<1x128xi32, #tpu.memory_space<hbm>> -> memref<128xi32, #tpu.memory_space<hbm>>
      %dma_wait3A_397 = arith.constant 0 : i32
      %dma_wait3A_398 = tpu.memref_slice %arg5[%dma_wait3A_391, %dma_wait3A_397] : memref<4x128xi32, #tpu.memory_space<vmem>> -> memref<1x128xi32, #tpu.memory_space<vmem>>
      %dma_wait3A_399 = tpu.memref_squeeze %dma_wait3A_398 : memref<1x128xi32, #tpu.memory_space<vmem>> -> memref<128xi32, #tpu.memory_space<vmem>>
      %dma_wait3A_400 = tpu.memref_slice %arg2[%dma_wait3A_390, %mul3A_315] : memref<2x320000xi32, #tpu.memory_space<hbm>> -> memref<1x128xi32, #tpu.memory_space<hbm>>
      %dma_wait3A_401 = tpu.memref_squeeze %dma_wait3A_400 : memref<1x128xi32, #tpu.memory_space<hbm>> -> memref<128xi32, #tpu.memory_space<hbm>>
      tpu.wait_dma2 semaphore(%arg9 : memref<!tpu.dma_semaphore, #tpu.memory_space<semaphore_mem>>) src(%dma_wait3A_401 : memref<128xi32, #tpu.memory_space<hbm>>) dst(%dma_wait3A_399 : memref<128xi32, #tpu.memory_space<vmem>>)
      %dma_start3A_402 = arith.constant 1 : i32
      %dma_start3A_403 = arith.constant 0 : i32
      %dma_start3A_404 = tpu.memref_slice %arg5[%dma_start3A_402, %dma_start3A_403] : memref<4x128xi32, #tpu.memory_space<vmem>> -> memref<1x128xi32, #tpu.memory_space<vmem>>
      %dma_start3A_405 = tpu.memref_squeeze %dma_start3A_404 : memref<1x128xi32, #tpu.memory_space<vmem>> -> memref<128xi32, #tpu.memory_space<vmem>>
      %dma_start3A_406 = arith.constant 0 : i32
      %dma_start3A_407 = tpu.memref_slice %arg4[%dma_start3A_406] : memref<10240xf32, #tpu.memory_space<vmem_shared>> -> memref<10240xf32, #tpu.memory_space<vmem_shared>>
      tpu.enqueue_indirect_dma source(%arg6 : memref<128xf32, #tpu.memory_space<vmem>>) target(%dma_start3A_407 : memref<10240xf32, #tpu.memory_space<vmem_shared>>) offsets(%dma_start3A_405 : memref<128xi32, #tpu.memory_space<vmem>>) semaphore(%arg13 : memref<!tpu.dma_semaphore, #tpu.memory_space<semaphore_mem>>) {add = true}
      %dma_wait3A_408 = arith.constant 1 : i32
      %dma_wait3A_409 = arith.constant 2 : i32
      %dma_wait3A_410 = arith.constant 0 : i32
      %dma_wait3A_411 = tpu.memref_slice %arg5[%dma_wait3A_409, %dma_wait3A_410] : memref<4x128xi32, #tpu.memory_space<vmem>> -> memref<1x128xi32, #tpu.memory_space<vmem>>
      %dma_wait3A_412 = tpu.memref_squeeze %dma_wait3A_411 : memref<1x128xi32, #tpu.memory_space<vmem>> -> memref<128xi32, #tpu.memory_space<vmem>>
      %dma_wait3A_413 = tpu.memref_slice %arg2[%dma_wait3A_408, %mul3A_337] : memref<2x320000xi32, #tpu.memory_space<hbm>> -> memref<1x128xi32, #tpu.memory_space<hbm>>
      %dma_wait3A_414 = tpu.memref_squeeze %dma_wait3A_413 : memref<1x128xi32, #tpu.memory_space<hbm>> -> memref<128xi32, #tpu.memory_space<hbm>>
      %dma_wait3A_415 = arith.constant 0 : i32
      %dma_wait3A_416 = tpu.memref_slice %arg5[%dma_wait3A_409, %dma_wait3A_415] : memref<4x128xi32, #tpu.memory_space<vmem>> -> memref<1x128xi32, #tpu.memory_space<vmem>>
      %dma_wait3A_417 = tpu.memref_squeeze %dma_wait3A_416 : memref<1x128xi32, #tpu.memory_space<vmem>> -> memref<128xi32, #tpu.memory_space<vmem>>
      %dma_wait3A_418 = tpu.memref_slice %arg2[%dma_wait3A_408, %mul3A_337] : memref<2x320000xi32, #tpu.memory_space<hbm>> -> memref<1x128xi32, #tpu.memory_space<hbm>>
      %dma_wait3A_419 = tpu.memref_squeeze %dma_wait3A_418 : memref<1x128xi32, #tpu.memory_space<hbm>> -> memref<128xi32, #tpu.memory_space<hbm>>
      tpu.wait_dma2 semaphore(%arg10 : memref<!tpu.dma_semaphore, #tpu.memory_space<semaphore_mem>>) src(%dma_wait3A_419 : memref<128xi32, #tpu.memory_space<hbm>>) dst(%dma_wait3A_417 : memref<128xi32, #tpu.memory_space<vmem>>)
      %dma_start3A_420 = arith.constant 2 : i32
      %dma_start3A_421 = arith.constant 0 : i32
      %dma_start3A_422 = tpu.memref_slice %arg5[%dma_start3A_420, %dma_start3A_421] : memref<4x128xi32, #tpu.memory_space<vmem>> -> memref<1x128xi32, #tpu.memory_space<vmem>>
      %dma_start3A_423 = tpu.memref_squeeze %dma_start3A_422 : memref<1x128xi32, #tpu.memory_space<vmem>> -> memref<128xi32, #tpu.memory_space<vmem>>
      %dma_start3A_424 = arith.constant 0 : i32
      %dma_start3A_425 = tpu.memref_slice %arg4[%dma_start3A_424] : memref<10240xf32, #tpu.memory_space<vmem_shared>> -> memref<10240xf32, #tpu.memory_space<vmem_shared>>
      tpu.enqueue_indirect_dma source(%arg6 : memref<128xf32, #tpu.memory_space<vmem>>) target(%dma_start3A_425 : memref<10240xf32, #tpu.memory_space<vmem_shared>>) offsets(%dma_start3A_423 : memref<128xi32, #tpu.memory_space<vmem>>) semaphore(%arg14 : memref<!tpu.dma_semaphore, #tpu.memory_space<semaphore_mem>>) {add = true}
      %dma_wait3A_426 = arith.constant 1 : i32
      %dma_wait3A_427 = arith.constant 3 : i32
      %dma_wait3A_428 = arith.constant 0 : i32
      %dma_wait3A_429 = tpu.memref_slice %arg5[%dma_wait3A_427, %dma_wait3A_428] : memref<4x128xi32, #tpu.memory_space<vmem>> -> memref<1x128xi32, #tpu.memory_space<vmem>>
      %dma_wait3A_430 = tpu.memref_squeeze %dma_wait3A_429 : memref<1x128xi32, #tpu.memory_space<vmem>> -> memref<128xi32, #tpu.memory_space<vmem>>
      %dma_wait3A_431 = tpu.memref_slice %arg2[%dma_wait3A_426, %mul3A_359] : memref<2x320000xi32, #tpu.memory_space<hbm>> -> memref<1x128xi32, #tpu.memory_space<hbm>>
      %dma_wait3A_432 = tpu.memref_squeeze %dma_wait3A_431 : memref<1x128xi32, #tpu.memory_space<hbm>> -> memref<128xi32, #tpu.memory_space<hbm>>
      %dma_wait3A_433 = arith.constant 0 : i32
      %dma_wait3A_434 = tpu.memref_slice %arg5[%dma_wait3A_427, %dma_wait3A_433] : memref<4x128xi32, #tpu.memory_space<vmem>> -> memref<1x128xi32, #tpu.memory_space<vmem>>
      %dma_wait3A_435 = tpu.memref_squeeze %dma_wait3A_434 : memref<1x128xi32, #tpu.memory_space<vmem>> -> memref<128xi32, #tpu.memory_space<vmem>>
      %dma_wait3A_436 = tpu.memref_slice %arg2[%dma_wait3A_426, %mul3A_359] : memref<2x320000xi32, #tpu.memory_space<hbm>> -> memref<1x128xi32, #tpu.memory_space<hbm>>
      %dma_wait3A_437 = tpu.memref_squeeze %dma_wait3A_436 : memref<1x128xi32, #tpu.memory_space<hbm>> -> memref<128xi32, #tpu.memory_space<hbm>>
      tpu.wait_dma2 semaphore(%arg11 : memref<!tpu.dma_semaphore, #tpu.memory_space<semaphore_mem>>) src(%dma_wait3A_437 : memref<128xi32, #tpu.memory_space<hbm>>) dst(%dma_wait3A_435 : memref<128xi32, #tpu.memory_space<vmem>>)
      %dma_start3A_438 = arith.constant 3 : i32
      %dma_start3A_439 = arith.constant 0 : i32
      %dma_start3A_440 = tpu.memref_slice %arg5[%dma_start3A_438, %dma_start3A_439] : memref<4x128xi32, #tpu.memory_space<vmem>> -> memref<1x128xi32, #tpu.memory_space<vmem>>
      %dma_start3A_441 = tpu.memref_squeeze %dma_start3A_440 : memref<1x128xi32, #tpu.memory_space<vmem>> -> memref<128xi32, #tpu.memory_space<vmem>>
      %dma_start3A_442 = arith.constant 0 : i32
      %dma_start3A_443 = tpu.memref_slice %arg4[%dma_start3A_442] : memref<10240xf32, #tpu.memory_space<vmem_shared>> -> memref<10240xf32, #tpu.memory_space<vmem_shared>>
      tpu.enqueue_indirect_dma source(%arg6 : memref<128xf32, #tpu.memory_space<vmem>>) target(%dma_start3A_443 : memref<10240xf32, #tpu.memory_space<vmem_shared>>) offsets(%dma_start3A_441 : memref<128xi32, #tpu.memory_space<vmem>>) semaphore(%arg15 : memref<!tpu.dma_semaphore, #tpu.memory_space<semaphore_mem>>) {add = true}
    }
    %scan3A_168 = arith.constant 18 : i32
    %dma_wait3A_169 = arith.constant 0 : i32
    %dma_wait3A_170 = arith.constant 0 : i32
    %dma_wait3A_171 = tpu.memref_slice %arg5[%dma_wait3A_169, %dma_wait3A_170] : memref<4x128xi32, #tpu.memory_space<vmem>> -> memref<1x128xi32, #tpu.memory_space<vmem>>
    %dma_wait3A_172 = tpu.memref_squeeze %dma_wait3A_171 : memref<1x128xi32, #tpu.memory_space<vmem>> -> memref<128xi32, #tpu.memory_space<vmem>>
    %dma_wait3A_173 = arith.constant 0 : i32
    %dma_wait3A_174 = tpu.memref_slice %arg4[%dma_wait3A_173] : memref<10240xf32, #tpu.memory_space<vmem_shared>> -> memref<10240xf32, #tpu.memory_space<vmem_shared>>
    tpu.wait_indirect_dma semaphore(%arg12 : memref<!tpu.dma_semaphore, #tpu.memory_space<semaphore_mem>>) src(%arg6 : memref<128xf32, #tpu.memory_space<vmem>>) dst(%dma_wait3A_174 : memref<10240xf32, #tpu.memory_space<vmem_shared>>)
    %add3A_175 = arith.constant 76 : i32
    %add3A_176 = arith.addi %mul3A_28, %add3A_175 : i32
    %add3A_177 = arith.constant 0 : i32
    %add3A_178 = arith.addi %add3A_176, %add3A_177 : i32
    %mul3A_179 = arith.constant 128 : i32
    %mul3A_180 = arith.muli %add3A_178, %mul3A_179 : i32
    %dma_start3A_181 = arith.constant 1 : i32
    %dma_start3A_182 = arith.constant 0 : i32
    %dma_start3A_183 = arith.constant 0 : i32
    %dma_start3A_184 = tpu.memref_slice %arg5[%dma_start3A_182, %dma_start3A_183] : memref<4x128xi32, #tpu.memory_space<vmem>> -> memref<1x128xi32, #tpu.memory_space<vmem>>
    %dma_start3A_185 = tpu.memref_squeeze %dma_start3A_184 : memref<1x128xi32, #tpu.memory_space<vmem>> -> memref<128xi32, #tpu.memory_space<vmem>>
    %dma_start3A_186 = tpu.memref_slice %arg2[%dma_start3A_181, %mul3A_180] : memref<2x320000xi32, #tpu.memory_space<hbm>> -> memref<1x128xi32, #tpu.memory_space<hbm>>
    %dma_start3A_187 = tpu.memref_squeeze %dma_start3A_186 : memref<1x128xi32, #tpu.memory_space<hbm>> -> memref<128xi32, #tpu.memory_space<hbm>>
    %dma_start3A_188 = arith.constant 0 : i32
    %dma_start3A_189 = tpu.memref_slice %arg5[%dma_start3A_182, %dma_start3A_188] : memref<4x128xi32, #tpu.memory_space<vmem>> -> memref<1x128xi32, #tpu.memory_space<vmem>>
    %dma_start3A_190 = tpu.memref_squeeze %dma_start3A_189 : memref<1x128xi32, #tpu.memory_space<vmem>> -> memref<128xi32, #tpu.memory_space<vmem>>
    %dma_start3A_191 = tpu.memref_slice %arg2[%dma_start3A_181, %mul3A_180] : memref<2x320000xi32, #tpu.memory_space<hbm>> -> memref<1x128xi32, #tpu.memory_space<hbm>>
    %dma_start3A_192 = tpu.memref_squeeze %dma_start3A_191 : memref<1x128xi32, #tpu.memory_space<hbm>> -> memref<128xi32, #tpu.memory_space<hbm>>
    tpu.enqueue_dma source(%dma_start3A_192 : memref<128xi32, #tpu.memory_space<hbm>>) target(%dma_start3A_190 : memref<128xi32, #tpu.memory_space<vmem>>) target_semaphore(%arg8 : memref<!tpu.dma_semaphore, #tpu.memory_space<semaphore_mem>>)
    %dma_wait3A_193 = arith.constant 1 : i32
    %dma_wait3A_194 = arith.constant 0 : i32
    %dma_wait3A_195 = arith.constant 0 : i32
    %dma_wait3A_196 = tpu.memref_slice %arg5[%dma_wait3A_194, %dma_wait3A_195] : memref<4x128xi32, #tpu.memory_space<vmem>> -> memref<1x128xi32, #tpu.memory_space<vmem>>
    %dma_wait3A_197 = tpu.memref_squeeze %dma_wait3A_196 : memref<1x128xi32, #tpu.memory_space<vmem>> -> memref<128xi32, #tpu.memory_space<vmem>>
    %dma_wait3A_198 = tpu.memref_slice %arg2[%dma_wait3A_193, %mul3A_180] : memref<2x320000xi32, #tpu.memory_space<hbm>> -> memref<1x128xi32, #tpu.memory_space<hbm>>
    %dma_wait3A_199 = tpu.memref_squeeze %dma_wait3A_198 : memref<1x128xi32, #tpu.memory_space<hbm>> -> memref<128xi32, #tpu.memory_space<hbm>>
    %dma_wait3A_200 = arith.constant 0 : i32
    %dma_wait3A_201 = tpu.memref_slice %arg5[%dma_wait3A_194, %dma_wait3A_200] : memref<4x128xi32, #tpu.memory_space<vmem>> -> memref<1x128xi32, #tpu.memory_space<vmem>>
    %dma_wait3A_202 = tpu.memref_squeeze %dma_wait3A_201 : memref<1x128xi32, #tpu.memory_space<vmem>> -> memref<128xi32, #tpu.memory_space<vmem>>
    %dma_wait3A_203 = tpu.memref_slice %arg2[%dma_wait3A_193, %mul3A_180] : memref<2x320000xi32, #tpu.memory_space<hbm>> -> memref<1x128xi32, #tpu.memory_space<hbm>>
    %dma_wait3A_204 = tpu.memref_squeeze %dma_wait3A_203 : memref<1x128xi32, #tpu.memory_space<hbm>> -> memref<128xi32, #tpu.memory_space<hbm>>
    tpu.wait_dma2 semaphore(%arg8 : memref<!tpu.dma_semaphore, #tpu.memory_space<semaphore_mem>>) src(%dma_wait3A_204 : memref<128xi32, #tpu.memory_space<hbm>>) dst(%dma_wait3A_202 : memref<128xi32, #tpu.memory_space<vmem>>)
    %dma_start3A_205 = arith.constant 0 : i32
    %dma_start3A_206 = arith.constant 0 : i32
    %dma_start3A_207 = tpu.memref_slice %arg5[%dma_start3A_205, %dma_start3A_206] : memref<4x128xi32, #tpu.memory_space<vmem>> -> memref<1x128xi32, #tpu.memory_space<vmem>>
    %dma_start3A_208 = tpu.memref_squeeze %dma_start3A_207 : memref<1x128xi32, #tpu.memory_space<vmem>> -> memref<128xi32, #tpu.memory_space<vmem>>
    %dma_start3A_209 = arith.constant 0 : i32
    %dma_start3A_210 = tpu.memref_slice %arg4[%dma_start3A_209] : memref<10240xf32, #tpu.memory_space<vmem_shared>> -> memref<10240xf32, #tpu.memory_space<vmem_shared>>
    tpu.enqueue_indirect_dma source(%arg6 : memref<128xf32, #tpu.memory_space<vmem>>) target(%dma_start3A_210 : memref<10240xf32, #tpu.memory_space<vmem_shared>>) offsets(%dma_start3A_208 : memref<128xi32, #tpu.memory_space<vmem>>) semaphore(%arg12 : memref<!tpu.dma_semaphore, #tpu.memory_space<semaphore_mem>>) {add = true}
    %dma_wait3A_211 = arith.constant 1 : i32
    %dma_wait3A_212 = arith.constant 0 : i32
    %dma_wait3A_213 = tpu.memref_slice %arg5[%dma_wait3A_211, %dma_wait3A_212] : memref<4x128xi32, #tpu.memory_space<vmem>> -> memref<1x128xi32, #tpu.memory_space<vmem>>
    %dma_wait3A_214 = tpu.memref_squeeze %dma_wait3A_213 : memref<1x128xi32, #tpu.memory_space<vmem>> -> memref<128xi32, #tpu.memory_space<vmem>>
    %dma_wait3A_215 = arith.constant 0 : i32
    %dma_wait3A_216 = tpu.memref_slice %arg4[%dma_wait3A_215] : memref<10240xf32, #tpu.memory_space<vmem_shared>> -> memref<10240xf32, #tpu.memory_space<vmem_shared>>
    tpu.wait_indirect_dma semaphore(%arg13 : memref<!tpu.dma_semaphore, #tpu.memory_space<semaphore_mem>>) src(%arg6 : memref<128xf32, #tpu.memory_space<vmem>>) dst(%dma_wait3A_216 : memref<10240xf32, #tpu.memory_space<vmem_shared>>)
    %add3A_217 = arith.constant 76 : i32
    %add3A_218 = arith.addi %mul3A_28, %add3A_217 : i32
    %add3A_219 = arith.constant 1 : i32
    %add3A_220 = arith.addi %add3A_218, %add3A_219 : i32
    %mul3A_221 = arith.constant 128 : i32
    %mul3A_222 = arith.muli %add3A_220, %mul3A_221 : i32
    %dma_start3A_223 = arith.constant 1 : i32
    %dma_start3A_224 = arith.constant 1 : i32
    %dma_start3A_225 = arith.constant 0 : i32
    %dma_start3A_226 = tpu.memref_slice %arg5[%dma_start3A_224, %dma_start3A_225] : memref<4x128xi32, #tpu.memory_space<vmem>> -> memref<1x128xi32, #tpu.memory_space<vmem>>
    %dma_start3A_227 = tpu.memref_squeeze %dma_start3A_226 : memref<1x128xi32, #tpu.memory_space<vmem>> -> memref<128xi32, #tpu.memory_space<vmem>>
    %dma_start3A_228 = tpu.memref_slice %arg2[%dma_start3A_223, %mul3A_222] : memref<2x320000xi32, #tpu.memory_space<hbm>> -> memref<1x128xi32, #tpu.memory_space<hbm>>
    %dma_start3A_229 = tpu.memref_squeeze %dma_start3A_228 : memref<1x128xi32, #tpu.memory_space<hbm>> -> memref<128xi32, #tpu.memory_space<hbm>>
    %dma_start3A_230 = arith.constant 0 : i32
    %dma_start3A_231 = tpu.memref_slice %arg5[%dma_start3A_224, %dma_start3A_230] : memref<4x128xi32, #tpu.memory_space<vmem>> -> memref<1x128xi32, #tpu.memory_space<vmem>>
    %dma_start3A_232 = tpu.memref_squeeze %dma_start3A_231 : memref<1x128xi32, #tpu.memory_space<vmem>> -> memref<128xi32, #tpu.memory_space<vmem>>
    %dma_start3A_233 = tpu.memref_slice %arg2[%dma_start3A_223, %mul3A_222] : memref<2x320000xi32, #tpu.memory_space<hbm>> -> memref<1x128xi32, #tpu.memory_space<hbm>>
    %dma_start3A_234 = tpu.memref_squeeze %dma_start3A_233 : memref<1x128xi32, #tpu.memory_space<hbm>> -> memref<128xi32, #tpu.memory_space<hbm>>
    tpu.enqueue_dma source(%dma_start3A_234 : memref<128xi32, #tpu.memory_space<hbm>>) target(%dma_start3A_232 : memref<128xi32, #tpu.memory_space<vmem>>) target_semaphore(%arg9 : memref<!tpu.dma_semaphore, #tpu.memory_space<semaphore_mem>>)
    %dma_wait3A_235 = arith.constant 1 : i32
    %dma_wait3A_236 = arith.constant 1 : i32
    %dma_wait3A_237 = arith.constant 0 : i32
    %dma_wait3A_238 = tpu.memref_slice %arg5[%dma_wait3A_236, %dma_wait3A_237] : memref<4x128xi32, #tpu.memory_space<vmem>> -> memref<1x128xi32, #tpu.memory_space<vmem>>
    %dma_wait3A_239 = tpu.memref_squeeze %dma_wait3A_238 : memref<1x128xi32, #tpu.memory_space<vmem>> -> memref<128xi32, #tpu.memory_space<vmem>>
    %dma_wait3A_240 = tpu.memref_slice %arg2[%dma_wait3A_235, %mul3A_222] : memref<2x320000xi32, #tpu.memory_space<hbm>> -> memref<1x128xi32, #tpu.memory_space<hbm>>
    %dma_wait3A_241 = tpu.memref_squeeze %dma_wait3A_240 : memref<1x128xi32, #tpu.memory_space<hbm>> -> memref<128xi32, #tpu.memory_space<hbm>>
    %dma_wait3A_242 = arith.constant 0 : i32
    %dma_wait3A_243 = tpu.memref_slice %arg5[%dma_wait3A_236, %dma_wait3A_242] : memref<4x128xi32, #tpu.memory_space<vmem>> -> memref<1x128xi32, #tpu.memory_space<vmem>>
    %dma_wait3A_244 = tpu.memref_squeeze %dma_wait3A_243 : memref<1x128xi32, #tpu.memory_space<vmem>> -> memref<128xi32, #tpu.memory_space<vmem>>
    %dma_wait3A_245 = tpu.memref_slice %arg2[%dma_wait3A_235, %mul3A_222] : memref<2x320000xi32, #tpu.memory_space<hbm>> -> memref<1x128xi32, #tpu.memory_space<hbm>>
    %dma_wait3A_246 = tpu.memref_squeeze %dma_wait3A_245 : memref<1x128xi32, #tpu.memory_space<hbm>> -> memref<128xi32, #tpu.memory_space<hbm>>
    tpu.wait_dma2 semaphore(%arg9 : memref<!tpu.dma_semaphore, #tpu.memory_space<semaphore_mem>>) src(%dma_wait3A_246 : memref<128xi32, #tpu.memory_space<hbm>>) dst(%dma_wait3A_244 : memref<128xi32, #tpu.memory_space<vmem>>)
    %dma_start3A_247 = arith.constant 1 : i32
    %dma_start3A_248 = arith.constant 0 : i32
    %dma_start3A_249 = tpu.memref_slice %arg5[%dma_start3A_247, %dma_start3A_248] : memref<4x128xi32, #tpu.memory_space<vmem>> -> memref<1x128xi32, #tpu.memory_space<vmem>>
    %dma_start3A_250 = tpu.memref_squeeze %dma_start3A_249 : memref<1x128xi32, #tpu.memory_space<vmem>> -> memref<128xi32, #tpu.memory_space<vmem>>
    %dma_start3A_251 = arith.constant 0 : i32
    %dma_start3A_252 = tpu.memref_slice %arg4[%dma_start3A_251] : memref<10240xf32, #tpu.memory_space<vmem_shared>> -> memref<10240xf32, #tpu.memory_space<vmem_shared>>
    tpu.enqueue_indirect_dma source(%arg6 : memref<128xf32, #tpu.memory_space<vmem>>) target(%dma_start3A_252 : memref<10240xf32, #tpu.memory_space<vmem_shared>>) offsets(%dma_start3A_250 : memref<128xi32, #tpu.memory_space<vmem>>) semaphore(%arg13 : memref<!tpu.dma_semaphore, #tpu.memory_space<semaphore_mem>>) {add = true}
    %lt3A = arith.constant 4 : i32
    %lt3A_253 = arith.cmpi slt, %add3A_26, %lt3A : i32
    %convert_element_type3A = arith.extui %lt3A_253 : i1 to i32
    %cond3A = arith.constant 0 : i32
    %cond3A_254 = arith.cmpi ne, %convert_element_type3A, %cond3A : i32
    scf.if %cond3A_254 {
      %dma_wait3A_280 = arith.constant 3 : i32
      %dma_wait3A_281 = arith.constant 0 : i32
      %dma_wait3A_282 = tpu.memref_slice %arg5[%dma_wait3A_280, %dma_wait3A_281] : memref<4x128xi32, #tpu.memory_space<vmem>> -> memref<1x128xi32, #tpu.memory_space<vmem>>
      %dma_wait3A_283 = tpu.memref_squeeze %dma_wait3A_282 : memref<1x128xi32, #tpu.memory_space<vmem>> -> memref<128xi32, #tpu.memory_space<vmem>>
      %dma_wait3A_284 = arith.constant 0 : i32
      %dma_wait3A_285 = tpu.memref_slice %arg4[%dma_wait3A_284] : memref<10240xf32, #tpu.memory_space<vmem_shared>> -> memref<10240xf32, #tpu.memory_space<vmem_shared>>
      tpu.wait_indirect_dma semaphore(%arg15 : memref<!tpu.dma_semaphore, #tpu.memory_space<semaphore_mem>>) src(%arg6 : memref<128xf32, #tpu.memory_space<vmem>>) dst(%dma_wait3A_285 : memref<10240xf32, #tpu.memory_space<vmem_shared>>)
      %add3A_286 = arith.constant 2496 : i32
      %add3A_287 = arith.addi %add3A_286, %add3A_26 : i32
      %mul3A_288 = arith.constant 128 : i32
      %mul3A_289 = arith.muli %add3A_287, %mul3A_288 : i32
      %dma_start3A_290 = arith.constant 1 : i32
      %dma_start3A_291 = arith.constant 3 : i32
      %dma_start3A_292 = arith.constant 0 : i32
      %dma_start3A_293 = tpu.memref_slice %arg5[%dma_start3A_291, %dma_start3A_292] : memref<4x128xi32, #tpu.memory_space<vmem>> -> memref<1x128xi32, #tpu.memory_space<vmem>>
      %dma_start3A_294 = tpu.memref_squeeze %dma_start3A_293 : memref<1x128xi32, #tpu.memory_space<vmem>> -> memref<128xi32, #tpu.memory_space<vmem>>
      %dma_start3A_295 = tpu.memref_slice %arg2[%dma_start3A_290, %mul3A_289] : memref<2x320000xi32, #tpu.memory_space<hbm>> -> memref<1x128xi32, #tpu.memory_space<hbm>>
      %dma_start3A_296 = tpu.memref_squeeze %dma_start3A_295 : memref<1x128xi32, #tpu.memory_space<hbm>> -> memref<128xi32, #tpu.memory_space<hbm>>
      %dma_start3A_297 = arith.constant 0 : i32
      %dma_start3A_298 = tpu.memref_slice %arg5[%dma_start3A_291, %dma_start3A_297] : memref<4x128xi32, #tpu.memory_space<vmem>> -> memref<1x128xi32, #tpu.memory_space<vmem>>
      %dma_start3A_299 = tpu.memref_squeeze %dma_start3A_298 : memref<1x128xi32, #tpu.memory_space<vmem>> -> memref<128xi32, #tpu.memory_space<vmem>>
      %dma_start3A_300 = tpu.memref_slice %arg2[%dma_start3A_290, %mul3A_289] : memref<2x320000xi32, #tpu.memory_space<hbm>> -> memref<1x128xi32, #tpu.memory_space<hbm>>
      %dma_start3A_301 = tpu.memref_squeeze %dma_start3A_300 : memref<1x128xi32, #tpu.memory_space<hbm>> -> memref<128xi32, #tpu.memory_space<hbm>>
      tpu.enqueue_dma source(%dma_start3A_301 : memref<128xi32, #tpu.memory_space<hbm>>) target(%dma_start3A_299 : memref<128xi32, #tpu.memory_space<vmem>>) target_semaphore(%arg11 : memref<!tpu.dma_semaphore, #tpu.memory_space<semaphore_mem>>)
      %dma_wait3A_302 = arith.constant 1 : i32
      %dma_wait3A_303 = arith.constant 3 : i32
      %dma_wait3A_304 = arith.constant 0 : i32
      %dma_wait3A_305 = tpu.memref_slice %arg5[%dma_wait3A_303, %dma_wait3A_304] : memref<4x128xi32, #tpu.memory_space<vmem>> -> memref<1x128xi32, #tpu.memory_space<vmem>>
      %dma_wait3A_306 = tpu.memref_squeeze %dma_wait3A_305 : memref<1x128xi32, #tpu.memory_space<vmem>> -> memref<128xi32, #tpu.memory_space<vmem>>
      %dma_wait3A_307 = tpu.memref_slice %arg2[%dma_wait3A_302, %mul3A_289] : memref<2x320000xi32, #tpu.memory_space<hbm>> -> memref<1x128xi32, #tpu.memory_space<hbm>>
      %dma_wait3A_308 = tpu.memref_squeeze %dma_wait3A_307 : memref<1x128xi32, #tpu.memory_space<hbm>> -> memref<128xi32, #tpu.memory_space<hbm>>
      %dma_wait3A_309 = arith.constant 0 : i32
      %dma_wait3A_310 = tpu.memref_slice %arg5[%dma_wait3A_303, %dma_wait3A_309] : memref<4x128xi32, #tpu.memory_space<vmem>> -> memref<1x128xi32, #tpu.memory_space<vmem>>
      %dma_wait3A_311 = tpu.memref_squeeze %dma_wait3A_310 : memref<1x128xi32, #tpu.memory_space<vmem>> -> memref<128xi32, #tpu.memory_space<vmem>>
      %dma_wait3A_312 = tpu.memref_slice %arg2[%dma_wait3A_302, %mul3A_289] : memref<2x320000xi32, #tpu.memory_space<hbm>> -> memref<1x128xi32, #tpu.memory_space<hbm>>
      %dma_wait3A_313 = tpu.memref_squeeze %dma_wait3A_312 : memref<1x128xi32, #tpu.memory_space<hbm>> -> memref<128xi32, #tpu.memory_space<hbm>>
      tpu.wait_dma2 semaphore(%arg11 : memref<!tpu.dma_semaphore, #tpu.memory_space<semaphore_mem>>) src(%dma_wait3A_313 : memref<128xi32, #tpu.memory_space<hbm>>) dst(%dma_wait3A_311 : memref<128xi32, #tpu.memory_space<vmem>>)
      %dma_start3A_314 = arith.constant 3 : i32
      %dma_start3A_315 = arith.constant 0 : i32
      %dma_start3A_316 = tpu.memref_slice %arg5[%dma_start3A_314, %dma_start3A_315] : memref<4x128xi32, #tpu.memory_space<vmem>> -> memref<1x128xi32, #tpu.memory_space<vmem>>
      %dma_start3A_317 = tpu.memref_squeeze %dma_start3A_316 : memref<1x128xi32, #tpu.memory_space<vmem>> -> memref<128xi32, #tpu.memory_space<vmem>>
      %dma_start3A_318 = arith.constant 0 : i32
      %dma_start3A_319 = tpu.memref_slice %arg4[%dma_start3A_318] : memref<10240xf32, #tpu.memory_space<vmem_shared>> -> memref<10240xf32, #tpu.memory_space<vmem_shared>>
      tpu.enqueue_indirect_dma source(%arg6 : memref<128xf32, #tpu.memory_space<vmem>>) target(%dma_start3A_319 : memref<10240xf32, #tpu.memory_space<vmem_shared>>) offsets(%dma_start3A_317 : memref<128xi32, #tpu.memory_space<vmem>>) semaphore(%arg15 : memref<!tpu.dma_semaphore, #tpu.memory_space<semaphore_mem>>) {add = true}
    } else {
    }
    %dma_wait3A_255 = arith.constant 0 : i32
    %dma_wait3A_256 = arith.constant 0 : i32
    %dma_wait3A_257 = tpu.memref_slice %arg5[%dma_wait3A_255, %dma_wait3A_256] : memref<4x128xi32, #tpu.memory_space<vmem>> -> memref<1x128xi32, #tpu.memory_space<vmem>>
    %dma_wait3A_258 = tpu.memref_squeeze %dma_wait3A_257 : memref<1x128xi32, #tpu.memory_space<vmem>> -> memref<128xi32, #tpu.memory_space<vmem>>
    %dma_wait3A_259 = arith.constant 0 : i32
    %dma_wait3A_260 = tpu.memref_slice %arg4[%dma_wait3A_259] : memref<10240xf32, #tpu.memory_space<vmem_shared>> -> memref<10240xf32, #tpu.memory_space<vmem_shared>>
    tpu.wait_indirect_dma semaphore(%arg12 : memref<!tpu.dma_semaphore, #tpu.memory_space<semaphore_mem>>) src(%arg6 : memref<128xf32, #tpu.memory_space<vmem>>) dst(%dma_wait3A_260 : memref<10240xf32, #tpu.memory_space<vmem_shared>>)
    %dma_wait3A_261 = arith.constant 1 : i32
    %dma_wait3A_262 = arith.constant 0 : i32
    %dma_wait3A_263 = tpu.memref_slice %arg5[%dma_wait3A_261, %dma_wait3A_262] : memref<4x128xi32, #tpu.memory_space<vmem>> -> memref<1x128xi32, #tpu.memory_space<vmem>>
    %dma_wait3A_264 = tpu.memref_squeeze %dma_wait3A_263 : memref<1x128xi32, #tpu.memory_space<vmem>> -> memref<128xi32, #tpu.memory_space<vmem>>
    %dma_wait3A_265 = arith.constant 0 : i32
    %dma_wait3A_266 = tpu.memref_slice %arg4[%dma_wait3A_265] : memref<10240xf32, #tpu.memory_space<vmem_shared>> -> memref<10240xf32, #tpu.memory_space<vmem_shared>>
    tpu.wait_indirect_dma semaphore(%arg13 : memref<!tpu.dma_semaphore, #tpu.memory_space<semaphore_mem>>) src(%arg6 : memref<128xf32, #tpu.memory_space<vmem>>) dst(%dma_wait3A_266 : memref<10240xf32, #tpu.memory_space<vmem_shared>>)
    %dma_wait3A_267 = arith.constant 2 : i32
    %dma_wait3A_268 = arith.constant 0 : i32
    %dma_wait3A_269 = tpu.memref_slice %arg5[%dma_wait3A_267, %dma_wait3A_268] : memref<4x128xi32, #tpu.memory_space<vmem>> -> memref<1x128xi32, #tpu.memory_space<vmem>>
    %dma_wait3A_270 = tpu.memref_squeeze %dma_wait3A_269 : memref<1x128xi32, #tpu.memory_space<vmem>> -> memref<128xi32, #tpu.memory_space<vmem>>
    %dma_wait3A_271 = arith.constant 0 : i32
    %dma_wait3A_272 = tpu.memref_slice %arg4[%dma_wait3A_271] : memref<10240xf32, #tpu.memory_space<vmem_shared>> -> memref<10240xf32, #tpu.memory_space<vmem_shared>>
    tpu.wait_indirect_dma semaphore(%arg14 : memref<!tpu.dma_semaphore, #tpu.memory_space<semaphore_mem>>) src(%arg6 : memref<128xf32, #tpu.memory_space<vmem>>) dst(%dma_wait3A_272 : memref<10240xf32, #tpu.memory_space<vmem_shared>>)
    %dma_wait3A_273 = arith.constant 3 : i32
    %dma_wait3A_274 = arith.constant 0 : i32
    %dma_wait3A_275 = tpu.memref_slice %arg5[%dma_wait3A_273, %dma_wait3A_274] : memref<4x128xi32, #tpu.memory_space<vmem>> -> memref<1x128xi32, #tpu.memory_space<vmem>>
    %dma_wait3A_276 = tpu.memref_squeeze %dma_wait3A_275 : memref<1x128xi32, #tpu.memory_space<vmem>> -> memref<128xi32, #tpu.memory_space<vmem>>
    %dma_wait3A_277 = arith.constant 0 : i32
    %dma_wait3A_278 = tpu.memref_slice %arg4[%dma_wait3A_277] : memref<10240xf32, #tpu.memory_space<vmem_shared>> -> memref<10240xf32, #tpu.memory_space<vmem_shared>>
    tpu.wait_indirect_dma semaphore(%arg15 : memref<!tpu.dma_semaphore, #tpu.memory_space<semaphore_mem>>) src(%arg6 : memref<128xf32, #tpu.memory_space<vmem>>) dst(%dma_wait3A_278 : memref<10240xf32, #tpu.memory_space<vmem_shared>>)
    %barrier3A_279 = arith.constant 0 : index
    tpu.barrier barrier_id(%barrier3A_279)
    "tpu.region"() ({
      %run_scoped3A = tpu.sem_alloc : memref<!tpu.dma_semaphore, #tpu.memory_space<semaphore_mem>>
      %dma_start3A_280 = tpu.memref_slice %arg3[%arg0, %mul3A_0] : memref<2x10240xf32, #tpu.memory_space<hbm>> -> memref<1x640xf32, #tpu.memory_space<hbm>>
      %dma_start3A_281 = tpu.memref_squeeze %dma_start3A_280 : memref<1x640xf32, #tpu.memory_space<hbm>> -> memref<640xf32, #tpu.memory_space<hbm>>
      %dma_start3A_282 = tpu.memref_slice %arg4[%mul3A_0] : memref<10240xf32, #tpu.memory_space<vmem_shared>> -> memref<640xf32, #tpu.memory_space<vmem_shared>>
      tpu.enqueue_dma source(%dma_start3A_282 : memref<640xf32, #tpu.memory_space<vmem_shared>>) target(%dma_start3A_281 : memref<640xf32, #tpu.memory_space<hbm>>) target_semaphore(%run_scoped3A : memref<!tpu.dma_semaphore, #tpu.memory_space<semaphore_mem>>)
      %dma_wait3A_283 = tpu.memref_slice %arg3[%arg0, %mul3A_0] : memref<2x10240xf32, #tpu.memory_space<hbm>> -> memref<1x640xf32, #tpu.memory_space<hbm>>
      %dma_wait3A_284 = tpu.memref_squeeze %dma_wait3A_283 : memref<1x640xf32, #tpu.memory_space<hbm>> -> memref<640xf32, #tpu.memory_space<hbm>>
      %dma_wait3A_285 = tpu.memref_slice %arg4[%mul3A_0] : memref<10240xf32, #tpu.memory_space<vmem_shared>> -> memref<640xf32, #tpu.memory_space<vmem_shared>>
      tpu.wait_dma2 semaphore(%run_scoped3A : memref<!tpu.dma_semaphore, #tpu.memory_space<semaphore_mem>>) src(%dma_wait3A_285 : memref<640xf32, #tpu.memory_space<vmem_shared>>) dst(%dma_wait3A_284 : memref<640xf32, #tpu.memory_space<hbm>>)
      tpu.yield
    }) : () -> ()
    return
  }
}

module attributes {stable_mosaic.version = 14 : i64} {
  func.func @_k1_body(%arg0: i32, %arg1: memref<1024x128xf32, #tpu.memory_space<vmem>>, %arg2: memref<128x128xf32, #tpu.memory_space<vmem>>, %arg3: memref<2x10240xf32, #tpu.memory_space<vmem>>, %arg4: memref<1024x128xf32, #tpu.memory_space<vmem>>, %arg5: memref<1024x1xf32, #tpu.memory_space<vmem>>) attributes {dimension_semantics = [#tpu.dimension_semantics<arbitrary>], iteration_bounds = array<i64: 10>, scalar_prefetch = 0 : i64, scratch_operands = 0 : i64, tpu.core_type = #tpu.core_type<tc>, window_params = [{transform_indices = @transform_0, window_bounds = array<i64: 1024, 128>}, {pipeline_mode = #tpu.pipeline_mode<synchronous>, transform_indices = @transform_1, window_bounds = array<i64: 128, 128>}, {pipeline_mode = #tpu.pipeline_mode<synchronous>, transform_indices = @transform_2, window_bounds = array<i64: 2, 10240>}, {transform_indices = @transform_3, window_bounds = array<i64: 1024, 128>}, {transform_indices = @transform_4, window_bounds = array<i64: 1024, 1>}]} {
    %get3A = arith.constant 0 : index
    %get3A_0 = arith.constant 0 : index
    %get3A_1 = vector.load %arg1[%get3A, %get3A_0] : memref<1024x128xf32, #tpu.memory_space<vmem>>, vector<1024x128xf32>
    %get3A_2 = arith.constant 0 : index
    %get3A_3 = arith.constant 0 : index
    %get3A_4 = vector.load %arg2[%get3A_2, %get3A_3] : memref<128x128xf32, #tpu.memory_space<vmem>>, vector<128x128xf32>
    %dot_general3A = arith.constant dense<0.000000e+00> : vector<1024x128xf32>
    %dot_general3A_5 = tpu.matmul %get3A_1, %get3A_4, %dot_general3A {dimension_numbers = #tpu.dot_dimension_numbers<[1], [0], [0], [1], [0, 0, 1, 1], [], []>, transpose_lhs_hint = false} : vector<1024x128xf32>, vector<128x128xf32>, vector<1024x128xf32> -> vector<1024x128xf32>
    %mul3A = arith.constant 1024 : i32
    %mul3A_6 = arith.muli %arg0, %mul3A : i32
    %get3A_7 = arith.constant 0 : index
    %get3A_8 = arith.index_cast %mul3A_6 : i32 to index
    %get3A_9 = vector.load %arg3[%get3A_7, %get3A_8] : memref<2x10240xf32, #tpu.memory_space<vmem>>, vector<1x1024xf32>
    %get3A_10 = vector.shape_cast %get3A_9 : vector<1x1024xf32> to vector<1024xf32>
    %mul3A_11 = arith.constant 1024 : i32
    %mul3A_12 = arith.muli %arg0, %mul3A_11 : i32
    %get3A_13 = arith.constant 1 : index
    %get3A_14 = arith.index_cast %mul3A_12 : i32 to index
    %get3A_15 = vector.load %arg3[%get3A_13, %get3A_14] : memref<2x10240xf32, #tpu.memory_space<vmem>>, vector<1x1024xf32>
    %get3A_16 = vector.shape_cast %get3A_15 : vector<1x1024xf32> to vector<1024xf32>
    %add3A = arith.addf %get3A_10, %get3A_16 : vector<1024xf32>
    %add3A_17 = arith.constant 1.000000e+00 : f32
    %add3A_18 = vector.broadcast %add3A_17 : f32 to vector<1024xf32>
    %add3A_19 = arith.addf %add3A, %add3A_18 : vector<1024xf32>
    %rsqrt3A = math.rsqrt %add3A_19 : vector<1024xf32>
    %broadcast_in_dim3A = vector.shape_cast %rsqrt3A : vector<1024xf32> to vector<1024x1xf32>
    %mul3A_20 = vector.broadcast %broadcast_in_dim3A : vector<1024x1xf32> to vector<1024x128xf32>
    %mul3A_21 = arith.mulf %dot_general3A_5, %mul3A_20 : vector<1024x128xf32>
    %swap3A = arith.constant 0 : index
    %swap3A_22 = arith.constant 0 : index
    %swap3A_23 = vector.load %arg4[%swap3A, %swap3A_22] : memref<1024x128xf32, #tpu.memory_space<vmem>>, vector<1024x128xf32>
    tpu.vector_store %arg4[%swap3A, %swap3A_22], %mul3A_21 {strides = array<i32>} : memref<1024x128xf32, #tpu.memory_space<vmem>>, vector<1024x128xf32>,
    %swap3A_24 = arith.constant 0 : index
    %swap3A_25 = arith.constant 0 : index
    %swap3A_26 = vector.load %arg5[%swap3A_24, %swap3A_25] : memref<1024x1xf32, #tpu.memory_space<vmem>>, vector<1024x1xf32>
    tpu.vector_store %arg5[%swap3A_24, %swap3A_25], %broadcast_in_dim3A {strides = array<i32>} : memref<1024x1xf32, #tpu.memory_space<vmem>>, vector<1024x1xf32>,
    return
  }
  func.func @transform_0(%arg0: i32) -> (i32, i32) {
    %c0_i32 = arith.constant 0 : i32
    %c0_i32_0 = arith.constant 0 : i32
    return %arg0, %c0_i32 : i32, i32
  }
  func.func @transform_1(%arg0: i32) -> (i32, i32) {
    %c0_i32 = arith.constant 0 : i32
    %c0_i32_0 = arith.constant 0 : i32
    %c0_i32_1 = arith.constant 0 : i32
    return %c0_i32, %c0_i32_0 : i32, i32
  }
  func.func @transform_2(%arg0: i32) -> (i32, i32) {
    %c0_i32 = arith.constant 0 : i32
    %c0_i32_0 = arith.constant 0 : i32
    %c0_i32_1 = arith.constant 0 : i32
    return %c0_i32, %c0_i32_0 : i32, i32
  }
  func.func @transform_3(%arg0: i32) -> (i32, i32) {
    %c0_i32 = arith.constant 0 : i32
    %c0_i32_0 = arith.constant 0 : i32
    return %arg0, %c0_i32 : i32, i32
  }
  func.func @transform_4(%arg0: i32) -> (i32, i32) {
    %c0_i32 = arith.constant 0 : i32
    %c0_i32_0 = arith.constant 0 : i32
    return %arg0, %c0_i32 : i32, i32
  }
}

module attributes {stable_mosaic.version = 14 : i64} {
  func.func @_k3_body(%arg0: i32, %arg1: memref<2x1024x128xf32, #tpu.memory_space<vmem>>, %arg2: memref<1024x1xf32, #tpu.memory_space<vmem>>, %arg3: memref<1x128xf32, #tpu.memory_space<vmem>>, %arg4: memref<128x128xf32, #tpu.memory_space<vmem>>, %arg5: memref<1x128xf32, #tpu.memory_space<vmem>>, %arg6: memref<1024x40xf32, #tpu.memory_space<vmem>>) attributes {dimension_semantics = [#tpu.dimension_semantics<arbitrary>], iteration_bounds = array<i64: 10>, scalar_prefetch = 0 : i64, scratch_operands = 0 : i64, tpu.core_type = #tpu.core_type<tc>, window_params = [{transform_indices = @transform_0, window_bounds = array<i64: 2, 1024, 128>}, {transform_indices = @transform_1, window_bounds = array<i64: 1024, 1>}, {pipeline_mode = #tpu.pipeline_mode<synchronous>, transform_indices = @transform_2, window_bounds = array<i64: 1, 128>}, {pipeline_mode = #tpu.pipeline_mode<synchronous>, transform_indices = @transform_3, window_bounds = array<i64: 128, 128>}, {pipeline_mode = #tpu.pipeline_mode<synchronous>, transform_indices = @transform_4, window_bounds = array<i64: 1, 128>}, {transform_indices = @transform_5, window_bounds = array<i64: 1024, 40>}]} {
    %get3A = arith.constant 0 : index
    %get3A_0 = arith.constant 0 : index
    %get3A_1 = vector.load %arg2[%get3A, %get3A_0] : memref<1024x1xf32, #tpu.memory_space<vmem>>, vector<1024x1xf32>
    %get3A_2 = arith.constant 0 : index
    %get3A_3 = arith.constant 0 : index
    %get3A_4 = arith.constant 0 : index
    %get3A_5 = vector.load %arg1[%get3A_2, %get3A_3, %get3A_4] : memref<2x1024x128xf32, #tpu.memory_space<vmem>>, vector<1x1024x128xf32>
    %get3A_6 = vector.shape_cast %get3A_5 : vector<1x1024x128xf32> to vector<1024x128xf32>
    %get3A_7 = arith.constant 1 : index
    %get3A_8 = arith.constant 0 : index
    %get3A_9 = arith.constant 0 : index
    %get3A_10 = vector.load %arg1[%get3A_7, %get3A_8, %get3A_9] : memref<2x1024x128xf32, #tpu.memory_space<vmem>>, vector<1x1024x128xf32>
    %get3A_11 = vector.shape_cast %get3A_10 : vector<1x1024x128xf32> to vector<1024x128xf32>
    %add3A = arith.addf %get3A_6, %get3A_11 : vector<1024x128xf32>
    %mul3A = vector.broadcast %get3A_1 : vector<1024x1xf32> to vector<1024x128xf32>
    %mul3A_12 = arith.mulf %add3A, %mul3A : vector<1024x128xf32>
    %get3A_13 = arith.constant 0 : index
    %get3A_14 = arith.constant 0 : index
    %get3A_15 = vector.load %arg3[%get3A_13, %get3A_14] : memref<1x128xf32, #tpu.memory_space<vmem>>, vector<1x128xf32>
    %add3A_16 = vector.broadcast %get3A_15 : vector<1x128xf32> to vector<1024x128xf32>
    %add3A_17 = arith.addf %mul3A_12, %add3A_16 : vector<1024x128xf32>
    %get3A_18 = arith.constant 0 : index
    %get3A_19 = arith.constant 0 : index
    %get3A_20 = vector.load %arg4[%get3A_18, %get3A_19] : memref<128x128xf32, #tpu.memory_space<vmem>>, vector<128x128xf32>
    %dot_general3A = arith.constant dense<0.000000e+00> : vector<1024x128xf32>
    %dot_general3A_21 = tpu.matmul %add3A_17, %get3A_20, %dot_general3A {dimension_numbers = #tpu.dot_dimension_numbers<[1], [0], [0], [1], [0, 0, 1, 1], [], []>, transpose_lhs_hint = false} : vector<1024x128xf32>, vector<128x128xf32>, vector<1024x128xf32> -> vector<1024x128xf32>
    %get3A_22 = arith.constant 0 : index
    %get3A_23 = arith.constant 0 : index
    %get3A_24 = vector.load %arg5[%get3A_22, %get3A_23] : memref<1x128xf32, #tpu.memory_space<vmem>>, vector<1x128xf32>
    %add3A_25 = vector.broadcast %get3A_24 : vector<1x128xf32> to vector<1024x128xf32>
    %add3A_26 = arith.addf %dot_general3A_21, %add3A_25 : vector<1024x128xf32>
    %iota3A = tpu.iota {dimensions = array<i32: 1>} : vector<1024x128xi32>
    %lt3A = arith.constant 40 : i32
    %lt3A_27 = vector.broadcast %lt3A : i32 to vector<1024x128xi32>
    %lt3A_28 = arith.cmpi slt, %iota3A, %lt3A_27 : vector<1024x128xi32>
    %jit3A = arith.constant 0xFF800000 : f32
    %broadcast_in_dim3A = vector.broadcast %jit3A : f32 to vector<1024x128xf32>
    %select_n3A = arith.select %lt3A_28, %add3A_26, %broadcast_in_dim3A : vector<1024x128xi1>, vector<1024x128xf32>
    %reduce_max3A = arith.constant dense<0xFF800000> : vector<1024xf32>
    %reduce_max3A_29 = vector.multi_reduction <maximumf>, %select_n3A, %reduce_max3A [1] : vector<1024x128xf32> to vector<1024xf32>
    %broadcast_in_dim3A_30 = vector.shape_cast %reduce_max3A_29 : vector<1024xf32> to vector<1024x1xf32>
    %sub3A = vector.broadcast %broadcast_in_dim3A_30 : vector<1024x1xf32> to vector<1024x128xf32>
    %sub3A_31 = arith.subf %add3A_26, %sub3A : vector<1024x128xf32>
    %exp3A = math.exp %sub3A_31 : vector<1024x128xf32>
    %jit3A_32 = arith.constant 0.000000e+00 : f32
    %broadcast_in_dim3A_33 = vector.broadcast %jit3A_32 : f32 to vector<1024x128xf32>
    %select_n3A_34 = arith.select %lt3A_28, %exp3A, %broadcast_in_dim3A_33 : vector<1024x128xi1>, vector<1024x128xf32>
    %reduce_sum3A = arith.constant dense<0.000000e+00> : vector<1024xf32>
    %reduce_sum3A_35 = vector.multi_reduction <add>, %select_n3A_34, %reduce_sum3A [1] : vector<1024x128xf32> to vector<1024xf32>
    %broadcast_in_dim3A_36 = vector.shape_cast %reduce_sum3A_35 : vector<1024xf32> to vector<1024x1xf32>
    %log3A = math.log %broadcast_in_dim3A_36 : vector<1024x1xf32>
    %add3A_37 = arith.addf %broadcast_in_dim3A_30, %log3A : vector<1024x1xf32>
    %sub3A_38 = vector.broadcast %add3A_37 : vector<1024x1xf32> to vector<1024x128xf32>
    %sub3A_39 = arith.subf %add3A_26, %sub3A_38 : vector<1024x128xf32>
    %slice3A = vector.extract_strided_slice %sub3A_39 {offsets = [0, 0], sizes = [1024, 40], strides = [1, 1]} : vector<1024x128xf32> to vector<1024x40xf32>
    %swap3A = arith.constant 0 : index
    %swap3A_40 = arith.constant 0 : index
    %swap3A_41 = vector.load %arg6[%swap3A, %swap3A_40] : memref<1024x40xf32, #tpu.memory_space<vmem>>, vector<1024x40xf32>
    tpu.vector_store %arg6[%swap3A, %swap3A_40], %slice3A {strides = array<i32>} : memref<1024x40xf32, #tpu.memory_space<vmem>>, vector<1024x40xf32>,
    return
  }
  func.func @transform_0(%arg0: i32) -> (i32, i32, i32) {
    %c0_i32 = arith.constant 0 : i32
    %c0_i32_0 = arith.constant 0 : i32
    %c0_i32_1 = arith.constant 0 : i32
    return %c0_i32, %arg0, %c0_i32_0 : i32, i32, i32
  }
  func.func @transform_1(%arg0: i32) -> (i32, i32) {
    %c0_i32 = arith.constant 0 : i32
    %c0_i32_0 = arith.constant 0 : i32
    return %arg0, %c0_i32 : i32, i32
  }
  func.func @transform_2(%arg0: i32) -> (i32, i32) {
    %c0_i32 = arith.constant 0 : i32
    %c0_i32_0 = arith.constant 0 : i32
    %c0_i32_1 = arith.constant 0 : i32
    return %c0_i32, %c0_i32_0 : i32, i32
  }
  func.func @transform_3(%arg0: i32) -> (i32, i32) {
    %c0_i32 = arith.constant 0 : i32
    %c0_i32_0 = arith.constant 0 : i32
    %c0_i32_1 = arith.constant 0 : i32
    return %c0_i32, %c0_i32_0 : i32, i32
  }
  func.func @transform_4(%arg0: i32) -> (i32, i32) {
    %c0_i32 = arith.constant 0 : i32
    %c0_i32_0 = arith.constant 0 : i32
    %c0_i32_1 = arith.constant 0 : i32
    return %c0_i32, %c0_i32_0 : i32, i32
  }
  func.func @transform_5(%arg0: i32) -> (i32, i32) {
    %c0_i32 = arith.constant 0 : i32
    %c0_i32_0 = arith.constant 0 : i32
    return %arg0, %c0_i32 : i32, i32
  }
}

module attributes {stable_mosaic.version = 14 : i64} {
  func.func @_k2_body(%arg0: i32, %arg1: memref<2x1024x128xf32, #tpu.memory_space<vmem>>, %arg2: memref<1024x1xf32, #tpu.memory_space<vmem>>, %arg3: memref<1x128xf32, #tpu.memory_space<vmem>>, %arg4: memref<128x128xf32, #tpu.memory_space<vmem>>, %arg5: memref<1024x128xf32, #tpu.memory_space<vmem>>) attributes {dimension_semantics = [#tpu.dimension_semantics<arbitrary>], iteration_bounds = array<i64: 10>, scalar_prefetch = 0 : i64, scratch_operands = 0 : i64, tpu.core_type = #tpu.core_type<tc>, window_params = [{transform_indices = @transform_0, window_bounds = array<i64: 2, 1024, 128>}, {transform_indices = @transform_1, window_bounds = array<i64: 1024, 1>}, {pipeline_mode = #tpu.pipeline_mode<synchronous>, transform_indices = @transform_2, window_bounds = array<i64: 1, 128>}, {pipeline_mode = #tpu.pipeline_mode<synchronous>, transform_indices = @transform_3, window_bounds = array<i64: 128, 128>}, {transform_indices = @transform_4, window_bounds = array<i64: 1024, 128>}]} {
    %get3A = arith.constant 0 : index
    %get3A_0 = arith.constant 0 : index
    %get3A_1 = vector.load %arg2[%get3A, %get3A_0] : memref<1024x1xf32, #tpu.memory_space<vmem>>, vector<1024x1xf32>
    %get3A_2 = arith.constant 0 : index
    %get3A_3 = arith.constant 0 : index
    %get3A_4 = arith.constant 0 : index
    %get3A_5 = vector.load %arg1[%get3A_2, %get3A_3, %get3A_4] : memref<2x1024x128xf32, #tpu.memory_space<vmem>>, vector<1x1024x128xf32>
    %get3A_6 = vector.shape_cast %get3A_5 : vector<1x1024x128xf32> to vector<1024x128xf32>
    %get3A_7 = arith.constant 1 : index
    %get3A_8 = arith.constant 0 : index
    %get3A_9 = arith.constant 0 : index
    %get3A_10 = vector.load %arg1[%get3A_7, %get3A_8, %get3A_9] : memref<2x1024x128xf32, #tpu.memory_space<vmem>>, vector<1x1024x128xf32>
    %get3A_11 = vector.shape_cast %get3A_10 : vector<1x1024x128xf32> to vector<1024x128xf32>
    %add3A = arith.addf %get3A_6, %get3A_11 : vector<1024x128xf32>
    %mul3A = vector.broadcast %get3A_1 : vector<1024x1xf32> to vector<1024x128xf32>
    %mul3A_12 = arith.mulf %add3A, %mul3A : vector<1024x128xf32>
    %get3A_13 = arith.constant 0 : index
    %get3A_14 = arith.constant 0 : index
    %get3A_15 = vector.load %arg3[%get3A_13, %get3A_14] : memref<1x128xf32, #tpu.memory_space<vmem>>, vector<1x128xf32>
    %add3A_16 = vector.broadcast %get3A_15 : vector<1x128xf32> to vector<1024x128xf32>
    %add3A_17 = arith.addf %mul3A_12, %add3A_16 : vector<1024x128xf32>
    %max3A = arith.constant 0.000000e+00 : f32
    %max3A_18 = vector.broadcast %max3A : f32 to vector<1024x128xf32>
    %max3A_19 = arith.maximumf %add3A_17, %max3A_18 : vector<1024x128xf32>
    %get3A_20 = arith.constant 0 : index
    %get3A_21 = arith.constant 0 : index
    %get3A_22 = vector.load %arg4[%get3A_20, %get3A_21] : memref<128x128xf32, #tpu.memory_space<vmem>>, vector<128x128xf32>
    %dot_general3A = arith.constant dense<0.000000e+00> : vector<1024x128xf32>
    %dot_general3A_23 = tpu.matmul %max3A_19, %get3A_22, %dot_general3A {dimension_numbers = #tpu.dot_dimension_numbers<[1], [0], [0], [1], [0, 0, 1, 1], [], []>, transpose_lhs_hint = false} : vector<1024x128xf32>, vector<128x128xf32>, vector<1024x128xf32> -> vector<1024x128xf32>
    %mul3A_24 = vector.broadcast %get3A_1 : vector<1024x1xf32> to vector<1024x128xf32>
    %mul3A_25 = arith.mulf %dot_general3A_23, %mul3A_24 : vector<1024x128xf32>
    %swap3A = arith.constant 0 : index
    %swap3A_26 = arith.constant 0 : index
    %swap3A_27 = vector.load %arg5[%swap3A, %swap3A_26] : memref<1024x128xf32, #tpu.memory_space<vmem>>, vector<1024x128xf32>
    tpu.vector_store %arg5[%swap3A, %swap3A_26], %mul3A_25 {strides = array<i32>} : memref<1024x128xf32, #tpu.memory_space<vmem>>, vector<1024x128xf32>,
    return
  }
  func.func @transform_0(%arg0: i32) -> (i32, i32, i32) {
    %c0_i32 = arith.constant 0 : i32
    %c0_i32_0 = arith.constant 0 : i32
    %c0_i32_1 = arith.constant 0 : i32
    return %c0_i32, %arg0, %c0_i32_0 : i32, i32, i32
  }
  func.func @transform_1(%arg0: i32) -> (i32, i32) {
    %c0_i32 = arith.constant 0 : i32
    %c0_i32_0 = arith.constant 0 : i32
    return %arg0, %c0_i32 : i32, i32
  }
  func.func @transform_2(%arg0: i32) -> (i32, i32) {
    %c0_i32 = arith.constant 0 : i32
    %c0_i32_0 = arith.constant 0 : i32
    %c0_i32_1 = arith.constant 0 : i32
    return %c0_i32, %c0_i32_0 : i32, i32
  }
  func.func @transform_3(%arg0: i32) -> (i32, i32) {
    %c0_i32 = arith.constant 0 : i32
    %c0_i32_0 = arith.constant 0 : i32
    %c0_i32_1 = arith.constant 0 : i32
    return %c0_i32, %c0_i32_0 : i32, i32
  }
  func.func @transform_4(%arg0: i32) -> (i32, i32) {
    %c0_i32 = arith.constant 0 : i32
    %c0_i32_0 = arith.constant 0 : i32
    return %arg0, %c0_i32 : i32, i32
  }
}

</mosaic_0001>

<sc_bundles>
// kernel: kernel.11.cloned.1.call-start
scs
__scs_entry_jumppad:
0x0: {  	(pc) =	sbr.rel $0x88, $3  }
0x1: {  	(tag) =	ssettag $0x0;
	lr =	simm.s32 $0x1  }
0x2: {  	[smem:$0x3F99] =	sst lr;
	_ =	strace $0xD0000000  }
0x3: {  	_ = 	snop  }
0x4: {  	_ = 	snop  }
0x5: {  	_ = 	snop  }
0x6: {  	_ = 	snop  }
0x7: {  	_ = 	snop  }
__scs_overlays_trampoline_lowered:
0x8: {  	[smem:$0x3FA8] =	sst s0  }
0x9: {  	[smem:$0x3FA9] =	sst s1  }
0xa: {  	[smem:$0x3FAA] =	sst s2  }
0xb: {  	[smem:$0x3FAB] =	sst s3  }
0xc: {  	[smem:$0x3FAC] =	sst s4  }
0xd: {  	[smem:$0x3FAD] =	sst s5  }
0xe: {  	[smem:$0x3FAE] =	sst s6  }
0xf: {  	[smem:$0x3FAF] =	sst s7  }
0x10: {  	[smem:$0x3FB0] =	sst s8  }
0x11: {  	[smem:$0x3FB1] =	sst s9;
	s0 =	simm.s32 @!p0 $0x0  }
0x12: {  	s1 =	sld [smem:$0x3F97];
	s0 =	simm.s32 @p0 $0x1  }
0x13: {  	[smem:$0x3FB2] =	sst s0;
	s0 =	simm.s32 @!p1 $0x0  }
0x14: {  	s2 =	sld [smem:$0x3F96];
	s0 =	simm.s32 @p1 $0x1  }
0x15: {  	[smem:$0x3FB3] =	sst s0;
	s0 =	simm.s32 @!p2 $0x0  }
0x16: {  	s3 =	sld [smem:$0x3FDB];
	s0 =	simm.s32 @p2 $0x1  }
0x17: {  	s4 =	simm.s32 $0x1BF5;
	[smem:$0x3FB5] =	sst s0  }
0x18: {  	s0 =	sld [smem:$0x3F98];
	_ =	swait.ge [sflag:s4], $0x0  }
0x19: {  	s7 =	sld [smem:$0x3F99]  }
0x1a: {  	s8 =	sadd.s32 $0xFFFFE003, lr  }
0x1b: {  	s9 =	sadd.s32 $0xFFFFFEF7, lr;
	s5 =	simm.s32 $0xFFFFFFFF;
	p2 =	slt.u32 s8, $0xFFFFF086  }
0x1c: {  	p1 =	slt.u32 s9, $0xF7A;
	s5 =	simm.s32 @!p2 $0x0  }
0x1d: {  	s5 =	simm.s32 @p1 $0x1;
	p0 =	seq.s32 s7, s2  }
0x1e: {  	s7 =	smul.u32 @!p0 $0xF7A, s2;
	p2 =	seq.s32 @!p0 s5, $0x0  }
0x1f: {  	s9 =	smul.u32 $0xF7A, s1;
	s8 =	simm.s32 @!p0 $0x1BF5;
	p2 =	por !p2, p0  }
0x20: {  	[sflag:s8] =	ssyncset.s32 @!p0 $0xFFFFF086;
	s6 =	sadd.s32 @!p0 s3, s7;
	s7 =	simm.s32 @!p0 $0x108  }
0x21: {  	s3 =	sadd.s32 s3, s9;
	s6 =	sadd.s32 @!p0 $0x88, s6;
	s7 =	simm.s32 @p2 $0x1082  }
0x22: {  	[simem:s7], [sflag:s8] =	dma.local @!p0 [hbm:s6], $0xF7A  }
0x23: {  	s9 =	sor.u32 $0xD0000000, s2;
	s6 =	simm.s32 $0x108;
	_ =	swait.ge @!p0 [sflag:s8], $0x0  }
0x24: {  	s3 =	sadd.s32 $0x88, s3;
	s6 =	simm.s32 @!p1 $0x1082;
	[sflag:s4] =	ssyncset.s32 $0xFFFFF086  }
0x25: {  	[simem:s6], [sflag:s4] =	dma.local [hbm:s3], $0xF7A  }
0x26: {  	[smem:$0x3F99] =	sst s1;
	(tag) =	ssettag s2;
	_ =	strace s9  }
0x27: {  	s1 =	sld [smem:$0x3FA9]  }
0x28: {  	s2 =	sld [smem:$0x3FAA]  }
0x29: {  	s4 =	sld [smem:$0x3FAC]  }
0x2a: {  	p0 =	seq.s32 s5, $0x0;
	s5 =	sld [smem:$0x3FAD]  }
0x2b: {  	s6 =	sld [smem:$0x3FAE]  }
0x2c: {  	s7 =	sld [smem:$0x3FAF]  }
0x2d: {  	s3 =	simm.s32 $0x108;
	s8 =	sld [smem:$0x3FB0]  }
0x2e: {  	s3 =	simm.s32 @!p0 $0x1082;
	s9 =	sld [smem:$0x3FB1]  }
0x2f: {  	lr =	sadd.s32 s0, s3;
	s0 =	sld [smem:$0x3FA8]  }
0x30: {  	s3 =	sld [smem:$0x3FAB]  }
0x31: {  	[smem:$0x3FB4] =	sst s10  }
0x32: {  	s10 =	sld [smem:$0x3FB2];
	_ =	sdelay $0x3  }
0x33: {  	p0 =	seq.s32 s10, $0x1;
	s10 =	sld [smem:$0x3FB4];
	_ =	sdelay $0x3  }
0x34: {  	[smem:$0x3FB4] =	sst s10  }
0x35: {  	s10 =	sld [smem:$0x3FB3];
	_ =	sdelay $0x3  }
0x36: {  	p1 =	seq.s32 s10, $0x1;
	s10 =	sld [smem:$0x3FB4];
	_ =	sdelay $0x3  }
0x37: {  	[smem:$0x3FB4] =	sst s10  }
0x38: {  	s10 =	sld [smem:$0x3FB5]  }
0x39: {  	_ = 	snop;
	(pc) =	sbr.ind lr, $3  }
0x3a: {  	_ = 	snop  }
0x3b: {  	_ = 	snop  }
0x3c: {  	p2 =	seq.s32 s10, $0x1;
	s10 =	sld [smem:$0x3FB4]  }
0x3d: {  	_ =	shalt  }
0x3e: {  	_ =	shalt  }
0x3f: {  	_ =	shalt  }
0x40: {  	_ =	shalt  }
0x41: {  	_ =	shalt  }
0x42: {  	_ =	shalt  }
0x43: {  	_ =	shalt  }
0x44: {  	_ =	shalt  }
0x45: {  	_ =	shalt  }
0x46: {  	_ =	shalt  }
0x47: {  	_ =	shalt  }
0x48: {  	_ =	shalt  }
0x49: {  	_ =	shalt  }
0x4a: {  	_ =	shalt  }
0x4b: {  	_ =	shalt  }
0x4c: {  	_ =	shalt  }
0x4d: {  	_ =	shalt  }
0x4e: {  	_ =	shalt  }
0x4f: {  	_ =	shalt  }
0x50: {  	_ =	shalt  }
0x51: {  	_ =	shalt  }
0x52: {  	_ =	shalt  }
0x53: {  	_ =	shalt  }
0x54: {  	_ =	shalt  }
0x55: {  	_ =	shalt  }
0x56: {  	_ =	shalt  }
0x57: {  	_ =	shalt  }
0x58: {  	_ =	shalt  }
0x59: {  	_ =	shalt  }
0x5a: {  	_ =	shalt  }
0x5b: {  	_ =	shalt  }
0x5c: {  	_ =	shalt  }
0x5d: {  	_ =	shalt  }
0x5e: {  	_ =	shalt  }
0x5f: {  	_ =	shalt  }
0x60: {  	_ =	shalt  }
0x61: {  	_ =	shalt  }
0x62: {  	_ =	shalt  }
0x63: {  	_ =	shalt  }
0x64: {  	_ =	shalt  }
0x65: {  	_ =	shalt  }
0x66: {  	_ =	shalt  }
0x67: {  	_ =	shalt  }
0x68: {  	_ =	shalt  }
0x69: {  	_ =	shalt  }
0x6a: {  	_ =	shalt  }
0x6b: {  	_ =	shalt  }
0x6c: {  	_ =	shalt  }
0x6d: {  	_ =	shalt  }
0x6e: {  	_ =	shalt  }
0x6f: {  	_ =	shalt  }
0x70: {  	_ =	shalt  }
0x71: {  	_ =	shalt  }
0x72: {  	_ =	shalt  }
0x73: {  	_ =	shalt  }
0x74: {  	_ =	shalt  }
0x75: {  	_ =	shalt  }
0x76: {  	_ =	shalt  }
0x77: {  	_ =	shalt  }
0x78: {  	_ =	shalt  }
0x79: {  	_ =	shalt  }
0x7a: {  	_ =	shalt  }
0x7b: {  	_ =	shalt  }
0x7c: {  	_ =	shalt  }
0x7d: {  	_ =	shalt  }
0x7e: {  	_ =	shalt  }
0x7f: {  	_ =	shalt  }
0x80: {  	_ =	shalt  }
0x81: {  	_ =	shalt  }
0x82: {  	_ =	shalt  }
0x83: {  	_ =	shalt  }
0x84: {  	_ =	shalt  }
0x85: {  	_ =	shalt  }
0x86: {  	_ =	shalt  }
0x87: {  	_ =	shalt  }
.Lfunc_end0:
.L_simem_size_0:
called_computation.1_lowered:
.L_overlay_start_0:
0x88: {  	s2 =	sld [smem:$0x3FD9]  }
0x89: {  	s3 =	sld [smem:$0x3FFE];
	_ =	sdelay $0x1  }
0x8a: {  	s1 =	srdreg.scid  }
0x8b: {  	s0 =	sand.u32 $0x1, s1  }
0x8c: {  	s17 =	sshll.u32 s0, $0xA;
	s2 =	sadd.s32 s3, s2  }
0x8d: {  	s2 =	sadd.s32 s2, s17  }
0x8e: {  	[smem:$0x3FC0] =	sst s2  }
0x8f: {  	_ = 	snop  }
0x90: {  	s2 =	sld [smem:$0x3FC8];
	(tm) =	ssettm $0x1  }
0x91: {  	s18 =	sld [smem:$0x3FFB];
	_ =	sdelay $0x3  }
0x92: {  	_ =	strace s18  }
0x93: {  	s3 =	sld [smem:$0x3FFC];
	_ =	sdelay $0x3  }
0x94: {  	_ =	strace s3  }
0x95: {  	s3 =	sld [smem:$0x3FFD];
	_ =	sdelay $0x3  }
0x96: {  	_ =	strace s3  }
0x97: {  	_ =	strace $0x8FFFFFFF  }
0x98: {  	s19 =	sld [smem:$0x3FDB];
	_ =	sdelay $0x1  }
0x99: {  	s4 =	simm.s32 $_scs_section_size  }
0x9a: {  	s5 =	simm.s32 $_size__tile_overlayer_lowered;
	s6 =	simm.s32 $_tile_overlayer_lowered  }
0x9b: {  	s22 =	simm.s32 $0x1BFF;
	s21 =	sshll.u32 s6, $0x1;
	s3 =	sadd.s32 s4, s19  }
0x9c: {  	s7 =	simm.s32 $0x0;
	s20 =	sshll.u32 s5, $0x1;
	s5 =	sadd.s32 s21, s3  }
0x9d: {  	[timem:s7], [sflag:s22] =	dma.local [hbm:s5], s20  }
0x9e: {  	_ =	swait.ge [sflag:s22], s20  }
0x9f: {  	s4 =	ssub.s32 $0x0, s20;
	[sflag:s22] =	ssyncset.done $0x0  }
0xa0: {  	[sflag:s22] =	ssyncadd.s32 s4;
	_ =	sdelay $0x1  }
0xa1: {  	s23 =	simm.s32 $0x1B8B  }
0xa2: {  	_ =	swait.ge [sflag:s23], $0x1  }
0xa3: {  	[sflag:s23] =	ssyncset.done $0x0  }
0xa4: {  	s25 =	simm.s32 $0x1B8E;
	s24 =	sld [smem:$0x3FFE];
	[sflag:s23] =	ssyncadd.s32 $0xFFFFFFFF  }
0xa5: {  	s26 =	simm.s32 $execute0_lowered;
	[smem:$0x3FD2] =	sst s25  }
0xa6: {  	s5 =	sshll.u32 s26, $0x1;
	_ =	strace $0x80000049;
	[dreg:$0x1] =	wrdreg $0xFFFFFFFF  }
0xa7: {  	s28 =	simm.s32 $_size_execute0_lowered;
	s3 =	sadd.s32 s3, s5;
	[dreg:$0x0] =	wrdreg $0x0  }
0xa8: {  	s5 =	sshll.u32 s28, $0x1;
	[dreg:$0x2] =	wrdreg s3  }
0xa9: {  	[dreg:$0x3] =	wrdreg s5  }
0xaa: {  	[dreg:$0x4] =	wrdreg $0xC0  }
0xab: {  	_ =	task [dreg:s7], $0x5FFFF  }
0xac: {  	[dreg:$0x1] =	wrdreg $0xFFFFFFFF  }
0xad: {  	[dreg:$0x0] =	wrdreg $0x60  }
0xae: {  	[dreg:$0x2] =	wrdreg s24  }
0xaf: {  	[dreg:$0x3] =	wrdreg s2  }
0xb0: {  	[dreg:$0x4] =	wrdreg $0x0  }
0xb1: {  	[dreg:$0x5] =	wrdreg $0x9  }
0xb2: {  	_ =	task.clear_ibuf [dreg:s7], $0x6FFFF;
	_ =	strace $0x90000049  }
0xb3: {  	s29 =	simm.s32 $0x9;
	_ =	strace $0x8000004B  }
0xb4: {  	_ =	swait.ge [sflag:s29], $0x1  }
0xb5: {  	[sflag:s29] =	ssyncadd.s32 $0xFFFFFFFF  }
0xb6: {  	_ =	strace $0x9000004B  }
0xb7: {  	_ =	sfence  }
0xb8: {  	s30 =	sld [smem:$0x0];
	_ =	sdelay $0x2  }
0xb9: {  	s31 =	sshll.u32 s1, $0xD;
	s1 =	sshrl.u32 s1, $0x2  }
0xba: {  	s3 =	sand.u32 $0x4000, s31;
	s1 =	sadd.s32 s1, s30  }
0xbb: {  	s0 =	sor.u32 s3, s0;
	s1 =	sshll.u32 s1, $0x11  }
0xbc: {  	s0 =	sor.u32 s1, s0  }
0xbd: {  	s0 =	sadd.s32 $0x8F2B, s0  }
0xbe: {  	[sflag:s0] =	ssyncadd.remote.s32 $0x1  }
0xbf: {  	_ =	sfence.sel $0xFFFF  }
0xc0: {  	[dreg:$0x0] =	wrdreg $0xFFFFFFFF;
	(pc) =	sbr.abs _section_cstart, $3  }
0xc1: {  	[dreg:$0x1] =	wrdreg $0xFFFFFFFF  }
0xc2: {  	_ =	task.clear_ibuf [dreg:s7], $0x2FFFF;
	_ =	strace $0x9FFFFFFF  }
0xc3: {  	(tm) =	ssettm $0x7FFFFFFF  }
tec
execute0_lowered:
.L_overlay_start_1:
0x0: {  	(tag) =	ssettag $0x1  }
0x1: {  	s0 =	rddreg [dreg:$0x0]  }
0x2: {  	s1 =	srdreg.scid;
	s6 =	rddreg [dreg:$0x1]  }
0x3: {  	s19 =	stileid.u32;
	s2 =	rddreg [dreg:$0x2]  }
0x4: {  	s3 =	simm.s32 $0x0;
	s28 =	simm.s32 $0x14080;
	s5 =	smul.u32 $0x14000, s19  }
0x5: {  	s29 =	simm.s32 $0x14180;
	s30 =	simm.s32 $0x18200;
	s7 =	smul.u32 $0x50000, s19  }
0x6: {  	s31 =	simm.s32 $0x1;
	s1 =	sand.u32 $0x1, s1;
	s10 =	smul.u32 $0x2800, s19  }
0x7: {  	[smem:$0x7FF] =	sst s3;
	s23 =	sshll.u32 s19, $0x5;
	s25 =	smul.u32 $0x9C0, s19  }
0x8: {  	s26 =	sshll.u32 s19, $0x6;
	s4 =	smul.u32 $0x140000, s1;
	_ =	strace $0x8000004A  }
0x9: {  	s8 =	ssub.s32 $0x2, s1;
	s17 =	sshll.u32 s1, $0x4;
	s24 =	smul.u32 $0x9C00, s1  }
0xa: {  	p0 =	sne.s32 s1, $0x0;
	s1 =	simm.s32 $0x2;
	s9 =	sshrl.u32 s8, $0x1  }
0xb: {  	s16 =	sshrl.u32 s7, $0x2;
	s7 =	sor.u32 s19, s17;
	s4 =	sadd.s32 s5, s4  }
0xc: {  	s8 =	ssub.s32 s8, s9;
	s20 =	smul.u32 $0x9C0, s7;
	s9 =	sadd.s32 s23, s6  }
0xd: {  	s23 =	simm.s32 $0x14000;
	s5 =	sshrl.u32 s4, $0x3;
	s4 =	sadd.s32 $0x2600, s0  }
0xe: {  	p1 =	sgt.u32 s7, $0x3;
	s7 =	simm.s32 $0x0;
	s10 =	sadd.s32 s4, s10  }
0xf: {  	s0 =	sadd.s32 s5, s0;
	s5 =	sadd.s32 s16, s2;
	[dreg:$0x9] =	wrdreg s10  }
0x10: {  	s15 =	sadd.s32 $0x13800, s9;
	s18 =	sadd.s32 $0x4000, s5;
	[dreg:$0x4] =	wrdreg s5  }
0x11: {  	s16 =	sadd.s32 $0x13810, s9;
	s11 =	sadd.s32 $0x8000, s5;
	[dreg:$0x5] =	wrdreg s18  }
0x12: {  	s21 =	sadd.s32 $0xC000, s5;
	s22 =	sadd.s32 $0x10000, s5;
	[dreg:$0x6] =	wrdreg s11  }
0x13: {  	s17 =	sadd.s32 $0x2A600, s0;
	s0 =	simm.s32 $0x3;
	[dreg:$0x7] =	wrdreg s21  }
0x14: {  	[dreg:$0x8] =	wrdreg s22;
	s11 =	sadd.s32 s6, s20;
	s18 =	smax.u32 s8, $0x1  }
0x15: {  	s6 =	sadd.s32 s24, s6;
	s20 =	sor.u32 $0x1C05, s26;
	s21 =	sshrl.u32 s5, $0x3  }
0x16: {  	s22 =	simm.s32 $0x5;
	s24 =	simm.s32 $0x14100;
	s26 =	simm.s32 $0x14200  }
0x17: {  	s12 =	sadd.s32 $0x10, s11;
	s13 =	sadd.s32 $0x20, s11;
	s14 =	sadd.s32 $0x30, s11  }
0x18: {  	v0 =	vimm.f32 $0.0e+00;
	s19 =	sadd.s32 s25, s6;
	s25 =	simm.s32 $0x80;
	s6 =	simm.s32 $0x4  }
.LBB2_1:
.Ltmp0:
0x19: {  	(pc) =	sbr.rel @p0 .LBB2_3-.Ltmp0, $1  }
0x1a: {  	_ =	sdelay $0x3  }
.Ltmp1:
0x1b: {  	s5 =	rddreg [dreg:$0x9];
	(pc) =	sbr.rel .LBB2_6-.Ltmp1, $4  }
0x1c: {  	[spmem:s21], [sflag:s20] =	dma.local [hbm:s5], $0x2800  }
0x1d: {  	_ =	swait.ge [sflag:s22], $0x2800  }
0x1e: {  	[sflag:s22] =	ssyncset.done $0x0  }
0x1f: {  	[sflag:s22] =	ssyncadd.s32 $0xFFFFD800  }
.LBB2_3:
0x20: {  	s8 =	sand.u32 $0xFE00, s3  }
0x21: {  	s9 =	sand.u32 $0x70, s3;
	s10 =	sshrl.u32 s8, $0x2  }
0x22: {  	s8 =	simm.s32 $0x40;
	s10 =	sor.u32 s9, s10;
	s9 =	simm.s32 $0x0  }
.LBB2_4:
0x23: {  	p2 =	sne.s32 s8, $0xFFC0  }
0x24: {  	[tilespmem:s10+$0x14200] =	vst v0;
	s9 =	sadd.s32 $0x10, s9;
	s10 =	smov.u32 s8;
	s8 =	sadd.s32 $0x40, s8  }
.Ltmp2:
0x25: {  	(pc) =	sbr.rel @p2 .LBB2_4-.Ltmp2, $4  }
0x26: {  	_ = 	snop  }
0x27: {  	s10 =	sand.u32 $0xFE00, s10  }
0x28: {  	s5 =	sand.u32 $0x70, s9;
	s10 =	sshrl.u32 s10, $0x2  }
0x29: {  	s10 =	sor.u32 s5, s10  }
0x2a: {  	[tilespmem:s10+$0x14200] =	vst v0;
	s5 =	rddreg [dreg:$0x4]  }
0x2b: {  	[spmem:s5] =	stream.linear.scatter [tilespmem:s26], [sflag:$0x5], $0x4000, $0x38;
	[tilespmem:$0x1C200] =	vst v63  }
0x2c: {  	_ =	swait.ge [sflag:s22], $0x4000  }
0x2d: {  	[sflag:s22] =	ssyncset.done $0x0  }
0x2e: {  	s10 =	rddreg [dreg:$0x5];
	[sflag:s22] =	ssyncadd.s32 $0xFFFFC000  }
0x2f: {  	[spmem:s10] =	stream.linear.scatter [tilespmem:s26], [sflag:$0x5], $0x4000, $0x38;
	[tilespmem:$0x1C200] =	vst v63  }
0x30: {  	_ =	swait.ge [sflag:s22], $0x4000  }
0x31: {  	[sflag:s22] =	ssyncset.done $0x0  }
0x32: {  	s8 =	rddreg [dreg:$0x6];
	[sflag:s22] =	ssyncadd.s32 $0xFFFFC000  }
0x33: {  	[spmem:s8] =	stream.linear.scatter [tilespmem:s26], [sflag:$0x5], $0x4000, $0x38;
	[tilespmem:$0x1C200] =	vst v63  }
0x34: {  	_ =	swait.ge [sflag:s22], $0x4000  }
0x35: {  	[sflag:s22] =	ssyncset.done $0x0  }
0x36: {  	s9 =	rddreg [dreg:$0x7];
	[sflag:s22] =	ssyncadd.s32 $0xFFFFC000  }
0x37: {  	[spmem:s9] =	stream.linear.scatter [tilespmem:s26], [sflag:$0x5], $0x4000, $0x38;
	[tilespmem:$0x1C200] =	vst v63  }
0x38: {  	_ =	swait.ge [sflag:s22], $0x4000  }
0x39: {  	[sflag:s22] =	ssyncset.done $0x0  }
0x3a: {  	s10 =	rddreg [dreg:$0x8];
	[sflag:s22] =	ssyncadd.s32 $0xFFFFC000  }
0x3b: {  	[spmem:s10] =	stream.linear.scatter [tilespmem:s26], [sflag:$0x5], $0x4000, $0x38;
	[tilespmem:$0x1C200] =	vst v63  }
0x3c: {  	_ =	swait.ge [sflag:s22], $0x4000  }
0x3d: {  	[sflag:s22] =	ssyncset.done $0x0  }
0x3e: {  	[sflag:s22] =	ssyncadd.s32 $0xFFFFC000  }
.LBB2_6:
0x3f: {  	[bflag:$0x0] =	sbarrier.arrive $0xFFFF;
	s5 =	simm.s32 $0x0  }
0x40: {  	[tilespmem:s23], [sflag:$0x5] =	stream.linear.gather [hbm4b:s11+s5], $0x80, $0x38;
	[tilespmem:$0x1C200] =	vst v63  }
0x41: {  	_ =	swait.ge [sflag:s22], $0x80  }
0x42: {  	[sflag:s22] =	ssyncset.done $0x0  }
0x43: {  	[sflag:s22] =	ssyncadd.s32 $0xFFFFFF80  }
0x44: {  	[tilespmem:s24], [sflag:$0x5] =	stream.linear.gather [hbm4b:s12+s5], $0x80, $0x38;
	[tilespmem:$0x1C200] =	vst v63  }
0x45: {  	_ =	swait.ge [sflag:s22], $0x80  }
0x46: {  	[sflag:s22] =	ssyncset.done $0x0  }
0x47: {  	[sflag:s22] =	ssyncadd.s32 $0xFFFFFF80  }
0x48: {  	[tilespmem:s26], [sflag:$0x1] =	stream.indirect.gather [hbm4b:s4+s25], $0x80, s23, s25, $0xb8;
	[tilespmem:$0x1C200] =	vst v63  }
0x49: {  	_ = 	snop  }
0x4a: {  	[tilespmem:s28], [sflag:$0x5] =	stream.linear.gather [hbm4b:s13+s5], $0x80, $0x38;
	[tilespmem:$0x1C200] =	vst v63  }
0x4b: {  	_ =	swait.ge [sflag:s22], $0x80  }
0x4c: {  	[sflag:s22] =	ssyncset.done $0x0  }
0x4d: {  	[sflag:s22] =	ssyncadd.s32 $0xFFFFFF80  }
0x4e: {  	[tilespmem:s29], [sflag:$0x5] =	stream.linear.gather [hbm4b:s14+s5], $0x80, $0x38;
	[tilespmem:$0x1C200] =	vst v63  }
0x4f: {  	_ =	swait.ge [sflag:s22], $0x80  }
0x50: {  	[sflag:s22] =	ssyncset.done $0x0  }
0x51: {  	[sflag:s22] =	ssyncadd.s32 $0xFFFFFF80  }
0x52: {  	[tilespmem:s30], [sflag:$0x2] =	stream.indirect.gather [hbm4b:s4+s25], $0x80, s28, s25, $0xb8;
	[tilespmem:$0x1C200] =	vst v63  }
0x53: {  	_ =	swait.ge [sflag:s31], $0x4000  }
0x54: {  	[sflag:s31] =	ssyncset.done $0x0  }
0x55: {  	[sflag:s31] =	ssyncadd.s32 $0xFFFFC000  }
0x56: {  	[spmem:s2] =	stream.indirect.scatter.add.f32 [tilespmem:s26], [sflag:$0x3], $0x80, s24, s25, $0xb8;
	[tilespmem:$0x1C200] =	vst v63  }
0x57: {  	_ =	swait.ge [sflag:s1], $0x4000  }
0x58: {  	[sflag:s1] =	ssyncset.done $0x0  }
0x59: {  	[sflag:s1] =	ssyncadd.s32 $0xFFFFC000  }
0x5a: {  	[spmem:s2] =	stream.indirect.scatter.add.f32 [tilespmem:s30], [sflag:$0x4], $0x80, s29, s25, $0xb8;
	[tilespmem:$0x1C200] =	vst v63  }
0x5b: {  	_ =	swait.ge [sflag:s0], $0x4000  }
0x5c: {  	s5 =	sadd.s32 $0x0, s19;
	[sflag:s0] =	ssyncset.done $0x0  }
0x5d: {  	s8 =	sadd.s32 $0x40, s5;
	[sflag:s0] =	ssyncadd.s32 $0xFFFFC000  }
0x5e: {  	[tilespmem:s23], [sflag:$0x5] =	stream.linear.gather [hbm4b:s8+s3], $0x80, $0x38;
	[tilespmem:$0x1C200] =	vst v63  }
0x5f: {  	_ =	swait.ge [sflag:s22], $0x80  }
0x60: {  	[sflag:s22] =	ssyncset.done $0x0  }
0x61: {  	s9 =	sadd.s32 $0x50, s5;
	[sflag:s22] =	ssyncadd.s32 $0xFFFFFF80  }
0x62: {  	[tilespmem:s24], [sflag:$0x5] =	stream.linear.gather [hbm4b:s9+s3], $0x80, $0x38;
	[tilespmem:$0x1C200] =	vst v63  }
0x63: {  	_ =	swait.ge [sflag:s22], $0x80  }
0x64: {  	[sflag:s22] =	ssyncset.done $0x0  }
0x65: {  	[sflag:s22] =	ssyncadd.s32 $0xFFFFFF80  }
0x66: {  	[tilespmem:s26], [sflag:$0x1] =	stream.indirect.gather [hbm4b:s4+s25], $0x80, s23, s25, $0xb8;
	[tilespmem:$0x1C200] =	vst v63  }
0x67: {  	_ =	swait.ge [sflag:s6], $0x4000  }
0x68: {  	[sflag:s6] =	ssyncset.done $0x0  }
0x69: {  	s10 =	sadd.s32 $0x60, s5;
	[sflag:s6] =	ssyncadd.s32 $0xFFFFC000  }
0x6a: {  	[tilespmem:s28], [sflag:$0x5] =	stream.linear.gather [hbm4b:s10+s3], $0x80, $0x38;
	[tilespmem:$0x1C200] =	vst v63  }
0x6b: {  	_ =	swait.ge [sflag:s22], $0x80  }
0x6c: {  	[sflag:s22] =	ssyncset.done $0x0  }
0x6d: {  	s5 =	sadd.s32 $0x70, s5;
	[sflag:s22] =	ssyncadd.s32 $0xFFFFFF80  }
0x6e: {  	[tilespmem:s29], [sflag:$0x5] =	stream.linear.gather [hbm4b:s5+s3], $0x80, $0x38;
	[tilespmem:$0x1C200] =	vst v63  }
0x6f: {  	_ =	swait.ge [sflag:s22], $0x80  }
0x70: {  	[sflag:s22] =	ssyncset.done $0x0  }
0x71: {  	[sflag:s22] =	ssyncadd.s32 $0xFFFFFF80  }
0x72: {  	[tilespmem:s30], [sflag:$0x2] =	stream.indirect.gather [hbm4b:s4+s25], $0x80, s28, s25, $0xb8;
	[tilespmem:$0x1C200] =	vst v63  }
0x73: {  	_ =	swait.ge [sflag:s31], $0x4000  }
0x74: {  	[sflag:s31] =	ssyncset.done $0x0  }
0x75: {  	[sflag:s31] =	ssyncadd.s32 $0xFFFFC000  }
0x76: {  	[spmem:s2] =	stream.indirect.scatter.add.f32 [tilespmem:s26], [sflag:$0x3], $0x80, s24, s25, $0xb8;
	[tilespmem:$0x1C200] =	vst v63  }
0x77: {  	_ =	swait.ge [sflag:s1], $0x4000  }
0x78: {  	[sflag:s1] =	ssyncset.done $0x0  }
0x79: {  	s8 =	simm.s32 $0x40;
	[sflag:s1] =	ssyncadd.s32 $0xFFFFC000  }
.LBB2_7:
0x7a: {  	[spmem:s2] =	stream.indirect.scatter.add.f32 [tilespmem:s30], [sflag:$0x4], $0x80, s29, s25, $0xb8;
	[tilespmem:$0x1C200] =	vst v63  }
0x7b: {  	s5 =	smov.u32 s8  }
0x7c: {  	p2 =	sne.s32 s8, $0x940;
	s8 =	sadd.s32 $0x40, s8;
	_ =	swait.ge [sflag:s0], $0x4000  }
0x7d: {  	s5 =	sadd.s32 s5, s19;
	[sflag:s0] =	ssyncset.done $0x0  }
0x7e: {  	s9 =	sadd.s32 $0x40, s5;
	[sflag:s0] =	ssyncadd.s32 $0xFFFFC000  }
0x7f: {  	[tilespmem:s23], [sflag:$0x5] =	stream.linear.gather [hbm4b:s9+s3], $0x80, $0x38;
	[tilespmem:$0x1C200] =	vst v63  }
0x80: {  	_ =	swait.ge [sflag:s22], $0x80  }
0x81: {  	[sflag:s22] =	ssyncset.done $0x0  }
0x82: {  	s9 =	sadd.s32 $0x50, s5;
	[sflag:s22] =	ssyncadd.s32 $0xFFFFFF80  }
0x83: {  	[tilespmem:s24], [sflag:$0x5] =	stream.linear.gather [hbm4b:s9+s3], $0x80, $0x38;
	[tilespmem:$0x1C200] =	vst v63  }
0x84: {  	_ =	swait.ge [sflag:s22], $0x80  }
0x85: {  	[sflag:s22] =	ssyncset.done $0x0  }
0x86: {  	[sflag:s22] =	ssyncadd.s32 $0xFFFFFF80  }
0x87: {  	[tilespmem:s26], [sflag:$0x1] =	stream.indirect.gather [hbm4b:s4+s25], $0x80, s23, s25, $0xb8;
	[tilespmem:$0x1C200] =	vst v63  }
0x88: {  	_ =	swait.ge [sflag:s6], $0x4000  }
0x89: {  	[sflag:s6] =	ssyncset.done $0x0  }
0x8a: {  	s9 =	sadd.s32 $0x60, s5;
	[sflag:s6] =	ssyncadd.s32 $0xFFFFC000  }
0x8b: {  	[tilespmem:s28], [sflag:$0x5] =	stream.linear.gather [hbm4b:s9+s3], $0x80, $0x38;
	[tilespmem:$0x1C200] =	vst v63  }
0x8c: {  	_ =	swait.ge [sflag:s22], $0x80  }
0x8d: {  	[sflag:s22] =	ssyncset.done $0x0  }
0x8e: {  	s5 =	sadd.s32 $0x70, s5;
	[sflag:s22] =	ssyncadd.s32 $0xFFFFFF80  }
0x8f: {  	[tilespmem:s29], [sflag:$0x5] =	stream.linear.gather [hbm4b:s5+s3], $0x80, $0x38;
	[tilespmem:$0x1C200] =	vst v63  }
0x90: {  	_ =	swait.ge [sflag:s22], $0x80  }
0x91: {  	[sflag:s22] =	ssyncset.done $0x0  }
0x92: {  	[sflag:s22] =	ssyncadd.s32 $0xFFFFFF80  }
0x93: {  	[tilespmem:s30], [sflag:$0x2] =	stream.indirect.gather [hbm4b:s4+s25], $0x80, s28, s25, $0xb8;
	[tilespmem:$0x1C200] =	vst v63  }
0x94: {  	_ =	swait.ge [sflag:s31], $0x4000  }
0x95: {  	[sflag:s31] =	ssyncset.done $0x0  }
.Ltmp3:
0x96: {  	[sflag:s31] =	ssyncadd.s32 $0xFFFFC000;
	(pc) =	sbr.rel @p2 .LBB2_7-.Ltmp3, $4  }
0x97: {  	[spmem:s2] =	stream.indirect.scatter.add.f32 [tilespmem:s26], [sflag:$0x3], $0x80, s24, s25, $0xb8;
	[tilespmem:$0x1C200] =	vst v63  }
0x98: {  	_ =	swait.ge [sflag:s1], $0x4000  }
0x99: {  	[sflag:s1] =	ssyncset.done $0x0  }
0x9a: {  	[sflag:s1] =	ssyncadd.s32 $0xFFFFC000  }
0x9b: {  	[spmem:s2] =	stream.indirect.scatter.add.f32 [tilespmem:s30], [sflag:$0x4], $0x80, s29, s25, $0xb8;
	[tilespmem:$0x1C200] =	vst v63  }
0x9c: {  	_ =	swait.ge [sflag:s0], $0x4000  }
0x9d: {  	[sflag:s0] =	ssyncset.done $0x0  }
0x9e: {  	[sflag:s0] =	ssyncadd.s32 $0xFFFFC000  }
0x9f: {  	_ =	swait.ge [sflag:s6], $0x4000  }
0xa0: {  	s5 =	simm.s32 @!p1 $0x0;
	[sflag:s6] =	ssyncset.done $0x0  }
0xa1: {  	s8 =	simm.s32 @!p1 $0x14000;
	s9 =	simm.s32 @!p1 $0x5;
	[sflag:s6] =	ssyncadd.s32 $0xFFFFC000  }
0xa2: {  	[tilespmem:s8], [sflag:$0x5] =	stream.linear.gather @!p1 [hbm4b:s15+s5], $0x80, $0x38;
	[tilespmem:$0x1C200] =	vst v63  }
0xa3: {  	_ =	swait.ge @!p1 [sflag:s9], $0x80  }
0xa4: {  	[sflag:s9] =	ssyncset.done @!p1 $0x0  }
0xa5: {  	s10 =	simm.s32 @!p1 $0x14100;
	[sflag:s9] =	ssyncadd.s32 @!p1 $0xFFFFFF80  }
0xa6: {  	[tilespmem:s10], [sflag:$0x5] =	stream.linear.gather @!p1 [hbm4b:s16+s5], $0x80, $0x38;
	[tilespmem:$0x1C200] =	vst v63  }
0xa7: {  	_ =	swait.ge @!p1 [sflag:s9], $0x80  }
0xa8: {  	[sflag:s9] =	ssyncset.done @!p1 $0x0  }
0xa9: {  	s5 =	simm.s32 @!p1 $0x80;
	[sflag:s9] =	ssyncadd.s32 @!p1 $0xFFFFFF80;
	s9 =	simm.s32 @!p1 $0x14200  }
0xaa: {  	[tilespmem:s9], [sflag:$0x1] =	stream.indirect.gather @!p1 [hbm4b:s4+s5], $0x80, s8, s5, $0xb8;
	[tilespmem:$0x1C200] =	vst v63  }
0xab: {  	s8 =	simm.s32 @!p1 $0x1  }
0xac: {  	_ =	swait.ge @!p1 [sflag:s8], $0x4000  }
0xad: {  	[sflag:s8] =	ssyncset.done @!p1 $0x0  }
0xae: {  	[sflag:s8] =	ssyncadd.s32 @!p1 $0xFFFFC000  }
0xaf: {  	[spmem:s2] =	stream.indirect.scatter.add.f32 @!p1 [tilespmem:s9], [sflag:$0x3], $0x80, s10, s5, $0xb8;
	[tilespmem:$0x1C200] =	vst v63  }
0xb0: {  	s5 =	simm.s32 @!p1 $0x3  }
0xb1: {  	_ =	swait.ge @!p1 [sflag:s5], $0x4000  }
0xb2: {  	s7 =	sadd.s32 $0x1, s7;
	[sflag:s5] =	ssyncset.done @!p1 $0x0  }
0xb3: {  	p2 =	sne.s32 s7, s18;
	[sflag:s5] =	ssyncadd.s32 @!p1 $0xFFFFC000  }
.Ltmp4:
0xb4: {  	[bflag:$0x0] =	sbarrier.arrive $0xFFFF;
	(pc) =	sbr.rel @p2 .LBB2_1-.Ltmp4, $4  }
0xb5: {  	[hbm:s17], [sflag:s20] =	dma.local [spmem:s21], $0x2800  }
0xb6: {  	_ =	swait.ge [sflag:s22], $0x2800  }
0xb7: {  	[sflag:s22] =	ssyncset.done $0x0  }
0xb8: {  	[sflag:s22] =	ssyncadd.s32 $0xFFFFD800  }
0xb9: {  	_ =	sfence.sel $0x180000  }
0xba: {  	[bflag:$0x0] =	sbarrier.arrive $0xFFFF  }
0xbb: {  	_ =	strace $0x9000004A  }
0xbc: {  	s0 =	stileid.u32;
	[bflag:$0x2] =	sbarrier.arrive $0xFFFF  }
0xbd: {  	p0 =	sne.s32 s0, $0x0;
	s0 =	rddreg [dreg:$0x3]  }
0xbe: {  	s0 =	sadd.s32 @!p0 $0x100000, s0  }
0xbf: {  	[sflag:s0] =	ssyncadd.tile.s32 @!p0 $0x1;
	_ =	shalt  }
.Lfunc_end2:
_tile_overlayer_lowered:
.L_overlay_start_2:
0xc0: {  	(tag) =	ssettag $0x2  }
0xc1: {  	s0 =	rddreg [dreg:$0x0];
	s2 =	stileid.u32  }
0xc2: {  	s1 =	rddreg [dreg:$0x1];
	p0 =	sne.s32 s2, $0x0  }
0xc3: {  	s3 =	rddreg [dreg:$0x2];
	[bflag:$0x3] =	sbarrier.arrive $0xFFFF;
	s2 =	simm.s32 @!p0 $0x1C05  }
0xc4: {  	[timem:s3], [sflag:s2] =	dma.local @!p0 [hbm:s0], s1  }
0xc5: {  	s0 =	simm.s32 @!p0 $0x5  }
0xc6: {  	_ =	swait.ge @!p0 [sflag:s0], s1  }
0xc7: {  	s1 =	ssub.s32 @!p0 $0x0, s1;
	[sflag:s0] =	ssyncset.done @!p0 $0x0  }
0xc8: {  	[sflag:s0] =	ssyncadd.s32 @!p0 s1  }
0xc9: {  	[bflag:$0x3] =	sbarrier.arrive $0xFFFF  }
0xca: {  	_ =	shalt  }

// kernel: kernel.14.cloned.1.call-start
scs
__scs_entry_jumppad:
0x0: {  	(pc) =	sbr.rel $0x88, $3  }
0x1: {  	(tag) =	ssettag $0x0;
	lr =	simm.s32 $0x1  }
0x2: {  	[smem:$0x3F99] =	sst lr;
	_ =	strace $0xD0000000  }
0x3: {  	_ = 	snop  }
0x4: {  	_ = 	snop  }
0x5: {  	_ = 	snop  }
0x6: {  	_ = 	snop  }
0x7: {  	_ = 	snop  }
__scs_overlays_trampoline_lowered:
0x8: {  	[smem:$0x3FA8] =	sst s0  }
0x9: {  	[smem:$0x3FA9] =	sst s1  }
0xa: {  	[smem:$0x3FAA] =	sst s2  }
0xb: {  	[smem:$0x3FAB] =	sst s3  }
0xc: {  	[smem:$0x3FAC] =	sst s4  }
0xd: {  	[smem:$0x3FAD] =	sst s5  }
0xe: {  	[smem:$0x3FAE] =	sst s6  }
0xf: {  	[smem:$0x3FAF] =	sst s7  }
0x10: {  	[smem:$0x3FB0] =	sst s8  }
0x11: {  	[smem:$0x3FB1] =	sst s9;
	s0 =	simm.s32 @!p0 $0x0  }
0x12: {  	s1 =	sld [smem:$0x3F97];
	s0 =	simm.s32 @p0 $0x1  }
0x13: {  	[smem:$0x3FB2] =	sst s0;
	s0 =	simm.s32 @!p1 $0x0  }
0x14: {  	s2 =	sld [smem:$0x3F96];
	s0 =	simm.s32 @p1 $0x1  }
0x15: {  	[smem:$0x3FB3] =	sst s0;
	s0 =	simm.s32 @!p2 $0x0  }
0x16: {  	s3 =	sld [smem:$0x3FDB];
	s0 =	simm.s32 @p2 $0x1  }
0x17: {  	s4 =	simm.s32 $0x1BF5;
	[smem:$0x3FB5] =	sst s0  }
0x18: {  	s0 =	sld [smem:$0x3F98];
	_ =	swait.ge [sflag:s4], $0x0  }
0x19: {  	s7 =	sld [smem:$0x3F99]  }
0x1a: {  	s8 =	sadd.s32 $0xFFFFE003, lr  }
0x1b: {  	s9 =	sadd.s32 $0xFFFFFEF7, lr;
	s5 =	simm.s32 $0xFFFFFFFF;
	p2 =	slt.u32 s8, $0xFFFFF086  }
0x1c: {  	p1 =	slt.u32 s9, $0xF7A;
	s5 =	simm.s32 @!p2 $0x0  }
0x1d: {  	s5 =	simm.s32 @p1 $0x1;
	p0 =	seq.s32 s7, s2  }
0x1e: {  	s7 =	smul.u32 @!p0 $0xF7A, s2;
	p2 =	seq.s32 @!p0 s5, $0x0  }
0x1f: {  	s9 =	smul.u32 $0xF7A, s1;
	s8 =	simm.s32 @!p0 $0x1BF5;
	p2 =	por !p2, p0  }
0x20: {  	[sflag:s8] =	ssyncset.s32 @!p0 $0xFFFFF086;
	s6 =	sadd.s32 @!p0 s3, s7;
	s7 =	simm.s32 @!p0 $0x108  }
0x21: {  	s3 =	sadd.s32 s3, s9;
	s6 =	sadd.s32 @!p0 $0x88, s6;
	s7 =	simm.s32 @p2 $0x1082  }
0x22: {  	[simem:s7], [sflag:s8] =	dma.local @!p0 [hbm:s6], $0xF7A  }
0x23: {  	s9 =	sor.u32 $0xD0000000, s2;
	s6 =	simm.s32 $0x108;
	_ =	swait.ge @!p0 [sflag:s8], $0x0  }
0x24: {  	s3 =	sadd.s32 $0x88, s3;
	s6 =	simm.s32 @!p1 $0x1082;
	[sflag:s4] =	ssyncset.s32 $0xFFFFF086  }
0x25: {  	[simem:s6], [sflag:s4] =	dma.local [hbm:s3], $0xF7A  }
0x26: {  	[smem:$0x3F99] =	sst s1;
	(tag) =	ssettag s2;
	_ =	strace s9  }
0x27: {  	s1 =	sld [smem:$0x3FA9]  }
0x28: {  	s2 =	sld [smem:$0x3FAA]  }
0x29: {  	s4 =	sld [smem:$0x3FAC]  }
0x2a: {  	p0 =	seq.s32 s5, $0x0;
	s5 =	sld [smem:$0x3FAD]  }
0x2b: {  	s6 =	sld [smem:$0x3FAE]  }
0x2c: {  	s7 =	sld [smem:$0x3FAF]  }
0x2d: {  	s3 =	simm.s32 $0x108;
	s8 =	sld [smem:$0x3FB0]  }
0x2e: {  	s3 =	simm.s32 @!p0 $0x1082;
	s9 =	sld [smem:$0x3FB1]  }
0x2f: {  	lr =	sadd.s32 s0, s3;
	s0 =	sld [smem:$0x3FA8]  }
0x30: {  	s3 =	sld [smem:$0x3FAB]  }
0x31: {  	[smem:$0x3FB4] =	sst s10  }
0x32: {  	s10 =	sld [smem:$0x3FB2];
	_ =	sdelay $0x3  }
0x33: {  	p0 =	seq.s32 s10, $0x1;
	s10 =	sld [smem:$0x3FB4];
	_ =	sdelay $0x3  }
0x34: {  	[smem:$0x3FB4] =	sst s10  }
0x35: {  	s10 =	sld [smem:$0x3FB3];
	_ =	sdelay $0x3  }
0x36: {  	p1 =	seq.s32 s10, $0x1;
	s10 =	sld [smem:$0x3FB4];
	_ =	sdelay $0x3  }
0x37: {  	[smem:$0x3FB4] =	sst s10  }
0x38: {  	s10 =	sld [smem:$0x3FB5]  }
0x39: {  	_ = 	snop;
	(pc) =	sbr.ind lr, $3  }
0x3a: {  	_ = 	snop  }
0x3b: {  	_ = 	snop  }
0x3c: {  	p2 =	seq.s32 s10, $0x1;
	s10 =	sld [smem:$0x3FB4]  }
0x3d: {  	_ =	shalt  }
0x3e: {  	_ =	shalt  }
0x3f: {  	_ =	shalt  }
0x40: {  	_ =	shalt  }
0x41: {  	_ =	shalt  }
0x42: {  	_ =	shalt  }
0x43: {  	_ =	shalt  }
0x44: {  	_ =	shalt  }
0x45: {  	_ =	shalt  }
0x46: {  	_ =	shalt  }
0x47: {  	_ =	shalt  }
0x48: {  	_ =	shalt  }
0x49: {  	_ =	shalt  }
0x4a: {  	_ =	shalt  }
0x4b: {  	_ =	shalt  }
0x4c: {  	_ =	shalt  }
0x4d: {  	_ =	shalt  }
0x4e: {  	_ =	shalt  }
0x4f: {  	_ =	shalt  }
0x50: {  	_ =	shalt  }
0x51: {  	_ =	shalt  }
0x52: {  	_ =	shalt  }
0x53: {  	_ =	shalt  }
0x54: {  	_ =	shalt  }
0x55: {  	_ =	shalt  }
0x56: {  	_ =	shalt  }
0x57: {  	_ =	shalt  }
0x58: {  	_ =	shalt  }
0x59: {  	_ =	shalt  }
0x5a: {  	_ =	shalt  }
0x5b: {  	_ =	shalt  }
0x5c: {  	_ =	shalt  }
0x5d: {  	_ =	shalt  }
0x5e: {  	_ =	shalt  }
0x5f: {  	_ =	shalt  }
0x60: {  	_ =	shalt  }
0x61: {  	_ =	shalt  }
0x62: {  	_ =	shalt  }
0x63: {  	_ =	shalt  }
0x64: {  	_ =	shalt  }
0x65: {  	_ =	shalt  }
0x66: {  	_ =	shalt  }
0x67: {  	_ =	shalt  }
0x68: {  	_ =	shalt  }
0x69: {  	_ =	shalt  }
0x6a: {  	_ =	shalt  }
0x6b: {  	_ =	shalt  }
0x6c: {  	_ =	shalt  }
0x6d: {  	_ =	shalt  }
0x6e: {  	_ =	shalt  }
0x6f: {  	_ =	shalt  }
0x70: {  	_ =	shalt  }
0x71: {  	_ =	shalt  }
0x72: {  	_ =	shalt  }
0x73: {  	_ =	shalt  }
0x74: {  	_ =	shalt  }
0x75: {  	_ =	shalt  }
0x76: {  	_ =	shalt  }
0x77: {  	_ =	shalt  }
0x78: {  	_ =	shalt  }
0x79: {  	_ =	shalt  }
0x7a: {  	_ =	shalt  }
0x7b: {  	_ =	shalt  }
0x7c: {  	_ =	shalt  }
0x7d: {  	_ =	shalt  }
0x7e: {  	_ =	shalt  }
0x7f: {  	_ =	shalt  }
0x80: {  	_ =	shalt  }
0x81: {  	_ =	shalt  }
0x82: {  	_ =	shalt  }
0x83: {  	_ =	shalt  }
0x84: {  	_ =	shalt  }
0x85: {  	_ =	shalt  }
0x86: {  	_ =	shalt  }
0x87: {  	_ =	shalt  }
.Lfunc_end0:
.L_simem_size_0:
called_computation.2_lowered:
.L_overlay_start_0:
0x88: {  	s2 =	sld [smem:$0x3FD9]  }
0x89: {  	s3 =	sld [smem:$0x3FFE];
	_ =	sdelay $0x1  }
0x8a: {  	s1 =	srdreg.scid  }
0x8b: {  	s0 =	sand.u32 $0x1, s1  }
0x8c: {  	s17 =	sshll.u32 s0, $0xA;
	s2 =	sadd.s32 s3, s2  }
0x8d: {  	s2 =	sadd.s32 s2, s17  }
0x8e: {  	[smem:$0x3FC0] =	sst s2  }
0x8f: {  	_ = 	snop  }
0x90: {  	s2 =	sld [smem:$0x3FC8];
	(tm) =	ssettm $0x1  }
0x91: {  	s18 =	sld [smem:$0x3FFB];
	_ =	sdelay $0x3  }
0x92: {  	_ =	strace s18  }
0x93: {  	s3 =	sld [smem:$0x3FFC];
	_ =	sdelay $0x3  }
0x94: {  	_ =	strace s3  }
0x95: {  	s3 =	sld [smem:$0x3FFD];
	_ =	sdelay $0x3  }
0x96: {  	_ =	strace s3  }
0x97: {  	_ =	strace $0x8FFFFFFF  }
0x98: {  	s19 =	sld [smem:$0x3FDB];
	_ =	sdelay $0x1  }
0x99: {  	s4 =	simm.s32 $_scs_section_size  }
0x9a: {  	s5 =	simm.s32 $_size__tile_overlayer_lowered;
	s6 =	simm.s32 $_tile_overlayer_lowered  }
0x9b: {  	s22 =	simm.s32 $0x1BFF;
	s21 =	sshll.u32 s6, $0x1;
	s3 =	sadd.s32 s4, s19  }
0x9c: {  	s7 =	simm.s32 $0x0;
	s20 =	sshll.u32 s5, $0x1;
	s5 =	sadd.s32 s21, s3  }
0x9d: {  	[timem:s7], [sflag:s22] =	dma.local [hbm:s5], s20  }
0x9e: {  	_ =	swait.ge [sflag:s22], s20  }
0x9f: {  	s4 =	ssub.s32 $0x0, s20;
	[sflag:s22] =	ssyncset.done $0x0  }
0xa0: {  	[sflag:s22] =	ssyncadd.s32 s4;
	_ =	sdelay $0x1  }
0xa1: {  	s23 =	simm.s32 $0x1B8B  }
0xa2: {  	_ =	swait.ge [sflag:s23], $0x1  }
0xa3: {  	[sflag:s23] =	ssyncset.done $0x0  }
0xa4: {  	s25 =	simm.s32 $0x1B8E;
	s24 =	sld [smem:$0x3FFE];
	[sflag:s23] =	ssyncadd.s32 $0xFFFFFFFF  }
0xa5: {  	s26 =	simm.s32 $execute0_lowered;
	[smem:$0x3FD2] =	sst s25  }
0xa6: {  	s5 =	sshll.u32 s26, $0x1;
	_ =	strace $0x8000004C;
	[dreg:$0x1] =	wrdreg $0xFFFFFFFF  }
0xa7: {  	s28 =	simm.s32 $_size_execute0_lowered;
	s3 =	sadd.s32 s3, s5;
	[dreg:$0x0] =	wrdreg $0x0  }
0xa8: {  	s5 =	sshll.u32 s28, $0x1;
	[dreg:$0x2] =	wrdreg s3  }
0xa9: {  	[dreg:$0x3] =	wrdreg s5  }
0xaa: {  	[dreg:$0x4] =	wrdreg $0xC0  }
0xab: {  	_ =	task [dreg:s7], $0x5FFFF  }
0xac: {  	[dreg:$0x1] =	wrdreg $0xFFFFFFFF  }
0xad: {  	[dreg:$0x0] =	wrdreg $0x60  }
0xae: {  	[dreg:$0x2] =	wrdreg s24  }
0xaf: {  	[dreg:$0x3] =	wrdreg s2  }
0xb0: {  	[dreg:$0x4] =	wrdreg $0x0  }
0xb1: {  	[dreg:$0x5] =	wrdreg $0x9  }
0xb2: {  	_ =	task.clear_ibuf [dreg:s7], $0x6FFFF;
	_ =	strace $0x9000004C  }
0xb3: {  	s29 =	simm.s32 $0x9;
	_ =	strace $0x8000004E  }
0xb4: {  	_ =	swait.ge [sflag:s29], $0x1  }
0xb5: {  	[sflag:s29] =	ssyncadd.s32 $0xFFFFFFFF  }
0xb6: {  	_ =	strace $0x9000004E  }
0xb7: {  	_ =	sfence  }
0xb8: {  	s30 =	sld [smem:$0x0];
	_ =	sdelay $0x2  }
0xb9: {  	s31 =	sshll.u32 s1, $0xD;
	s1 =	sshrl.u32 s1, $0x2  }
0xba: {  	s3 =	sand.u32 $0x4000, s31;
	s1 =	sadd.s32 s1, s30  }
0xbb: {  	s0 =	sor.u32 s3, s0;
	s1 =	sshll.u32 s1, $0x11  }
0xbc: {  	s0 =	sor.u32 s1, s0  }
0xbd: {  	s0 =	sadd.s32 $0x8F2B, s0  }
0xbe: {  	[sflag:s0] =	ssyncadd.remote.s32 $0x1  }
0xbf: {  	_ =	sfence.sel $0xFFFF  }
0xc0: {  	[dreg:$0x0] =	wrdreg $0xFFFFFFFF;
	(pc) =	sbr.abs _section_cstart, $3  }
0xc1: {  	[dreg:$0x1] =	wrdreg $0xFFFFFFFF  }
0xc2: {  	_ =	task.clear_ibuf [dreg:s7], $0x2FFFF;
	_ =	strace $0x9FFFFFFF  }
0xc3: {  	(tm) =	ssettm $0x7FFFFFFF  }
tec
execute0_lowered:
.L_overlay_start_1:
0x0: {  	(tag) =	ssettag $0x1  }
0x1: {  	s0 =	rddreg [dreg:$0x0]  }
0x2: {  	s1 =	srdreg.scid;
	s6 =	rddreg [dreg:$0x1]  }
0x3: {  	s19 =	stileid.u32;
	s2 =	rddreg [dreg:$0x2]  }
0x4: {  	s3 =	simm.s32 $0x0;
	s28 =	simm.s32 $0x14080;
	s5 =	smul.u32 $0x14000, s19  }
0x5: {  	s29 =	simm.s32 $0x14180;
	s30 =	simm.s32 $0x18200;
	s7 =	smul.u32 $0x50000, s19  }
0x6: {  	s31 =	simm.s32 $0x1;
	s1 =	sand.u32 $0x1, s1;
	s10 =	smul.u32 $0x2800, s19  }
0x7: {  	[smem:$0x7FF] =	sst s3;
	s23 =	sshll.u32 s19, $0x5;
	s25 =	smul.u32 $0x9C0, s19  }
0x8: {  	s26 =	sshll.u32 s19, $0x6;
	s4 =	smul.u32 $0x140000, s1;
	_ =	strace $0x8000004D  }
0x9: {  	s8 =	ssub.s32 $0x2, s1;
	s17 =	sshll.u32 s1, $0x4;
	s24 =	smul.u32 $0x9C00, s1  }
0xa: {  	p0 =	sne.s32 s1, $0x0;
	s1 =	simm.s32 $0x2;
	s9 =	sshrl.u32 s8, $0x1  }
0xb: {  	s16 =	sshrl.u32 s7, $0x2;
	s7 =	sor.u32 s19, s17;
	s4 =	sadd.s32 s5, s4  }
0xc: {  	s8 =	ssub.s32 s8, s9;
	s20 =	smul.u32 $0x9C0, s7;
	s9 =	sadd.s32 s23, s6  }
0xd: {  	s23 =	simm.s32 $0x14000;
	s5 =	sshrl.u32 s4, $0x3;
	s4 =	sadd.s32 $0x2600, s0  }
0xe: {  	p1 =	sgt.u32 s7, $0x3;
	s7 =	simm.s32 $0x0;
	s10 =	sadd.s32 s4, s10  }
0xf: {  	s0 =	sadd.s32 s5, s0;
	s5 =	sadd.s32 s16, s2;
	[dreg:$0x9] =	wrdreg s10  }
0x10: {  	s15 =	sadd.s32 $0x13800, s9;
	s18 =	sadd.s32 $0x4000, s5;
	[dreg:$0x4] =	wrdreg s5  }
0x11: {  	s16 =	sadd.s32 $0x13810, s9;
	s11 =	sadd.s32 $0x8000, s5;
	[dreg:$0x5] =	wrdreg s18  }
0x12: {  	s21 =	sadd.s32 $0xC000, s5;
	s22 =	sadd.s32 $0x10000, s5;
	[dreg:$0x6] =	wrdreg s11  }
0x13: {  	s17 =	sadd.s32 $0x2A600, s0;
	s0 =	simm.s32 $0x3;
	[dreg:$0x7] =	wrdreg s21  }
0x14: {  	[dreg:$0x8] =	wrdreg s22;
	s11 =	sadd.s32 s6, s20;
	s18 =	smax.u32 s8, $0x1  }
0x15: {  	s6 =	sadd.s32 s24, s6;
	s20 =	sor.u32 $0x1C05, s26;
	s21 =	sshrl.u32 s5, $0x3  }
0x16: {  	s22 =	simm.s32 $0x5;
	s24 =	simm.s32 $0x14100;
	s26 =	simm.s32 $0x14200  }
0x17: {  	s12 =	sadd.s32 $0x10, s11;
	s13 =	sadd.s32 $0x20, s11;
	s14 =	sadd.s32 $0x30, s11  }
0x18: {  	v0 =	vimm.f32 $0.0e+00;
	s19 =	sadd.s32 s25, s6;
	s25 =	simm.s32 $0x80;
	s6 =	simm.s32 $0x4  }
.LBB2_1:
.Ltmp0:
0x19: {  	(pc) =	sbr.rel @p0 .LBB2_3-.Ltmp0, $1  }
0x1a: {  	_ =	sdelay $0x3  }
.Ltmp1:
0x1b: {  	s5 =	rddreg [dreg:$0x9];
	(pc) =	sbr.rel .LBB2_6-.Ltmp1, $4  }
0x1c: {  	[spmem:s21], [sflag:s20] =	dma.local [hbm:s5], $0x2800  }
0x1d: {  	_ =	swait.ge [sflag:s22], $0x2800  }
0x1e: {  	[sflag:s22] =	ssyncset.done $0x0  }
0x1f: {  	[sflag:s22] =	ssyncadd.s32 $0xFFFFD800  }
.LBB2_3:
0x20: {  	s8 =	sand.u32 $0xFE00, s3  }
0x21: {  	s9 =	sand.u32 $0x70, s3;
	s10 =	sshrl.u32 s8, $0x2  }
0x22: {  	s8 =	simm.s32 $0x40;
	s10 =	sor.u32 s9, s10;
	s9 =	simm.s32 $0x0  }
.LBB2_4:
0x23: {  	p2 =	sne.s32 s8, $0xFFC0  }
0x24: {  	[tilespmem:s10+$0x14200] =	vst v0;
	s9 =	sadd.s32 $0x10, s9;
	s10 =	smov.u32 s8;
	s8 =	sadd.s32 $0x40, s8  }
.Ltmp2:
0x25: {  	(pc) =	sbr.rel @p2 .LBB2_4-.Ltmp2, $4  }
0x26: {  	_ = 	snop  }
0x27: {  	s10 =	sand.u32 $0xFE00, s10  }
0x28: {  	s5 =	sand.u32 $0x70, s9;
	s10 =	sshrl.u32 s10, $0x2  }
0x29: {  	s10 =	sor.u32 s5, s10  }
0x2a: {  	[tilespmem:s10+$0x14200] =	vst v0;
	s5 =	rddreg [dreg:$0x4]  }
0x2b: {  	[spmem:s5] =	stream.linear.scatter [tilespmem:s26], [sflag:$0x5], $0x4000, $0x38;
	[tilespmem:$0x1C200] =	vst v63  }
0x2c: {  	_ =	swait.ge [sflag:s22], $0x4000  }
0x2d: {  	[sflag:s22] =	ssyncset.done $0x0  }
0x2e: {  	s10 =	rddreg [dreg:$0x5];
	[sflag:s22] =	ssyncadd.s32 $0xFFFFC000  }
0x2f: {  	[spmem:s10] =	stream.linear.scatter [tilespmem:s26], [sflag:$0x5], $0x4000, $0x38;
	[tilespmem:$0x1C200] =	vst v63  }
0x30: {  	_ =	swait.ge [sflag:s22], $0x4000  }
0x31: {  	[sflag:s22] =	ssyncset.done $0x0  }
0x32: {  	s8 =	rddreg [dreg:$0x6];
	[sflag:s22] =	ssyncadd.s32 $0xFFFFC000  }
0x33: {  	[spmem:s8] =	stream.linear.scatter [tilespmem:s26], [sflag:$0x5], $0x4000, $0x38;
	[tilespmem:$0x1C200] =	vst v63  }
0x34: {  	_ =	swait.ge [sflag:s22], $0x4000  }
0x35: {  	[sflag:s22] =	ssyncset.done $0x0  }
0x36: {  	s9 =	rddreg [dreg:$0x7];
	[sflag:s22] =	ssyncadd.s32 $0xFFFFC000  }
0x37: {  	[spmem:s9] =	stream.linear.scatter [tilespmem:s26], [sflag:$0x5], $0x4000, $0x38;
	[tilespmem:$0x1C200] =	vst v63  }
0x38: {  	_ =	swait.ge [sflag:s22], $0x4000  }
0x39: {  	[sflag:s22] =	ssyncset.done $0x0  }
0x3a: {  	s10 =	rddreg [dreg:$0x8];
	[sflag:s22] =	ssyncadd.s32 $0xFFFFC000  }
0x3b: {  	[spmem:s10] =	stream.linear.scatter [tilespmem:s26], [sflag:$0x5], $0x4000, $0x38;
	[tilespmem:$0x1C200] =	vst v63  }
0x3c: {  	_ =	swait.ge [sflag:s22], $0x4000  }
0x3d: {  	[sflag:s22] =	ssyncset.done $0x0  }
0x3e: {  	[sflag:s22] =	ssyncadd.s32 $0xFFFFC000  }
.LBB2_6:
0x3f: {  	[bflag:$0x0] =	sbarrier.arrive $0xFFFF;
	s5 =	simm.s32 $0x0  }
0x40: {  	[tilespmem:s23], [sflag:$0x5] =	stream.linear.gather [hbm4b:s11+s5], $0x80, $0x38;
	[tilespmem:$0x1C200] =	vst v63  }
0x41: {  	_ =	swait.ge [sflag:s22], $0x80  }
0x42: {  	[sflag:s22] =	ssyncset.done $0x0  }
0x43: {  	[sflag:s22] =	ssyncadd.s32 $0xFFFFFF80  }
0x44: {  	[tilespmem:s24], [sflag:$0x5] =	stream.linear.gather [hbm4b:s12+s5], $0x80, $0x38;
	[tilespmem:$0x1C200] =	vst v63  }
0x45: {  	_ =	swait.ge [sflag:s22], $0x80  }
0x46: {  	[sflag:s22] =	ssyncset.done $0x0  }
0x47: {  	[sflag:s22] =	ssyncadd.s32 $0xFFFFFF80  }
0x48: {  	[tilespmem:s26], [sflag:$0x1] =	stream.indirect.gather [hbm4b:s4+s25], $0x80, s23, s25, $0xb8;
	[tilespmem:$0x1C200] =	vst v63  }
0x49: {  	_ = 	snop  }
0x4a: {  	[tilespmem:s28], [sflag:$0x5] =	stream.linear.gather [hbm4b:s13+s5], $0x80, $0x38;
	[tilespmem:$0x1C200] =	vst v63  }
0x4b: {  	_ =	swait.ge [sflag:s22], $0x80  }
0x4c: {  	[sflag:s22] =	ssyncset.done $0x0  }
0x4d: {  	[sflag:s22] =	ssyncadd.s32 $0xFFFFFF80  }
0x4e: {  	[tilespmem:s29], [sflag:$0x5] =	stream.linear.gather [hbm4b:s14+s5], $0x80, $0x38;
	[tilespmem:$0x1C200] =	vst v63  }
0x4f: {  	_ =	swait.ge [sflag:s22], $0x80  }
0x50: {  	[sflag:s22] =	ssyncset.done $0x0  }
0x51: {  	[sflag:s22] =	ssyncadd.s32 $0xFFFFFF80  }
0x52: {  	[tilespmem:s30], [sflag:$0x2] =	stream.indirect.gather [hbm4b:s4+s25], $0x80, s28, s25, $0xb8;
	[tilespmem:$0x1C200] =	vst v63  }
0x53: {  	_ =	swait.ge [sflag:s31], $0x4000  }
0x54: {  	[sflag:s31] =	ssyncset.done $0x0  }
0x55: {  	[sflag:s31] =	ssyncadd.s32 $0xFFFFC000  }
0x56: {  	[spmem:s2] =	stream.indirect.scatter.add.f32 [tilespmem:s26], [sflag:$0x3], $0x80, s24, s25, $0xb8;
	[tilespmem:$0x1C200] =	vst v63  }
0x57: {  	_ =	swait.ge [sflag:s1], $0x4000  }
0x58: {  	[sflag:s1] =	ssyncset.done $0x0  }
0x59: {  	[sflag:s1] =	ssyncadd.s32 $0xFFFFC000  }
0x5a: {  	[spmem:s2] =	stream.indirect.scatter.add.f32 [tilespmem:s30], [sflag:$0x4], $0x80, s29, s25, $0xb8;
	[tilespmem:$0x1C200] =	vst v63  }
0x5b: {  	_ =	swait.ge [sflag:s0], $0x4000  }
0x5c: {  	s5 =	sadd.s32 $0x0, s19;
	[sflag:s0] =	ssyncset.done $0x0  }
0x5d: {  	s8 =	sadd.s32 $0x40, s5;
	[sflag:s0] =	ssyncadd.s32 $0xFFFFC000  }
0x5e: {  	[tilespmem:s23], [sflag:$0x5] =	stream.linear.gather [hbm4b:s8+s3], $0x80, $0x38;
	[tilespmem:$0x1C200] =	vst v63  }
0x5f: {  	_ =	swait.ge [sflag:s22], $0x80  }
0x60: {  	[sflag:s22] =	ssyncset.done $0x0  }
0x61: {  	s9 =	sadd.s32 $0x50, s5;
	[sflag:s22] =	ssyncadd.s32 $0xFFFFFF80  }
0x62: {  	[tilespmem:s24], [sflag:$0x5] =	stream.linear.gather [hbm4b:s9+s3], $0x80, $0x38;
	[tilespmem:$0x1C200] =	vst v63  }
0x63: {  	_ =	swait.ge [sflag:s22], $0x80  }
0x64: {  	[sflag:s22] =	ssyncset.done $0x0  }
0x65: {  	[sflag:s22] =	ssyncadd.s32 $0xFFFFFF80  }
0x66: {  	[tilespmem:s26], [sflag:$0x1] =	stream.indirect.gather [hbm4b:s4+s25], $0x80, s23, s25, $0xb8;
	[tilespmem:$0x1C200] =	vst v63  }
0x67: {  	_ =	swait.ge [sflag:s6], $0x4000  }
0x68: {  	[sflag:s6] =	ssyncset.done $0x0  }
0x69: {  	s10 =	sadd.s32 $0x60, s5;
	[sflag:s6] =	ssyncadd.s32 $0xFFFFC000  }
0x6a: {  	[tilespmem:s28], [sflag:$0x5] =	stream.linear.gather [hbm4b:s10+s3], $0x80, $0x38;
	[tilespmem:$0x1C200] =	vst v63  }
0x6b: {  	_ =	swait.ge [sflag:s22], $0x80  }
0x6c: {  	[sflag:s22] =	ssyncset.done $0x0  }
0x6d: {  	s5 =	sadd.s32 $0x70, s5;
	[sflag:s22] =	ssyncadd.s32 $0xFFFFFF80  }
0x6e: {  	[tilespmem:s29], [sflag:$0x5] =	stream.linear.gather [hbm4b:s5+s3], $0x80, $0x38;
	[tilespmem:$0x1C200] =	vst v63  }
0x6f: {  	_ =	swait.ge [sflag:s22], $0x80  }
0x70: {  	[sflag:s22] =	ssyncset.done $0x0  }
0x71: {  	[sflag:s22] =	ssyncadd.s32 $0xFFFFFF80  }
0x72: {  	[tilespmem:s30], [sflag:$0x2] =	stream.indirect.gather [hbm4b:s4+s25], $0x80, s28, s25, $0xb8;
	[tilespmem:$0x1C200] =	vst v63  }
0x73: {  	_ =	swait.ge [sflag:s31], $0x4000  }
0x74: {  	[sflag:s31] =	ssyncset.done $0x0  }
0x75: {  	[sflag:s31] =	ssyncadd.s32 $0xFFFFC000  }
0x76: {  	[spmem:s2] =	stream.indirect.scatter.add.f32 [tilespmem:s26], [sflag:$0x3], $0x80, s24, s25, $0xb8;
	[tilespmem:$0x1C200] =	vst v63  }
0x77: {  	_ =	swait.ge [sflag:s1], $0x4000  }
0x78: {  	[sflag:s1] =	ssyncset.done $0x0  }
0x79: {  	s8 =	simm.s32 $0x40;
	[sflag:s1] =	ssyncadd.s32 $0xFFFFC000  }
.LBB2_7:
0x7a: {  	[spmem:s2] =	stream.indirect.scatter.add.f32 [tilespmem:s30], [sflag:$0x4], $0x80, s29, s25, $0xb8;
	[tilespmem:$0x1C200] =	vst v63  }
0x7b: {  	s5 =	smov.u32 s8  }
0x7c: {  	p2 =	sne.s32 s8, $0x940;
	s8 =	sadd.s32 $0x40, s8;
	_ =	swait.ge [sflag:s0], $0x4000  }
0x7d: {  	s5 =	sadd.s32 s5, s19;
	[sflag:s0] =	ssyncset.done $0x0  }
0x7e: {  	s9 =	sadd.s32 $0x40, s5;
	[sflag:s0] =	ssyncadd.s32 $0xFFFFC000  }
0x7f: {  	[tilespmem:s23], [sflag:$0x5] =	stream.linear.gather [hbm4b:s9+s3], $0x80, $0x38;
	[tilespmem:$0x1C200] =	vst v63  }
0x80: {  	_ =	swait.ge [sflag:s22], $0x80  }
0x81: {  	[sflag:s22] =	ssyncset.done $0x0  }
0x82: {  	s9 =	sadd.s32 $0x50, s5;
	[sflag:s22] =	ssyncadd.s32 $0xFFFFFF80  }
0x83: {  	[tilespmem:s24], [sflag:$0x5] =	stream.linear.gather [hbm4b:s9+s3], $0x80, $0x38;
	[tilespmem:$0x1C200] =	vst v63  }
0x84: {  	_ =	swait.ge [sflag:s22], $0x80  }
0x85: {  	[sflag:s22] =	ssyncset.done $0x0  }
0x86: {  	[sflag:s22] =	ssyncadd.s32 $0xFFFFFF80  }
0x87: {  	[tilespmem:s26], [sflag:$0x1] =	stream.indirect.gather [hbm4b:s4+s25], $0x80, s23, s25, $0xb8;
	[tilespmem:$0x1C200] =	vst v63  }
0x88: {  	_ =	swait.ge [sflag:s6], $0x4000  }
0x89: {  	[sflag:s6] =	ssyncset.done $0x0  }
0x8a: {  	s9 =	sadd.s32 $0x60, s5;
	[sflag:s6] =	ssyncadd.s32 $0xFFFFC000  }
0x8b: {  	[tilespmem:s28], [sflag:$0x5] =	stream.linear.gather [hbm4b:s9+s3], $0x80, $0x38;
	[tilespmem:$0x1C200] =	vst v63  }
0x8c: {  	_ =	swait.ge [sflag:s22], $0x80  }
0x8d: {  	[sflag:s22] =	ssyncset.done $0x0  }
0x8e: {  	s5 =	sadd.s32 $0x70, s5;
	[sflag:s22] =	ssyncadd.s32 $0xFFFFFF80  }
0x8f: {  	[tilespmem:s29], [sflag:$0x5] =	stream.linear.gather [hbm4b:s5+s3], $0x80, $0x38;
	[tilespmem:$0x1C200] =	vst v63  }
0x90: {  	_ =	swait.ge [sflag:s22], $0x80  }
0x91: {  	[sflag:s22] =	ssyncset.done $0x0  }
0x92: {  	[sflag:s22] =	ssyncadd.s32 $0xFFFFFF80  }
0x93: {  	[tilespmem:s30], [sflag:$0x2] =	stream.indirect.gather [hbm4b:s4+s25], $0x80, s28, s25, $0xb8;
	[tilespmem:$0x1C200] =	vst v63  }
0x94: {  	_ =	swait.ge [sflag:s31], $0x4000  }
0x95: {  	[sflag:s31] =	ssyncset.done $0x0  }
.Ltmp3:
0x96: {  	[sflag:s31] =	ssyncadd.s32 $0xFFFFC000;
	(pc) =	sbr.rel @p2 .LBB2_7-.Ltmp3, $4  }
0x97: {  	[spmem:s2] =	stream.indirect.scatter.add.f32 [tilespmem:s26], [sflag:$0x3], $0x80, s24, s25, $0xb8;
	[tilespmem:$0x1C200] =	vst v63  }
0x98: {  	_ =	swait.ge [sflag:s1], $0x4000  }
0x99: {  	[sflag:s1] =	ssyncset.done $0x0  }
0x9a: {  	[sflag:s1] =	ssyncadd.s32 $0xFFFFC000  }
0x9b: {  	[spmem:s2] =	stream.indirect.scatter.add.f32 [tilespmem:s30], [sflag:$0x4], $0x80, s29, s25, $0xb8;
	[tilespmem:$0x1C200] =	vst v63  }
0x9c: {  	_ =	swait.ge [sflag:s0], $0x4000  }
0x9d: {  	[sflag:s0] =	ssyncset.done $0x0  }
0x9e: {  	[sflag:s0] =	ssyncadd.s32 $0xFFFFC000  }
0x9f: {  	_ =	swait.ge [sflag:s6], $0x4000  }
0xa0: {  	s5 =	simm.s32 @!p1 $0x0;
	[sflag:s6] =	ssyncset.done $0x0  }
0xa1: {  	s8 =	simm.s32 @!p1 $0x14000;
	s9 =	simm.s32 @!p1 $0x5;
	[sflag:s6] =	ssyncadd.s32 $0xFFFFC000  }
0xa2: {  	[tilespmem:s8], [sflag:$0x5] =	stream.linear.gather @!p1 [hbm4b:s15+s5], $0x80, $0x38;
	[tilespmem:$0x1C200] =	vst v63  }
0xa3: {  	_ =	swait.ge @!p1 [sflag:s9], $0x80  }
0xa4: {  	[sflag:s9] =	ssyncset.done @!p1 $0x0  }
0xa5: {  	s10 =	simm.s32 @!p1 $0x14100;
	[sflag:s9] =	ssyncadd.s32 @!p1 $0xFFFFFF80  }
0xa6: {  	[tilespmem:s10], [sflag:$0x5] =	stream.linear.gather @!p1 [hbm4b:s16+s5], $0x80, $0x38;
	[tilespmem:$0x1C200] =	vst v63  }
0xa7: {  	_ =	swait.ge @!p1 [sflag:s9], $0x80  }
0xa8: {  	[sflag:s9] =	ssyncset.done @!p1 $0x0  }
0xa9: {  	s5 =	simm.s32 @!p1 $0x80;
	[sflag:s9] =	ssyncadd.s32 @!p1 $0xFFFFFF80;
	s9 =	simm.s32 @!p1 $0x14200  }
0xaa: {  	[tilespmem:s9], [sflag:$0x1] =	stream.indirect.gather @!p1 [hbm4b:s4+s5], $0x80, s8, s5, $0xb8;
	[tilespmem:$0x1C200] =	vst v63  }
0xab: {  	s8 =	simm.s32 @!p1 $0x1  }
0xac: {  	_ =	swait.ge @!p1 [sflag:s8], $0x4000  }
0xad: {  	[sflag:s8] =	ssyncset.done @!p1 $0x0  }
0xae: {  	[sflag:s8] =	ssyncadd.s32 @!p1 $0xFFFFC000  }
0xaf: {  	[spmem:s2] =	stream.indirect.scatter.add.f32 @!p1 [tilespmem:s9], [sflag:$0x3], $0x80, s10, s5, $0xb8;
	[tilespmem:$0x1C200] =	vst v63  }
0xb0: {  	s5 =	simm.s32 @!p1 $0x3  }
0xb1: {  	_ =	swait.ge @!p1 [sflag:s5], $0x4000  }
0xb2: {  	s7 =	sadd.s32 $0x1, s7;
	[sflag:s5] =	ssyncset.done @!p1 $0x0  }
0xb3: {  	p2 =	sne.s32 s7, s18;
	[sflag:s5] =	ssyncadd.s32 @!p1 $0xFFFFC000  }
.Ltmp4:
0xb4: {  	[bflag:$0x0] =	sbarrier.arrive $0xFFFF;
	(pc) =	sbr.rel @p2 .LBB2_1-.Ltmp4, $4  }
0xb5: {  	[hbm:s17], [sflag:s20] =	dma.local [spmem:s21], $0x2800  }
0xb6: {  	_ =	swait.ge [sflag:s22], $0x2800  }
0xb7: {  	[sflag:s22] =	ssyncset.done $0x0  }
0xb8: {  	[sflag:s22] =	ssyncadd.s32 $0xFFFFD800  }
0xb9: {  	_ =	sfence.sel $0x180000  }
0xba: {  	[bflag:$0x0] =	sbarrier.arrive $0xFFFF  }
0xbb: {  	_ =	strace $0x9000004D  }
0xbc: {  	s0 =	stileid.u32;
	[bflag:$0x2] =	sbarrier.arrive $0xFFFF  }
0xbd: {  	p0 =	sne.s32 s0, $0x0;
	s0 =	rddreg [dreg:$0x3]  }
0xbe: {  	s0 =	sadd.s32 @!p0 $0x100000, s0  }
0xbf: {  	[sflag:s0] =	ssyncadd.tile.s32 @!p0 $0x1;
	_ =	shalt  }
.Lfunc_end2:
_tile_overlayer_lowered:
.L_overlay_start_2:
0xc0: {  	(tag) =	ssettag $0x2  }
0xc1: {  	s0 =	rddreg [dreg:$0x0];
	s2 =	stileid.u32  }
0xc2: {  	s1 =	rddreg [dreg:$0x1];
	p0 =	sne.s32 s2, $0x0  }
0xc3: {  	s3 =	rddreg [dreg:$0x2];
	[bflag:$0x3] =	sbarrier.arrive $0xFFFF;
	s2 =	simm.s32 @!p0 $0x1C05  }
0xc4: {  	[timem:s3], [sflag:s2] =	dma.local @!p0 [hbm:s0], s1  }
0xc5: {  	s0 =	simm.s32 @!p0 $0x5  }
0xc6: {  	_ =	swait.ge @!p0 [sflag:s0], s1  }
0xc7: {  	s1 =	ssub.s32 @!p0 $0x0, s1;
	[sflag:s0] =	ssyncset.done @!p0 $0x0  }
0xc8: {  	[sflag:s0] =	ssyncadd.s32 @!p0 s1  }
0xc9: {  	[bflag:$0x3] =	sbarrier.arrive $0xFFFF  }
0xca: {  	_ =	shalt  }

// kernel: kernel.8.cloned.1.call-start
scs
__scs_entry_jumppad:
0x0: {  	(pc) =	sbr.rel $0x88, $3  }
0x1: {  	(tag) =	ssettag $0x0;
	lr =	simm.s32 $0x1  }
0x2: {  	[smem:$0x3F99] =	sst lr;
	_ =	strace $0xD0000000  }
0x3: {  	_ = 	snop  }
0x4: {  	_ = 	snop  }
0x5: {  	_ = 	snop  }
0x6: {  	_ = 	snop  }
0x7: {  	_ = 	snop  }
__scs_overlays_trampoline_lowered:
0x8: {  	[smem:$0x3FA8] =	sst s0  }
0x9: {  	[smem:$0x3FA9] =	sst s1  }
0xa: {  	[smem:$0x3FAA] =	sst s2  }
0xb: {  	[smem:$0x3FAB] =	sst s3  }
0xc: {  	[smem:$0x3FAC] =	sst s4  }
0xd: {  	[smem:$0x3FAD] =	sst s5  }
0xe: {  	[smem:$0x3FAE] =	sst s6  }
0xf: {  	[smem:$0x3FAF] =	sst s7  }
0x10: {  	[smem:$0x3FB0] =	sst s8  }
0x11: {  	[smem:$0x3FB1] =	sst s9;
	s0 =	simm.s32 @!p0 $0x0  }
0x12: {  	s1 =	sld [smem:$0x3F97];
	s0 =	simm.s32 @p0 $0x1  }
0x13: {  	[smem:$0x3FB2] =	sst s0;
	s0 =	simm.s32 @!p1 $0x0  }
0x14: {  	s2 =	sld [smem:$0x3F96];
	s0 =	simm.s32 @p1 $0x1  }
0x15: {  	[smem:$0x3FB3] =	sst s0;
	s0 =	simm.s32 @!p2 $0x0  }
0x16: {  	s3 =	sld [smem:$0x3FDB];
	s0 =	simm.s32 @p2 $0x1  }
0x17: {  	s4 =	simm.s32 $0x1BF5;
	[smem:$0x3FB5] =	sst s0  }
0x18: {  	s0 =	sld [smem:$0x3F98];
	_ =	swait.ge [sflag:s4], $0x0  }
0x19: {  	s7 =	sld [smem:$0x3F99]  }
0x1a: {  	s8 =	sadd.s32 $0xFFFFE003, lr  }
0x1b: {  	s9 =	sadd.s32 $0xFFFFFEF7, lr;
	s5 =	simm.s32 $0xFFFFFFFF;
	p2 =	slt.u32 s8, $0xFFFFF086  }
0x1c: {  	p1 =	slt.u32 s9, $0xF7A;
	s5 =	simm.s32 @!p2 $0x0  }
0x1d: {  	s5 =	simm.s32 @p1 $0x1;
	p0 =	seq.s32 s7, s2  }
0x1e: {  	s7 =	smul.u32 @!p0 $0xF7A, s2;
	p2 =	seq.s32 @!p0 s5, $0x0  }
0x1f: {  	s9 =	smul.u32 $0xF7A, s1;
	s8 =	simm.s32 @!p0 $0x1BF5;
	p2 =	por !p2, p0  }
0x20: {  	[sflag:s8] =	ssyncset.s32 @!p0 $0xFFFFF086;
	s6 =	sadd.s32 @!p0 s3, s7;
	s7 =	simm.s32 @!p0 $0x108  }
0x21: {  	s3 =	sadd.s32 s3, s9;
	s6 =	sadd.s32 @!p0 $0x88, s6;
	s7 =	simm.s32 @p2 $0x1082  }
0x22: {  	[simem:s7], [sflag:s8] =	dma.local @!p0 [hbm:s6], $0xF7A  }
0x23: {  	s9 =	sor.u32 $0xD0000000, s2;
	s6 =	simm.s32 $0x108;
	_ =	swait.ge @!p0 [sflag:s8], $0x0  }
0x24: {  	s3 =	sadd.s32 $0x88, s3;
	s6 =	simm.s32 @!p1 $0x1082;
	[sflag:s4] =	ssyncset.s32 $0xFFFFF086  }
0x25: {  	[simem:s6], [sflag:s4] =	dma.local [hbm:s3], $0xF7A  }
0x26: {  	[smem:$0x3F99] =	sst s1;
	(tag) =	ssettag s2;
	_ =	strace s9  }
0x27: {  	s1 =	sld [smem:$0x3FA9]  }
0x28: {  	s2 =	sld [smem:$0x3FAA]  }
0x29: {  	s4 =	sld [smem:$0x3FAC]  }
0x2a: {  	p0 =	seq.s32 s5, $0x0;
	s5 =	sld [smem:$0x3FAD]  }
0x2b: {  	s6 =	sld [smem:$0x3FAE]  }
0x2c: {  	s7 =	sld [smem:$0x3FAF]  }
0x2d: {  	s3 =	simm.s32 $0x108;
	s8 =	sld [smem:$0x3FB0]  }
0x2e: {  	s3 =	simm.s32 @!p0 $0x1082;
	s9 =	sld [smem:$0x3FB1]  }
0x2f: {  	lr =	sadd.s32 s0, s3;
	s0 =	sld [smem:$0x3FA8]  }
0x30: {  	s3 =	sld [smem:$0x3FAB]  }
0x31: {  	[smem:$0x3FB4] =	sst s10  }
0x32: {  	s10 =	sld [smem:$0x3FB2];
	_ =	sdelay $0x3  }
0x33: {  	p0 =	seq.s32 s10, $0x1;
	s10 =	sld [smem:$0x3FB4];
	_ =	sdelay $0x3  }
0x34: {  	[smem:$0x3FB4] =	sst s10  }
0x35: {  	s10 =	sld [smem:$0x3FB3];
	_ =	sdelay $0x3  }
0x36: {  	p1 =	seq.s32 s10, $0x1;
	s10 =	sld [smem:$0x3FB4];
	_ =	sdelay $0x3  }
0x37: {  	[smem:$0x3FB4] =	sst s10  }
0x38: {  	s10 =	sld [smem:$0x3FB5]  }
0x39: {  	_ = 	snop;
	(pc) =	sbr.ind lr, $3  }
0x3a: {  	_ = 	snop  }
0x3b: {  	_ = 	snop  }
0x3c: {  	p2 =	seq.s32 s10, $0x1;
	s10 =	sld [smem:$0x3FB4]  }
0x3d: {  	_ =	shalt  }
0x3e: {  	_ =	shalt  }
0x3f: {  	_ =	shalt  }
0x40: {  	_ =	shalt  }
0x41: {  	_ =	shalt  }
0x42: {  	_ =	shalt  }
0x43: {  	_ =	shalt  }
0x44: {  	_ =	shalt  }
0x45: {  	_ =	shalt  }
0x46: {  	_ =	shalt  }
0x47: {  	_ =	shalt  }
0x48: {  	_ =	shalt  }
0x49: {  	_ =	shalt  }
0x4a: {  	_ =	shalt  }
0x4b: {  	_ =	shalt  }
0x4c: {  	_ =	shalt  }
0x4d: {  	_ =	shalt  }
0x4e: {  	_ =	shalt  }
0x4f: {  	_ =	shalt  }
0x50: {  	_ =	shalt  }
0x51: {  	_ =	shalt  }
0x52: {  	_ =	shalt  }
0x53: {  	_ =	shalt  }
0x54: {  	_ =	shalt  }
0x55: {  	_ =	shalt  }
0x56: {  	_ =	shalt  }
0x57: {  	_ =	shalt  }
0x58: {  	_ =	shalt  }
0x59: {  	_ =	shalt  }
0x5a: {  	_ =	shalt  }
0x5b: {  	_ =	shalt  }
0x5c: {  	_ =	shalt  }
0x5d: {  	_ =	shalt  }
0x5e: {  	_ =	shalt  }
0x5f: {  	_ =	shalt  }
0x60: {  	_ =	shalt  }
0x61: {  	_ =	shalt  }
0x62: {  	_ =	shalt  }
0x63: {  	_ =	shalt  }
0x64: {  	_ =	shalt  }
0x65: {  	_ =	shalt  }
0x66: {  	_ =	shalt  }
0x67: {  	_ =	shalt  }
0x68: {  	_ =	shalt  }
0x69: {  	_ =	shalt  }
0x6a: {  	_ =	shalt  }
0x6b: {  	_ =	shalt  }
0x6c: {  	_ =	shalt  }
0x6d: {  	_ =	shalt  }
0x6e: {  	_ =	shalt  }
0x6f: {  	_ =	shalt  }
0x70: {  	_ =	shalt  }
0x71: {  	_ =	shalt  }
0x72: {  	_ =	shalt  }
0x73: {  	_ =	shalt  }
0x74: {  	_ =	shalt  }
0x75: {  	_ =	shalt  }
0x76: {  	_ =	shalt  }
0x77: {  	_ =	shalt  }
0x78: {  	_ =	shalt  }
0x79: {  	_ =	shalt  }
0x7a: {  	_ =	shalt  }
0x7b: {  	_ =	shalt  }
0x7c: {  	_ =	shalt  }
0x7d: {  	_ =	shalt  }
0x7e: {  	_ =	shalt  }
0x7f: {  	_ =	shalt  }
0x80: {  	_ =	shalt  }
0x81: {  	_ =	shalt  }
0x82: {  	_ =	shalt  }
0x83: {  	_ =	shalt  }
0x84: {  	_ =	shalt  }
0x85: {  	_ =	shalt  }
0x86: {  	_ =	shalt  }
0x87: {  	_ =	shalt  }
.Lfunc_end0:
.L_simem_size_0:
called_computation_lowered:
.L_overlay_start_0:
0x88: {  	s2 =	sld [smem:$0x3FD9]  }
0x89: {  	s3 =	sld [smem:$0x3FFE];
	_ =	sdelay $0x1  }
0x8a: {  	s1 =	srdreg.scid  }
0x8b: {  	s0 =	sand.u32 $0x1, s1  }
0x8c: {  	s18 =	sshll.u32 s0, $0xA;
	s2 =	sadd.s32 s3, s2  }
0x8d: {  	s2 =	sadd.s32 s2, s18  }
0x8e: {  	[smem:$0x3FC0] =	sst s2  }
0x8f: {  	_ = 	snop  }
0x90: {  	s2 =	sld [smem:$0x3FC8]  }
0x91: {  	s19 =	sld [smem:$0x3FD0];
	(tm) =	ssettm $0x1  }
0x92: {  	s4 =	sld [smem:$0x3FFB];
	_ =	sdelay $0x3  }
0x93: {  	_ =	strace s4  }
0x94: {  	s4 =	sld [smem:$0x3FFC];
	_ =	sdelay $0x3  }
0x95: {  	_ =	strace s4  }
0x96: {  	s4 =	sld [smem:$0x3FFD];
	_ =	sdelay $0x3  }
0x97: {  	_ =	strace s4  }
0x98: {  	_ =	strace $0x8FFFFFFF  }
0x99: {  	s20 =	sld [smem:$0x3FDB];
	_ =	sdelay $0x1  }
0x9a: {  	s5 =	simm.s32 $_scs_section_size  }
0x9b: {  	s6 =	simm.s32 $_size__tile_overlayer_lowered;
	s7 =	simm.s32 $_tile_overlayer_lowered  }
0x9c: {  	s23 =	simm.s32 $0x1BFF;
	s22 =	sshll.u32 s7, $0x1;
	s4 =	sadd.s32 s5, s20  }
0x9d: {  	s8 =	simm.s32 $0x0;
	s21 =	sshll.u32 s6, $0x1;
	s6 =	sadd.s32 s22, s4  }
0x9e: {  	[timem:s8], [sflag:s23] =	dma.local [hbm:s6], s21  }
0x9f: {  	_ =	swait.ge [sflag:s23], s21  }
0xa0: {  	s5 =	ssub.s32 $0x0, s21;
	[sflag:s23] =	ssyncset.done $0x0  }
0xa1: {  	[sflag:s23] =	ssyncadd.s32 s5;
	_ =	sdelay $0x1  }
0xa2: {  	s24 =	simm.s32 $0x1B8B  }
0xa3: {  	_ =	swait.ge [sflag:s24], $0x1  }
0xa4: {  	[sflag:s24] =	ssyncset.done $0x0  }
0xa5: {  	s25 =	simm.s32 $0x1B8E;
	[sflag:s24] =	ssyncadd.s32 $0xFFFFFFFF  }
0xa6: {  	s26 =	simm.s32 $execute0_lowered;
	[smem:$0x3FD2] =	sst s25  }
0xa7: {  	s5 =	sshll.u32 s26, $0x1;
	_ =	strace $0x80000046;
	[dreg:$0x1] =	wrdreg $0xFFFFFFFF  }
0xa8: {  	s28 =	simm.s32 $_size_execute0_lowered;
	s4 =	sadd.s32 s4, s5;
	[dreg:$0x0] =	wrdreg $0x0  }
0xa9: {  	s5 =	sshll.u32 s28, $0x1;
	[dreg:$0x2] =	wrdreg s4  }
0xaa: {  	[dreg:$0x3] =	wrdreg s5  }
0xab: {  	[dreg:$0x4] =	wrdreg $0xC0  }
0xac: {  	_ =	task [dreg:s8], $0x5FFFF  }
0xad: {  	[dreg:$0x1] =	wrdreg $0xFFFFFFFF  }
0xae: {  	[dreg:$0x0] =	wrdreg $0x60  }
0xaf: {  	[dreg:$0x2] =	wrdreg s2  }
0xb0: {  	[dreg:$0x3] =	wrdreg s19  }
0xb1: {  	[dreg:$0x4] =	wrdreg $0x0  }
0xb2: {  	[dreg:$0x5] =	wrdreg $0x9  }
0xb3: {  	_ =	task.clear_ibuf [dreg:s8], $0x6FFFF;
	_ =	strace $0x90000046  }
0xb4: {  	s29 =	simm.s32 $0x9;
	_ =	strace $0x80000048  }
0xb5: {  	_ =	swait.ge [sflag:s29], $0x1  }
0xb6: {  	[sflag:s29] =	ssyncadd.s32 $0xFFFFFFFF  }
0xb7: {  	_ =	strace $0x90000048  }
0xb8: {  	_ =	sfence  }
0xb9: {  	s30 =	sld [smem:$0x0];
	_ =	sdelay $0x2  }
0xba: {  	s31 =	sshll.u32 s1, $0xD;
	s1 =	sshrl.u32 s1, $0x2  }
0xbb: {  	s3 =	sand.u32 $0x4000, s31;
	s1 =	sadd.s32 s1, s30  }
0xbc: {  	s0 =	sor.u32 s3, s0;
	s1 =	sshll.u32 s1, $0x11  }
0xbd: {  	s0 =	sor.u32 s1, s0  }
0xbe: {  	s0 =	sadd.s32 $0x8F2B, s0  }
0xbf: {  	[sflag:s0] =	ssyncadd.remote.s32 $0x1  }
0xc0: {  	_ =	sfence.sel $0xFFFF  }
0xc1: {  	[dreg:$0x0] =	wrdreg $0xFFFFFFFF;
	(pc) =	sbr.abs _section_cstart, $3  }
0xc2: {  	[dreg:$0x1] =	wrdreg $0xFFFFFFFF  }
0xc3: {  	_ =	task.clear_ibuf [dreg:s8], $0x2FFFF;
	_ =	strace $0x9FFFFFFF  }
0xc4: {  	(tm) =	ssettm $0x7FFFFFFF  }
0xc5: {  	_ =	shalt  }
tec
execute0_lowered:
.L_overlay_start_1:
0x0: {  	(tag) =	ssettag $0x1  }
0x1: {  	s0 =	rddreg [dreg:$0x0]  }
0x2: {  	s1 =	rddreg [dreg:$0x1]  }
0x3: {  	s2 =	rddreg [dreg:$0x2];
	s3 =	simm.s32 $0x0;
	s4 =	srdreg.scid  }
0x4: {  	s10 =	stileid.u32;
	s28 =	simm.s32 $0x480;
	s29 =	simm.s32 $0x2  }
0x5: {  	s30 =	simm.s32 $0x3;
	s31 =	simm.s32 $0x4;
	s19 =	smul.u32 $0xA00, s10  }
0x6: {  	[smem:$0x7FF] =	sst s3;
	s5 =	sand.u32 $0x1, s4;
	s26 =	smul.u32 $0x500, s10  }
0x7: {  	s15 =	sshll.u32 s10, $0x5;
	s18 =	smul.u32 $0x9C0, s10;
	_ =	strace $0x80000047  }
0x8: {  	s6 =	sshll.u32 s5, $0x4;
	s7 =	ssub.s32 $0x2, s5;
	s16 =	sshll.u32 s5, $0x7  }
0x9: {  	s15 =	sadd.s32 s15, s0;
	s5 =	smul.u32 $0x9C00, s5;
	s4 =	sshrl.u32 s19, $0x2  }
0xa: {  	s6 =	sor.u32 s10, s6;
	s8 =	sshrl.u32 s7, $0x1;
	s15 =	sadd.s32 $0x13810, s15  }
0xb: {  	s19 =	simm.s32 $0x500;
	s4 =	sadd.s32 s4, s2;
	s9 =	smul.u32 $0x4E00, s6  }
0xc: {  	s7 =	ssub.s32 s7, s8;
	s21 =	smul.u32 $0x9C0, s6;
	s20 =	sadd.s32 $0x80, s4  }
0xd: {  	p0 =	sgt.u32 s6, $0x3;
	s11 =	sadd.s32 $0x100, s4;
	[dreg:$0x4] =	wrdreg s20  }
0xe: {  	s6 =	simm.s32 $0x8;
	s22 =	sadd.s32 $0x180, s4;
	[dreg:$0x5] =	wrdreg s11  }
0xf: {  	s23 =	sadd.s32 $0x200, s4;
	s17 =	smax.u32 s7, $0x1;
	[dreg:$0x6] =	wrdreg s22  }
0x10: {  	s7 =	simm.s32 $0x0;
	s9 =	sshrl.u32 s9, $0x3;
	[dreg:$0x7] =	wrdreg s23  }
0x11: {  	s8 =	sadd.s32 s21, s0;
	s20 =	simm.s32 $0x9;
	s21 =	simm.s32 $0x280  }
0x12: {  	s22 =	simm.s32 $0x300;
	s23 =	simm.s32 $0x380;
	s11 =	simm.s32 $0x10  }
0x13: {  	s14 =	sadd.s32 s0, s9;
	s24 =	sadd.s32 $0x10, s8;
	s8 =	sadd.s32 $0x30, s8  }
0x14: {  	s0 =	sadd.s32 s5, s0;
	s5 =	simm.s32 $0x7;
	[dreg:$0x8] =	wrdreg s24  }
0x15: {  	[dreg:$0x9] =	wrdreg s8;
	s25 =	sadd.s32 $0x50, s14;
	s12 =	sadd.s32 $0x70, s14  }
0x16: {  	s13 =	sadd.s32 $0x990, s14;
	s14 =	sadd.s32 $0x9B0, s14;
	s8 =	sor.u32 s16, s26  }
0x17: {  	s18 =	sadd.s32 s18, s0;
	s24 =	simm.s32 $0x400;
	s26 =	simm.s32 $0x80  }
0x18: {  	s0 =	simm.s32 $0x5;
	[dreg:$0xa] =	wrdreg s25;
	s8 =	sshrl.u32 s8, $0x3  }
0x19: {  	v0 =	vimm.f32 $1.000000000e+00;
	v1 =	vimm.f32 $0.0e+00;
	s25 =	simm.s32 $0x1;
	s16 =	sadd.s32 s1, s8;
	s1 =	simm.s32 $0x6  }
.LBB2_1:
0x1a: {  	[tilespmem:$0x480] =	vst v0  }
0x1b: {  	[tilespmem:$0x490] =	vst v0  }
0x1c: {  	[tilespmem:$0x4A0] =	vst v0  }
0x1d: {  	[tilespmem:$0x4B0] =	vst v0  }
0x1e: {  	[tilespmem:$0x4C0] =	vst v0  }
0x1f: {  	[tilespmem:$0x4D0] =	vst v0  }
0x20: {  	[tilespmem:$0x4E0] =	vst v0  }
0x21: {  	[tilespmem:$0x4F0] =	vst v0  }
0x22: {  	[tilespmem:$0x500] =	vst v1  }
0x23: {  	[tilespmem:$0x510] =	vst v1  }
0x24: {  	[tilespmem:$0x520] =	vst v1  }
0x25: {  	[tilespmem:$0x530] =	vst v1  }
0x26: {  	[tilespmem:$0x540] =	vst v1  }
0x27: {  	[tilespmem:$0x550] =	vst v1  }
0x28: {  	[tilespmem:$0x560] =	vst v1  }
0x29: {  	[tilespmem:$0x570] =	vst v1  }
0x2a: {  	[spmem:s4] =	stream.linear.scatter [tilespmem:s19], [sflag:$0x9], $0x80, $0x38;
	[tilespmem:$0x580] =	vst v63  }
0x2b: {  	_ =	swait.ge [sflag:s20], $0x80  }
0x2c: {  	[sflag:s20] =	ssyncset.done $0x0  }
0x2d: {  	s8 =	rddreg [dreg:$0x4];
	[sflag:s20] =	ssyncadd.s32 $0xFFFFFF80  }
0x2e: {  	[spmem:s8] =	stream.linear.scatter [tilespmem:s19], [sflag:$0x9], $0x80, $0x38;
	[tilespmem:$0x580] =	vst v63  }
0x2f: {  	_ =	swait.ge [sflag:s20], $0x80  }
0x30: {  	[sflag:s20] =	ssyncset.done $0x0  }
0x31: {  	s10 =	rddreg [dreg:$0x5];
	[sflag:s20] =	ssyncadd.s32 $0xFFFFFF80  }
0x32: {  	[spmem:s10] =	stream.linear.scatter [tilespmem:s19], [sflag:$0x9], $0x80, $0x38;
	[tilespmem:$0x580] =	vst v63  }
0x33: {  	_ =	swait.ge [sflag:s20], $0x80  }
0x34: {  	[sflag:s20] =	ssyncset.done $0x0  }
0x35: {  	s9 =	rddreg [dreg:$0x6];
	[sflag:s20] =	ssyncadd.s32 $0xFFFFFF80  }
0x36: {  	[spmem:s9] =	stream.linear.scatter [tilespmem:s19], [sflag:$0x9], $0x80, $0x38;
	[tilespmem:$0x580] =	vst v63  }
0x37: {  	_ =	swait.ge [sflag:s20], $0x80  }
0x38: {  	[sflag:s20] =	ssyncset.done $0x0  }
0x39: {  	s10 =	rddreg [dreg:$0x7];
	[sflag:s20] =	ssyncadd.s32 $0xFFFFFF80  }
0x3a: {  	[spmem:s10] =	stream.linear.scatter [tilespmem:s19], [sflag:$0x9], $0x80, $0x38;
	[tilespmem:$0x580] =	vst v63  }
0x3b: {  	_ =	swait.ge [sflag:s20], $0x80  }
0x3c: {  	[sflag:s20] =	ssyncset.done $0x0  }
0x3d: {  	[sflag:s20] =	ssyncadd.s32 $0xFFFFFF80  }
0x3e: {  	[bflag:$0x0] =	sbarrier.arrive $0xFFFF  }
0x3f: {  	s9 =	rddreg [dreg:$0x8]  }
0x40: {  	[tilespmem:s21], [sflag:$0x1] =	stream.linear.gather [hbm4b:s9+s3], $0x80, $0x38;
	[tilespmem:$0x580] =	vst v63  }
0x41: {  	s10 =	rddreg [dreg:$0x9]  }
0x42: {  	[tilespmem:s22], [sflag:$0x2] =	stream.linear.gather [hbm4b:s10+s3], $0x80, $0x38;
	[tilespmem:$0x580] =	vst v63  }
0x43: {  	s9 =	rddreg [dreg:$0xa]  }
0x44: {  	[tilespmem:s23], [sflag:$0x3] =	stream.linear.gather [hbm4b:s9+s3], $0x80, $0x38;
	[tilespmem:$0x580] =	vst v63  }
0x45: {  	_ = 	snop  }
0x46: {  	[tilespmem:s24], [sflag:$0x4] =	stream.linear.gather [hbm4b:s12+s3], $0x80, $0x38;
	[tilespmem:$0x580] =	vst v63  }
0x47: {  	_ =	swait.ge [sflag:s25], $0x80  }
0x48: {  	[sflag:s25] =	ssyncset.done $0x0  }
0x49: {  	[sflag:s25] =	ssyncadd.s32 $0xFFFFFF80  }
0x4a: {  	[spmem:s2] =	stream.indirect.scatter.add.f32 [tilespmem:s28], [sflag:$0x5], $0x1, s21, s26, $0xb8;
	[tilespmem:$0x580] =	vst v63  }
0x4b: {  	_ =	swait.ge [sflag:s29], $0x80  }
0x4c: {  	[sflag:s29] =	ssyncset.done $0x0  }
0x4d: {  	[sflag:s29] =	ssyncadd.s32 $0xFFFFFF80  }
0x4e: {  	[spmem:s2] =	stream.indirect.scatter.add.f32 [tilespmem:s28], [sflag:$0x6], $0x1, s22, s26, $0xb8;
	[tilespmem:$0x580] =	vst v63  }
0x4f: {  	_ =	swait.ge [sflag:s30], $0x80  }
0x50: {  	[sflag:s30] =	ssyncset.done $0x0  }
0x51: {  	[sflag:s30] =	ssyncadd.s32 $0xFFFFFF80  }
0x52: {  	[spmem:s2] =	stream.indirect.scatter.add.f32 [tilespmem:s28], [sflag:$0x7], $0x1, s23, s26, $0xb8;
	[tilespmem:$0x580] =	vst v63  }
0x53: {  	_ =	swait.ge [sflag:s31], $0x80  }
0x54: {  	[sflag:s31] =	ssyncset.done $0x0  }
0x55: {  	[sflag:s31] =	ssyncadd.s32 $0xFFFFFF80  }
0x56: {  	[spmem:s2] =	stream.indirect.scatter.add.f32 [tilespmem:s28], [sflag:$0x8], $0x1, s24, s26, $0xb8;
	[tilespmem:$0x580] =	vst v63  }
0x57: {  	_ =	swait.ge [sflag:s0], $0x80  }
0x58: {  	s8 =	sadd.s32 $0x0, s18;
	[sflag:s0] =	ssyncset.done $0x0  }
0x59: {  	s9 =	sadd.s32 $0x90, s8;
	[sflag:s0] =	ssyncadd.s32 $0xFFFFFF80  }
0x5a: {  	[tilespmem:s21], [sflag:$0x1] =	stream.linear.gather [hbm4b:s9+s3], $0x80, $0x38;
	[tilespmem:$0x580] =	vst v63  }
0x5b: {  	_ =	swait.ge [sflag:s1], $0x80  }
0x5c: {  	[sflag:s1] =	ssyncset.done $0x0  }
0x5d: {  	s10 =	sadd.s32 $0xB0, s8;
	[sflag:s1] =	ssyncadd.s32 $0xFFFFFF80  }
0x5e: {  	[tilespmem:s22], [sflag:$0x2] =	stream.linear.gather [hbm4b:s10+s3], $0x80, $0x38;
	[tilespmem:$0x580] =	vst v63  }
0x5f: {  	_ =	swait.ge [sflag:s5], $0x80  }
0x60: {  	[sflag:s5] =	ssyncset.done $0x0  }
0x61: {  	s10 =	sadd.s32 $0xD0, s8;
	[sflag:s5] =	ssyncadd.s32 $0xFFFFFF80  }
0x62: {  	[tilespmem:s23], [sflag:$0x3] =	stream.linear.gather [hbm4b:s10+s3], $0x80, $0x38;
	[tilespmem:$0x580] =	vst v63  }
0x63: {  	_ =	swait.ge [sflag:s6], $0x80  }
0x64: {  	[sflag:s6] =	ssyncset.done $0x0  }
0x65: {  	s8 =	sadd.s32 $0xF0, s8;
	[sflag:s6] =	ssyncadd.s32 $0xFFFFFF80  }
0x66: {  	[tilespmem:s24], [sflag:$0x4] =	stream.linear.gather [hbm4b:s8+s3], $0x80, $0x38;
	[tilespmem:$0x580] =	vst v63  }
0x67: {  	_ =	swait.ge [sflag:s25], $0x80  }
0x68: {  	[sflag:s25] =	ssyncset.done $0x0  }
0x69: {  	[sflag:s25] =	ssyncadd.s32 $0xFFFFFF80  }
0x6a: {  	[spmem:s2] =	stream.indirect.scatter.add.f32 [tilespmem:s28], [sflag:$0x5], $0x1, s21, s26, $0xb8;
	[tilespmem:$0x580] =	vst v63  }
0x6b: {  	_ =	swait.ge [sflag:s29], $0x80  }
0x6c: {  	[sflag:s29] =	ssyncset.done $0x0  }
0x6d: {  	[sflag:s29] =	ssyncadd.s32 $0xFFFFFF80  }
0x6e: {  	[spmem:s2] =	stream.indirect.scatter.add.f32 [tilespmem:s28], [sflag:$0x6], $0x1, s22, s26, $0xb8;
	[tilespmem:$0x580] =	vst v63  }
0x6f: {  	_ =	swait.ge [sflag:s30], $0x80  }
0x70: {  	[sflag:s30] =	ssyncset.done $0x0  }
0x71: {  	[sflag:s30] =	ssyncadd.s32 $0xFFFFFF80  }
0x72: {  	[spmem:s2] =	stream.indirect.scatter.add.f32 [tilespmem:s28], [sflag:$0x7], $0x1, s23, s26, $0xb8;
	[tilespmem:$0x580] =	vst v63  }
0x73: {  	_ =	swait.ge [sflag:s31], $0x80  }
0x74: {  	[sflag:s31] =	ssyncset.done $0x0  }
0x75: {  	s8 =	simm.s32 $0x80;
	[sflag:s31] =	ssyncadd.s32 $0xFFFFFF80  }
.LBB2_2:
0x76: {  	[spmem:s2] =	stream.indirect.scatter.add.f32 [tilespmem:s28], [sflag:$0x8], $0x1, s24, s26, $0xb8;
	[tilespmem:$0x580] =	vst v63  }
0x77: {  	s9 =	smov.u32 s8  }
0x78: {  	p1 =	sne.s32 s8, $0x880;
	s8 =	sadd.s32 $0x80, s8;
	_ =	swait.ge [sflag:s0], $0x80  }
0x79: {  	s9 =	sadd.s32 s9, s18;
	[sflag:s0] =	ssyncset.done $0x0  }
0x7a: {  	s10 =	sadd.s32 $0x90, s9;
	[sflag:s0] =	ssyncadd.s32 $0xFFFFFF80  }
0x7b: {  	[tilespmem:s21], [sflag:$0x1] =	stream.linear.gather [hbm4b:s10+s3], $0x80, $0x38;
	[tilespmem:$0x580] =	vst v63  }
0x7c: {  	_ =	swait.ge [sflag:s1], $0x80  }
0x7d: {  	[sflag:s1] =	ssyncset.done $0x0  }
0x7e: {  	s10 =	sadd.s32 $0xB0, s9;
	[sflag:s1] =	ssyncadd.s32 $0xFFFFFF80  }
0x7f: {  	[tilespmem:s22], [sflag:$0x2] =	stream.linear.gather [hbm4b:s10+s3], $0x80, $0x38;
	[tilespmem:$0x580] =	vst v63  }
0x80: {  	_ =	swait.ge [sflag:s5], $0x80  }
0x81: {  	[sflag:s5] =	ssyncset.done $0x0  }
0x82: {  	s10 =	sadd.s32 $0xD0, s9;
	[sflag:s5] =	ssyncadd.s32 $0xFFFFFF80  }
0x83: {  	[tilespmem:s23], [sflag:$0x3] =	stream.linear.gather [hbm4b:s10+s3], $0x80, $0x38;
	[tilespmem:$0x580] =	vst v63  }
0x84: {  	_ =	swait.ge [sflag:s6], $0x80  }
0x85: {  	[sflag:s6] =	ssyncset.done $0x0  }
0x86: {  	s9 =	sadd.s32 $0xF0, s9;
	[sflag:s6] =	ssyncadd.s32 $0xFFFFFF80  }
0x87: {  	[tilespmem:s24], [sflag:$0x4] =	stream.linear.gather [hbm4b:s9+s3], $0x80, $0x38;
	[tilespmem:$0x580] =	vst v63  }
0x88: {  	_ =	swait.ge [sflag:s25], $0x80  }
0x89: {  	[sflag:s25] =	ssyncset.done $0x0  }
0x8a: {  	[sflag:s25] =	ssyncadd.s32 $0xFFFFFF80  }
0x8b: {  	[spmem:s2] =	stream.indirect.scatter.add.f32 [tilespmem:s28], [sflag:$0x5], $0x1, s21, s26, $0xb8;
	[tilespmem:$0x580] =	vst v63  }
0x8c: {  	_ =	swait.ge [sflag:s29], $0x80  }
0x8d: {  	[sflag:s29] =	ssyncset.done $0x0  }
0x8e: {  	[sflag:s29] =	ssyncadd.s32 $0xFFFFFF80  }
0x8f: {  	[spmem:s2] =	stream.indirect.scatter.add.f32 [tilespmem:s28], [sflag:$0x6], $0x1, s22, s26, $0xb8;
	[tilespmem:$0x580] =	vst v63  }
0x90: {  	_ =	swait.ge [sflag:s30], $0x80  }
0x91: {  	[sflag:s30] =	ssyncset.done $0x0  }
.Ltmp0:
0x92: {  	[sflag:s30] =	ssyncadd.s32 $0xFFFFFF80;
	(pc) =	sbr.rel @p1 .LBB2_2-.Ltmp0, $4  }
0x93: {  	[spmem:s2] =	stream.indirect.scatter.add.f32 [tilespmem:s28], [sflag:$0x7], $0x1, s23, s26, $0xb8;
	[tilespmem:$0x580] =	vst v63  }
0x94: {  	_ =	swait.ge [sflag:s31], $0x80  }
0x95: {  	[sflag:s31] =	ssyncset.done $0x0  }
0x96: {  	[sflag:s31] =	ssyncadd.s32 $0xFFFFFF80  }
0x97: {  	[spmem:s2] =	stream.indirect.scatter.add.f32 [tilespmem:s28], [sflag:$0x8], $0x1, s24, s26, $0xb8;
	[tilespmem:$0x580] =	vst v63  }
0x98: {  	_ =	swait.ge [sflag:s0], $0x80  }
0x99: {  	[sflag:s0] =	ssyncset.done $0x0  }
0x9a: {  	[sflag:s0] =	ssyncadd.s32 $0xFFFFFF80  }
0x9b: {  	[tilespmem:s21], [sflag:$0x1] =	stream.linear.gather [hbm4b:s13+s3], $0x80, $0x38;
	[tilespmem:$0x580] =	vst v63  }
0x9c: {  	_ =	swait.ge [sflag:s25], $0x80  }
0x9d: {  	[sflag:s25] =	ssyncset.done $0x0  }
0x9e: {  	[sflag:s25] =	ssyncadd.s32 $0xFFFFFF80  }
0x9f: {  	[spmem:s2] =	stream.indirect.scatter.add.f32 [tilespmem:s28], [sflag:$0x5], $0x1, s21, s26, $0xb8;
	[tilespmem:$0x580] =	vst v63  }
0xa0: {  	_ =	swait.ge [sflag:s1], $0x80  }
0xa1: {  	[sflag:s1] =	ssyncset.done $0x0  }
0xa2: {  	[sflag:s1] =	ssyncadd.s32 $0xFFFFFF80  }
0xa3: {  	[tilespmem:s22], [sflag:$0x2] =	stream.linear.gather [hbm4b:s14+s3], $0x80, $0x38;
	[tilespmem:$0x580] =	vst v63  }
0xa4: {  	_ =	swait.ge [sflag:s29], $0x80  }
0xa5: {  	[sflag:s29] =	ssyncset.done $0x0  }
0xa6: {  	s8 =	simm.s32 @!p0 $0x8;
	[sflag:s29] =	ssyncadd.s32 $0xFFFFFF80  }
0xa7: {  	[spmem:s2] =	stream.indirect.scatter.add.f32 [tilespmem:s28], [sflag:$0x6], $0x1, s22, s26, $0xb8;
	[tilespmem:$0x580] =	vst v63  }
0xa8: {  	_ =	swait.ge @!p0 [sflag:s8], $0x80  }
0xa9: {  	[sflag:s8] =	ssyncset.done @!p0 $0x0  }
0xaa: {  	s9 =	simm.s32 @!p0 $0x400;
	[sflag:s8] =	ssyncadd.s32 @!p0 $0xFFFFFF80;
	s8 =	simm.s32 @!p0 $0x0  }
0xab: {  	[tilespmem:s9], [sflag:$0x4] =	stream.linear.gather @!p0 [hbm4b:s15+s8], $0x80, $0x38;
	[tilespmem:$0x580] =	vst v63  }
0xac: {  	s8 =	simm.s32 @!p0 $0x4  }
0xad: {  	_ =	swait.ge @!p0 [sflag:s8], $0x80  }
0xae: {  	[sflag:s8] =	ssyncset.done @!p0 $0x0  }
0xaf: {  	s10 =	simm.s32 @!p0 $0x480;
	[sflag:s8] =	ssyncadd.s32 @!p0 $0xFFFFFF80;
	s8 =	simm.s32 @!p0 $0x80  }
0xb0: {  	[spmem:s2] =	stream.indirect.scatter.add.f32 @!p0 [tilespmem:s10], [sflag:$0x8], $0x1, s9, s8, $0xb8;
	[tilespmem:$0x580] =	vst v63  }
0xb1: {  	_ =	swait.ge [sflag:s0], $0x80  }
0xb2: {  	[sflag:s0] =	ssyncset.done $0x0  }
0xb3: {  	[sflag:s0] =	ssyncadd.s32 $0xFFFFFF80  }
0xb4: {  	_ =	swait.ge [sflag:s1], $0x80  }
0xb5: {  	[sflag:s1] =	ssyncset.done $0x0  }
0xb6: {  	[sflag:s1] =	ssyncadd.s32 $0xFFFFFF80  }
0xb7: {  	_ =	swait.ge [sflag:s5], $0x80  }
0xb8: {  	[sflag:s5] =	ssyncset.done $0x0  }
0xb9: {  	s7 =	sadd.s32 $0x1, s7;
	[sflag:s5] =	ssyncadd.s32 $0xFFFFFF80  }
0xba: {  	p1 =	sne.s32 s7, s17;
	_ =	swait.ge [sflag:s6], $0x80  }
0xbb: {  	s10 =	stileid.u32;
	s9 =	sshrl.u32 s4, $0x3;
	[sflag:s6] =	ssyncset.done $0x0  }
0xbc: {  	s8 =	sshll.u32 s10, $0x6;
	s10 =	simm.s32 $0x20;
	[sflag:s6] =	ssyncadd.s32 $0xFFFFFF80  }
.Ltmp1:
0xbd: {  	s8 =	sor.u32 $0x1C09, s8;
	[bflag:$0x0] =	sbarrier.arrive $0xFFFF;
	(pc) =	sbr.rel @p1 .LBB2_1-.Ltmp1, $4  }
0xbe: {  	[hbm:s16@s10], [sflag:s8] =	dma.strided [spmem:s9@s11], $0x50, s25, $0x10   }
0xbf: {  	_ =	swait.ge [sflag:s20], $0x50  }
0xc0: {  	[sflag:s20] =	ssyncset.done $0x0  }
0xc1: {  	[sflag:s20] =	ssyncadd.s32 $0xFFFFFFB0  }
0xc2: {  	_ =	sfence.sel $0x180000  }
0xc3: {  	[bflag:$0x0] =	sbarrier.arrive $0xFFFF  }
0xc4: {  	_ =	strace $0x90000047  }
0xc5: {  	s0 =	stileid.u32;
	[bflag:$0x2] =	sbarrier.arrive $0xFFFF  }
0xc6: {  	p0 =	sne.s32 s0, $0x0;
	s0 =	rddreg [dreg:$0x3]  }
0xc7: {  	s0 =	sadd.s32 @!p0 $0x100000, s0  }
0xc8: {  	[sflag:s0] =	ssyncadd.tile.s32 @!p0 $0x1;
	_ =	shalt  }
.Lfunc_end2:
_tile_overlayer_lowered:
.L_overlay_start_2:
0xc9: {  	(tag) =	ssettag $0x2  }
0xca: {  	s0 =	rddreg [dreg:$0x0];
	s2 =	stileid.u32  }
0xcb: {  	s1 =	rddreg [dreg:$0x1];
	p0 =	sne.s32 s2, $0x0  }
0xcc: {  	s3 =	rddreg [dreg:$0x2];
	[bflag:$0x3] =	sbarrier.arrive $0xFFFF;
	s2 =	simm.s32 @!p0 $0x1C09  }
0xcd: {  	[timem:s3], [sflag:s2] =	dma.local @!p0 [hbm:s0], s1  }
0xce: {  	s0 =	simm.s32 @!p0 $0x9  }
0xcf: {  	_ =	swait.ge @!p0 [sflag:s0], s1  }
0xd0: {  	s1 =	ssub.s32 @!p0 $0x0, s1;
	[sflag:s0] =	ssyncset.done @!p0 $0x0  }
0xd1: {  	[sflag:s0] =	ssyncadd.s32 @!p0 s1  }
0xd2: {  	[bflag:$0x3] =	sbarrier.arrive $0xFFFF  }
0xd3: {  	_ =	shalt  }

</sc_bundles>
